<compile_context>
chip_gen: v7x
topology: tpu7x:2x2x1
jax: 0.10.2.dev20260603
libtpu: 0.0.44.dev20260713+nightly
codegen_flags: <defaults>
</compile_context>

<pallas_src>
import jax
import jax.numpy as jnp
from jax import lax
from jax.experimental import pallas as pl
from jax.experimental.pallas import tpu as pltpu
from jax.experimental.pallas import tpu_sc as plsc

N = 10000
D = 128
E = 320000
NC, NS, LANES = 2, 16, 16
NW = NC * NS
EPT = E // NW
CH = 40
NIT = EPT // CH
MPAD = 10240
NBUF = 5
RPT = MPAD // NS
DEG_CH = 2000
DEG_NIT = EPT // DEG_CH
_SC_PARAMS = pltpu.CompilerParams(needs_layout_passes=False)


NDEG = 10240
DRPT = NDEG // NS


def _deg_body(ei_hbm, out_hbm, hist, stage_sh, idxb0, idxb1, acc, tin, isem):
    c = lax.axis_index("c")
    s = lax.axis_index("s")
    wid = c * NS + s
    zeros16 = jnp.zeros((LANES,), jnp.float32)
    ones16 = jnp.ones((LANES,), jnp.float32)

    def zbody(i, _):
        hist[i // (NDEG // LANES), pl.ds((i % (NDEG // LANES)) * LANES, LANES)] = zeros16
        return 0
    lax.fori_loop(0, 2 * (NDEG // LANES), zbody, 0)

    def _load(j, b):
        off = (j // DEG_NIT) * E + wid * EPT + (j % DEG_NIT) * DEG_CH
        pltpu.async_copy(ei_hbm.at[pl.ds(off, DEG_CH)],
                         idxb0 if b == 0 else idxb1, isem.at[b])

    def _drain_idx(b):
        pltpu.make_async_copy(ei_hbm.at[pl.ds(0, DEG_CH)],
                              idxb0 if b == 0 else idxb1,
                              isem.at[b]).wait()

    _load(0, 0)
    _load(1, 1)

    def chunk2(r, _):
        for b in range(2):
            j = 2 * r + b
            buf = idxb0 if b == 0 else idxb1
            _drain_idx(b)
            which = jnp.full((LANES,), j // DEG_NIT, jnp.int32)

            def vec(v, _):
                idx = buf[pl.ds(v * LANES, LANES)]
                plsc.addupdate_scatter(hist, [which, idx], ones16)
                return 0
            lax.fori_loop(0, DEG_CH // LANES, vec, 0)
            pl.when(j + 2 < 2 * DEG_NIT)(lambda: _load(j + 2, b))
        return 0
    lax.fori_loop(0, DEG_NIT, chunk2, 0)

    pltpu.sync_copy(hist, stage_sh.at[s])
    plsc.subcore_barrier()
    base = s * DRPT
    pltpu.sync_copy(stage_sh.at[0, :, pl.ds(base, DRPT)], acc)
    for tt in range(1, NS):
        pltpu.sync_copy(stage_sh.at[tt, :, pl.ds(base, DRPT)], tin)

        def addv(i, _):
            r = i // (DRPT // LANES)
            o = (i % (DRPT // LANES)) * LANES
            acc[r, pl.ds(o, LANES)] = (acc[r, pl.ds(o, LANES)]
                                       + tin[r, pl.ds(o, LANES)])
            return 0
        lax.fori_loop(0, 2 * (DRPT // LANES), addv, 0)
    pltpu.sync_copy(acc, out_hbm.at[c, :, pl.ds(base, DRPT)])


def _degrees(ei):
    mesh = plsc.VectorSubcoreMesh(core_axis_name="c", subcore_axis_name="s")
    return pl.kernel(
        _deg_body,
        out_type=jax.ShapeDtypeStruct((NC, 2, NDEG), jnp.float32),
        mesh=mesh,
        compiler_params=_SC_PARAMS,
        scratch_types=[
            pltpu.VMEM((2, NDEG), jnp.float32),
            pltpu.VMEM_SHARED((NS, 2, NDEG), jnp.float32),
            pltpu.VMEM((DEG_CH,), jnp.int32),
            pltpu.VMEM((DEG_CH,), jnp.int32),
            pltpu.VMEM((2, DRPT), jnp.float32),
            pltpu.VMEM((2, DRPT), jnp.float32),
            pltpu.SemaphoreType.DMA((2,)),
        ],
    )(ei)


def _agg_body(hs_hbm, src_hbm, dst_hbm, out_hbm,
              m_sh, sidxb, didxb, rows, zbuf, isem, gsem, ssem):
    c = lax.axis_index("c")
    s = lax.axis_index("s")
    wid = c * NS + s
    zeros16 = jnp.zeros((LANES,), jnp.float32)

    def zb(i, _):
        zbuf[i // (D // LANES), pl.ds((i % (D // LANES)) * LANES, LANES)] = zeros16
        return 0
    lax.fori_loop(0, 64 * (D // LANES), zb, 0)
    for k in range(RPT // 64):
        pltpu.sync_copy(zbuf, m_sh.at[pl.ds(s * RPT + k * 64, 64)])
    plsc.subcore_barrier()

    def _load(i, b):
        pltpu.async_copy(src_hbm.at[wid, i], sidxb.at[b], isem.at[b])
        pltpu.async_copy(dst_hbm.at[wid, i], didxb.at[b], isem.at[b])

    def _gather(b):
        pltpu.async_copy(hs_hbm.at[sidxb.at[b]], rows.at[b], gsem.at[b])

    def _scatter(b):
        pltpu.async_copy(rows.at[b], m_sh.at[didxb.at[b]], ssem.at[b],
                         add=True)

    def _drain_rows(sem, b):
        pltpu.make_async_copy(hs_hbm.at[pl.ds(0, CH)], rows.at[b],
                              sem.at[b]).wait()

    def _drain_idx(b):
        pltpu.make_async_copy(src_hbm.at[wid, 0], sidxb.at[b],
                              isem.at[b]).wait()
        pltpu.make_async_copy(dst_hbm.at[wid, 0], didxb.at[b],
                              isem.at[b]).wait()

    _load(0, 0)
    _load(1, 1)
    _load(2, 2)
    _load(3, 3)
    for bb in range(3):
        _drain_idx(bb)
        _gather(bb)

    def rnd(r, _):
        for b in range(NBUF):
            i = r * NBUF + b
            b3 = (b + 3) % NBUF
            b4 = (b + 4) % NBUF
            _drain_rows(gsem, b)
            _scatter(b)
            def prefetch():
                pl.when(i >= 1)(lambda: _drain_rows(ssem, b4))
                _load(i + 4, b4)
            pl.when(i + 4 < NIT)(prefetch)
            def launch_gather():
                _drain_idx(b3)
                _gather(b3)
            pl.when(i + 3 < NIT)(launch_gather)
        return 0
    lax.fori_loop(0, NIT // NBUF, rnd, 0)

    for b in range(NBUF):
        _drain_rows(ssem, b)

    plsc.subcore_barrier()
    pltpu.sync_copy(m_sh.at[pl.ds(s * RPT, RPT)],
                    out_hbm.at[c, pl.ds(s * RPT, RPT)])


def _aggregate(hs, src3, dst3):
    mesh = plsc.VectorSubcoreMesh(core_axis_name="c", subcore_axis_name="s")
    return pl.kernel(
        _agg_body,
        out_type=jax.ShapeDtypeStruct((NC, MPAD, D), jnp.float32),
        mesh=mesh,
        compiler_params=_SC_PARAMS,
        scratch_types=[
            pltpu.VMEM_SHARED((MPAD, D), jnp.float32),
            pltpu.VMEM((NBUF, CH), jnp.int32),
            pltpu.VMEM((NBUF, CH), jnp.int32),
            pltpu.VMEM((NBUF, CH, D), jnp.float32),
            pltpu.VMEM((64, D), jnp.float32),
            pltpu.SemaphoreType.DMA((NBUF,)),
            pltpu.SemaphoreType.DMA((NBUF,)),
            pltpu.SemaphoreType.DMA((NBUF,)),
        ],
    )(hs, src3, dst3)


def _dense_body(x_ref, wu1_ref, w2_ref, wu2_ref, bu1_ref, bu2_ref, degt_ref,
                hs_ref, uo_ref):
    x = x_ref[...]
    u = jnp.maximum(jnp.dot(x, wu1_ref[...],
                            preferred_element_type=jnp.float32)
                    + bu1_ref[...], 0.0)
    od = degt_ref[:, 0:1]
    onorm = lax.rsqrt(jnp.maximum(od, 1.0))
    hs_ref[...] = jnp.dot(u, w2_ref[...],
                          preferred_element_type=jnp.float32) * onorm
    uo_ref[...] = jnp.maximum(jnp.dot(u, wu2_ref[...],
                                      preferred_element_type=jnp.float32)
                              + bu2_ref[...], 0.0)


def _dense(x, wu1, w2, wu2, bu1, bu2, degt):
    r = 1000
    return pl.pallas_call(
        _dense_body,
        grid=(N // r,),
        in_specs=[
            pl.BlockSpec((r, D), lambda i: (i, 0)),
            pl.BlockSpec((D, D), lambda i: (0, 0)),
            pl.BlockSpec((D, D), lambda i: (0, 0)),
            pl.BlockSpec((D, D), lambda i: (0, 0)),
            pl.BlockSpec((1, D), lambda i: (0, 0)),
            pl.BlockSpec((1, D), lambda i: (0, 0)),
            pl.BlockSpec((r, 2), lambda i: (i, 0)),
        ],
        out_specs=[
            pl.BlockSpec((r, D), lambda i: (i, 0)),
            pl.BlockSpec((r, D), lambda i: (i, 0)),
        ],
        out_shape=[
            jax.ShapeDtypeStruct((N, D), jnp.float32),
            jax.ShapeDtypeStruct((N, D), jnp.float32),
        ],
    )(x, wu1, w2, wu2, bu1, bu2, degt)


def _final_body(m_ref, degt_ref, b2_ref, out_ref):
    mm = m_ref[0] + m_ref[1]
    ind = degt_ref[:, 1:2]
    innorm = lax.rsqrt(jnp.maximum(ind, 1.0))
    out_ref[...] = jnp.maximum(mm * innorm + b2_ref[...], 0.0)


def _finalize(m, degt, b2):
    r = 1000
    return pl.pallas_call(
        _final_body,
        grid=(N // r,),
        in_specs=[
            pl.BlockSpec((NC, r, D), lambda i: (0, i, 0)),
            pl.BlockSpec((r, 2), lambda i: (i, 0)),
            pl.BlockSpec((1, D), lambda i: (0, 0)),
        ],
        out_specs=pl.BlockSpec((r, D), lambda i: (i, 0)),
        out_shape=jax.ShapeDtypeStruct((N, D), jnp.float32),
    )(m, degt, b2)


def kernel(x_user, edge_index0, edge_index1, W1, b1, W2, b2, Wu1, bu1,
           Wu2, bu2):
    src = edge_index1[0]
    dst = edge_index1[1]

    deg = _degrees(edge_index1.reshape(2 * E))
    degt = (deg[0] + deg[1]).T

    hs, uo = _dense(x_user, Wu1, W2, Wu2, bu1.reshape(1, D),
                    bu2.reshape(1, D), degt)

    m = _aggregate(hs, src.reshape(NW, NIT, CH),
                   dst.reshape(NW, NIT, CH))
    game = _finalize(m, degt, b2.reshape(1, D))

    return (game, uo)

# --- scband reference (transcript-rebuilt; emitter-appended) ---
"""Pipeline reference for scband-stochastic-two-layer-gcn-32109175505534 (READ-ONLY COPY).

The authoritative reference and input builder live on the scoring server;
editing this copy changes nothing except your own understanding.
"""

import jax, jax.numpy as jnp
import numpy as np

N_USER = 10000
N_GAME = 10000
E = 320000
D_IN = 128
D_HID = 128
D_OUT = 128


def setup_inputs(seed: int = 0) -> dict:
    key = jax.random.key(seed)
    ks = jax.random.split(key, 12)
    x_user = jax.random.normal(ks[0], (N_USER, D_IN), dtype=jnp.float32)
    edge_index0 = jnp.stack([
        jax.random.randint(ks[1], (E,), 0, N_USER, dtype=jnp.int32),
        jax.random.randint(ks[2], (E,), 0, N_GAME, dtype=jnp.int32),
    ])
    edge_index1 = jnp.stack([
        jax.random.randint(ks[3], (E,), 0, N_USER, dtype=jnp.int32),
        jax.random.randint(ks[4], (E,), 0, N_GAME, dtype=jnp.int32),
    ])
    s_in = 1.0 / np.sqrt(D_IN)
    s_hid = 1.0 / np.sqrt(D_HID)
    W1 = jax.random.normal(ks[5], (D_IN, D_HID), dtype=jnp.float32) * s_in
    b1 = jnp.zeros((D_HID,), dtype=jnp.float32)
    W2 = jax.random.normal(ks[6], (D_HID, D_OUT), dtype=jnp.float32) * s_hid
    b2 = jnp.zeros((D_OUT,), dtype=jnp.float32)
    Wu1 = jax.random.normal(ks[7], (D_IN, D_HID), dtype=jnp.float32) * s_in
    bu1 = jnp.zeros((D_HID,), dtype=jnp.float32)
    Wu2 = jax.random.normal(ks[8], (D_HID, D_OUT), dtype=jnp.float32) * s_hid
    bu2 = jnp.zeros((D_OUT,), dtype=jnp.float32)
    return {"x_user": x_user, "edge_index0": edge_index0, "edge_index1": edge_index1,
            "W1": W1, "b1": b1, "W2": W2, "b2": b2,
            "Wu1": Wu1, "bu1": bu1, "Wu2": Wu2, "bu2": bu2}


def _graph_conv(x_src, src, dst, n_dst, W, b):
    # DGL GraphConv with norm='both': D_dst^{-1/2} A D_src^{-1/2} X W + b
    n_src = x_src.shape[0]
    out_deg = jnp.zeros((n_src,), jnp.float32).at[src].add(1.0)
    in_deg = jnp.zeros((n_dst,), jnp.float32).at[dst].add(1.0)
    out_norm = jnp.clip(out_deg, 1.0, None) ** -0.5
    in_norm = jnp.clip(in_deg, 1.0, None) ** -0.5
    h = (x_src * out_norm[:, None]) @ W
    m = jnp.zeros((n_dst, h.shape[1]), jnp.float32).at[dst].add(h[src])
    return m * in_norm[:, None] + b


def reference(x_user, edge_index0, edge_index1, W1, b1, W2, b2, Wu1, bu1, Wu2, bu2):
    # Single canonical etype ('user', 'plays', 'game'); HeteroGraphConv(aggregate='sum')
    # over one etype reduces to a bipartite GraphConv targeting 'game'.
    user = jax.nn.relu(x_user @ Wu1 + bu1)
    # conv1 on blocks[0]: user feats -> game hidden (relu'd). With a single etype this
    # result is then overwritten by conv2's 'game' output, exactly as in the original
    # forward; we still compute it to stay faithful.
    game_h = jax.nn.relu(_graph_conv(x_user, edge_index0[0], edge_index0[1], N_GAME, W1, b1))
    del game_h
    # conv2 on blocks[1]: user hidden -> game output
    game_out = jax.nn.relu(_graph_conv(user, edge_index1[0], edge_index1[1], N_GAME, W2, b2))
    user_out = jax.nn.relu(user @ Wu2 + bu2)
    return (game_out, user_out)

if __name__ == "__main__":
    import jax
    _d = setup_inputs()
    print(jax.jit(kernel)(*tuple(_d.values())))

</pallas_src>

<mosaic_0001>
#map = affine_map<(d0, d1) -> (0)>
#map1 = affine_map<(d0, d1) -> (0, 0, 0)>
module attributes {stable_mosaic.version = 14 : i64} {
  func.func @_deg_body(%arg0: i32, %arg1: i32, %arg2: memref<640000xi32, #tpu.memory_space<hbm>>, %arg3: memref<2x2x10240xf32, #tpu.memory_space<hbm>>, %arg4: memref<2x10240xf32, #tpu.memory_space<vmem>>, %arg5: memref<16x2x10240xf32, #tpu.memory_space<vmem_shared>>, %arg6: memref<2000xi32, #tpu.memory_space<vmem>>, %arg7: memref<2000xi32, #tpu.memory_space<vmem>>, %arg8: memref<2x640xf32, #tpu.memory_space<vmem>>, %arg9: memref<2x640xf32, #tpu.memory_space<vmem>>, %arg10: memref<2x!tpu.dma_semaphore, #tpu.memory_space<semaphore_mem>>) attributes {dimension_semantics = [#tpu.dimension_semantics<core_parallel>, #tpu.dimension_semantics<subcore_parallel>], iteration_bounds = array<i64: 2, 16>, scalar_prefetch = 0 : i64, scratch_operands = 7 : i64, tpu.core_type = #tpu.core_type<sc_vector_subcore>, window_params = [{transform_indices = #map}, {transform_indices = #map1}]} {
    %mul3A = arith.constant 16 : i32
    %mul3A_0 = arith.muli %arg0, %mul3A : i32
    %add3A = arith.addi %mul3A_0, %arg1 : i32
    %broadcast_in_dim3A = arith.constant 0.000000e+00 : f32
    %broadcast_in_dim3A_1 = vector.broadcast %broadcast_in_dim3A : f32 to vector<16xf32>
    %broadcast_in_dim3A_2 = arith.constant 1.000000e+00 : f32
    %broadcast_in_dim3A_3 = vector.broadcast %broadcast_in_dim3A_2 : f32 to vector<16xf32>
    %scan3A = arith.constant 0 : i32
    %scan3A_4 = arith.constant 0 : i32
    %scan3A_5 = arith.constant 1280 : i32
    %scan3A_6 = arith.addi %scan3A_4, %scan3A_5 : i32
    %scan3A_7 = arith.constant 1 : i32
    %scan3A_8 = scf.for %scan3A_160 = %scan3A_4 to %scan3A_6 step %scan3A_7 iter_args(%scan3A_161 = %scan3A) -> (i32)  : i32 {
      %jit3A = arith.constant 640 : i32
      %div3A = arith.divsi %scan3A_160, %jit3A : i32
      %sign3A = arith.constant 0 : i32
      %sign3A_162 = arith.cmpi sgt, %scan3A_160, %sign3A : i32
      %sign3A_163 = arith.extui %sign3A_162 : i1 to i32
      %sign3A_164 = arith.constant 0 : i32
      %sign3A_165 = arith.cmpi slt, %scan3A_160, %sign3A_164 : i32
      %sign3A_166 = arith.extui %sign3A_165 : i1 to i32
      %sign3A_167 = arith.subi %sign3A_163, %sign3A_166 : i32
      %sign3A_168 = arith.constant 0 : i32
      %sign3A_169 = arith.cmpi sgt, %jit3A, %sign3A_168 : i32
      %sign3A_170 = arith.extui %sign3A_169 : i1 to i32
      %sign3A_171 = arith.constant 0 : i32
      %sign3A_172 = arith.cmpi slt, %jit3A, %sign3A_171 : i32
      %sign3A_173 = arith.extui %sign3A_172 : i1 to i32
      %sign3A_174 = arith.subi %sign3A_170, %sign3A_173 : i32
      %ne3A = arith.cmpi ne, %sign3A_167, %sign3A_174 : i32
      %rem3A = arith.remsi %scan3A_160, %jit3A : i32
      %ne3A_175 = arith.constant 0 : i32
      %ne3A_176 = arith.cmpi ne, %rem3A, %ne3A_175 : i32
      %and3A = arith.andi %ne3A, %ne3A_176 : i1
      %sub3A = arith.constant 1 : i32
      %sub3A_177 = arith.subi %div3A, %sub3A : i32
      %select_n3A = arith.select %and3A, %sub3A_177, %div3A : i32
      %jit3A_178 = arith.constant 640 : i32
      %eq3A = arith.constant 0 : i32
      %eq3A_179 = arith.cmpi eq, %jit3A_178, %eq3A : i32
      %jit3A_180 = arith.constant 1 : i32
      %select_n3A_181 = arith.select %eq3A_179, %jit3A_180, %jit3A_178 : i32
      %rem3A_182 = arith.remsi %scan3A_160, %select_n3A_181 : i32
      %ne3A_183 = arith.constant 0 : i32
      %ne3A_184 = arith.cmpi ne, %rem3A_182, %ne3A_183 : i32
      %lt3A = arith.constant 0 : i32
      %lt3A_185 = arith.cmpi slt, %rem3A_182, %lt3A : i32
      %lt3A_186 = arith.constant 0 : i32
      %lt3A_187 = arith.cmpi slt, %select_n3A_181, %lt3A_186 : i32
      %ne3A_188 = arith.xori %lt3A_185, %lt3A_187 : i1
      %and3A_189 = arith.andi %ne3A_188, %ne3A_184 : i1
      %add3A_190 = arith.addi %rem3A_182, %select_n3A_181 : i32
      %select_n3A_191 = arith.select %and3A_189, %add3A_190, %rem3A_182 : i32
      %mul3A_192 = arith.constant 16 : i32
      %mul3A_193 = arith.muli %select_n3A_191, %mul3A_192 : i32
      %swap3A = arith.index_cast %select_n3A : i32 to index
      %swap3A_194 = arith.index_cast %mul3A_193 : i32 to index
      %swap3A_195 = tpu.vector_load %arg4[%swap3A, %swap3A_194] {strides = array<i32>} : memref<2x10240xf32, #tpu.memory_space<vmem>>, vector<16xf32>,
      tpu.vector_store %arg4[%swap3A, %swap3A_194], %broadcast_in_dim3A_1 {strides = array<i32>} : memref<2x10240xf32, #tpu.memory_space<vmem>>, vector<16xf32>,
      %scan3A_196 = arith.constant 0 : i32
      scf.yield %scan3A_196 : i32
    }
    %scan3A_9 = arith.constant 1280 : i32
    %mul3A_10 = arith.constant 10000 : i32
    %mul3A_11 = arith.muli %add3A, %mul3A_10 : i32
    %add3A_12 = arith.constant 0 : i32
    %add3A_13 = arith.addi %add3A_12, %mul3A_11 : i32
    %add3A_14 = arith.constant 0 : i32
    %add3A_15 = arith.addi %add3A_13, %add3A_14 : i32
    %dma_start3A = arith.constant 0 : i32
    %dma_start3A_16 = tpu.memref_slice %arg2[%add3A_15] : memref<640000xi32, #tpu.memory_space<hbm>> -> memref<2000xi32, #tpu.memory_space<hbm>>
    %dma_start3A_17 = tpu.memref_slice %arg10[%dma_start3A] : memref<2x!tpu.dma_semaphore, #tpu.memory_space<semaphore_mem>> -> memref<1x!tpu.dma_semaphore, #tpu.memory_space<semaphore_mem>>
    %dma_start3A_18 = tpu.memref_squeeze %dma_start3A_17 : memref<1x!tpu.dma_semaphore, #tpu.memory_space<semaphore_mem>> -> memref<!tpu.dma_semaphore, #tpu.memory_space<semaphore_mem>>
    %dma_start3A_19 = tpu.memref_slice %arg2[%add3A_15] : memref<640000xi32, #tpu.memory_space<hbm>> -> memref<2000xi32, #tpu.memory_space<hbm>>
    tpu.enqueue_dma source(%dma_start3A_19 : memref<2000xi32, #tpu.memory_space<hbm>>) target(%arg6 : memref<2000xi32, #tpu.memory_space<vmem>>) target_semaphore(%dma_start3A_18 : memref<!tpu.dma_semaphore, #tpu.memory_space<semaphore_mem>>)
    %mul3A_20 = arith.constant 10000 : i32
    %mul3A_21 = arith.muli %add3A, %mul3A_20 : i32
    %add3A_22 = arith.constant 0 : i32
    %add3A_23 = arith.addi %add3A_22, %mul3A_21 : i32
    %add3A_24 = arith.constant 2000 : i32
    %add3A_25 = arith.addi %add3A_23, %add3A_24 : i32
    %dma_start3A_26 = arith.constant 1 : i32
    %dma_start3A_27 = tpu.memref_slice %arg2[%add3A_25] : memref<640000xi32, #tpu.memory_space<hbm>> -> memref<2000xi32, #tpu.memory_space<hbm>>
    %dma_start3A_28 = tpu.memref_slice %arg10[%dma_start3A_26] : memref<2x!tpu.dma_semaphore, #tpu.memory_space<semaphore_mem>> -> memref<1x!tpu.dma_semaphore, #tpu.memory_space<semaphore_mem>>
    %dma_start3A_29 = tpu.memref_squeeze %dma_start3A_28 : memref<1x!tpu.dma_semaphore, #tpu.memory_space<semaphore_mem>> -> memref<!tpu.dma_semaphore, #tpu.memory_space<semaphore_mem>>
    %dma_start3A_30 = tpu.memref_slice %arg2[%add3A_25] : memref<640000xi32, #tpu.memory_space<hbm>> -> memref<2000xi32, #tpu.memory_space<hbm>>
    tpu.enqueue_dma source(%dma_start3A_30 : memref<2000xi32, #tpu.memory_space<hbm>>) target(%arg7 : memref<2000xi32, #tpu.memory_space<vmem>>) target_semaphore(%dma_start3A_29 : memref<!tpu.dma_semaphore, #tpu.memory_space<semaphore_mem>>)
    %scan3A_31 = arith.constant 0 : i32
    %scan3A_32 = arith.constant 0 : i32
    %scan3A_33 = arith.constant 5 : i32
    %scan3A_34 = arith.addi %scan3A_32, %scan3A_33 : i32
    %scan3A_35 = arith.constant 1 : i32
    %scan3A_36 = scf.for %scan3A_160 = %scan3A_32 to %scan3A_34 step %scan3A_35 iter_args(%scan3A_161 = %scan3A_31) -> (i32)  : i32 {
      %mul3A_162 = arith.constant 2 : i32
      %mul3A_163 = arith.muli %mul3A_162, %scan3A_160 : i32
      %add3A_164 = arith.constant 0 : i32
      %add3A_165 = arith.addi %mul3A_163, %add3A_164 : i32
      %dma_wait3A = arith.constant 0 : i32
      %dma_wait3A_166 = arith.constant 0 : i32
      %dma_wait3A_167 = tpu.memref_slice %arg2[%dma_wait3A_166] : memref<640000xi32, #tpu.memory_space<hbm>> -> memref<2000xi32, #tpu.memory_space<hbm>>
      %dma_wait3A_168 = tpu.memref_slice %arg10[%dma_wait3A] : memref<2x!tpu.dma_semaphore, #tpu.memory_space<semaphore_mem>> -> memref<1x!tpu.dma_semaphore, #tpu.memory_space<semaphore_mem>>
      %dma_wait3A_169 = tpu.memref_squeeze %dma_wait3A_168 : memref<1x!tpu.dma_semaphore, #tpu.memory_space<semaphore_mem>> -> memref<!tpu.dma_semaphore, #tpu.memory_space<semaphore_mem>>
      %dma_wait3A_170 = arith.constant 0 : i32
      %dma_wait3A_171 = tpu.memref_slice %arg2[%dma_wait3A_170] : memref<640000xi32, #tpu.memory_space<hbm>> -> memref<2000xi32, #tpu.memory_space<hbm>>
      tpu.wait_dma2 semaphore(%dma_wait3A_169 : memref<!tpu.dma_semaphore, #tpu.memory_space<semaphore_mem>>) src(%dma_wait3A_171 : memref<2000xi32, #tpu.memory_space<hbm>>) dst(%arg6 : memref<2000xi32, #tpu.memory_space<vmem>>)
      %jit3A = arith.constant 5 : i32
      %div3A = arith.divsi %add3A_165, %jit3A : i32
      %sign3A = arith.constant 0 : i32
      %sign3A_172 = arith.cmpi sgt, %add3A_165, %sign3A : i32
      %sign3A_173 = arith.extui %sign3A_172 : i1 to i32
      %sign3A_174 = arith.constant 0 : i32
      %sign3A_175 = arith.cmpi slt, %add3A_165, %sign3A_174 : i32
      %sign3A_176 = arith.extui %sign3A_175 : i1 to i32
      %sign3A_177 = arith.subi %sign3A_173, %sign3A_176 : i32
      %sign3A_178 = arith.constant 0 : i32
      %sign3A_179 = arith.cmpi sgt, %jit3A, %sign3A_178 : i32
      %sign3A_180 = arith.extui %sign3A_179 : i1 to i32
      %sign3A_181 = arith.constant 0 : i32
      %sign3A_182 = arith.cmpi slt, %jit3A, %sign3A_181 : i32
      %sign3A_183 = arith.extui %sign3A_182 : i1 to i32
      %sign3A_184 = arith.subi %sign3A_180, %sign3A_183 : i32
      %ne3A = arith.cmpi ne, %sign3A_177, %sign3A_184 : i32
      %rem3A = arith.remsi %add3A_165, %jit3A : i32
      %ne3A_185 = arith.constant 0 : i32
      %ne3A_186 = arith.cmpi ne, %rem3A, %ne3A_185 : i32
      %and3A = arith.andi %ne3A, %ne3A_186 : i1
      %sub3A = arith.constant 1 : i32
      %sub3A_187 = arith.subi %div3A, %sub3A : i32
      %select_n3A = arith.select %and3A, %sub3A_187, %div3A : i32
      %broadcast_in_dim3A_188 = vector.broadcast %select_n3A : i32 to vector<16xi32>
      %scan3A_189 = arith.constant 0 : i32
      %scan3A_190 = arith.constant 0 : i32
      %scan3A_191 = arith.constant 125 : i32
      %scan3A_192 = arith.addi %scan3A_190, %scan3A_191 : i32
      %scan3A_193 = arith.constant 1 : i32
      %scan3A_194 = scf.for %scan3A_251 = %scan3A_190 to %scan3A_192 step %scan3A_193 iter_args(%scan3A_252 = %scan3A_189) -> (i32)  : i32 {
        %mul3A_253 = arith.constant 16 : i32
        %mul3A_254 = arith.muli %scan3A_251, %mul3A_253 : i32
        %get3A = arith.index_cast %mul3A_254 : i32 to index
        %get3A_255 = tpu.vector_load %arg6[%get3A] {strides = array<i32>} : memref<2000xi32, #tpu.memory_space<vmem>>, vector<16xi32>,
        tpu.vector_store_idx %arg4[%broadcast_in_dim3A_188, %get3A_255], %broadcast_in_dim3A_3 {add = true} : memref<2x10240xf32, #tpu.memory_space<vmem>>[vector<16xi32>, vector<16xi32>], vector<16xf32>,
        %scan3A_256 = arith.constant 0 : i32
        scf.yield %scan3A_256 : i32
      }
      %scan3A_195 = arith.constant 125 : i32
      %add3A_196 = arith.constant 2 : i32
      %add3A_197 = arith.addi %add3A_165, %add3A_196 : i32
      %lt3A = arith.constant 10 : i32
      %lt3A_198 = arith.cmpi slt, %add3A_197, %lt3A : i32
      %convert_element_type3A = arith.extui %lt3A_198 : i1 to i32
      %cond3A = arith.constant 0 : i32
      %cond3A_199 = arith.cmpi ne, %convert_element_type3A, %cond3A : i32
      scf.if %cond3A_199 {
        %add3A_251 = arith.constant 2 : i32
        %add3A_252 = arith.addi %add3A_165, %add3A_251 : i32
        %jit3A_253 = arith.constant 5 : i32
        %div3A_254 = arith.divsi %add3A_252, %jit3A_253 : i32
        %sign3A_255 = arith.constant 0 : i32
        %sign3A_256 = arith.cmpi sgt, %add3A_252, %sign3A_255 : i32
        %sign3A_257 = arith.extui %sign3A_256 : i1 to i32
        %sign3A_258 = arith.constant 0 : i32
        %sign3A_259 = arith.cmpi slt, %add3A_252, %sign3A_258 : i32
        %sign3A_260 = arith.extui %sign3A_259 : i1 to i32
        %sign3A_261 = arith.subi %sign3A_257, %sign3A_260 : i32
        %sign3A_262 = arith.constant 0 : i32
        %sign3A_263 = arith.cmpi sgt, %jit3A_253, %sign3A_262 : i32
        %sign3A_264 = arith.extui %sign3A_263 : i1 to i32
        %sign3A_265 = arith.constant 0 : i32
        %sign3A_266 = arith.cmpi slt, %jit3A_253, %sign3A_265 : i32
        %sign3A_267 = arith.extui %sign3A_266 : i1 to i32
        %sign3A_268 = arith.subi %sign3A_264, %sign3A_267 : i32
        %ne3A_269 = arith.cmpi ne, %sign3A_261, %sign3A_268 : i32
        %rem3A_270 = arith.remsi %add3A_252, %jit3A_253 : i32
        %ne3A_271 = arith.constant 0 : i32
        %ne3A_272 = arith.cmpi ne, %rem3A_270, %ne3A_271 : i32
        %and3A_273 = arith.andi %ne3A_269, %ne3A_272 : i1
        %sub3A_274 = arith.constant 1 : i32
        %sub3A_275 = arith.subi %div3A_254, %sub3A_274 : i32
        %select_n3A_276 = arith.select %and3A_273, %sub3A_275, %div3A_254 : i32
        %mul3A_277 = arith.constant 320000 : i32
        %mul3A_278 = arith.muli %select_n3A_276, %mul3A_277 : i32
        %mul3A_279 = arith.constant 10000 : i32
        %mul3A_280 = arith.muli %add3A, %mul3A_279 : i32
        %add3A_281 = arith.addi %mul3A_278, %mul3A_280 : i32
        %jit3A_282 = arith.constant 5 : i32
        %eq3A = arith.constant 0 : i32
        %eq3A_283 = arith.cmpi eq, %jit3A_282, %eq3A : i32
        %jit3A_284 = arith.constant 1 : i32
        %select_n3A_285 = arith.select %eq3A_283, %jit3A_284, %jit3A_282 : i32
        %rem3A_286 = arith.remsi %add3A_252, %select_n3A_285 : i32
        %ne3A_287 = arith.constant 0 : i32
        %ne3A_288 = arith.cmpi ne, %rem3A_286, %ne3A_287 : i32
        %lt3A_289 = arith.constant 0 : i32
        %lt3A_290 = arith.cmpi slt, %rem3A_286, %lt3A_289 : i32
        %lt3A_291 = arith.constant 0 : i32
        %lt3A_292 = arith.cmpi slt, %select_n3A_285, %lt3A_291 : i32
        %ne3A_293 = arith.xori %lt3A_290, %lt3A_292 : i1
        %and3A_294 = arith.andi %ne3A_293, %ne3A_288 : i1
        %add3A_295 = arith.addi %rem3A_286, %select_n3A_285 : i32
        %select_n3A_296 = arith.select %and3A_294, %add3A_295, %rem3A_286 : i32
        %mul3A_297 = arith.constant 2000 : i32
        %mul3A_298 = arith.muli %select_n3A_296, %mul3A_297 : i32
        %add3A_299 = arith.addi %add3A_281, %mul3A_298 : i32
        %dma_start3A_300 = arith.constant 0 : i32
        %dma_start3A_301 = tpu.memref_slice %arg2[%add3A_299] : memref<640000xi32, #tpu.memory_space<hbm>> -> memref<2000xi32, #tpu.memory_space<hbm>>
        %dma_start3A_302 = tpu.memref_slice %arg10[%dma_start3A_300] : memref<2x!tpu.dma_semaphore, #tpu.memory_space<semaphore_mem>> -> memref<1x!tpu.dma_semaphore, #tpu.memory_space<semaphore_mem>>
        %dma_start3A_303 = tpu.memref_squeeze %dma_start3A_302 : memref<1x!tpu.dma_semaphore, #tpu.memory_space<semaphore_mem>> -> memref<!tpu.dma_semaphore, #tpu.memory_space<semaphore_mem>>
        %dma_start3A_304 = tpu.memref_slice %arg2[%add3A_299] : memref<640000xi32, #tpu.memory_space<hbm>> -> memref<2000xi32, #tpu.memory_space<hbm>>
        tpu.enqueue_dma source(%dma_start3A_304 : memref<2000xi32, #tpu.memory_space<hbm>>) target(%arg6 : memref<2000xi32, #tpu.memory_space<vmem>>) target_semaphore(%dma_start3A_303 : memref<!tpu.dma_semaphore, #tpu.memory_space<semaphore_mem>>)
      } else {
      }
      %mul3A_200 = arith.constant 2 : i32
      %mul3A_201 = arith.muli %mul3A_200, %scan3A_160 : i32
      %add3A_202 = arith.constant 1 : i32
      %add3A_203 = arith.addi %mul3A_201, %add3A_202 : i32
      %dma_wait3A_204 = arith.constant 1 : i32
      %dma_wait3A_205 = arith.constant 0 : i32
      %dma_wait3A_206 = tpu.memref_slice %arg2[%dma_wait3A_205] : memref<640000xi32, #tpu.memory_space<hbm>> -> memref<2000xi32, #tpu.memory_space<hbm>>
      %dma_wait3A_207 = tpu.memref_slice %arg10[%dma_wait3A_204] : memref<2x!tpu.dma_semaphore, #tpu.memory_space<semaphore_mem>> -> memref<1x!tpu.dma_semaphore, #tpu.memory_space<semaphore_mem>>
      %dma_wait3A_208 = tpu.memref_squeeze %dma_wait3A_207 : memref<1x!tpu.dma_semaphore, #tpu.memory_space<semaphore_mem>> -> memref<!tpu.dma_semaphore, #tpu.memory_space<semaphore_mem>>
      %dma_wait3A_209 = arith.constant 0 : i32
      %dma_wait3A_210 = tpu.memref_slice %arg2[%dma_wait3A_209] : memref<640000xi32, #tpu.memory_space<hbm>> -> memref<2000xi32, #tpu.memory_space<hbm>>
      tpu.wait_dma2 semaphore(%dma_wait3A_208 : memref<!tpu.dma_semaphore, #tpu.memory_space<semaphore_mem>>) src(%dma_wait3A_210 : memref<2000xi32, #tpu.memory_space<hbm>>) dst(%arg7 : memref<2000xi32, #tpu.memory_space<vmem>>)
      %jit3A_211 = arith.constant 5 : i32
      %div3A_212 = arith.divsi %add3A_203, %jit3A_211 : i32
      %sign3A_213 = arith.constant 0 : i32
      %sign3A_214 = arith.cmpi sgt, %add3A_203, %sign3A_213 : i32
      %sign3A_215 = arith.extui %sign3A_214 : i1 to i32
      %sign3A_216 = arith.constant 0 : i32
      %sign3A_217 = arith.cmpi slt, %add3A_203, %sign3A_216 : i32
      %sign3A_218 = arith.extui %sign3A_217 : i1 to i32
      %sign3A_219 = arith.subi %sign3A_215, %sign3A_218 : i32
      %sign3A_220 = arith.constant 0 : i32
      %sign3A_221 = arith.cmpi sgt, %jit3A_211, %sign3A_220 : i32
      %sign3A_222 = arith.extui %sign3A_221 : i1 to i32
      %sign3A_223 = arith.constant 0 : i32
      %sign3A_224 = arith.cmpi slt, %jit3A_211, %sign3A_223 : i32
      %sign3A_225 = arith.extui %sign3A_224 : i1 to i32
      %sign3A_226 = arith.subi %sign3A_222, %sign3A_225 : i32
      %ne3A_227 = arith.cmpi ne, %sign3A_219, %sign3A_226 : i32
      %rem3A_228 = arith.remsi %add3A_203, %jit3A_211 : i32
      %ne3A_229 = arith.constant 0 : i32
      %ne3A_230 = arith.cmpi ne, %rem3A_228, %ne3A_229 : i32
      %and3A_231 = arith.andi %ne3A_227, %ne3A_230 : i1
      %sub3A_232 = arith.constant 1 : i32
      %sub3A_233 = arith.subi %div3A_212, %sub3A_232 : i32
      %select_n3A_234 = arith.select %and3A_231, %sub3A_233, %div3A_212 : i32
      %broadcast_in_dim3A_235 = vector.broadcast %select_n3A_234 : i32 to vector<16xi32>
      %scan3A_236 = arith.constant 0 : i32
      %scan3A_237 = arith.constant 0 : i32
      %scan3A_238 = arith.constant 125 : i32
      %scan3A_239 = arith.addi %scan3A_237, %scan3A_238 : i32
      %scan3A_240 = arith.constant 1 : i32
      %scan3A_241 = scf.for %scan3A_251 = %scan3A_237 to %scan3A_239 step %scan3A_240 iter_args(%scan3A_252 = %scan3A_236) -> (i32)  : i32 {
        %mul3A_253 = arith.constant 16 : i32
        %mul3A_254 = arith.muli %scan3A_251, %mul3A_253 : i32
        %get3A = arith.index_cast %mul3A_254 : i32 to index
        %get3A_255 = tpu.vector_load %arg7[%get3A] {strides = array<i32>} : memref<2000xi32, #tpu.memory_space<vmem>>, vector<16xi32>,
        tpu.vector_store_idx %arg4[%broadcast_in_dim3A_235, %get3A_255], %broadcast_in_dim3A_3 {add = true} : memref<2x10240xf32, #tpu.memory_space<vmem>>[vector<16xi32>, vector<16xi32>], vector<16xf32>,
        %scan3A_256 = arith.constant 0 : i32
        scf.yield %scan3A_256 : i32
      }
      %scan3A_242 = arith.constant 125 : i32
      %add3A_243 = arith.constant 2 : i32
      %add3A_244 = arith.addi %add3A_203, %add3A_243 : i32
      %lt3A_245 = arith.constant 10 : i32
      %lt3A_246 = arith.cmpi slt, %add3A_244, %lt3A_245 : i32
      %convert_element_type3A_247 = arith.extui %lt3A_246 : i1 to i32
      %cond3A_248 = arith.constant 0 : i32
      %cond3A_249 = arith.cmpi ne, %convert_element_type3A_247, %cond3A_248 : i32
      scf.if %cond3A_249 {
        %add3A_251 = arith.constant 2 : i32
        %add3A_252 = arith.addi %add3A_203, %add3A_251 : i32
        %jit3A_253 = arith.constant 5 : i32
        %div3A_254 = arith.divsi %add3A_252, %jit3A_253 : i32
        %sign3A_255 = arith.constant 0 : i32
        %sign3A_256 = arith.cmpi sgt, %add3A_252, %sign3A_255 : i32
        %sign3A_257 = arith.extui %sign3A_256 : i1 to i32
        %sign3A_258 = arith.constant 0 : i32
        %sign3A_259 = arith.cmpi slt, %add3A_252, %sign3A_258 : i32
        %sign3A_260 = arith.extui %sign3A_259 : i1 to i32
        %sign3A_261 = arith.subi %sign3A_257, %sign3A_260 : i32
        %sign3A_262 = arith.constant 0 : i32
        %sign3A_263 = arith.cmpi sgt, %jit3A_253, %sign3A_262 : i32
        %sign3A_264 = arith.extui %sign3A_263 : i1 to i32
        %sign3A_265 = arith.constant 0 : i32
        %sign3A_266 = arith.cmpi slt, %jit3A_253, %sign3A_265 : i32
        %sign3A_267 = arith.extui %sign3A_266 : i1 to i32
        %sign3A_268 = arith.subi %sign3A_264, %sign3A_267 : i32
        %ne3A_269 = arith.cmpi ne, %sign3A_261, %sign3A_268 : i32
        %rem3A_270 = arith.remsi %add3A_252, %jit3A_253 : i32
        %ne3A_271 = arith.constant 0 : i32
        %ne3A_272 = arith.cmpi ne, %rem3A_270, %ne3A_271 : i32
        %and3A_273 = arith.andi %ne3A_269, %ne3A_272 : i1
        %sub3A_274 = arith.constant 1 : i32
        %sub3A_275 = arith.subi %div3A_254, %sub3A_274 : i32
        %select_n3A_276 = arith.select %and3A_273, %sub3A_275, %div3A_254 : i32
        %mul3A_277 = arith.constant 320000 : i32
        %mul3A_278 = arith.muli %select_n3A_276, %mul3A_277 : i32
        %mul3A_279 = arith.constant 10000 : i32
        %mul3A_280 = arith.muli %add3A, %mul3A_279 : i32
        %add3A_281 = arith.addi %mul3A_278, %mul3A_280 : i32
        %jit3A_282 = arith.constant 5 : i32
        %eq3A = arith.constant 0 : i32
        %eq3A_283 = arith.cmpi eq, %jit3A_282, %eq3A : i32
        %jit3A_284 = arith.constant 1 : i32
        %select_n3A_285 = arith.select %eq3A_283, %jit3A_284, %jit3A_282 : i32
        %rem3A_286 = arith.remsi %add3A_252, %select_n3A_285 : i32
        %ne3A_287 = arith.constant 0 : i32
        %ne3A_288 = arith.cmpi ne, %rem3A_286, %ne3A_287 : i32
        %lt3A_289 = arith.constant 0 : i32
        %lt3A_290 = arith.cmpi slt, %rem3A_286, %lt3A_289 : i32
        %lt3A_291 = arith.constant 0 : i32
        %lt3A_292 = arith.cmpi slt, %select_n3A_285, %lt3A_291 : i32
        %ne3A_293 = arith.xori %lt3A_290, %lt3A_292 : i1
        %and3A_294 = arith.andi %ne3A_293, %ne3A_288 : i1
        %add3A_295 = arith.addi %rem3A_286, %select_n3A_285 : i32
        %select_n3A_296 = arith.select %and3A_294, %add3A_295, %rem3A_286 : i32
        %mul3A_297 = arith.constant 2000 : i32
        %mul3A_298 = arith.muli %select_n3A_296, %mul3A_297 : i32
        %add3A_299 = arith.addi %add3A_281, %mul3A_298 : i32
        %dma_start3A_300 = arith.constant 1 : i32
        %dma_start3A_301 = tpu.memref_slice %arg2[%add3A_299] : memref<640000xi32, #tpu.memory_space<hbm>> -> memref<2000xi32, #tpu.memory_space<hbm>>
        %dma_start3A_302 = tpu.memref_slice %arg10[%dma_start3A_300] : memref<2x!tpu.dma_semaphore, #tpu.memory_space<semaphore_mem>> -> memref<1x!tpu.dma_semaphore, #tpu.memory_space<semaphore_mem>>
        %dma_start3A_303 = tpu.memref_squeeze %dma_start3A_302 : memref<1x!tpu.dma_semaphore, #tpu.memory_space<semaphore_mem>> -> memref<!tpu.dma_semaphore, #tpu.memory_space<semaphore_mem>>
        %dma_start3A_304 = tpu.memref_slice %arg2[%add3A_299] : memref<640000xi32, #tpu.memory_space<hbm>> -> memref<2000xi32, #tpu.memory_space<hbm>>
        tpu.enqueue_dma source(%dma_start3A_304 : memref<2000xi32, #tpu.memory_space<hbm>>) target(%arg7 : memref<2000xi32, #tpu.memory_space<vmem>>) target_semaphore(%dma_start3A_303 : memref<!tpu.dma_semaphore, #tpu.memory_space<semaphore_mem>>)
      } else {
      }
      %scan3A_250 = arith.constant 0 : i32
      scf.yield %scan3A_250 : i32
    }
    %scan3A_37 = arith.constant 5 : i32
    "tpu.region"() ({
      %run_scoped3A_160 = tpu.sem_alloc : memref<!tpu.dma_semaphore, #tpu.memory_space<semaphore_mem>>
      %dma_start3A_161 = arith.constant 0 : i32
      %dma_start3A_162 = arith.constant 0 : i32
      %dma_start3A_163 = tpu.memref_slice %arg5[%arg1, %dma_start3A_161, %dma_start3A_162] : memref<16x2x10240xf32, #tpu.memory_space<vmem_shared>> -> memref<1x2x10240xf32, #tpu.memory_space<vmem_shared>>
      %dma_start3A_164 = tpu.memref_squeeze %dma_start3A_163 : memref<1x2x10240xf32, #tpu.memory_space<vmem_shared>> -> memref<2x10240xf32, #tpu.memory_space<vmem_shared>>
      %dma_start3A_165 = arith.constant 0 : i32
      %dma_start3A_166 = arith.constant 0 : i32
      %dma_start3A_167 = tpu.memref_slice %arg5[%arg1, %dma_start3A_165, %dma_start3A_166] : memref<16x2x10240xf32, #tpu.memory_space<vmem_shared>> -> memref<1x2x10240xf32, #tpu.memory_space<vmem_shared>>
      %dma_start3A_168 = tpu.memref_squeeze %dma_start3A_167 : memref<1x2x10240xf32, #tpu.memory_space<vmem_shared>> -> memref<2x10240xf32, #tpu.memory_space<vmem_shared>>
      tpu.enqueue_dma source(%arg4 : memref<2x10240xf32, #tpu.memory_space<vmem>>) target(%dma_start3A_168 : memref<2x10240xf32, #tpu.memory_space<vmem_shared>>) target_semaphore(%run_scoped3A_160 : memref<!tpu.dma_semaphore, #tpu.memory_space<semaphore_mem>>)
      %dma_wait3A = arith.constant 0 : i32
      %dma_wait3A_169 = arith.constant 0 : i32
      %dma_wait3A_170 = tpu.memref_slice %arg5[%arg1, %dma_wait3A, %dma_wait3A_169] : memref<16x2x10240xf32, #tpu.memory_space<vmem_shared>> -> memref<1x2x10240xf32, #tpu.memory_space<vmem_shared>>
      %dma_wait3A_171 = tpu.memref_squeeze %dma_wait3A_170 : memref<1x2x10240xf32, #tpu.memory_space<vmem_shared>> -> memref<2x10240xf32, #tpu.memory_space<vmem_shared>>
      %dma_wait3A_172 = arith.constant 0 : i32
      %dma_wait3A_173 = arith.constant 0 : i32
      %dma_wait3A_174 = tpu.memref_slice %arg5[%arg1, %dma_wait3A_172, %dma_wait3A_173] : memref<16x2x10240xf32, #tpu.memory_space<vmem_shared>> -> memref<1x2x10240xf32, #tpu.memory_space<vmem_shared>>
      %dma_wait3A_175 = tpu.memref_squeeze %dma_wait3A_174 : memref<1x2x10240xf32, #tpu.memory_space<vmem_shared>> -> memref<2x10240xf32, #tpu.memory_space<vmem_shared>>
      tpu.wait_dma2 semaphore(%run_scoped3A_160 : memref<!tpu.dma_semaphore, #tpu.memory_space<semaphore_mem>>) src(%arg4 : memref<2x10240xf32, #tpu.memory_space<vmem>>) dst(%dma_wait3A_175 : memref<2x10240xf32, #tpu.memory_space<vmem_shared>>)
      tpu.yield
    }) : () -> ()
    %barrier3A = arith.constant 0 : index
    tpu.barrier barrier_id(%barrier3A)
    %mul3A_38 = arith.constant 640 : i32
    %mul3A_39 = arith.muli %arg1, %mul3A_38 : i32
    %run_scoped3A = arith.constant 0 : i32
    "tpu.region"() ({
      %run_scoped3A_160 = tpu.sem_alloc : memref<!tpu.dma_semaphore, #tpu.memory_space<semaphore_mem>>
      %dma_start3A_161 = arith.constant 0 : i32
      %dma_start3A_162 = tpu.memref_slice %arg5[%run_scoped3A, %dma_start3A_161, %mul3A_39] : memref<16x2x10240xf32, #tpu.memory_space<vmem_shared>> -> memref<1x2x640xf32, #tpu.memory_space<vmem_shared>>
      %dma_start3A_163 = tpu.memref_squeeze %dma_start3A_162 : memref<1x2x640xf32, #tpu.memory_space<vmem_shared>> -> memref<2x640xf32, #tpu.memory_space<vmem_shared>>
      %dma_start3A_164 = arith.constant 0 : i32
      %dma_start3A_165 = tpu.memref_slice %arg5[%run_scoped3A, %dma_start3A_164, %mul3A_39] : memref<16x2x10240xf32, #tpu.memory_space<vmem_shared>> -> memref<1x2x640xf32, #tpu.memory_space<vmem_shared>>
      %dma_start3A_166 = tpu.memref_squeeze %dma_start3A_165 : memref<1x2x640xf32, #tpu.memory_space<vmem_shared>> -> memref<2x640xf32, #tpu.memory_space<vmem_shared>>
      tpu.enqueue_dma source(%dma_start3A_166 : memref<2x640xf32, #tpu.memory_space<vmem_shared>>) target(%arg8 : memref<2x640xf32, #tpu.memory_space<vmem>>) target_semaphore(%run_scoped3A_160 : memref<!tpu.dma_semaphore, #tpu.memory_space<semaphore_mem>>)
      %dma_wait3A = arith.constant 0 : i32
      %dma_wait3A_167 = tpu.memref_slice %arg5[%run_scoped3A, %dma_wait3A, %mul3A_39] : memref<16x2x10240xf32, #tpu.memory_space<vmem_shared>> -> memref<1x2x640xf32, #tpu.memory_space<vmem_shared>>
      %dma_wait3A_168 = tpu.memref_squeeze %dma_wait3A_167 : memref<1x2x640xf32, #tpu.memory_space<vmem_shared>> -> memref<2x640xf32, #tpu.memory_space<vmem_shared>>
      %dma_wait3A_169 = arith.constant 0 : i32
      %dma_wait3A_170 = tpu.memref_slice %arg5[%run_scoped3A, %dma_wait3A_169, %mul3A_39] : memref<16x2x10240xf32, #tpu.memory_space<vmem_shared>> -> memref<1x2x640xf32, #tpu.memory_space<vmem_shared>>
      %dma_wait3A_171 = tpu.memref_squeeze %dma_wait3A_170 : memref<1x2x640xf32, #tpu.memory_space<vmem_shared>> -> memref<2x640xf32, #tpu.memory_space<vmem_shared>>
      tpu.wait_dma2 semaphore(%run_scoped3A_160 : memref<!tpu.dma_semaphore, #tpu.memory_space<semaphore_mem>>) src(%dma_wait3A_171 : memref<2x640xf32, #tpu.memory_space<vmem_shared>>) dst(%arg8 : memref<2x640xf32, #tpu.memory_space<vmem>>)
      tpu.yield
    }) : () -> ()
    %run_scoped3A_40 = arith.constant 1 : i32
    "tpu.region"() ({
      %run_scoped3A_160 = tpu.sem_alloc : memref<!tpu.dma_semaphore, #tpu.memory_space<semaphore_mem>>
      %dma_start3A_161 = arith.constant 0 : i32
      %dma_start3A_162 = tpu.memref_slice %arg5[%run_scoped3A_40, %dma_start3A_161, %mul3A_39] : memref<16x2x10240xf32, #tpu.memory_space<vmem_shared>> -> memref<1x2x640xf32, #tpu.memory_space<vmem_shared>>
      %dma_start3A_163 = tpu.memref_squeeze %dma_start3A_162 : memref<1x2x640xf32, #tpu.memory_space<vmem_shared>> -> memref<2x640xf32, #tpu.memory_space<vmem_shared>>
      %dma_start3A_164 = arith.constant 0 : i32
      %dma_start3A_165 = tpu.memref_slice %arg5[%run_scoped3A_40, %dma_start3A_164, %mul3A_39] : memref<16x2x10240xf32, #tpu.memory_space<vmem_shared>> -> memref<1x2x640xf32, #tpu.memory_space<vmem_shared>>
      %dma_start3A_166 = tpu.memref_squeeze %dma_start3A_165 : memref<1x2x640xf32, #tpu.memory_space<vmem_shared>> -> memref<2x640xf32, #tpu.memory_space<vmem_shared>>
      tpu.enqueue_dma source(%dma_start3A_166 : memref<2x640xf32, #tpu.memory_space<vmem_shared>>) target(%arg9 : memref<2x640xf32, #tpu.memory_space<vmem>>) target_semaphore(%run_scoped3A_160 : memref<!tpu.dma_semaphore, #tpu.memory_space<semaphore_mem>>)
      %dma_wait3A = arith.constant 0 : i32
      %dma_wait3A_167 = tpu.memref_slice %arg5[%run_scoped3A_40, %dma_wait3A, %mul3A_39] : memref<16x2x10240xf32, #tpu.memory_space<vmem_shared>> -> memref<1x2x640xf32, #tpu.memory_space<vmem_shared>>
      %dma_wait3A_168 = tpu.memref_squeeze %dma_wait3A_167 : memref<1x2x640xf32, #tpu.memory_space<vmem_shared>> -> memref<2x640xf32, #tpu.memory_space<vmem_shared>>
      %dma_wait3A_169 = arith.constant 0 : i32
      %dma_wait3A_170 = tpu.memref_slice %arg5[%run_scoped3A_40, %dma_wait3A_169, %mul3A_39] : memref<16x2x10240xf32, #tpu.memory_space<vmem_shared>> -> memref<1x2x640xf32, #tpu.memory_space<vmem_shared>>
      %dma_wait3A_171 = tpu.memref_squeeze %dma_wait3A_170 : memref<1x2x640xf32, #tpu.memory_space<vmem_shared>> -> memref<2x640xf32, #tpu.memory_space<vmem_shared>>
      tpu.wait_dma2 semaphore(%run_scoped3A_160 : memref<!tpu.dma_semaphore, #tpu.memory_space<semaphore_mem>>) src(%dma_wait3A_171 : memref<2x640xf32, #tpu.memory_space<vmem_shared>>) dst(%arg9 : memref<2x640xf32, #tpu.memory_space<vmem>>)
      tpu.yield
    }) : () -> ()
    %scan3A_41 = arith.constant 0 : i32
    %scan3A_42 = arith.constant 0 : i32
    %scan3A_43 = arith.constant 80 : i32
    %scan3A_44 = arith.addi %scan3A_42, %scan3A_43 : i32
    %scan3A_45 = arith.constant 1 : i32
    %scan3A_46 = scf.for %scan3A_160 = %scan3A_42 to %scan3A_44 step %scan3A_45 iter_args(%scan3A_161 = %scan3A_41) -> (i32)  : i32 {
      %jit3A = arith.constant 40 : i32
      %div3A = arith.divsi %scan3A_160, %jit3A : i32
      %sign3A = arith.constant 0 : i32
      %sign3A_162 = arith.cmpi sgt, %scan3A_160, %sign3A : i32
      %sign3A_163 = arith.extui %sign3A_162 : i1 to i32
      %sign3A_164 = arith.constant 0 : i32
      %sign3A_165 = arith.cmpi slt, %scan3A_160, %sign3A_164 : i32
      %sign3A_166 = arith.extui %sign3A_165 : i1 to i32
      %sign3A_167 = arith.subi %sign3A_163, %sign3A_166 : i32
      %sign3A_168 = arith.constant 0 : i32
      %sign3A_169 = arith.cmpi sgt, %jit3A, %sign3A_168 : i32
      %sign3A_170 = arith.extui %sign3A_169 : i1 to i32
      %sign3A_171 = arith.constant 0 : i32
      %sign3A_172 = arith.cmpi slt, %jit3A, %sign3A_171 : i32
      %sign3A_173 = arith.extui %sign3A_172 : i1 to i32
      %sign3A_174 = arith.subi %sign3A_170, %sign3A_173 : i32
      %ne3A = arith.cmpi ne, %sign3A_167, %sign3A_174 : i32
      %rem3A = arith.remsi %scan3A_160, %jit3A : i32
      %ne3A_175 = arith.constant 0 : i32
      %ne3A_176 = arith.cmpi ne, %rem3A, %ne3A_175 : i32
      %and3A = arith.andi %ne3A, %ne3A_176 : i1
      %sub3A = arith.constant 1 : i32
      %sub3A_177 = arith.subi %div3A, %sub3A : i32
      %select_n3A = arith.select %and3A, %sub3A_177, %div3A : i32
      %jit3A_178 = arith.constant 40 : i32
      %eq3A = arith.constant 0 : i32
      %eq3A_179 = arith.cmpi eq, %jit3A_178, %eq3A : i32
      %jit3A_180 = arith.constant 1 : i32
      %select_n3A_181 = arith.select %eq3A_179, %jit3A_180, %jit3A_178 : i32
      %rem3A_182 = arith.remsi %scan3A_160, %select_n3A_181 : i32
      %ne3A_183 = arith.constant 0 : i32
      %ne3A_184 = arith.cmpi ne, %rem3A_182, %ne3A_183 : i32
      %lt3A = arith.constant 0 : i32
      %lt3A_185 = arith.cmpi slt, %rem3A_182, %lt3A : i32
      %lt3A_186 = arith.constant 0 : i32
      %lt3A_187 = arith.cmpi slt, %select_n3A_181, %lt3A_186 : i32
      %ne3A_188 = arith.xori %lt3A_185, %lt3A_187 : i1
      %and3A_189 = arith.andi %ne3A_188, %ne3A_184 : i1
      %add3A_190 = arith.addi %rem3A_182, %select_n3A_181 : i32
      %select_n3A_191 = arith.select %and3A_189, %add3A_190, %rem3A_182 : i32
      %mul3A_192 = arith.constant 16 : i32
      %mul3A_193 = arith.muli %select_n3A_191, %mul3A_192 : i32
      %get3A = arith.index_cast %select_n3A : i32 to index
      %get3A_194 = arith.index_cast %mul3A_193 : i32 to index
      %get3A_195 = tpu.vector_load %arg8[%get3A, %get3A_194] {strides = array<i32>} : memref<2x640xf32, #tpu.memory_space<vmem>>, vector<16xf32>,
      %get3A_196 = arith.index_cast %select_n3A : i32 to index
      %get3A_197 = arith.index_cast %mul3A_193 : i32 to index
      %get3A_198 = tpu.vector_load %arg9[%get3A_196, %get3A_197] {strides = array<i32>} : memref<2x640xf32, #tpu.memory_space<vmem>>, vector<16xf32>,
      %add3A_199 = arith.addf %get3A_195, %get3A_198 : vector<16xf32>
      %swap3A = arith.index_cast %select_n3A : i32 to index
      %swap3A_200 = arith.index_cast %mul3A_193 : i32 to index
      %swap3A_201 = tpu.vector_load %arg8[%swap3A, %swap3A_200] {strides = array<i32>} : memref<2x640xf32, #tpu.memory_space<vmem>>, vector<16xf32>,
      tpu.vector_store %arg8[%swap3A, %swap3A_200], %add3A_199 {strides = array<i32>} : memref<2x640xf32, #tpu.memory_space<vmem>>, vector<16xf32>,
      %scan3A_202 = arith.constant 0 : i32
      scf.yield %scan3A_202 : i32
    }
    %scan3A_47 = arith.constant 80 : i32
    %run_scoped3A_48 = arith.constant 2 : i32
    "tpu.region"() ({
      %run_scoped3A_160 = tpu.sem_alloc : memref<!tpu.dma_semaphore, #tpu.memory_space<semaphore_mem>>
      %dma_start3A_161 = arith.constant 0 : i32
      %dma_start3A_162 = tpu.memref_slice %arg5[%run_scoped3A_48, %dma_start3A_161, %mul3A_39] : memref<16x2x10240xf32, #tpu.memory_space<vmem_shared>> -> memref<1x2x640xf32, #tpu.memory_space<vmem_shared>>
      %dma_start3A_163 = tpu.memref_squeeze %dma_start3A_162 : memref<1x2x640xf32, #tpu.memory_space<vmem_shared>> -> memref<2x640xf32, #tpu.memory_space<vmem_shared>>
      %dma_start3A_164 = arith.constant 0 : i32
      %dma_start3A_165 = tpu.memref_slice %arg5[%run_scoped3A_48, %dma_start3A_164, %mul3A_39] : memref<16x2x10240xf32, #tpu.memory_space<vmem_shared>> -> memref<1x2x640xf32, #tpu.memory_space<vmem_shared>>
      %dma_start3A_166 = tpu.memref_squeeze %dma_start3A_165 : memref<1x2x640xf32, #tpu.memory_space<vmem_shared>> -> memref<2x640xf32, #tpu.memory_space<vmem_shared>>
      tpu.enqueue_dma source(%dma_start3A_166 : memref<2x640xf32, #tpu.memory_space<vmem_shared>>) target(%arg9 : memref<2x640xf32, #tpu.memory_space<vmem>>) target_semaphore(%run_scoped3A_160 : memref<!tpu.dma_semaphore, #tpu.memory_space<semaphore_mem>>)
      %dma_wait3A = arith.constant 0 : i32
      %dma_wait3A_167 = tpu.memref_slice %arg5[%run_scoped3A_48, %dma_wait3A, %mul3A_39] : memref<16x2x10240xf32, #tpu.memory_space<vmem_shared>> -> memref<1x2x640xf32, #tpu.memory_space<vmem_shared>>
      %dma_wait3A_168 = tpu.memref_squeeze %dma_wait3A_167 : memref<1x2x640xf32, #tpu.memory_space<vmem_shared>> -> memref<2x640xf32, #tpu.memory_space<vmem_shared>>
      %dma_wait3A_169 = arith.constant 0 : i32
      %dma_wait3A_170 = tpu.memref_slice %arg5[%run_scoped3A_48, %dma_wait3A_169, %mul3A_39] : memref<16x2x10240xf32, #tpu.memory_space<vmem_shared>> -> memref<1x2x640xf32, #tpu.memory_space<vmem_shared>>
      %dma_wait3A_171 = tpu.memref_squeeze %dma_wait3A_170 : memref<1x2x640xf32, #tpu.memory_space<vmem_shared>> -> memref<2x640xf32, #tpu.memory_space<vmem_shared>>
      tpu.wait_dma2 semaphore(%run_scoped3A_160 : memref<!tpu.dma_semaphore, #tpu.memory_space<semaphore_mem>>) src(%dma_wait3A_171 : memref<2x640xf32, #tpu.memory_space<vmem_shared>>) dst(%arg9 : memref<2x640xf32, #tpu.memory_space<vmem>>)
      tpu.yield
    }) : () -> ()
    %scan3A_49 = arith.constant 0 : i32
    %scan3A_50 = arith.constant 0 : i32
    %scan3A_51 = arith.constant 80 : i32
    %scan3A_52 = arith.addi %scan3A_50, %scan3A_51 : i32
    %scan3A_53 = arith.constant 1 : i32
    %scan3A_54 = scf.for %scan3A_160 = %scan3A_50 to %scan3A_52 step %scan3A_53 iter_args(%scan3A_161 = %scan3A_49) -> (i32)  : i32 {
      %jit3A = arith.constant 40 : i32
      %div3A = arith.divsi %scan3A_160, %jit3A : i32
      %sign3A = arith.constant 0 : i32
      %sign3A_162 = arith.cmpi sgt, %scan3A_160, %sign3A : i32
      %sign3A_163 = arith.extui %sign3A_162 : i1 to i32
      %sign3A_164 = arith.constant 0 : i32
      %sign3A_165 = arith.cmpi slt, %scan3A_160, %sign3A_164 : i32
      %sign3A_166 = arith.extui %sign3A_165 : i1 to i32
      %sign3A_167 = arith.subi %sign3A_163, %sign3A_166 : i32
      %sign3A_168 = arith.constant 0 : i32
      %sign3A_169 = arith.cmpi sgt, %jit3A, %sign3A_168 : i32
      %sign3A_170 = arith.extui %sign3A_169 : i1 to i32
      %sign3A_171 = arith.constant 0 : i32
      %sign3A_172 = arith.cmpi slt, %jit3A, %sign3A_171 : i32
      %sign3A_173 = arith.extui %sign3A_172 : i1 to i32
      %sign3A_174 = arith.subi %sign3A_170, %sign3A_173 : i32
      %ne3A = arith.cmpi ne, %sign3A_167, %sign3A_174 : i32
      %rem3A = arith.remsi %scan3A_160, %jit3A : i32
      %ne3A_175 = arith.constant 0 : i32
      %ne3A_176 = arith.cmpi ne, %rem3A, %ne3A_175 : i32
      %and3A = arith.andi %ne3A, %ne3A_176 : i1
      %sub3A = arith.constant 1 : i32
      %sub3A_177 = arith.subi %div3A, %sub3A : i32
      %select_n3A = arith.select %and3A, %sub3A_177, %div3A : i32
      %jit3A_178 = arith.constant 40 : i32
      %eq3A = arith.constant 0 : i32
      %eq3A_179 = arith.cmpi eq, %jit3A_178, %eq3A : i32
      %jit3A_180 = arith.constant 1 : i32
      %select_n3A_181 = arith.select %eq3A_179, %jit3A_180, %jit3A_178 : i32
      %rem3A_182 = arith.remsi %scan3A_160, %select_n3A_181 : i32
      %ne3A_183 = arith.constant 0 : i32
      %ne3A_184 = arith.cmpi ne, %rem3A_182, %ne3A_183 : i32
      %lt3A = arith.constant 0 : i32
      %lt3A_185 = arith.cmpi slt, %rem3A_182, %lt3A : i32
      %lt3A_186 = arith.constant 0 : i32
      %lt3A_187 = arith.cmpi slt, %select_n3A_181, %lt3A_186 : i32
      %ne3A_188 = arith.xori %lt3A_185, %lt3A_187 : i1
      %and3A_189 = arith.andi %ne3A_188, %ne3A_184 : i1
      %add3A_190 = arith.addi %rem3A_182, %select_n3A_181 : i32
      %select_n3A_191 = arith.select %and3A_189, %add3A_190, %rem3A_182 : i32
      %mul3A_192 = arith.constant 16 : i32
      %mul3A_193 = arith.muli %select_n3A_191, %mul3A_192 : i32
      %get3A = arith.index_cast %select_n3A : i32 to index
      %get3A_194 = arith.index_cast %mul3A_193 : i32 to index
      %get3A_195 = tpu.vector_load %arg8[%get3A, %get3A_194] {strides = array<i32>} : memref<2x640xf32, #tpu.memory_space<vmem>>, vector<16xf32>,
      %get3A_196 = arith.index_cast %select_n3A : i32 to index
      %get3A_197 = arith.index_cast %mul3A_193 : i32 to index
      %get3A_198 = tpu.vector_load %arg9[%get3A_196, %get3A_197] {strides = array<i32>} : memref<2x640xf32, #tpu.memory_space<vmem>>, vector<16xf32>,
      %add3A_199 = arith.addf %get3A_195, %get3A_198 : vector<16xf32>
      %swap3A = arith.index_cast %select_n3A : i32 to index
      %swap3A_200 = arith.index_cast %mul3A_193 : i32 to index
      %swap3A_201 = tpu.vector_load %arg8[%swap3A, %swap3A_200] {strides = array<i32>} : memref<2x640xf32, #tpu.memory_space<vmem>>, vector<16xf32>,
      tpu.vector_store %arg8[%swap3A, %swap3A_200], %add3A_199 {strides = array<i32>} : memref<2x640xf32, #tpu.memory_space<vmem>>, vector<16xf32>,
      %scan3A_202 = arith.constant 0 : i32
      scf.yield %scan3A_202 : i32
    }
    %scan3A_55 = arith.constant 80 : i32
    %run_scoped3A_56 = arith.constant 3 : i32
    "tpu.region"() ({
      %run_scoped3A_160 = tpu.sem_alloc : memref<!tpu.dma_semaphore, #tpu.memory_space<semaphore_mem>>
      %dma_start3A_161 = arith.constant 0 : i32
      %dma_start3A_162 = tpu.memref_slice %arg5[%run_scoped3A_56, %dma_start3A_161, %mul3A_39] : memref<16x2x10240xf32, #tpu.memory_space<vmem_shared>> -> memref<1x2x640xf32, #tpu.memory_space<vmem_shared>>
      %dma_start3A_163 = tpu.memref_squeeze %dma_start3A_162 : memref<1x2x640xf32, #tpu.memory_space<vmem_shared>> -> memref<2x640xf32, #tpu.memory_space<vmem_shared>>
      %dma_start3A_164 = arith.constant 0 : i32
      %dma_start3A_165 = tpu.memref_slice %arg5[%run_scoped3A_56, %dma_start3A_164, %mul3A_39] : memref<16x2x10240xf32, #tpu.memory_space<vmem_shared>> -> memref<1x2x640xf32, #tpu.memory_space<vmem_shared>>
      %dma_start3A_166 = tpu.memref_squeeze %dma_start3A_165 : memref<1x2x640xf32, #tpu.memory_space<vmem_shared>> -> memref<2x640xf32, #tpu.memory_space<vmem_shared>>
      tpu.enqueue_dma source(%dma_start3A_166 : memref<2x640xf32, #tpu.memory_space<vmem_shared>>) target(%arg9 : memref<2x640xf32, #tpu.memory_space<vmem>>) target_semaphore(%run_scoped3A_160 : memref<!tpu.dma_semaphore, #tpu.memory_space<semaphore_mem>>)
      %dma_wait3A = arith.constant 0 : i32
      %dma_wait3A_167 = tpu.memref_slice %arg5[%run_scoped3A_56, %dma_wait3A, %mul3A_39] : memref<16x2x10240xf32, #tpu.memory_space<vmem_shared>> -> memref<1x2x640xf32, #tpu.memory_space<vmem_shared>>
      %dma_wait3A_168 = tpu.memref_squeeze %dma_wait3A_167 : memref<1x2x640xf32, #tpu.memory_space<vmem_shared>> -> memref<2x640xf32, #tpu.memory_space<vmem_shared>>
      %dma_wait3A_169 = arith.constant 0 : i32
      %dma_wait3A_170 = tpu.memref_slice %arg5[%run_scoped3A_56, %dma_wait3A_169, %mul3A_39] : memref<16x2x10240xf32, #tpu.memory_space<vmem_shared>> -> memref<1x2x640xf32, #tpu.memory_space<vmem_shared>>
      %dma_wait3A_171 = tpu.memref_squeeze %dma_wait3A_170 : memref<1x2x640xf32, #tpu.memory_space<vmem_shared>> -> memref<2x640xf32, #tpu.memory_space<vmem_shared>>
      tpu.wait_dma2 semaphore(%run_scoped3A_160 : memref<!tpu.dma_semaphore, #tpu.memory_space<semaphore_mem>>) src(%dma_wait3A_171 : memref<2x640xf32, #tpu.memory_space<vmem_shared>>) dst(%arg9 : memref<2x640xf32, #tpu.memory_space<vmem>>)
      tpu.yield
    }) : () -> ()
    %scan3A_57 = arith.constant 0 : i32
    %scan3A_58 = arith.constant 0 : i32
    %scan3A_59 = arith.constant 80 : i32
    %scan3A_60 = arith.addi %scan3A_58, %scan3A_59 : i32
    %scan3A_61 = arith.constant 1 : i32
    %scan3A_62 = scf.for %scan3A_160 = %scan3A_58 to %scan3A_60 step %scan3A_61 iter_args(%scan3A_161 = %scan3A_57) -> (i32)  : i32 {
      %jit3A = arith.constant 40 : i32
      %div3A = arith.divsi %scan3A_160, %jit3A : i32
      %sign3A = arith.constant 0 : i32
      %sign3A_162 = arith.cmpi sgt, %scan3A_160, %sign3A : i32
      %sign3A_163 = arith.extui %sign3A_162 : i1 to i32
      %sign3A_164 = arith.constant 0 : i32
      %sign3A_165 = arith.cmpi slt, %scan3A_160, %sign3A_164 : i32
      %sign3A_166 = arith.extui %sign3A_165 : i1 to i32
      %sign3A_167 = arith.subi %sign3A_163, %sign3A_166 : i32
      %sign3A_168 = arith.constant 0 : i32
      %sign3A_169 = arith.cmpi sgt, %jit3A, %sign3A_168 : i32
      %sign3A_170 = arith.extui %sign3A_169 : i1 to i32
      %sign3A_171 = arith.constant 0 : i32
      %sign3A_172 = arith.cmpi slt, %jit3A, %sign3A_171 : i32
      %sign3A_173 = arith.extui %sign3A_172 : i1 to i32
      %sign3A_174 = arith.subi %sign3A_170, %sign3A_173 : i32
      %ne3A = arith.cmpi ne, %sign3A_167, %sign3A_174 : i32
      %rem3A = arith.remsi %scan3A_160, %jit3A : i32
      %ne3A_175 = arith.constant 0 : i32
      %ne3A_176 = arith.cmpi ne, %rem3A, %ne3A_175 : i32
      %and3A = arith.andi %ne3A, %ne3A_176 : i1
      %sub3A = arith.constant 1 : i32
      %sub3A_177 = arith.subi %div3A, %sub3A : i32
      %select_n3A = arith.select %and3A, %sub3A_177, %div3A : i32
      %jit3A_178 = arith.constant 40 : i32
      %eq3A = arith.constant 0 : i32
      %eq3A_179 = arith.cmpi eq, %jit3A_178, %eq3A : i32
      %jit3A_180 = arith.constant 1 : i32
      %select_n3A_181 = arith.select %eq3A_179, %jit3A_180, %jit3A_178 : i32
      %rem3A_182 = arith.remsi %scan3A_160, %select_n3A_181 : i32
      %ne3A_183 = arith.constant 0 : i32
      %ne3A_184 = arith.cmpi ne, %rem3A_182, %ne3A_183 : i32
      %lt3A = arith.constant 0 : i32
      %lt3A_185 = arith.cmpi slt, %rem3A_182, %lt3A : i32
      %lt3A_186 = arith.constant 0 : i32
      %lt3A_187 = arith.cmpi slt, %select_n3A_181, %lt3A_186 : i32
      %ne3A_188 = arith.xori %lt3A_185, %lt3A_187 : i1
      %and3A_189 = arith.andi %ne3A_188, %ne3A_184 : i1
      %add3A_190 = arith.addi %rem3A_182, %select_n3A_181 : i32
      %select_n3A_191 = arith.select %and3A_189, %add3A_190, %rem3A_182 : i32
      %mul3A_192 = arith.constant 16 : i32
      %mul3A_193 = arith.muli %select_n3A_191, %mul3A_192 : i32
      %get3A = arith.index_cast %select_n3A : i32 to index
      %get3A_194 = arith.index_cast %mul3A_193 : i32 to index
      %get3A_195 = tpu.vector_load %arg8[%get3A, %get3A_194] {strides = array<i32>} : memref<2x640xf32, #tpu.memory_space<vmem>>, vector<16xf32>,
      %get3A_196 = arith.index_cast %select_n3A : i32 to index
      %get3A_197 = arith.index_cast %mul3A_193 : i32 to index
      %get3A_198 = tpu.vector_load %arg9[%get3A_196, %get3A_197] {strides = array<i32>} : memref<2x640xf32, #tpu.memory_space<vmem>>, vector<16xf32>,
      %add3A_199 = arith.addf %get3A_195, %get3A_198 : vector<16xf32>
      %swap3A = arith.index_cast %select_n3A : i32 to index
      %swap3A_200 = arith.index_cast %mul3A_193 : i32 to index
      %swap3A_201 = tpu.vector_load %arg8[%swap3A, %swap3A_200] {strides = array<i32>} : memref<2x640xf32, #tpu.memory_space<vmem>>, vector<16xf32>,
      tpu.vector_store %arg8[%swap3A, %swap3A_200], %add3A_199 {strides = array<i32>} : memref<2x640xf32, #tpu.memory_space<vmem>>, vector<16xf32>,
      %scan3A_202 = arith.constant 0 : i32
      scf.yield %scan3A_202 : i32
    }
    %scan3A_63 = arith.constant 80 : i32
    %run_scoped3A_64 = arith.constant 4 : i32
    "tpu.region"() ({
      %run_scoped3A_160 = tpu.sem_alloc : memref<!tpu.dma_semaphore, #tpu.memory_space<semaphore_mem>>
      %dma_start3A_161 = arith.constant 0 : i32
      %dma_start3A_162 = tpu.memref_slice %arg5[%run_scoped3A_64, %dma_start3A_161, %mul3A_39] : memref<16x2x10240xf32, #tpu.memory_space<vmem_shared>> -> memref<1x2x640xf32, #tpu.memory_space<vmem_shared>>
      %dma_start3A_163 = tpu.memref_squeeze %dma_start3A_162 : memref<1x2x640xf32, #tpu.memory_space<vmem_shared>> -> memref<2x640xf32, #tpu.memory_space<vmem_shared>>
      %dma_start3A_164 = arith.constant 0 : i32
      %dma_start3A_165 = tpu.memref_slice %arg5[%run_scoped3A_64, %dma_start3A_164, %mul3A_39] : memref<16x2x10240xf32, #tpu.memory_space<vmem_shared>> -> memref<1x2x640xf32, #tpu.memory_space<vmem_shared>>
      %dma_start3A_166 = tpu.memref_squeeze %dma_start3A_165 : memref<1x2x640xf32, #tpu.memory_space<vmem_shared>> -> memref<2x640xf32, #tpu.memory_space<vmem_shared>>
      tpu.enqueue_dma source(%dma_start3A_166 : memref<2x640xf32, #tpu.memory_space<vmem_shared>>) target(%arg9 : memref<2x640xf32, #tpu.memory_space<vmem>>) target_semaphore(%run_scoped3A_160 : memref<!tpu.dma_semaphore, #tpu.memory_space<semaphore_mem>>)
      %dma_wait3A = arith.constant 0 : i32
      %dma_wait3A_167 = tpu.memref_slice %arg5[%run_scoped3A_64, %dma_wait3A, %mul3A_39] : memref<16x2x10240xf32, #tpu.memory_space<vmem_shared>> -> memref<1x2x640xf32, #tpu.memory_space<vmem_shared>>
      %dma_wait3A_168 = tpu.memref_squeeze %dma_wait3A_167 : memref<1x2x640xf32, #tpu.memory_space<vmem_shared>> -> memref<2x640xf32, #tpu.memory_space<vmem_shared>>
      %dma_wait3A_169 = arith.constant 0 : i32
      %dma_wait3A_170 = tpu.memref_slice %arg5[%run_scoped3A_64, %dma_wait3A_169, %mul3A_39] : memref<16x2x10240xf32, #tpu.memory_space<vmem_shared>> -> memref<1x2x640xf32, #tpu.memory_space<vmem_shared>>
      %dma_wait3A_171 = tpu.memref_squeeze %dma_wait3A_170 : memref<1x2x640xf32, #tpu.memory_space<vmem_shared>> -> memref<2x640xf32, #tpu.memory_space<vmem_shared>>
      tpu.wait_dma2 semaphore(%run_scoped3A_160 : memref<!tpu.dma_semaphore, #tpu.memory_space<semaphore_mem>>) src(%dma_wait3A_171 : memref<2x640xf32, #tpu.memory_space<vmem_shared>>) dst(%arg9 : memref<2x640xf32, #tpu.memory_space<vmem>>)
      tpu.yield
    }) : () -> ()
    %scan3A_65 = arith.constant 0 : i32
    %scan3A_66 = arith.constant 0 : i32
    %scan3A_67 = arith.constant 80 : i32
    %scan3A_68 = arith.addi %scan3A_66, %scan3A_67 : i32
    %scan3A_69 = arith.constant 1 : i32
    %scan3A_70 = scf.for %scan3A_160 = %scan3A_66 to %scan3A_68 step %scan3A_69 iter_args(%scan3A_161 = %scan3A_65) -> (i32)  : i32 {
      %jit3A = arith.constant 40 : i32
      %div3A = arith.divsi %scan3A_160, %jit3A : i32
      %sign3A = arith.constant 0 : i32
      %sign3A_162 = arith.cmpi sgt, %scan3A_160, %sign3A : i32
      %sign3A_163 = arith.extui %sign3A_162 : i1 to i32
      %sign3A_164 = arith.constant 0 : i32
      %sign3A_165 = arith.cmpi slt, %scan3A_160, %sign3A_164 : i32
      %sign3A_166 = arith.extui %sign3A_165 : i1 to i32
      %sign3A_167 = arith.subi %sign3A_163, %sign3A_166 : i32
      %sign3A_168 = arith.constant 0 : i32
      %sign3A_169 = arith.cmpi sgt, %jit3A, %sign3A_168 : i32
      %sign3A_170 = arith.extui %sign3A_169 : i1 to i32
      %sign3A_171 = arith.constant 0 : i32
      %sign3A_172 = arith.cmpi slt, %jit3A, %sign3A_171 : i32
      %sign3A_173 = arith.extui %sign3A_172 : i1 to i32
      %sign3A_174 = arith.subi %sign3A_170, %sign3A_173 : i32
      %ne3A = arith.cmpi ne, %sign3A_167, %sign3A_174 : i32
      %rem3A = arith.remsi %scan3A_160, %jit3A : i32
      %ne3A_175 = arith.constant 0 : i32
      %ne3A_176 = arith.cmpi ne, %rem3A, %ne3A_175 : i32
      %and3A = arith.andi %ne3A, %ne3A_176 : i1
      %sub3A = arith.constant 1 : i32
      %sub3A_177 = arith.subi %div3A, %sub3A : i32
      %select_n3A = arith.select %and3A, %sub3A_177, %div3A : i32
      %jit3A_178 = arith.constant 40 : i32
      %eq3A = arith.constant 0 : i32
      %eq3A_179 = arith.cmpi eq, %jit3A_178, %eq3A : i32
      %jit3A_180 = arith.constant 1 : i32
      %select_n3A_181 = arith.select %eq3A_179, %jit3A_180, %jit3A_178 : i32
      %rem3A_182 = arith.remsi %scan3A_160, %select_n3A_181 : i32
      %ne3A_183 = arith.constant 0 : i32
      %ne3A_184 = arith.cmpi ne, %rem3A_182, %ne3A_183 : i32
      %lt3A = arith.constant 0 : i32
      %lt3A_185 = arith.cmpi slt, %rem3A_182, %lt3A : i32
      %lt3A_186 = arith.constant 0 : i32
      %lt3A_187 = arith.cmpi slt, %select_n3A_181, %lt3A_186 : i32
      %ne3A_188 = arith.xori %lt3A_185, %lt3A_187 : i1
      %and3A_189 = arith.andi %ne3A_188, %ne3A_184 : i1
      %add3A_190 = arith.addi %rem3A_182, %select_n3A_181 : i32
      %select_n3A_191 = arith.select %and3A_189, %add3A_190, %rem3A_182 : i32
      %mul3A_192 = arith.constant 16 : i32
      %mul3A_193 = arith.muli %select_n3A_191, %mul3A_192 : i32
      %get3A = arith.index_cast %select_n3A : i32 to index
      %get3A_194 = arith.index_cast %mul3A_193 : i32 to index
      %get3A_195 = tpu.vector_load %arg8[%get3A, %get3A_194] {strides = array<i32>} : memref<2x640xf32, #tpu.memory_space<vmem>>, vector<16xf32>,
      %get3A_196 = arith.index_cast %select_n3A : i32 to index
      %get3A_197 = arith.index_cast %mul3A_193 : i32 to index
      %get3A_198 = tpu.vector_load %arg9[%get3A_196, %get3A_197] {strides = array<i32>} : memref<2x640xf32, #tpu.memory_space<vmem>>, vector<16xf32>,
      %add3A_199 = arith.addf %get3A_195, %get3A_198 : vector<16xf32>
      %swap3A = arith.index_cast %select_n3A : i32 to index
      %swap3A_200 = arith.index_cast %mul3A_193 : i32 to index
      %swap3A_201 = tpu.vector_load %arg8[%swap3A, %swap3A_200] {strides = array<i32>} : memref<2x640xf32, #tpu.memory_space<vmem>>, vector<16xf32>,
      tpu.vector_store %arg8[%swap3A, %swap3A_200], %add3A_199 {strides = array<i32>} : memref<2x640xf32, #tpu.memory_space<vmem>>, vector<16xf32>,
      %scan3A_202 = arith.constant 0 : i32
      scf.yield %scan3A_202 : i32
    }
    %scan3A_71 = arith.constant 80 : i32
    %run_scoped3A_72 = arith.constant 5 : i32
    "tpu.region"() ({
      %run_scoped3A_160 = tpu.sem_alloc : memref<!tpu.dma_semaphore, #tpu.memory_space<semaphore_mem>>
      %dma_start3A_161 = arith.constant 0 : i32
      %dma_start3A_162 = tpu.memref_slice %arg5[%run_scoped3A_72, %dma_start3A_161, %mul3A_39] : memref<16x2x10240xf32, #tpu.memory_space<vmem_shared>> -> memref<1x2x640xf32, #tpu.memory_space<vmem_shared>>
      %dma_start3A_163 = tpu.memref_squeeze %dma_start3A_162 : memref<1x2x640xf32, #tpu.memory_space<vmem_shared>> -> memref<2x640xf32, #tpu.memory_space<vmem_shared>>
      %dma_start3A_164 = arith.constant 0 : i32
      %dma_start3A_165 = tpu.memref_slice %arg5[%run_scoped3A_72, %dma_start3A_164, %mul3A_39] : memref<16x2x10240xf32, #tpu.memory_space<vmem_shared>> -> memref<1x2x640xf32, #tpu.memory_space<vmem_shared>>
      %dma_start3A_166 = tpu.memref_squeeze %dma_start3A_165 : memref<1x2x640xf32, #tpu.memory_space<vmem_shared>> -> memref<2x640xf32, #tpu.memory_space<vmem_shared>>
      tpu.enqueue_dma source(%dma_start3A_166 : memref<2x640xf32, #tpu.memory_space<vmem_shared>>) target(%arg9 : memref<2x640xf32, #tpu.memory_space<vmem>>) target_semaphore(%run_scoped3A_160 : memref<!tpu.dma_semaphore, #tpu.memory_space<semaphore_mem>>)
      %dma_wait3A = arith.constant 0 : i32
      %dma_wait3A_167 = tpu.memref_slice %arg5[%run_scoped3A_72, %dma_wait3A, %mul3A_39] : memref<16x2x10240xf32, #tpu.memory_space<vmem_shared>> -> memref<1x2x640xf32, #tpu.memory_space<vmem_shared>>
      %dma_wait3A_168 = tpu.memref_squeeze %dma_wait3A_167 : memref<1x2x640xf32, #tpu.memory_space<vmem_shared>> -> memref<2x640xf32, #tpu.memory_space<vmem_shared>>
      %dma_wait3A_169 = arith.constant 0 : i32
      %dma_wait3A_170 = tpu.memref_slice %arg5[%run_scoped3A_72, %dma_wait3A_169, %mul3A_39] : memref<16x2x10240xf32, #tpu.memory_space<vmem_shared>> -> memref<1x2x640xf32, #tpu.memory_space<vmem_shared>>
      %dma_wait3A_171 = tpu.memref_squeeze %dma_wait3A_170 : memref<1x2x640xf32, #tpu.memory_space<vmem_shared>> -> memref<2x640xf32, #tpu.memory_space<vmem_shared>>
      tpu.wait_dma2 semaphore(%run_scoped3A_160 : memref<!tpu.dma_semaphore, #tpu.memory_space<semaphore_mem>>) src(%dma_wait3A_171 : memref<2x640xf32, #tpu.memory_space<vmem_shared>>) dst(%arg9 : memref<2x640xf32, #tpu.memory_space<vmem>>)
      tpu.yield
    }) : () -> ()
    %scan3A_73 = arith.constant 0 : i32
    %scan3A_74 = arith.constant 0 : i32
    %scan3A_75 = arith.constant 80 : i32
    %scan3A_76 = arith.addi %scan3A_74, %scan3A_75 : i32
    %scan3A_77 = arith.constant 1 : i32
    %scan3A_78 = scf.for %scan3A_160 = %scan3A_74 to %scan3A_76 step %scan3A_77 iter_args(%scan3A_161 = %scan3A_73) -> (i32)  : i32 {
      %jit3A = arith.constant 40 : i32
      %div3A = arith.divsi %scan3A_160, %jit3A : i32
      %sign3A = arith.constant 0 : i32
      %sign3A_162 = arith.cmpi sgt, %scan3A_160, %sign3A : i32
      %sign3A_163 = arith.extui %sign3A_162 : i1 to i32
      %sign3A_164 = arith.constant 0 : i32
      %sign3A_165 = arith.cmpi slt, %scan3A_160, %sign3A_164 : i32
      %sign3A_166 = arith.extui %sign3A_165 : i1 to i32
      %sign3A_167 = arith.subi %sign3A_163, %sign3A_166 : i32
      %sign3A_168 = arith.constant 0 : i32
      %sign3A_169 = arith.cmpi sgt, %jit3A, %sign3A_168 : i32
      %sign3A_170 = arith.extui %sign3A_169 : i1 to i32
      %sign3A_171 = arith.constant 0 : i32
      %sign3A_172 = arith.cmpi slt, %jit3A, %sign3A_171 : i32
      %sign3A_173 = arith.extui %sign3A_172 : i1 to i32
      %sign3A_174 = arith.subi %sign3A_170, %sign3A_173 : i32
      %ne3A = arith.cmpi ne, %sign3A_167, %sign3A_174 : i32
      %rem3A = arith.remsi %scan3A_160, %jit3A : i32
      %ne3A_175 = arith.constant 0 : i32
      %ne3A_176 = arith.cmpi ne, %rem3A, %ne3A_175 : i32
      %and3A = arith.andi %ne3A, %ne3A_176 : i1
      %sub3A = arith.constant 1 : i32
      %sub3A_177 = arith.subi %div3A, %sub3A : i32
      %select_n3A = arith.select %and3A, %sub3A_177, %div3A : i32
      %jit3A_178 = arith.constant 40 : i32
      %eq3A = arith.constant 0 : i32
      %eq3A_179 = arith.cmpi eq, %jit3A_178, %eq3A : i32
      %jit3A_180 = arith.constant 1 : i32
      %select_n3A_181 = arith.select %eq3A_179, %jit3A_180, %jit3A_178 : i32
      %rem3A_182 = arith.remsi %scan3A_160, %select_n3A_181 : i32
      %ne3A_183 = arith.constant 0 : i32
      %ne3A_184 = arith.cmpi ne, %rem3A_182, %ne3A_183 : i32
      %lt3A = arith.constant 0 : i32
      %lt3A_185 = arith.cmpi slt, %rem3A_182, %lt3A : i32
      %lt3A_186 = arith.constant 0 : i32
      %lt3A_187 = arith.cmpi slt, %select_n3A_181, %lt3A_186 : i32
      %ne3A_188 = arith.xori %lt3A_185, %lt3A_187 : i1
      %and3A_189 = arith.andi %ne3A_188, %ne3A_184 : i1
      %add3A_190 = arith.addi %rem3A_182, %select_n3A_181 : i32
      %select_n3A_191 = arith.select %and3A_189, %add3A_190, %rem3A_182 : i32
      %mul3A_192 = arith.constant 16 : i32
      %mul3A_193 = arith.muli %select_n3A_191, %mul3A_192 : i32
      %get3A = arith.index_cast %select_n3A : i32 to index
      %get3A_194 = arith.index_cast %mul3A_193 : i32 to index
      %get3A_195 = tpu.vector_load %arg8[%get3A, %get3A_194] {strides = array<i32>} : memref<2x640xf32, #tpu.memory_space<vmem>>, vector<16xf32>,
      %get3A_196 = arith.index_cast %select_n3A : i32 to index
      %get3A_197 = arith.index_cast %mul3A_193 : i32 to index
      %get3A_198 = tpu.vector_load %arg9[%get3A_196, %get3A_197] {strides = array<i32>} : memref<2x640xf32, #tpu.memory_space<vmem>>, vector<16xf32>,
      %add3A_199 = arith.addf %get3A_195, %get3A_198 : vector<16xf32>
      %swap3A = arith.index_cast %select_n3A : i32 to index
      %swap3A_200 = arith.index_cast %mul3A_193 : i32 to index
      %swap3A_201 = tpu.vector_load %arg8[%swap3A, %swap3A_200] {strides = array<i32>} : memref<2x640xf32, #tpu.memory_space<vmem>>, vector<16xf32>,
      tpu.vector_store %arg8[%swap3A, %swap3A_200], %add3A_199 {strides = array<i32>} : memref<2x640xf32, #tpu.memory_space<vmem>>, vector<16xf32>,
      %scan3A_202 = arith.constant 0 : i32
      scf.yield %scan3A_202 : i32
    }
    %scan3A_79 = arith.constant 80 : i32
    %run_scoped3A_80 = arith.constant 6 : i32
    "tpu.region"() ({
      %run_scoped3A_160 = tpu.sem_alloc : memref<!tpu.dma_semaphore, #tpu.memory_space<semaphore_mem>>
      %dma_start3A_161 = arith.constant 0 : i32
      %dma_start3A_162 = tpu.memref_slice %arg5[%run_scoped3A_80, %dma_start3A_161, %mul3A_39] : memref<16x2x10240xf32, #tpu.memory_space<vmem_shared>> -> memref<1x2x640xf32, #tpu.memory_space<vmem_shared>>
      %dma_start3A_163 = tpu.memref_squeeze %dma_start3A_162 : memref<1x2x640xf32, #tpu.memory_space<vmem_shared>> -> memref<2x640xf32, #tpu.memory_space<vmem_shared>>
      %dma_start3A_164 = arith.constant 0 : i32
      %dma_start3A_165 = tpu.memref_slice %arg5[%run_scoped3A_80, %dma_start3A_164, %mul3A_39] : memref<16x2x10240xf32, #tpu.memory_space<vmem_shared>> -> memref<1x2x640xf32, #tpu.memory_space<vmem_shared>>
      %dma_start3A_166 = tpu.memref_squeeze %dma_start3A_165 : memref<1x2x640xf32, #tpu.memory_space<vmem_shared>> -> memref<2x640xf32, #tpu.memory_space<vmem_shared>>
      tpu.enqueue_dma source(%dma_start3A_166 : memref<2x640xf32, #tpu.memory_space<vmem_shared>>) target(%arg9 : memref<2x640xf32, #tpu.memory_space<vmem>>) target_semaphore(%run_scoped3A_160 : memref<!tpu.dma_semaphore, #tpu.memory_space<semaphore_mem>>)
      %dma_wait3A = arith.constant 0 : i32
      %dma_wait3A_167 = tpu.memref_slice %arg5[%run_scoped3A_80, %dma_wait3A, %mul3A_39] : memref<16x2x10240xf32, #tpu.memory_space<vmem_shared>> -> memref<1x2x640xf32, #tpu.memory_space<vmem_shared>>
      %dma_wait3A_168 = tpu.memref_squeeze %dma_wait3A_167 : memref<1x2x640xf32, #tpu.memory_space<vmem_shared>> -> memref<2x640xf32, #tpu.memory_space<vmem_shared>>
      %dma_wait3A_169 = arith.constant 0 : i32
      %dma_wait3A_170 = tpu.memref_slice %arg5[%run_scoped3A_80, %dma_wait3A_169, %mul3A_39] : memref<16x2x10240xf32, #tpu.memory_space<vmem_shared>> -> memref<1x2x640xf32, #tpu.memory_space<vmem_shared>>
      %dma_wait3A_171 = tpu.memref_squeeze %dma_wait3A_170 : memref<1x2x640xf32, #tpu.memory_space<vmem_shared>> -> memref<2x640xf32, #tpu.memory_space<vmem_shared>>
      tpu.wait_dma2 semaphore(%run_scoped3A_160 : memref<!tpu.dma_semaphore, #tpu.memory_space<semaphore_mem>>) src(%dma_wait3A_171 : memref<2x640xf32, #tpu.memory_space<vmem_shared>>) dst(%arg9 : memref<2x640xf32, #tpu.memory_space<vmem>>)
      tpu.yield
    }) : () -> ()
    %scan3A_81 = arith.constant 0 : i32
    %scan3A_82 = arith.constant 0 : i32
    %scan3A_83 = arith.constant 80 : i32
    %scan3A_84 = arith.addi %scan3A_82, %scan3A_83 : i32
    %scan3A_85 = arith.constant 1 : i32
    %scan3A_86 = scf.for %scan3A_160 = %scan3A_82 to %scan3A_84 step %scan3A_85 iter_args(%scan3A_161 = %scan3A_81) -> (i32)  : i32 {
      %jit3A = arith.constant 40 : i32
      %div3A = arith.divsi %scan3A_160, %jit3A : i32
      %sign3A = arith.constant 0 : i32
      %sign3A_162 = arith.cmpi sgt, %scan3A_160, %sign3A : i32
      %sign3A_163 = arith.extui %sign3A_162 : i1 to i32
      %sign3A_164 = arith.constant 0 : i32
      %sign3A_165 = arith.cmpi slt, %scan3A_160, %sign3A_164 : i32
      %sign3A_166 = arith.extui %sign3A_165 : i1 to i32
      %sign3A_167 = arith.subi %sign3A_163, %sign3A_166 : i32
      %sign3A_168 = arith.constant 0 : i32
      %sign3A_169 = arith.cmpi sgt, %jit3A, %sign3A_168 : i32
      %sign3A_170 = arith.extui %sign3A_169 : i1 to i32
      %sign3A_171 = arith.constant 0 : i32
      %sign3A_172 = arith.cmpi slt, %jit3A, %sign3A_171 : i32
      %sign3A_173 = arith.extui %sign3A_172 : i1 to i32
      %sign3A_174 = arith.subi %sign3A_170, %sign3A_173 : i32
      %ne3A = arith.cmpi ne, %sign3A_167, %sign3A_174 : i32
      %rem3A = arith.remsi %scan3A_160, %jit3A : i32
      %ne3A_175 = arith.constant 0 : i32
      %ne3A_176 = arith.cmpi ne, %rem3A, %ne3A_175 : i32
      %and3A = arith.andi %ne3A, %ne3A_176 : i1
      %sub3A = arith.constant 1 : i32
      %sub3A_177 = arith.subi %div3A, %sub3A : i32
      %select_n3A = arith.select %and3A, %sub3A_177, %div3A : i32
      %jit3A_178 = arith.constant 40 : i32
      %eq3A = arith.constant 0 : i32
      %eq3A_179 = arith.cmpi eq, %jit3A_178, %eq3A : i32
      %jit3A_180 = arith.constant 1 : i32
      %select_n3A_181 = arith.select %eq3A_179, %jit3A_180, %jit3A_178 : i32
      %rem3A_182 = arith.remsi %scan3A_160, %select_n3A_181 : i32
      %ne3A_183 = arith.constant 0 : i32
      %ne3A_184 = arith.cmpi ne, %rem3A_182, %ne3A_183 : i32
      %lt3A = arith.constant 0 : i32
      %lt3A_185 = arith.cmpi slt, %rem3A_182, %lt3A : i32
      %lt3A_186 = arith.constant 0 : i32
      %lt3A_187 = arith.cmpi slt, %select_n3A_181, %lt3A_186 : i32
      %ne3A_188 = arith.xori %lt3A_185, %lt3A_187 : i1
      %and3A_189 = arith.andi %ne3A_188, %ne3A_184 : i1
      %add3A_190 = arith.addi %rem3A_182, %select_n3A_181 : i32
      %select_n3A_191 = arith.select %and3A_189, %add3A_190, %rem3A_182 : i32
      %mul3A_192 = arith.constant 16 : i32
      %mul3A_193 = arith.muli %select_n3A_191, %mul3A_192 : i32
      %get3A = arith.index_cast %select_n3A : i32 to index
      %get3A_194 = arith.index_cast %mul3A_193 : i32 to index
      %get3A_195 = tpu.vector_load %arg8[%get3A, %get3A_194] {strides = array<i32>} : memref<2x640xf32, #tpu.memory_space<vmem>>, vector<16xf32>,
      %get3A_196 = arith.index_cast %select_n3A : i32 to index
      %get3A_197 = arith.index_cast %mul3A_193 : i32 to index
      %get3A_198 = tpu.vector_load %arg9[%get3A_196, %get3A_197] {strides = array<i32>} : memref<2x640xf32, #tpu.memory_space<vmem>>, vector<16xf32>,
      %add3A_199 = arith.addf %get3A_195, %get3A_198 : vector<16xf32>
      %swap3A = arith.index_cast %select_n3A : i32 to index
      %swap3A_200 = arith.index_cast %mul3A_193 : i32 to index
      %swap3A_201 = tpu.vector_load %arg8[%swap3A, %swap3A_200] {strides = array<i32>} : memref<2x640xf32, #tpu.memory_space<vmem>>, vector<16xf32>,
      tpu.vector_store %arg8[%swap3A, %swap3A_200], %add3A_199 {strides = array<i32>} : memref<2x640xf32, #tpu.memory_space<vmem>>, vector<16xf32>,
      %scan3A_202 = arith.constant 0 : i32
      scf.yield %scan3A_202 : i32
    }
    %scan3A_87 = arith.constant 80 : i32
    %run_scoped3A_88 = arith.constant 7 : i32
    "tpu.region"() ({
      %run_scoped3A_160 = tpu.sem_alloc : memref<!tpu.dma_semaphore, #tpu.memory_space<semaphore_mem>>
      %dma_start3A_161 = arith.constant 0 : i32
      %dma_start3A_162 = tpu.memref_slice %arg5[%run_scoped3A_88, %dma_start3A_161, %mul3A_39] : memref<16x2x10240xf32, #tpu.memory_space<vmem_shared>> -> memref<1x2x640xf32, #tpu.memory_space<vmem_shared>>
      %dma_start3A_163 = tpu.memref_squeeze %dma_start3A_162 : memref<1x2x640xf32, #tpu.memory_space<vmem_shared>> -> memref<2x640xf32, #tpu.memory_space<vmem_shared>>
      %dma_start3A_164 = arith.constant 0 : i32
      %dma_start3A_165 = tpu.memref_slice %arg5[%run_scoped3A_88, %dma_start3A_164, %mul3A_39] : memref<16x2x10240xf32, #tpu.memory_space<vmem_shared>> -> memref<1x2x640xf32, #tpu.memory_space<vmem_shared>>
      %dma_start3A_166 = tpu.memref_squeeze %dma_start3A_165 : memref<1x2x640xf32, #tpu.memory_space<vmem_shared>> -> memref<2x640xf32, #tpu.memory_space<vmem_shared>>
      tpu.enqueue_dma source(%dma_start3A_166 : memref<2x640xf32, #tpu.memory_space<vmem_shared>>) target(%arg9 : memref<2x640xf32, #tpu.memory_space<vmem>>) target_semaphore(%run_scoped3A_160 : memref<!tpu.dma_semaphore, #tpu.memory_space<semaphore_mem>>)
      %dma_wait3A = arith.constant 0 : i32
      %dma_wait3A_167 = tpu.memref_slice %arg5[%run_scoped3A_88, %dma_wait3A, %mul3A_39] : memref<16x2x10240xf32, #tpu.memory_space<vmem_shared>> -> memref<1x2x640xf32, #tpu.memory_space<vmem_shared>>
      %dma_wait3A_168 = tpu.memref_squeeze %dma_wait3A_167 : memref<1x2x640xf32, #tpu.memory_space<vmem_shared>> -> memref<2x640xf32, #tpu.memory_space<vmem_shared>>
      %dma_wait3A_169 = arith.constant 0 : i32
      %dma_wait3A_170 = tpu.memref_slice %arg5[%run_scoped3A_88, %dma_wait3A_169, %mul3A_39] : memref<16x2x10240xf32, #tpu.memory_space<vmem_shared>> -> memref<1x2x640xf32, #tpu.memory_space<vmem_shared>>
      %dma_wait3A_171 = tpu.memref_squeeze %dma_wait3A_170 : memref<1x2x640xf32, #tpu.memory_space<vmem_shared>> -> memref<2x640xf32, #tpu.memory_space<vmem_shared>>
      tpu.wait_dma2 semaphore(%run_scoped3A_160 : memref<!tpu.dma_semaphore, #tpu.memory_space<semaphore_mem>>) src(%dma_wait3A_171 : memref<2x640xf32, #tpu.memory_space<vmem_shared>>) dst(%arg9 : memref<2x640xf32, #tpu.memory_space<vmem>>)
      tpu.yield
    }) : () -> ()
    %scan3A_89 = arith.constant 0 : i32
    %scan3A_90 = arith.constant 0 : i32
    %scan3A_91 = arith.constant 80 : i32
    %scan3A_92 = arith.addi %scan3A_90, %scan3A_91 : i32
    %scan3A_93 = arith.constant 1 : i32
    %scan3A_94 = scf.for %scan3A_160 = %scan3A_90 to %scan3A_92 step %scan3A_93 iter_args(%scan3A_161 = %scan3A_89) -> (i32)  : i32 {
      %jit3A = arith.constant 40 : i32
      %div3A = arith.divsi %scan3A_160, %jit3A : i32
      %sign3A = arith.constant 0 : i32
      %sign3A_162 = arith.cmpi sgt, %scan3A_160, %sign3A : i32
      %sign3A_163 = arith.extui %sign3A_162 : i1 to i32
      %sign3A_164 = arith.constant 0 : i32
      %sign3A_165 = arith.cmpi slt, %scan3A_160, %sign3A_164 : i32
      %sign3A_166 = arith.extui %sign3A_165 : i1 to i32
      %sign3A_167 = arith.subi %sign3A_163, %sign3A_166 : i32
      %sign3A_168 = arith.constant 0 : i32
      %sign3A_169 = arith.cmpi sgt, %jit3A, %sign3A_168 : i32
      %sign3A_170 = arith.extui %sign3A_169 : i1 to i32
      %sign3A_171 = arith.constant 0 : i32
      %sign3A_172 = arith.cmpi slt, %jit3A, %sign3A_171 : i32
      %sign3A_173 = arith.extui %sign3A_172 : i1 to i32
      %sign3A_174 = arith.subi %sign3A_170, %sign3A_173 : i32
      %ne3A = arith.cmpi ne, %sign3A_167, %sign3A_174 : i32
      %rem3A = arith.remsi %scan3A_160, %jit3A : i32
      %ne3A_175 = arith.constant 0 : i32
      %ne3A_176 = arith.cmpi ne, %rem3A, %ne3A_175 : i32
      %and3A = arith.andi %ne3A, %ne3A_176 : i1
      %sub3A = arith.constant 1 : i32
      %sub3A_177 = arith.subi %div3A, %sub3A : i32
      %select_n3A = arith.select %and3A, %sub3A_177, %div3A : i32
      %jit3A_178 = arith.constant 40 : i32
      %eq3A = arith.constant 0 : i32
      %eq3A_179 = arith.cmpi eq, %jit3A_178, %eq3A : i32
      %jit3A_180 = arith.constant 1 : i32
      %select_n3A_181 = arith.select %eq3A_179, %jit3A_180, %jit3A_178 : i32
      %rem3A_182 = arith.remsi %scan3A_160, %select_n3A_181 : i32
      %ne3A_183 = arith.constant 0 : i32
      %ne3A_184 = arith.cmpi ne, %rem3A_182, %ne3A_183 : i32
      %lt3A = arith.constant 0 : i32
      %lt3A_185 = arith.cmpi slt, %rem3A_182, %lt3A : i32
      %lt3A_186 = arith.constant 0 : i32
      %lt3A_187 = arith.cmpi slt, %select_n3A_181, %lt3A_186 : i32
      %ne3A_188 = arith.xori %lt3A_185, %lt3A_187 : i1
      %and3A_189 = arith.andi %ne3A_188, %ne3A_184 : i1
      %add3A_190 = arith.addi %rem3A_182, %select_n3A_181 : i32
      %select_n3A_191 = arith.select %and3A_189, %add3A_190, %rem3A_182 : i32
      %mul3A_192 = arith.constant 16 : i32
      %mul3A_193 = arith.muli %select_n3A_191, %mul3A_192 : i32
      %get3A = arith.index_cast %select_n3A : i32 to index
      %get3A_194 = arith.index_cast %mul3A_193 : i32 to index
      %get3A_195 = tpu.vector_load %arg8[%get3A, %get3A_194] {strides = array<i32>} : memref<2x640xf32, #tpu.memory_space<vmem>>, vector<16xf32>,
      %get3A_196 = arith.index_cast %select_n3A : i32 to index
      %get3A_197 = arith.index_cast %mul3A_193 : i32 to index
      %get3A_198 = tpu.vector_load %arg9[%get3A_196, %get3A_197] {strides = array<i32>} : memref<2x640xf32, #tpu.memory_space<vmem>>, vector<16xf32>,
      %add3A_199 = arith.addf %get3A_195, %get3A_198 : vector<16xf32>
      %swap3A = arith.index_cast %select_n3A : i32 to index
      %swap3A_200 = arith.index_cast %mul3A_193 : i32 to index
      %swap3A_201 = tpu.vector_load %arg8[%swap3A, %swap3A_200] {strides = array<i32>} : memref<2x640xf32, #tpu.memory_space<vmem>>, vector<16xf32>,
      tpu.vector_store %arg8[%swap3A, %swap3A_200], %add3A_199 {strides = array<i32>} : memref<2x640xf32, #tpu.memory_space<vmem>>, vector<16xf32>,
      %scan3A_202 = arith.constant 0 : i32
      scf.yield %scan3A_202 : i32
    }
    %scan3A_95 = arith.constant 80 : i32
    %run_scoped3A_96 = arith.constant 8 : i32
    "tpu.region"() ({
      %run_scoped3A_160 = tpu.sem_alloc : memref<!tpu.dma_semaphore, #tpu.memory_space<semaphore_mem>>
      %dma_start3A_161 = arith.constant 0 : i32
      %dma_start3A_162 = tpu.memref_slice %arg5[%run_scoped3A_96, %dma_start3A_161, %mul3A_39] : memref<16x2x10240xf32, #tpu.memory_space<vmem_shared>> -> memref<1x2x640xf32, #tpu.memory_space<vmem_shared>>
      %dma_start3A_163 = tpu.memref_squeeze %dma_start3A_162 : memref<1x2x640xf32, #tpu.memory_space<vmem_shared>> -> memref<2x640xf32, #tpu.memory_space<vmem_shared>>
      %dma_start3A_164 = arith.constant 0 : i32
      %dma_start3A_165 = tpu.memref_slice %arg5[%run_scoped3A_96, %dma_start3A_164, %mul3A_39] : memref<16x2x10240xf32, #tpu.memory_space<vmem_shared>> -> memref<1x2x640xf32, #tpu.memory_space<vmem_shared>>
      %dma_start3A_166 = tpu.memref_squeeze %dma_start3A_165 : memref<1x2x640xf32, #tpu.memory_space<vmem_shared>> -> memref<2x640xf32, #tpu.memory_space<vmem_shared>>
      tpu.enqueue_dma source(%dma_start3A_166 : memref<2x640xf32, #tpu.memory_space<vmem_shared>>) target(%arg9 : memref<2x640xf32, #tpu.memory_space<vmem>>) target_semaphore(%run_scoped3A_160 : memref<!tpu.dma_semaphore, #tpu.memory_space<semaphore_mem>>)
      %dma_wait3A = arith.constant 0 : i32
      %dma_wait3A_167 = tpu.memref_slice %arg5[%run_scoped3A_96, %dma_wait3A, %mul3A_39] : memref<16x2x10240xf32, #tpu.memory_space<vmem_shared>> -> memref<1x2x640xf32, #tpu.memory_space<vmem_shared>>
      %dma_wait3A_168 = tpu.memref_squeeze %dma_wait3A_167 : memref<1x2x640xf32, #tpu.memory_space<vmem_shared>> -> memref<2x640xf32, #tpu.memory_space<vmem_shared>>
      %dma_wait3A_169 = arith.constant 0 : i32
      %dma_wait3A_170 = tpu.memref_slice %arg5[%run_scoped3A_96, %dma_wait3A_169, %mul3A_39] : memref<16x2x10240xf32, #tpu.memory_space<vmem_shared>> -> memref<1x2x640xf32, #tpu.memory_space<vmem_shared>>
      %dma_wait3A_171 = tpu.memref_squeeze %dma_wait3A_170 : memref<1x2x640xf32, #tpu.memory_space<vmem_shared>> -> memref<2x640xf32, #tpu.memory_space<vmem_shared>>
      tpu.wait_dma2 semaphore(%run_scoped3A_160 : memref<!tpu.dma_semaphore, #tpu.memory_space<semaphore_mem>>) src(%dma_wait3A_171 : memref<2x640xf32, #tpu.memory_space<vmem_shared>>) dst(%arg9 : memref<2x640xf32, #tpu.memory_space<vmem>>)
      tpu.yield
    }) : () -> ()
    %scan3A_97 = arith.constant 0 : i32
    %scan3A_98 = arith.constant 0 : i32
    %scan3A_99 = arith.constant 80 : i32
    %scan3A_100 = arith.addi %scan3A_98, %scan3A_99 : i32
    %scan3A_101 = arith.constant 1 : i32
    %scan3A_102 = scf.for %scan3A_160 = %scan3A_98 to %scan3A_100 step %scan3A_101 iter_args(%scan3A_161 = %scan3A_97) -> (i32)  : i32 {
      %jit3A = arith.constant 40 : i32
      %div3A = arith.divsi %scan3A_160, %jit3A : i32
      %sign3A = arith.constant 0 : i32
      %sign3A_162 = arith.cmpi sgt, %scan3A_160, %sign3A : i32
      %sign3A_163 = arith.extui %sign3A_162 : i1 to i32
      %sign3A_164 = arith.constant 0 : i32
      %sign3A_165 = arith.cmpi slt, %scan3A_160, %sign3A_164 : i32
      %sign3A_166 = arith.extui %sign3A_165 : i1 to i32
      %sign3A_167 = arith.subi %sign3A_163, %sign3A_166 : i32
      %sign3A_168 = arith.constant 0 : i32
      %sign3A_169 = arith.cmpi sgt, %jit3A, %sign3A_168 : i32
      %sign3A_170 = arith.extui %sign3A_169 : i1 to i32
      %sign3A_171 = arith.constant 0 : i32
      %sign3A_172 = arith.cmpi slt, %jit3A, %sign3A_171 : i32
      %sign3A_173 = arith.extui %sign3A_172 : i1 to i32
      %sign3A_174 = arith.subi %sign3A_170, %sign3A_173 : i32
      %ne3A = arith.cmpi ne, %sign3A_167, %sign3A_174 : i32
      %rem3A = arith.remsi %scan3A_160, %jit3A : i32
      %ne3A_175 = arith.constant 0 : i32
      %ne3A_176 = arith.cmpi ne, %rem3A, %ne3A_175 : i32
      %and3A = arith.andi %ne3A, %ne3A_176 : i1
      %sub3A = arith.constant 1 : i32
      %sub3A_177 = arith.subi %div3A, %sub3A : i32
      %select_n3A = arith.select %and3A, %sub3A_177, %div3A : i32
      %jit3A_178 = arith.constant 40 : i32
      %eq3A = arith.constant 0 : i32
      %eq3A_179 = arith.cmpi eq, %jit3A_178, %eq3A : i32
      %jit3A_180 = arith.constant 1 : i32
      %select_n3A_181 = arith.select %eq3A_179, %jit3A_180, %jit3A_178 : i32
      %rem3A_182 = arith.remsi %scan3A_160, %select_n3A_181 : i32
      %ne3A_183 = arith.constant 0 : i32
      %ne3A_184 = arith.cmpi ne, %rem3A_182, %ne3A_183 : i32
      %lt3A = arith.constant 0 : i32
      %lt3A_185 = arith.cmpi slt, %rem3A_182, %lt3A : i32
      %lt3A_186 = arith.constant 0 : i32
      %lt3A_187 = arith.cmpi slt, %select_n3A_181, %lt3A_186 : i32
      %ne3A_188 = arith.xori %lt3A_185, %lt3A_187 : i1
      %and3A_189 = arith.andi %ne3A_188, %ne3A_184 : i1
      %add3A_190 = arith.addi %rem3A_182, %select_n3A_181 : i32
      %select_n3A_191 = arith.select %and3A_189, %add3A_190, %rem3A_182 : i32
      %mul3A_192 = arith.constant 16 : i32
      %mul3A_193 = arith.muli %select_n3A_191, %mul3A_192 : i32
      %get3A = arith.index_cast %select_n3A : i32 to index
      %get3A_194 = arith.index_cast %mul3A_193 : i32 to index
      %get3A_195 = tpu.vector_load %arg8[%get3A, %get3A_194] {strides = array<i32>} : memref<2x640xf32, #tpu.memory_space<vmem>>, vector<16xf32>,
      %get3A_196 = arith.index_cast %select_n3A : i32 to index
      %get3A_197 = arith.index_cast %mul3A_193 : i32 to index
      %get3A_198 = tpu.vector_load %arg9[%get3A_196, %get3A_197] {strides = array<i32>} : memref<2x640xf32, #tpu.memory_space<vmem>>, vector<16xf32>,
      %add3A_199 = arith.addf %get3A_195, %get3A_198 : vector<16xf32>
      %swap3A = arith.index_cast %select_n3A : i32 to index
      %swap3A_200 = arith.index_cast %mul3A_193 : i32 to index
      %swap3A_201 = tpu.vector_load %arg8[%swap3A, %swap3A_200] {strides = array<i32>} : memref<2x640xf32, #tpu.memory_space<vmem>>, vector<16xf32>,
      tpu.vector_store %arg8[%swap3A, %swap3A_200], %add3A_199 {strides = array<i32>} : memref<2x640xf32, #tpu.memory_space<vmem>>, vector<16xf32>,
      %scan3A_202 = arith.constant 0 : i32
      scf.yield %scan3A_202 : i32
    }
    %scan3A_103 = arith.constant 80 : i32
    %run_scoped3A_104 = arith.constant 9 : i32
    "tpu.region"() ({
      %run_scoped3A_160 = tpu.sem_alloc : memref<!tpu.dma_semaphore, #tpu.memory_space<semaphore_mem>>
      %dma_start3A_161 = arith.constant 0 : i32
      %dma_start3A_162 = tpu.memref_slice %arg5[%run_scoped3A_104, %dma_start3A_161, %mul3A_39] : memref<16x2x10240xf32, #tpu.memory_space<vmem_shared>> -> memref<1x2x640xf32, #tpu.memory_space<vmem_shared>>
      %dma_start3A_163 = tpu.memref_squeeze %dma_start3A_162 : memref<1x2x640xf32, #tpu.memory_space<vmem_shared>> -> memref<2x640xf32, #tpu.memory_space<vmem_shared>>
      %dma_start3A_164 = arith.constant 0 : i32
      %dma_start3A_165 = tpu.memref_slice %arg5[%run_scoped3A_104, %dma_start3A_164, %mul3A_39] : memref<16x2x10240xf32, #tpu.memory_space<vmem_shared>> -> memref<1x2x640xf32, #tpu.memory_space<vmem_shared>>
      %dma_start3A_166 = tpu.memref_squeeze %dma_start3A_165 : memref<1x2x640xf32, #tpu.memory_space<vmem_shared>> -> memref<2x640xf32, #tpu.memory_space<vmem_shared>>
      tpu.enqueue_dma source(%dma_start3A_166 : memref<2x640xf32, #tpu.memory_space<vmem_shared>>) target(%arg9 : memref<2x640xf32, #tpu.memory_space<vmem>>) target_semaphore(%run_scoped3A_160 : memref<!tpu.dma_semaphore, #tpu.memory_space<semaphore_mem>>)
      %dma_wait3A = arith.constant 0 : i32
      %dma_wait3A_167 = tpu.memref_slice %arg5[%run_scoped3A_104, %dma_wait3A, %mul3A_39] : memref<16x2x10240xf32, #tpu.memory_space<vmem_shared>> -> memref<1x2x640xf32, #tpu.memory_space<vmem_shared>>
      %dma_wait3A_168 = tpu.memref_squeeze %dma_wait3A_167 : memref<1x2x640xf32, #tpu.memory_space<vmem_shared>> -> memref<2x640xf32, #tpu.memory_space<vmem_shared>>
      %dma_wait3A_169 = arith.constant 0 : i32
      %dma_wait3A_170 = tpu.memref_slice %arg5[%run_scoped3A_104, %dma_wait3A_169, %mul3A_39] : memref<16x2x10240xf32, #tpu.memory_space<vmem_shared>> -> memref<1x2x640xf32, #tpu.memory_space<vmem_shared>>
      %dma_wait3A_171 = tpu.memref_squeeze %dma_wait3A_170 : memref<1x2x640xf32, #tpu.memory_space<vmem_shared>> -> memref<2x640xf32, #tpu.memory_space<vmem_shared>>
      tpu.wait_dma2 semaphore(%run_scoped3A_160 : memref<!tpu.dma_semaphore, #tpu.memory_space<semaphore_mem>>) src(%dma_wait3A_171 : memref<2x640xf32, #tpu.memory_space<vmem_shared>>) dst(%arg9 : memref<2x640xf32, #tpu.memory_space<vmem>>)
      tpu.yield
    }) : () -> ()
    %scan3A_105 = arith.constant 0 : i32
    %scan3A_106 = arith.constant 0 : i32
    %scan3A_107 = arith.constant 80 : i32
    %scan3A_108 = arith.addi %scan3A_106, %scan3A_107 : i32
    %scan3A_109 = arith.constant 1 : i32
    %scan3A_110 = scf.for %scan3A_160 = %scan3A_106 to %scan3A_108 step %scan3A_109 iter_args(%scan3A_161 = %scan3A_105) -> (i32)  : i32 {
      %jit3A = arith.constant 40 : i32
      %div3A = arith.divsi %scan3A_160, %jit3A : i32
      %sign3A = arith.constant 0 : i32
      %sign3A_162 = arith.cmpi sgt, %scan3A_160, %sign3A : i32
      %sign3A_163 = arith.extui %sign3A_162 : i1 to i32
      %sign3A_164 = arith.constant 0 : i32
      %sign3A_165 = arith.cmpi slt, %scan3A_160, %sign3A_164 : i32
      %sign3A_166 = arith.extui %sign3A_165 : i1 to i32
      %sign3A_167 = arith.subi %sign3A_163, %sign3A_166 : i32
      %sign3A_168 = arith.constant 0 : i32
      %sign3A_169 = arith.cmpi sgt, %jit3A, %sign3A_168 : i32
      %sign3A_170 = arith.extui %sign3A_169 : i1 to i32
      %sign3A_171 = arith.constant 0 : i32
      %sign3A_172 = arith.cmpi slt, %jit3A, %sign3A_171 : i32
      %sign3A_173 = arith.extui %sign3A_172 : i1 to i32
      %sign3A_174 = arith.subi %sign3A_170, %sign3A_173 : i32
      %ne3A = arith.cmpi ne, %sign3A_167, %sign3A_174 : i32
      %rem3A = arith.remsi %scan3A_160, %jit3A : i32
      %ne3A_175 = arith.constant 0 : i32
      %ne3A_176 = arith.cmpi ne, %rem3A, %ne3A_175 : i32
      %and3A = arith.andi %ne3A, %ne3A_176 : i1
      %sub3A = arith.constant 1 : i32
      %sub3A_177 = arith.subi %div3A, %sub3A : i32
      %select_n3A = arith.select %and3A, %sub3A_177, %div3A : i32
      %jit3A_178 = arith.constant 40 : i32
      %eq3A = arith.constant 0 : i32
      %eq3A_179 = arith.cmpi eq, %jit3A_178, %eq3A : i32
      %jit3A_180 = arith.constant 1 : i32
      %select_n3A_181 = arith.select %eq3A_179, %jit3A_180, %jit3A_178 : i32
      %rem3A_182 = arith.remsi %scan3A_160, %select_n3A_181 : i32
      %ne3A_183 = arith.constant 0 : i32
      %ne3A_184 = arith.cmpi ne, %rem3A_182, %ne3A_183 : i32
      %lt3A = arith.constant 0 : i32
      %lt3A_185 = arith.cmpi slt, %rem3A_182, %lt3A : i32
      %lt3A_186 = arith.constant 0 : i32
      %lt3A_187 = arith.cmpi slt, %select_n3A_181, %lt3A_186 : i32
      %ne3A_188 = arith.xori %lt3A_185, %lt3A_187 : i1
      %and3A_189 = arith.andi %ne3A_188, %ne3A_184 : i1
      %add3A_190 = arith.addi %rem3A_182, %select_n3A_181 : i32
      %select_n3A_191 = arith.select %and3A_189, %add3A_190, %rem3A_182 : i32
      %mul3A_192 = arith.constant 16 : i32
      %mul3A_193 = arith.muli %select_n3A_191, %mul3A_192 : i32
      %get3A = arith.index_cast %select_n3A : i32 to index
      %get3A_194 = arith.index_cast %mul3A_193 : i32 to index
      %get3A_195 = tpu.vector_load %arg8[%get3A, %get3A_194] {strides = array<i32>} : memref<2x640xf32, #tpu.memory_space<vmem>>, vector<16xf32>,
      %get3A_196 = arith.index_cast %select_n3A : i32 to index
      %get3A_197 = arith.index_cast %mul3A_193 : i32 to index
      %get3A_198 = tpu.vector_load %arg9[%get3A_196, %get3A_197] {strides = array<i32>} : memref<2x640xf32, #tpu.memory_space<vmem>>, vector<16xf32>,
      %add3A_199 = arith.addf %get3A_195, %get3A_198 : vector<16xf32>
      %swap3A = arith.index_cast %select_n3A : i32 to index
      %swap3A_200 = arith.index_cast %mul3A_193 : i32 to index
      %swap3A_201 = tpu.vector_load %arg8[%swap3A, %swap3A_200] {strides = array<i32>} : memref<2x640xf32, #tpu.memory_space<vmem>>, vector<16xf32>,
      tpu.vector_store %arg8[%swap3A, %swap3A_200], %add3A_199 {strides = array<i32>} : memref<2x640xf32, #tpu.memory_space<vmem>>, vector<16xf32>,
      %scan3A_202 = arith.constant 0 : i32
      scf.yield %scan3A_202 : i32
    }
    %scan3A_111 = arith.constant 80 : i32
    %run_scoped3A_112 = arith.constant 10 : i32
    "tpu.region"() ({
      %run_scoped3A_160 = tpu.sem_alloc : memref<!tpu.dma_semaphore, #tpu.memory_space<semaphore_mem>>
      %dma_start3A_161 = arith.constant 0 : i32
      %dma_start3A_162 = tpu.memref_slice %arg5[%run_scoped3A_112, %dma_start3A_161, %mul3A_39] : memref<16x2x10240xf32, #tpu.memory_space<vmem_shared>> -> memref<1x2x640xf32, #tpu.memory_space<vmem_shared>>
      %dma_start3A_163 = tpu.memref_squeeze %dma_start3A_162 : memref<1x2x640xf32, #tpu.memory_space<vmem_shared>> -> memref<2x640xf32, #tpu.memory_space<vmem_shared>>
      %dma_start3A_164 = arith.constant 0 : i32
      %dma_start3A_165 = tpu.memref_slice %arg5[%run_scoped3A_112, %dma_start3A_164, %mul3A_39] : memref<16x2x10240xf32, #tpu.memory_space<vmem_shared>> -> memref<1x2x640xf32, #tpu.memory_space<vmem_shared>>
      %dma_start3A_166 = tpu.memref_squeeze %dma_start3A_165 : memref<1x2x640xf32, #tpu.memory_space<vmem_shared>> -> memref<2x640xf32, #tpu.memory_space<vmem_shared>>
      tpu.enqueue_dma source(%dma_start3A_166 : memref<2x640xf32, #tpu.memory_space<vmem_shared>>) target(%arg9 : memref<2x640xf32, #tpu.memory_space<vmem>>) target_semaphore(%run_scoped3A_160 : memref<!tpu.dma_semaphore, #tpu.memory_space<semaphore_mem>>)
      %dma_wait3A = arith.constant 0 : i32
      %dma_wait3A_167 = tpu.memref_slice %arg5[%run_scoped3A_112, %dma_wait3A, %mul3A_39] : memref<16x2x10240xf32, #tpu.memory_space<vmem_shared>> -> memref<1x2x640xf32, #tpu.memory_space<vmem_shared>>
      %dma_wait3A_168 = tpu.memref_squeeze %dma_wait3A_167 : memref<1x2x640xf32, #tpu.memory_space<vmem_shared>> -> memref<2x640xf32, #tpu.memory_space<vmem_shared>>
      %dma_wait3A_169 = arith.constant 0 : i32
      %dma_wait3A_170 = tpu.memref_slice %arg5[%run_scoped3A_112, %dma_wait3A_169, %mul3A_39] : memref<16x2x10240xf32, #tpu.memory_space<vmem_shared>> -> memref<1x2x640xf32, #tpu.memory_space<vmem_shared>>
      %dma_wait3A_171 = tpu.memref_squeeze %dma_wait3A_170 : memref<1x2x640xf32, #tpu.memory_space<vmem_shared>> -> memref<2x640xf32, #tpu.memory_space<vmem_shared>>
      tpu.wait_dma2 semaphore(%run_scoped3A_160 : memref<!tpu.dma_semaphore, #tpu.memory_space<semaphore_mem>>) src(%dma_wait3A_171 : memref<2x640xf32, #tpu.memory_space<vmem_shared>>) dst(%arg9 : memref<2x640xf32, #tpu.memory_space<vmem>>)
      tpu.yield
    }) : () -> ()
    %scan3A_113 = arith.constant 0 : i32
    %scan3A_114 = arith.constant 0 : i32
    %scan3A_115 = arith.constant 80 : i32
    %scan3A_116 = arith.addi %scan3A_114, %scan3A_115 : i32
    %scan3A_117 = arith.constant 1 : i32
    %scan3A_118 = scf.for %scan3A_160 = %scan3A_114 to %scan3A_116 step %scan3A_117 iter_args(%scan3A_161 = %scan3A_113) -> (i32)  : i32 {
      %jit3A = arith.constant 40 : i32
      %div3A = arith.divsi %scan3A_160, %jit3A : i32
      %sign3A = arith.constant 0 : i32
      %sign3A_162 = arith.cmpi sgt, %scan3A_160, %sign3A : i32
      %sign3A_163 = arith.extui %sign3A_162 : i1 to i32
      %sign3A_164 = arith.constant 0 : i32
      %sign3A_165 = arith.cmpi slt, %scan3A_160, %sign3A_164 : i32
      %sign3A_166 = arith.extui %sign3A_165 : i1 to i32
      %sign3A_167 = arith.subi %sign3A_163, %sign3A_166 : i32
      %sign3A_168 = arith.constant 0 : i32
      %sign3A_169 = arith.cmpi sgt, %jit3A, %sign3A_168 : i32
      %sign3A_170 = arith.extui %sign3A_169 : i1 to i32
      %sign3A_171 = arith.constant 0 : i32
      %sign3A_172 = arith.cmpi slt, %jit3A, %sign3A_171 : i32
      %sign3A_173 = arith.extui %sign3A_172 : i1 to i32
      %sign3A_174 = arith.subi %sign3A_170, %sign3A_173 : i32
      %ne3A = arith.cmpi ne, %sign3A_167, %sign3A_174 : i32
      %rem3A = arith.remsi %scan3A_160, %jit3A : i32
      %ne3A_175 = arith.constant 0 : i32
      %ne3A_176 = arith.cmpi ne, %rem3A, %ne3A_175 : i32
      %and3A = arith.andi %ne3A, %ne3A_176 : i1
      %sub3A = arith.constant 1 : i32
      %sub3A_177 = arith.subi %div3A, %sub3A : i32
      %select_n3A = arith.select %and3A, %sub3A_177, %div3A : i32
      %jit3A_178 = arith.constant 40 : i32
      %eq3A = arith.constant 0 : i32
      %eq3A_179 = arith.cmpi eq, %jit3A_178, %eq3A : i32
      %jit3A_180 = arith.constant 1 : i32
      %select_n3A_181 = arith.select %eq3A_179, %jit3A_180, %jit3A_178 : i32
      %rem3A_182 = arith.remsi %scan3A_160, %select_n3A_181 : i32
      %ne3A_183 = arith.constant 0 : i32
      %ne3A_184 = arith.cmpi ne, %rem3A_182, %ne3A_183 : i32
      %lt3A = arith.constant 0 : i32
      %lt3A_185 = arith.cmpi slt, %rem3A_182, %lt3A : i32
      %lt3A_186 = arith.constant 0 : i32
      %lt3A_187 = arith.cmpi slt, %select_n3A_181, %lt3A_186 : i32
      %ne3A_188 = arith.xori %lt3A_185, %lt3A_187 : i1
      %and3A_189 = arith.andi %ne3A_188, %ne3A_184 : i1
      %add3A_190 = arith.addi %rem3A_182, %select_n3A_181 : i32
      %select_n3A_191 = arith.select %and3A_189, %add3A_190, %rem3A_182 : i32
      %mul3A_192 = arith.constant 16 : i32
      %mul3A_193 = arith.muli %select_n3A_191, %mul3A_192 : i32
      %get3A = arith.index_cast %select_n3A : i32 to index
      %get3A_194 = arith.index_cast %mul3A_193 : i32 to index
      %get3A_195 = tpu.vector_load %arg8[%get3A, %get3A_194] {strides = array<i32>} : memref<2x640xf32, #tpu.memory_space<vmem>>, vector<16xf32>,
      %get3A_196 = arith.index_cast %select_n3A : i32 to index
      %get3A_197 = arith.index_cast %mul3A_193 : i32 to index
      %get3A_198 = tpu.vector_load %arg9[%get3A_196, %get3A_197] {strides = array<i32>} : memref<2x640xf32, #tpu.memory_space<vmem>>, vector<16xf32>,
      %add3A_199 = arith.addf %get3A_195, %get3A_198 : vector<16xf32>
      %swap3A = arith.index_cast %select_n3A : i32 to index
      %swap3A_200 = arith.index_cast %mul3A_193 : i32 to index
      %swap3A_201 = tpu.vector_load %arg8[%swap3A, %swap3A_200] {strides = array<i32>} : memref<2x640xf32, #tpu.memory_space<vmem>>, vector<16xf32>,
      tpu.vector_store %arg8[%swap3A, %swap3A_200], %add3A_199 {strides = array<i32>} : memref<2x640xf32, #tpu.memory_space<vmem>>, vector<16xf32>,
      %scan3A_202 = arith.constant 0 : i32
      scf.yield %scan3A_202 : i32
    }
    %scan3A_119 = arith.constant 80 : i32
    %run_scoped3A_120 = arith.constant 11 : i32
    "tpu.region"() ({
      %run_scoped3A_160 = tpu.sem_alloc : memref<!tpu.dma_semaphore, #tpu.memory_space<semaphore_mem>>
      %dma_start3A_161 = arith.constant 0 : i32
      %dma_start3A_162 = tpu.memref_slice %arg5[%run_scoped3A_120, %dma_start3A_161, %mul3A_39] : memref<16x2x10240xf32, #tpu.memory_space<vmem_shared>> -> memref<1x2x640xf32, #tpu.memory_space<vmem_shared>>
      %dma_start3A_163 = tpu.memref_squeeze %dma_start3A_162 : memref<1x2x640xf32, #tpu.memory_space<vmem_shared>> -> memref<2x640xf32, #tpu.memory_space<vmem_shared>>
      %dma_start3A_164 = arith.constant 0 : i32
      %dma_start3A_165 = tpu.memref_slice %arg5[%run_scoped3A_120, %dma_start3A_164, %mul3A_39] : memref<16x2x10240xf32, #tpu.memory_space<vmem_shared>> -> memref<1x2x640xf32, #tpu.memory_space<vmem_shared>>
      %dma_start3A_166 = tpu.memref_squeeze %dma_start3A_165 : memref<1x2x640xf32, #tpu.memory_space<vmem_shared>> -> memref<2x640xf32, #tpu.memory_space<vmem_shared>>
      tpu.enqueue_dma source(%dma_start3A_166 : memref<2x640xf32, #tpu.memory_space<vmem_shared>>) target(%arg9 : memref<2x640xf32, #tpu.memory_space<vmem>>) target_semaphore(%run_scoped3A_160 : memref<!tpu.dma_semaphore, #tpu.memory_space<semaphore_mem>>)
      %dma_wait3A = arith.constant 0 : i32
      %dma_wait3A_167 = tpu.memref_slice %arg5[%run_scoped3A_120, %dma_wait3A, %mul3A_39] : memref<16x2x10240xf32, #tpu.memory_space<vmem_shared>> -> memref<1x2x640xf32, #tpu.memory_space<vmem_shared>>
      %dma_wait3A_168 = tpu.memref_squeeze %dma_wait3A_167 : memref<1x2x640xf32, #tpu.memory_space<vmem_shared>> -> memref<2x640xf32, #tpu.memory_space<vmem_shared>>
      %dma_wait3A_169 = arith.constant 0 : i32
      %dma_wait3A_170 = tpu.memref_slice %arg5[%run_scoped3A_120, %dma_wait3A_169, %mul3A_39] : memref<16x2x10240xf32, #tpu.memory_space<vmem_shared>> -> memref<1x2x640xf32, #tpu.memory_space<vmem_shared>>
      %dma_wait3A_171 = tpu.memref_squeeze %dma_wait3A_170 : memref<1x2x640xf32, #tpu.memory_space<vmem_shared>> -> memref<2x640xf32, #tpu.memory_space<vmem_shared>>
      tpu.wait_dma2 semaphore(%run_scoped3A_160 : memref<!tpu.dma_semaphore, #tpu.memory_space<semaphore_mem>>) src(%dma_wait3A_171 : memref<2x640xf32, #tpu.memory_space<vmem_shared>>) dst(%arg9 : memref<2x640xf32, #tpu.memory_space<vmem>>)
      tpu.yield
    }) : () -> ()
    %scan3A_121 = arith.constant 0 : i32
    %scan3A_122 = arith.constant 0 : i32
    %scan3A_123 = arith.constant 80 : i32
    %scan3A_124 = arith.addi %scan3A_122, %scan3A_123 : i32
    %scan3A_125 = arith.constant 1 : i32
    %scan3A_126 = scf.for %scan3A_160 = %scan3A_122 to %scan3A_124 step %scan3A_125 iter_args(%scan3A_161 = %scan3A_121) -> (i32)  : i32 {
      %jit3A = arith.constant 40 : i32
      %div3A = arith.divsi %scan3A_160, %jit3A : i32
      %sign3A = arith.constant 0 : i32
      %sign3A_162 = arith.cmpi sgt, %scan3A_160, %sign3A : i32
      %sign3A_163 = arith.extui %sign3A_162 : i1 to i32
      %sign3A_164 = arith.constant 0 : i32
      %sign3A_165 = arith.cmpi slt, %scan3A_160, %sign3A_164 : i32
      %sign3A_166 = arith.extui %sign3A_165 : i1 to i32
      %sign3A_167 = arith.subi %sign3A_163, %sign3A_166 : i32
      %sign3A_168 = arith.constant 0 : i32
      %sign3A_169 = arith.cmpi sgt, %jit3A, %sign3A_168 : i32
      %sign3A_170 = arith.extui %sign3A_169 : i1 to i32
      %sign3A_171 = arith.constant 0 : i32
      %sign3A_172 = arith.cmpi slt, %jit3A, %sign3A_171 : i32
      %sign3A_173 = arith.extui %sign3A_172 : i1 to i32
      %sign3A_174 = arith.subi %sign3A_170, %sign3A_173 : i32
      %ne3A = arith.cmpi ne, %sign3A_167, %sign3A_174 : i32
      %rem3A = arith.remsi %scan3A_160, %jit3A : i32
      %ne3A_175 = arith.constant 0 : i32
      %ne3A_176 = arith.cmpi ne, %rem3A, %ne3A_175 : i32
      %and3A = arith.andi %ne3A, %ne3A_176 : i1
      %sub3A = arith.constant 1 : i32
      %sub3A_177 = arith.subi %div3A, %sub3A : i32
      %select_n3A = arith.select %and3A, %sub3A_177, %div3A : i32
      %jit3A_178 = arith.constant 40 : i32
      %eq3A = arith.constant 0 : i32
      %eq3A_179 = arith.cmpi eq, %jit3A_178, %eq3A : i32
      %jit3A_180 = arith.constant 1 : i32
      %select_n3A_181 = arith.select %eq3A_179, %jit3A_180, %jit3A_178 : i32
      %rem3A_182 = arith.remsi %scan3A_160, %select_n3A_181 : i32
      %ne3A_183 = arith.constant 0 : i32
      %ne3A_184 = arith.cmpi ne, %rem3A_182, %ne3A_183 : i32
      %lt3A = arith.constant 0 : i32
      %lt3A_185 = arith.cmpi slt, %rem3A_182, %lt3A : i32
      %lt3A_186 = arith.constant 0 : i32
      %lt3A_187 = arith.cmpi slt, %select_n3A_181, %lt3A_186 : i32
      %ne3A_188 = arith.xori %lt3A_185, %lt3A_187 : i1
      %and3A_189 = arith.andi %ne3A_188, %ne3A_184 : i1
      %add3A_190 = arith.addi %rem3A_182, %select_n3A_181 : i32
      %select_n3A_191 = arith.select %and3A_189, %add3A_190, %rem3A_182 : i32
      %mul3A_192 = arith.constant 16 : i32
      %mul3A_193 = arith.muli %select_n3A_191, %mul3A_192 : i32
      %get3A = arith.index_cast %select_n3A : i32 to index
      %get3A_194 = arith.index_cast %mul3A_193 : i32 to index
      %get3A_195 = tpu.vector_load %arg8[%get3A, %get3A_194] {strides = array<i32>} : memref<2x640xf32, #tpu.memory_space<vmem>>, vector<16xf32>,
      %get3A_196 = arith.index_cast %select_n3A : i32 to index
      %get3A_197 = arith.index_cast %mul3A_193 : i32 to index
      %get3A_198 = tpu.vector_load %arg9[%get3A_196, %get3A_197] {strides = array<i32>} : memref<2x640xf32, #tpu.memory_space<vmem>>, vector<16xf32>,
      %add3A_199 = arith.addf %get3A_195, %get3A_198 : vector<16xf32>
      %swap3A = arith.index_cast %select_n3A : i32 to index
      %swap3A_200 = arith.index_cast %mul3A_193 : i32 to index
      %swap3A_201 = tpu.vector_load %arg8[%swap3A, %swap3A_200] {strides = array<i32>} : memref<2x640xf32, #tpu.memory_space<vmem>>, vector<16xf32>,
      tpu.vector_store %arg8[%swap3A, %swap3A_200], %add3A_199 {strides = array<i32>} : memref<2x640xf32, #tpu.memory_space<vmem>>, vector<16xf32>,
      %scan3A_202 = arith.constant 0 : i32
      scf.yield %scan3A_202 : i32
    }
    %scan3A_127 = arith.constant 80 : i32
    %run_scoped3A_128 = arith.constant 12 : i32
    "tpu.region"() ({
      %run_scoped3A_160 = tpu.sem_alloc : memref<!tpu.dma_semaphore, #tpu.memory_space<semaphore_mem>>
      %dma_start3A_161 = arith.constant 0 : i32
      %dma_start3A_162 = tpu.memref_slice %arg5[%run_scoped3A_128, %dma_start3A_161, %mul3A_39] : memref<16x2x10240xf32, #tpu.memory_space<vmem_shared>> -> memref<1x2x640xf32, #tpu.memory_space<vmem_shared>>
      %dma_start3A_163 = tpu.memref_squeeze %dma_start3A_162 : memref<1x2x640xf32, #tpu.memory_space<vmem_shared>> -> memref<2x640xf32, #tpu.memory_space<vmem_shared>>
      %dma_start3A_164 = arith.constant 0 : i32
      %dma_start3A_165 = tpu.memref_slice %arg5[%run_scoped3A_128, %dma_start3A_164, %mul3A_39] : memref<16x2x10240xf32, #tpu.memory_space<vmem_shared>> -> memref<1x2x640xf32, #tpu.memory_space<vmem_shared>>
      %dma_start3A_166 = tpu.memref_squeeze %dma_start3A_165 : memref<1x2x640xf32, #tpu.memory_space<vmem_shared>> -> memref<2x640xf32, #tpu.memory_space<vmem_shared>>
      tpu.enqueue_dma source(%dma_start3A_166 : memref<2x640xf32, #tpu.memory_space<vmem_shared>>) target(%arg9 : memref<2x640xf32, #tpu.memory_space<vmem>>) target_semaphore(%run_scoped3A_160 : memref<!tpu.dma_semaphore, #tpu.memory_space<semaphore_mem>>)
      %dma_wait3A = arith.constant 0 : i32
      %dma_wait3A_167 = tpu.memref_slice %arg5[%run_scoped3A_128, %dma_wait3A, %mul3A_39] : memref<16x2x10240xf32, #tpu.memory_space<vmem_shared>> -> memref<1x2x640xf32, #tpu.memory_space<vmem_shared>>
      %dma_wait3A_168 = tpu.memref_squeeze %dma_wait3A_167 : memref<1x2x640xf32, #tpu.memory_space<vmem_shared>> -> memref<2x640xf32, #tpu.memory_space<vmem_shared>>
      %dma_wait3A_169 = arith.constant 0 : i32
      %dma_wait3A_170 = tpu.memref_slice %arg5[%run_scoped3A_128, %dma_wait3A_169, %mul3A_39] : memref<16x2x10240xf32, #tpu.memory_space<vmem_shared>> -> memref<1x2x640xf32, #tpu.memory_space<vmem_shared>>
      %dma_wait3A_171 = tpu.memref_squeeze %dma_wait3A_170 : memref<1x2x640xf32, #tpu.memory_space<vmem_shared>> -> memref<2x640xf32, #tpu.memory_space<vmem_shared>>
      tpu.wait_dma2 semaphore(%run_scoped3A_160 : memref<!tpu.dma_semaphore, #tpu.memory_space<semaphore_mem>>) src(%dma_wait3A_171 : memref<2x640xf32, #tpu.memory_space<vmem_shared>>) dst(%arg9 : memref<2x640xf32, #tpu.memory_space<vmem>>)
      tpu.yield
    }) : () -> ()
    %scan3A_129 = arith.constant 0 : i32
    %scan3A_130 = arith.constant 0 : i32
    %scan3A_131 = arith.constant 80 : i32
    %scan3A_132 = arith.addi %scan3A_130, %scan3A_131 : i32
    %scan3A_133 = arith.constant 1 : i32
    %scan3A_134 = scf.for %scan3A_160 = %scan3A_130 to %scan3A_132 step %scan3A_133 iter_args(%scan3A_161 = %scan3A_129) -> (i32)  : i32 {
      %jit3A = arith.constant 40 : i32
      %div3A = arith.divsi %scan3A_160, %jit3A : i32
      %sign3A = arith.constant 0 : i32
      %sign3A_162 = arith.cmpi sgt, %scan3A_160, %sign3A : i32
      %sign3A_163 = arith.extui %sign3A_162 : i1 to i32
      %sign3A_164 = arith.constant 0 : i32
      %sign3A_165 = arith.cmpi slt, %scan3A_160, %sign3A_164 : i32
      %sign3A_166 = arith.extui %sign3A_165 : i1 to i32
      %sign3A_167 = arith.subi %sign3A_163, %sign3A_166 : i32
      %sign3A_168 = arith.constant 0 : i32
      %sign3A_169 = arith.cmpi sgt, %jit3A, %sign3A_168 : i32
      %sign3A_170 = arith.extui %sign3A_169 : i1 to i32
      %sign3A_171 = arith.constant 0 : i32
      %sign3A_172 = arith.cmpi slt, %jit3A, %sign3A_171 : i32
      %sign3A_173 = arith.extui %sign3A_172 : i1 to i32
      %sign3A_174 = arith.subi %sign3A_170, %sign3A_173 : i32
      %ne3A = arith.cmpi ne, %sign3A_167, %sign3A_174 : i32
      %rem3A = arith.remsi %scan3A_160, %jit3A : i32
      %ne3A_175 = arith.constant 0 : i32
      %ne3A_176 = arith.cmpi ne, %rem3A, %ne3A_175 : i32
      %and3A = arith.andi %ne3A, %ne3A_176 : i1
      %sub3A = arith.constant 1 : i32
      %sub3A_177 = arith.subi %div3A, %sub3A : i32
      %select_n3A = arith.select %and3A, %sub3A_177, %div3A : i32
      %jit3A_178 = arith.constant 40 : i32
      %eq3A = arith.constant 0 : i32
      %eq3A_179 = arith.cmpi eq, %jit3A_178, %eq3A : i32
      %jit3A_180 = arith.constant 1 : i32
      %select_n3A_181 = arith.select %eq3A_179, %jit3A_180, %jit3A_178 : i32
      %rem3A_182 = arith.remsi %scan3A_160, %select_n3A_181 : i32
      %ne3A_183 = arith.constant 0 : i32
      %ne3A_184 = arith.cmpi ne, %rem3A_182, %ne3A_183 : i32
      %lt3A = arith.constant 0 : i32
      %lt3A_185 = arith.cmpi slt, %rem3A_182, %lt3A : i32
      %lt3A_186 = arith.constant 0 : i32
      %lt3A_187 = arith.cmpi slt, %select_n3A_181, %lt3A_186 : i32
      %ne3A_188 = arith.xori %lt3A_185, %lt3A_187 : i1
      %and3A_189 = arith.andi %ne3A_188, %ne3A_184 : i1
      %add3A_190 = arith.addi %rem3A_182, %select_n3A_181 : i32
      %select_n3A_191 = arith.select %and3A_189, %add3A_190, %rem3A_182 : i32
      %mul3A_192 = arith.constant 16 : i32
      %mul3A_193 = arith.muli %select_n3A_191, %mul3A_192 : i32
      %get3A = arith.index_cast %select_n3A : i32 to index
      %get3A_194 = arith.index_cast %mul3A_193 : i32 to index
      %get3A_195 = tpu.vector_load %arg8[%get3A, %get3A_194] {strides = array<i32>} : memref<2x640xf32, #tpu.memory_space<vmem>>, vector<16xf32>,
      %get3A_196 = arith.index_cast %select_n3A : i32 to index
      %get3A_197 = arith.index_cast %mul3A_193 : i32 to index
      %get3A_198 = tpu.vector_load %arg9[%get3A_196, %get3A_197] {strides = array<i32>} : memref<2x640xf32, #tpu.memory_space<vmem>>, vector<16xf32>,
      %add3A_199 = arith.addf %get3A_195, %get3A_198 : vector<16xf32>
      %swap3A = arith.index_cast %select_n3A : i32 to index
      %swap3A_200 = arith.index_cast %mul3A_193 : i32 to index
      %swap3A_201 = tpu.vector_load %arg8[%swap3A, %swap3A_200] {strides = array<i32>} : memref<2x640xf32, #tpu.memory_space<vmem>>, vector<16xf32>,
      tpu.vector_store %arg8[%swap3A, %swap3A_200], %add3A_199 {strides = array<i32>} : memref<2x640xf32, #tpu.memory_space<vmem>>, vector<16xf32>,
      %scan3A_202 = arith.constant 0 : i32
      scf.yield %scan3A_202 : i32
    }
    %scan3A_135 = arith.constant 80 : i32
    %run_scoped3A_136 = arith.constant 13 : i32
    "tpu.region"() ({
      %run_scoped3A_160 = tpu.sem_alloc : memref<!tpu.dma_semaphore, #tpu.memory_space<semaphore_mem>>
      %dma_start3A_161 = arith.constant 0 : i32
      %dma_start3A_162 = tpu.memref_slice %arg5[%run_scoped3A_136, %dma_start3A_161, %mul3A_39] : memref<16x2x10240xf32, #tpu.memory_space<vmem_shared>> -> memref<1x2x640xf32, #tpu.memory_space<vmem_shared>>
      %dma_start3A_163 = tpu.memref_squeeze %dma_start3A_162 : memref<1x2x640xf32, #tpu.memory_space<vmem_shared>> -> memref<2x640xf32, #tpu.memory_space<vmem_shared>>
      %dma_start3A_164 = arith.constant 0 : i32
      %dma_start3A_165 = tpu.memref_slice %arg5[%run_scoped3A_136, %dma_start3A_164, %mul3A_39] : memref<16x2x10240xf32, #tpu.memory_space<vmem_shared>> -> memref<1x2x640xf32, #tpu.memory_space<vmem_shared>>
      %dma_start3A_166 = tpu.memref_squeeze %dma_start3A_165 : memref<1x2x640xf32, #tpu.memory_space<vmem_shared>> -> memref<2x640xf32, #tpu.memory_space<vmem_shared>>
      tpu.enqueue_dma source(%dma_start3A_166 : memref<2x640xf32, #tpu.memory_space<vmem_shared>>) target(%arg9 : memref<2x640xf32, #tpu.memory_space<vmem>>) target_semaphore(%run_scoped3A_160 : memref<!tpu.dma_semaphore, #tpu.memory_space<semaphore_mem>>)
      %dma_wait3A = arith.constant 0 : i32
      %dma_wait3A_167 = tpu.memref_slice %arg5[%run_scoped3A_136, %dma_wait3A, %mul3A_39] : memref<16x2x10240xf32, #tpu.memory_space<vmem_shared>> -> memref<1x2x640xf32, #tpu.memory_space<vmem_shared>>
      %dma_wait3A_168 = tpu.memref_squeeze %dma_wait3A_167 : memref<1x2x640xf32, #tpu.memory_space<vmem_shared>> -> memref<2x640xf32, #tpu.memory_space<vmem_shared>>
      %dma_wait3A_169 = arith.constant 0 : i32
      %dma_wait3A_170 = tpu.memref_slice %arg5[%run_scoped3A_136, %dma_wait3A_169, %mul3A_39] : memref<16x2x10240xf32, #tpu.memory_space<vmem_shared>> -> memref<1x2x640xf32, #tpu.memory_space<vmem_shared>>
      %dma_wait3A_171 = tpu.memref_squeeze %dma_wait3A_170 : memref<1x2x640xf32, #tpu.memory_space<vmem_shared>> -> memref<2x640xf32, #tpu.memory_space<vmem_shared>>
      tpu.wait_dma2 semaphore(%run_scoped3A_160 : memref<!tpu.dma_semaphore, #tpu.memory_space<semaphore_mem>>) src(%dma_wait3A_171 : memref<2x640xf32, #tpu.memory_space<vmem_shared>>) dst(%arg9 : memref<2x640xf32, #tpu.memory_space<vmem>>)
      tpu.yield
    }) : () -> ()
    %scan3A_137 = arith.constant 0 : i32
    %scan3A_138 = arith.constant 0 : i32
    %scan3A_139 = arith.constant 80 : i32
    %scan3A_140 = arith.addi %scan3A_138, %scan3A_139 : i32
    %scan3A_141 = arith.constant 1 : i32
    %scan3A_142 = scf.for %scan3A_160 = %scan3A_138 to %scan3A_140 step %scan3A_141 iter_args(%scan3A_161 = %scan3A_137) -> (i32)  : i32 {
      %jit3A = arith.constant 40 : i32
      %div3A = arith.divsi %scan3A_160, %jit3A : i32
      %sign3A = arith.constant 0 : i32
      %sign3A_162 = arith.cmpi sgt, %scan3A_160, %sign3A : i32
      %sign3A_163 = arith.extui %sign3A_162 : i1 to i32
      %sign3A_164 = arith.constant 0 : i32
      %sign3A_165 = arith.cmpi slt, %scan3A_160, %sign3A_164 : i32
      %sign3A_166 = arith.extui %sign3A_165 : i1 to i32
      %sign3A_167 = arith.subi %sign3A_163, %sign3A_166 : i32
      %sign3A_168 = arith.constant 0 : i32
      %sign3A_169 = arith.cmpi sgt, %jit3A, %sign3A_168 : i32
      %sign3A_170 = arith.extui %sign3A_169 : i1 to i32
      %sign3A_171 = arith.constant 0 : i32
      %sign3A_172 = arith.cmpi slt, %jit3A, %sign3A_171 : i32
      %sign3A_173 = arith.extui %sign3A_172 : i1 to i32
      %sign3A_174 = arith.subi %sign3A_170, %sign3A_173 : i32
      %ne3A = arith.cmpi ne, %sign3A_167, %sign3A_174 : i32
      %rem3A = arith.remsi %scan3A_160, %jit3A : i32
      %ne3A_175 = arith.constant 0 : i32
      %ne3A_176 = arith.cmpi ne, %rem3A, %ne3A_175 : i32
      %and3A = arith.andi %ne3A, %ne3A_176 : i1
      %sub3A = arith.constant 1 : i32
      %sub3A_177 = arith.subi %div3A, %sub3A : i32
      %select_n3A = arith.select %and3A, %sub3A_177, %div3A : i32
      %jit3A_178 = arith.constant 40 : i32
      %eq3A = arith.constant 0 : i32
      %eq3A_179 = arith.cmpi eq, %jit3A_178, %eq3A : i32
      %jit3A_180 = arith.constant 1 : i32
      %select_n3A_181 = arith.select %eq3A_179, %jit3A_180, %jit3A_178 : i32
      %rem3A_182 = arith.remsi %scan3A_160, %select_n3A_181 : i32
      %ne3A_183 = arith.constant 0 : i32
      %ne3A_184 = arith.cmpi ne, %rem3A_182, %ne3A_183 : i32
      %lt3A = arith.constant 0 : i32
      %lt3A_185 = arith.cmpi slt, %rem3A_182, %lt3A : i32
      %lt3A_186 = arith.constant 0 : i32
      %lt3A_187 = arith.cmpi slt, %select_n3A_181, %lt3A_186 : i32
      %ne3A_188 = arith.xori %lt3A_185, %lt3A_187 : i1
      %and3A_189 = arith.andi %ne3A_188, %ne3A_184 : i1
      %add3A_190 = arith.addi %rem3A_182, %select_n3A_181 : i32
      %select_n3A_191 = arith.select %and3A_189, %add3A_190, %rem3A_182 : i32
      %mul3A_192 = arith.constant 16 : i32
      %mul3A_193 = arith.muli %select_n3A_191, %mul3A_192 : i32
      %get3A = arith.index_cast %select_n3A : i32 to index
      %get3A_194 = arith.index_cast %mul3A_193 : i32 to index
      %get3A_195 = tpu.vector_load %arg8[%get3A, %get3A_194] {strides = array<i32>} : memref<2x640xf32, #tpu.memory_space<vmem>>, vector<16xf32>,
      %get3A_196 = arith.index_cast %select_n3A : i32 to index
      %get3A_197 = arith.index_cast %mul3A_193 : i32 to index
      %get3A_198 = tpu.vector_load %arg9[%get3A_196, %get3A_197] {strides = array<i32>} : memref<2x640xf32, #tpu.memory_space<vmem>>, vector<16xf32>,
      %add3A_199 = arith.addf %get3A_195, %get3A_198 : vector<16xf32>
      %swap3A = arith.index_cast %select_n3A : i32 to index
      %swap3A_200 = arith.index_cast %mul3A_193 : i32 to index
      %swap3A_201 = tpu.vector_load %arg8[%swap3A, %swap3A_200] {strides = array<i32>} : memref<2x640xf32, #tpu.memory_space<vmem>>, vector<16xf32>,
      tpu.vector_store %arg8[%swap3A, %swap3A_200], %add3A_199 {strides = array<i32>} : memref<2x640xf32, #tpu.memory_space<vmem>>, vector<16xf32>,
      %scan3A_202 = arith.constant 0 : i32
      scf.yield %scan3A_202 : i32
    }
    %scan3A_143 = arith.constant 80 : i32
    %run_scoped3A_144 = arith.constant 14 : i32
    "tpu.region"() ({
      %run_scoped3A_160 = tpu.sem_alloc : memref<!tpu.dma_semaphore, #tpu.memory_space<semaphore_mem>>
      %dma_start3A_161 = arith.constant 0 : i32
      %dma_start3A_162 = tpu.memref_slice %arg5[%run_scoped3A_144, %dma_start3A_161, %mul3A_39] : memref<16x2x10240xf32, #tpu.memory_space<vmem_shared>> -> memref<1x2x640xf32, #tpu.memory_space<vmem_shared>>
      %dma_start3A_163 = tpu.memref_squeeze %dma_start3A_162 : memref<1x2x640xf32, #tpu.memory_space<vmem_shared>> -> memref<2x640xf32, #tpu.memory_space<vmem_shared>>
      %dma_start3A_164 = arith.constant 0 : i32
      %dma_start3A_165 = tpu.memref_slice %arg5[%run_scoped3A_144, %dma_start3A_164, %mul3A_39] : memref<16x2x10240xf32, #tpu.memory_space<vmem_shared>> -> memref<1x2x640xf32, #tpu.memory_space<vmem_shared>>
      %dma_start3A_166 = tpu.memref_squeeze %dma_start3A_165 : memref<1x2x640xf32, #tpu.memory_space<vmem_shared>> -> memref<2x640xf32, #tpu.memory_space<vmem_shared>>
      tpu.enqueue_dma source(%dma_start3A_166 : memref<2x640xf32, #tpu.memory_space<vmem_shared>>) target(%arg9 : memref<2x640xf32, #tpu.memory_space<vmem>>) target_semaphore(%run_scoped3A_160 : memref<!tpu.dma_semaphore, #tpu.memory_space<semaphore_mem>>)
      %dma_wait3A = arith.constant 0 : i32
      %dma_wait3A_167 = tpu.memref_slice %arg5[%run_scoped3A_144, %dma_wait3A, %mul3A_39] : memref<16x2x10240xf32, #tpu.memory_space<vmem_shared>> -> memref<1x2x640xf32, #tpu.memory_space<vmem_shared>>
      %dma_wait3A_168 = tpu.memref_squeeze %dma_wait3A_167 : memref<1x2x640xf32, #tpu.memory_space<vmem_shared>> -> memref<2x640xf32, #tpu.memory_space<vmem_shared>>
      %dma_wait3A_169 = arith.constant 0 : i32
      %dma_wait3A_170 = tpu.memref_slice %arg5[%run_scoped3A_144, %dma_wait3A_169, %mul3A_39] : memref<16x2x10240xf32, #tpu.memory_space<vmem_shared>> -> memref<1x2x640xf32, #tpu.memory_space<vmem_shared>>
      %dma_wait3A_171 = tpu.memref_squeeze %dma_wait3A_170 : memref<1x2x640xf32, #tpu.memory_space<vmem_shared>> -> memref<2x640xf32, #tpu.memory_space<vmem_shared>>
      tpu.wait_dma2 semaphore(%run_scoped3A_160 : memref<!tpu.dma_semaphore, #tpu.memory_space<semaphore_mem>>) src(%dma_wait3A_171 : memref<2x640xf32, #tpu.memory_space<vmem_shared>>) dst(%arg9 : memref<2x640xf32, #tpu.memory_space<vmem>>)
      tpu.yield
    }) : () -> ()
    %scan3A_145 = arith.constant 0 : i32
    %scan3A_146 = arith.constant 0 : i32
    %scan3A_147 = arith.constant 80 : i32
    %scan3A_148 = arith.addi %scan3A_146, %scan3A_147 : i32
    %scan3A_149 = arith.constant 1 : i32
    %scan3A_150 = scf.for %scan3A_160 = %scan3A_146 to %scan3A_148 step %scan3A_149 iter_args(%scan3A_161 = %scan3A_145) -> (i32)  : i32 {
      %jit3A = arith.constant 40 : i32
      %div3A = arith.divsi %scan3A_160, %jit3A : i32
      %sign3A = arith.constant 0 : i32
      %sign3A_162 = arith.cmpi sgt, %scan3A_160, %sign3A : i32
      %sign3A_163 = arith.extui %sign3A_162 : i1 to i32
      %sign3A_164 = arith.constant 0 : i32
      %sign3A_165 = arith.cmpi slt, %scan3A_160, %sign3A_164 : i32
      %sign3A_166 = arith.extui %sign3A_165 : i1 to i32
      %sign3A_167 = arith.subi %sign3A_163, %sign3A_166 : i32
      %sign3A_168 = arith.constant 0 : i32
      %sign3A_169 = arith.cmpi sgt, %jit3A, %sign3A_168 : i32
      %sign3A_170 = arith.extui %sign3A_169 : i1 to i32
      %sign3A_171 = arith.constant 0 : i32
      %sign3A_172 = arith.cmpi slt, %jit3A, %sign3A_171 : i32
      %sign3A_173 = arith.extui %sign3A_172 : i1 to i32
      %sign3A_174 = arith.subi %sign3A_170, %sign3A_173 : i32
      %ne3A = arith.cmpi ne, %sign3A_167, %sign3A_174 : i32
      %rem3A = arith.remsi %scan3A_160, %jit3A : i32
      %ne3A_175 = arith.constant 0 : i32
      %ne3A_176 = arith.cmpi ne, %rem3A, %ne3A_175 : i32
      %and3A = arith.andi %ne3A, %ne3A_176 : i1
      %sub3A = arith.constant 1 : i32
      %sub3A_177 = arith.subi %div3A, %sub3A : i32
      %select_n3A = arith.select %and3A, %sub3A_177, %div3A : i32
      %jit3A_178 = arith.constant 40 : i32
      %eq3A = arith.constant 0 : i32
      %eq3A_179 = arith.cmpi eq, %jit3A_178, %eq3A : i32
      %jit3A_180 = arith.constant 1 : i32
      %select_n3A_181 = arith.select %eq3A_179, %jit3A_180, %jit3A_178 : i32
      %rem3A_182 = arith.remsi %scan3A_160, %select_n3A_181 : i32
      %ne3A_183 = arith.constant 0 : i32
      %ne3A_184 = arith.cmpi ne, %rem3A_182, %ne3A_183 : i32
      %lt3A = arith.constant 0 : i32
      %lt3A_185 = arith.cmpi slt, %rem3A_182, %lt3A : i32
      %lt3A_186 = arith.constant 0 : i32
      %lt3A_187 = arith.cmpi slt, %select_n3A_181, %lt3A_186 : i32
      %ne3A_188 = arith.xori %lt3A_185, %lt3A_187 : i1
      %and3A_189 = arith.andi %ne3A_188, %ne3A_184 : i1
      %add3A_190 = arith.addi %rem3A_182, %select_n3A_181 : i32
      %select_n3A_191 = arith.select %and3A_189, %add3A_190, %rem3A_182 : i32
      %mul3A_192 = arith.constant 16 : i32
      %mul3A_193 = arith.muli %select_n3A_191, %mul3A_192 : i32
      %get3A = arith.index_cast %select_n3A : i32 to index
      %get3A_194 = arith.index_cast %mul3A_193 : i32 to index
      %get3A_195 = tpu.vector_load %arg8[%get3A, %get3A_194] {strides = array<i32>} : memref<2x640xf32, #tpu.memory_space<vmem>>, vector<16xf32>,
      %get3A_196 = arith.index_cast %select_n3A : i32 to index
      %get3A_197 = arith.index_cast %mul3A_193 : i32 to index
      %get3A_198 = tpu.vector_load %arg9[%get3A_196, %get3A_197] {strides = array<i32>} : memref<2x640xf32, #tpu.memory_space<vmem>>, vector<16xf32>,
      %add3A_199 = arith.addf %get3A_195, %get3A_198 : vector<16xf32>
      %swap3A = arith.index_cast %select_n3A : i32 to index
      %swap3A_200 = arith.index_cast %mul3A_193 : i32 to index
      %swap3A_201 = tpu.vector_load %arg8[%swap3A, %swap3A_200] {strides = array<i32>} : memref<2x640xf32, #tpu.memory_space<vmem>>, vector<16xf32>,
      tpu.vector_store %arg8[%swap3A, %swap3A_200], %add3A_199 {strides = array<i32>} : memref<2x640xf32, #tpu.memory_space<vmem>>, vector<16xf32>,
      %scan3A_202 = arith.constant 0 : i32
      scf.yield %scan3A_202 : i32
    }
    %scan3A_151 = arith.constant 80 : i32
    %run_scoped3A_152 = arith.constant 15 : i32
    "tpu.region"() ({
      %run_scoped3A_160 = tpu.sem_alloc : memref<!tpu.dma_semaphore, #tpu.memory_space<semaphore_mem>>
      %dma_start3A_161 = arith.constant 0 : i32
      %dma_start3A_162 = tpu.memref_slice %arg5[%run_scoped3A_152, %dma_start3A_161, %mul3A_39] : memref<16x2x10240xf32, #tpu.memory_space<vmem_shared>> -> memref<1x2x640xf32, #tpu.memory_space<vmem_shared>>
      %dma_start3A_163 = tpu.memref_squeeze %dma_start3A_162 : memref<1x2x640xf32, #tpu.memory_space<vmem_shared>> -> memref<2x640xf32, #tpu.memory_space<vmem_shared>>
      %dma_start3A_164 = arith.constant 0 : i32
      %dma_start3A_165 = tpu.memref_slice %arg5[%run_scoped3A_152, %dma_start3A_164, %mul3A_39] : memref<16x2x10240xf32, #tpu.memory_space<vmem_shared>> -> memref<1x2x640xf32, #tpu.memory_space<vmem_shared>>
      %dma_start3A_166 = tpu.memref_squeeze %dma_start3A_165 : memref<1x2x640xf32, #tpu.memory_space<vmem_shared>> -> memref<2x640xf32, #tpu.memory_space<vmem_shared>>
      tpu.enqueue_dma source(%dma_start3A_166 : memref<2x640xf32, #tpu.memory_space<vmem_shared>>) target(%arg9 : memref<2x640xf32, #tpu.memory_space<vmem>>) target_semaphore(%run_scoped3A_160 : memref<!tpu.dma_semaphore, #tpu.memory_space<semaphore_mem>>)
      %dma_wait3A = arith.constant 0 : i32
      %dma_wait3A_167 = tpu.memref_slice %arg5[%run_scoped3A_152, %dma_wait3A, %mul3A_39] : memref<16x2x10240xf32, #tpu.memory_space<vmem_shared>> -> memref<1x2x640xf32, #tpu.memory_space<vmem_shared>>
      %dma_wait3A_168 = tpu.memref_squeeze %dma_wait3A_167 : memref<1x2x640xf32, #tpu.memory_space<vmem_shared>> -> memref<2x640xf32, #tpu.memory_space<vmem_shared>>
      %dma_wait3A_169 = arith.constant 0 : i32
      %dma_wait3A_170 = tpu.memref_slice %arg5[%run_scoped3A_152, %dma_wait3A_169, %mul3A_39] : memref<16x2x10240xf32, #tpu.memory_space<vmem_shared>> -> memref<1x2x640xf32, #tpu.memory_space<vmem_shared>>
      %dma_wait3A_171 = tpu.memref_squeeze %dma_wait3A_170 : memref<1x2x640xf32, #tpu.memory_space<vmem_shared>> -> memref<2x640xf32, #tpu.memory_space<vmem_shared>>
      tpu.wait_dma2 semaphore(%run_scoped3A_160 : memref<!tpu.dma_semaphore, #tpu.memory_space<semaphore_mem>>) src(%dma_wait3A_171 : memref<2x640xf32, #tpu.memory_space<vmem_shared>>) dst(%arg9 : memref<2x640xf32, #tpu.memory_space<vmem>>)
      tpu.yield
    }) : () -> ()
    %scan3A_153 = arith.constant 0 : i32
    %scan3A_154 = arith.constant 0 : i32
    %scan3A_155 = arith.constant 80 : i32
    %scan3A_156 = arith.addi %scan3A_154, %scan3A_155 : i32
    %scan3A_157 = arith.constant 1 : i32
    %scan3A_158 = scf.for %scan3A_160 = %scan3A_154 to %scan3A_156 step %scan3A_157 iter_args(%scan3A_161 = %scan3A_153) -> (i32)  : i32 {
      %jit3A = arith.constant 40 : i32
      %div3A = arith.divsi %scan3A_160, %jit3A : i32
      %sign3A = arith.constant 0 : i32
      %sign3A_162 = arith.cmpi sgt, %scan3A_160, %sign3A : i32
      %sign3A_163 = arith.extui %sign3A_162 : i1 to i32
      %sign3A_164 = arith.constant 0 : i32
      %sign3A_165 = arith.cmpi slt, %scan3A_160, %sign3A_164 : i32
      %sign3A_166 = arith.extui %sign3A_165 : i1 to i32
      %sign3A_167 = arith.subi %sign3A_163, %sign3A_166 : i32
      %sign3A_168 = arith.constant 0 : i32
      %sign3A_169 = arith.cmpi sgt, %jit3A, %sign3A_168 : i32
      %sign3A_170 = arith.extui %sign3A_169 : i1 to i32
      %sign3A_171 = arith.constant 0 : i32
      %sign3A_172 = arith.cmpi slt, %jit3A, %sign3A_171 : i32
      %sign3A_173 = arith.extui %sign3A_172 : i1 to i32
      %sign3A_174 = arith.subi %sign3A_170, %sign3A_173 : i32
      %ne3A = arith.cmpi ne, %sign3A_167, %sign3A_174 : i32
      %rem3A = arith.remsi %scan3A_160, %jit3A : i32
      %ne3A_175 = arith.constant 0 : i32
      %ne3A_176 = arith.cmpi ne, %rem3A, %ne3A_175 : i32
      %and3A = arith.andi %ne3A, %ne3A_176 : i1
      %sub3A = arith.constant 1 : i32
      %sub3A_177 = arith.subi %div3A, %sub3A : i32
      %select_n3A = arith.select %and3A, %sub3A_177, %div3A : i32
      %jit3A_178 = arith.constant 40 : i32
      %eq3A = arith.constant 0 : i32
      %eq3A_179 = arith.cmpi eq, %jit3A_178, %eq3A : i32
      %jit3A_180 = arith.constant 1 : i32
      %select_n3A_181 = arith.select %eq3A_179, %jit3A_180, %jit3A_178 : i32
      %rem3A_182 = arith.remsi %scan3A_160, %select_n3A_181 : i32
      %ne3A_183 = arith.constant 0 : i32
      %ne3A_184 = arith.cmpi ne, %rem3A_182, %ne3A_183 : i32
      %lt3A = arith.constant 0 : i32
      %lt3A_185 = arith.cmpi slt, %rem3A_182, %lt3A : i32
      %lt3A_186 = arith.constant 0 : i32
      %lt3A_187 = arith.cmpi slt, %select_n3A_181, %lt3A_186 : i32
      %ne3A_188 = arith.xori %lt3A_185, %lt3A_187 : i1
      %and3A_189 = arith.andi %ne3A_188, %ne3A_184 : i1
      %add3A_190 = arith.addi %rem3A_182, %select_n3A_181 : i32
      %select_n3A_191 = arith.select %and3A_189, %add3A_190, %rem3A_182 : i32
      %mul3A_192 = arith.constant 16 : i32
      %mul3A_193 = arith.muli %select_n3A_191, %mul3A_192 : i32
      %get3A = arith.index_cast %select_n3A : i32 to index
      %get3A_194 = arith.index_cast %mul3A_193 : i32 to index
      %get3A_195 = tpu.vector_load %arg8[%get3A, %get3A_194] {strides = array<i32>} : memref<2x640xf32, #tpu.memory_space<vmem>>, vector<16xf32>,
      %get3A_196 = arith.index_cast %select_n3A : i32 to index
      %get3A_197 = arith.index_cast %mul3A_193 : i32 to index
      %get3A_198 = tpu.vector_load %arg9[%get3A_196, %get3A_197] {strides = array<i32>} : memref<2x640xf32, #tpu.memory_space<vmem>>, vector<16xf32>,
      %add3A_199 = arith.addf %get3A_195, %get3A_198 : vector<16xf32>
      %swap3A = arith.index_cast %select_n3A : i32 to index
      %swap3A_200 = arith.index_cast %mul3A_193 : i32 to index
      %swap3A_201 = tpu.vector_load %arg8[%swap3A, %swap3A_200] {strides = array<i32>} : memref<2x640xf32, #tpu.memory_space<vmem>>, vector<16xf32>,
      tpu.vector_store %arg8[%swap3A, %swap3A_200], %add3A_199 {strides = array<i32>} : memref<2x640xf32, #tpu.memory_space<vmem>>, vector<16xf32>,
      %scan3A_202 = arith.constant 0 : i32
      scf.yield %scan3A_202 : i32
    }
    %scan3A_159 = arith.constant 80 : i32
    "tpu.region"() ({
      %run_scoped3A_160 = tpu.sem_alloc : memref<!tpu.dma_semaphore, #tpu.memory_space<semaphore_mem>>
      %dma_start3A_161 = arith.constant 0 : i32
      %dma_start3A_162 = tpu.memref_slice %arg3[%arg0, %dma_start3A_161, %mul3A_39] : memref<2x2x10240xf32, #tpu.memory_space<hbm>> -> memref<1x2x640xf32, #tpu.memory_space<hbm>>
      %dma_start3A_163 = tpu.memref_squeeze %dma_start3A_162 : memref<1x2x640xf32, #tpu.memory_space<hbm>> -> memref<2x640xf32, #tpu.memory_space<hbm>>
      %dma_start3A_164 = arith.constant 0 : i32
      %dma_start3A_165 = tpu.memref_slice %arg3[%arg0, %dma_start3A_164, %mul3A_39] : memref<2x2x10240xf32, #tpu.memory_space<hbm>> -> memref<1x2x640xf32, #tpu.memory_space<hbm>>
      %dma_start3A_166 = tpu.memref_squeeze %dma_start3A_165 : memref<1x2x640xf32, #tpu.memory_space<hbm>> -> memref<2x640xf32, #tpu.memory_space<hbm>>
      tpu.enqueue_dma source(%arg8 : memref<2x640xf32, #tpu.memory_space<vmem>>) target(%dma_start3A_166 : memref<2x640xf32, #tpu.memory_space<hbm>>) target_semaphore(%run_scoped3A_160 : memref<!tpu.dma_semaphore, #tpu.memory_space<semaphore_mem>>)
      %dma_wait3A = arith.constant 0 : i32
      %dma_wait3A_167 = tpu.memref_slice %arg3[%arg0, %dma_wait3A, %mul3A_39] : memref<2x2x10240xf32, #tpu.memory_space<hbm>> -> memref<1x2x640xf32, #tpu.memory_space<hbm>>
      %dma_wait3A_168 = tpu.memref_squeeze %dma_wait3A_167 : memref<1x2x640xf32, #tpu.memory_space<hbm>> -> memref<2x640xf32, #tpu.memory_space<hbm>>
      %dma_wait3A_169 = arith.constant 0 : i32
      %dma_wait3A_170 = tpu.memref_slice %arg3[%arg0, %dma_wait3A_169, %mul3A_39] : memref<2x2x10240xf32, #tpu.memory_space<hbm>> -> memref<1x2x640xf32, #tpu.memory_space<hbm>>
      %dma_wait3A_171 = tpu.memref_squeeze %dma_wait3A_170 : memref<1x2x640xf32, #tpu.memory_space<hbm>> -> memref<2x640xf32, #tpu.memory_space<hbm>>
      tpu.wait_dma2 semaphore(%run_scoped3A_160 : memref<!tpu.dma_semaphore, #tpu.memory_space<semaphore_mem>>) src(%arg8 : memref<2x640xf32, #tpu.memory_space<vmem>>) dst(%dma_wait3A_171 : memref<2x640xf32, #tpu.memory_space<hbm>>)
      tpu.yield
    }) : () -> ()
    return
  }
}

#map = affine_map<(d0, d1) -> (0, 0)>
#map1 = affine_map<(d0, d1) -> (0, 0, 0)>
module attributes {stable_mosaic.version = 14 : i64} {
  func.func @_agg_body(%arg0: i32, %arg1: i32, %arg2: memref<10000x128xf32, #tpu.memory_space<hbm>>, %arg3: memref<32x250x40xi32, #tpu.memory_space<hbm>>, %arg4: memref<32x250x40xi32, #tpu.memory_space<hbm>>, %arg5: memref<2x10240x128xf32, #tpu.memory_space<hbm>>, %arg6: memref<10240x128xf32, #tpu.memory_space<vmem_shared>>, %arg7: memref<5x40xi32, #tpu.memory_space<vmem>>, %arg8: memref<5x40xi32, #tpu.memory_space<vmem>>, %arg9: memref<5x40x128xf32, #tpu.memory_space<vmem>>, %arg10: memref<64x128xf32, #tpu.memory_space<vmem>>, %arg11: memref<5x!tpu.dma_semaphore, #tpu.memory_space<semaphore_mem>>, %arg12: memref<5x!tpu.dma_semaphore, #tpu.memory_space<semaphore_mem>>, %arg13: memref<5x!tpu.dma_semaphore, #tpu.memory_space<semaphore_mem>>) attributes {dimension_semantics = [#tpu.dimension_semantics<core_parallel>, #tpu.dimension_semantics<subcore_parallel>], iteration_bounds = array<i64: 2, 16>, scalar_prefetch = 0 : i64, scratch_operands = 8 : i64, tpu.core_type = #tpu.core_type<sc_vector_subcore>, window_params = [{transform_indices = #map}, {transform_indices = #map1}, {transform_indices = #map1}, {transform_indices = #map1}]} {
    %mul3A = arith.constant 16 : i32
    %mul3A_0 = arith.muli %arg0, %mul3A : i32
    %add3A = arith.addi %mul3A_0, %arg1 : i32
    %broadcast_in_dim3A = arith.constant 0.000000e+00 : f32
    %broadcast_in_dim3A_1 = vector.broadcast %broadcast_in_dim3A : f32 to vector<16xf32>
    %scan3A = arith.constant 0 : i32
    %scan3A_2 = arith.constant 0 : i32
    %scan3A_3 = arith.constant 512 : i32
    %scan3A_4 = arith.addi %scan3A_2, %scan3A_3 : i32
    %scan3A_5 = arith.constant 1 : i32
    %scan3A_6 = scf.for %scan3A_431 = %scan3A_2 to %scan3A_4 step %scan3A_5 iter_args(%scan3A_432 = %scan3A) -> (i32)  : i32 {
      %jit3A = arith.constant 8 : i32
      %div3A = arith.divsi %scan3A_431, %jit3A : i32
      %sign3A = arith.constant 0 : i32
      %sign3A_433 = arith.cmpi sgt, %scan3A_431, %sign3A : i32
      %sign3A_434 = arith.extui %sign3A_433 : i1 to i32
      %sign3A_435 = arith.constant 0 : i32
      %sign3A_436 = arith.cmpi slt, %scan3A_431, %sign3A_435 : i32
      %sign3A_437 = arith.extui %sign3A_436 : i1 to i32
      %sign3A_438 = arith.subi %sign3A_434, %sign3A_437 : i32
      %sign3A_439 = arith.constant 0 : i32
      %sign3A_440 = arith.cmpi sgt, %jit3A, %sign3A_439 : i32
      %sign3A_441 = arith.extui %sign3A_440 : i1 to i32
      %sign3A_442 = arith.constant 0 : i32
      %sign3A_443 = arith.cmpi slt, %jit3A, %sign3A_442 : i32
      %sign3A_444 = arith.extui %sign3A_443 : i1 to i32
      %sign3A_445 = arith.subi %sign3A_441, %sign3A_444 : i32
      %ne3A = arith.cmpi ne, %sign3A_438, %sign3A_445 : i32
      %rem3A = arith.remsi %scan3A_431, %jit3A : i32
      %ne3A_446 = arith.constant 0 : i32
      %ne3A_447 = arith.cmpi ne, %rem3A, %ne3A_446 : i32
      %and3A = arith.andi %ne3A, %ne3A_447 : i1
      %sub3A = arith.constant 1 : i32
      %sub3A_448 = arith.subi %div3A, %sub3A : i32
      %select_n3A = arith.select %and3A, %sub3A_448, %div3A : i32
      %jit3A_449 = arith.constant 8 : i32
      %eq3A = arith.constant 0 : i32
      %eq3A_450 = arith.cmpi eq, %jit3A_449, %eq3A : i32
      %jit3A_451 = arith.constant 1 : i32
      %select_n3A_452 = arith.select %eq3A_450, %jit3A_451, %jit3A_449 : i32
      %rem3A_453 = arith.remsi %scan3A_431, %select_n3A_452 : i32
      %ne3A_454 = arith.constant 0 : i32
      %ne3A_455 = arith.cmpi ne, %rem3A_453, %ne3A_454 : i32
      %lt3A = arith.constant 0 : i32
      %lt3A_456 = arith.cmpi slt, %rem3A_453, %lt3A : i32
      %lt3A_457 = arith.constant 0 : i32
      %lt3A_458 = arith.cmpi slt, %select_n3A_452, %lt3A_457 : i32
      %ne3A_459 = arith.xori %lt3A_456, %lt3A_458 : i1
      %and3A_460 = arith.andi %ne3A_459, %ne3A_455 : i1
      %add3A_461 = arith.addi %rem3A_453, %select_n3A_452 : i32
      %select_n3A_462 = arith.select %and3A_460, %add3A_461, %rem3A_453 : i32
      %mul3A_463 = arith.constant 16 : i32
      %mul3A_464 = arith.muli %select_n3A_462, %mul3A_463 : i32
      %swap3A = arith.index_cast %select_n3A : i32 to index
      %swap3A_465 = arith.index_cast %mul3A_464 : i32 to index
      %swap3A_466 = tpu.vector_load %arg10[%swap3A, %swap3A_465] {strides = array<i32>} : memref<64x128xf32, #tpu.memory_space<vmem>>, vector<16xf32>,
      tpu.vector_store %arg10[%swap3A, %swap3A_465], %broadcast_in_dim3A_1 {strides = array<i32>} : memref<64x128xf32, #tpu.memory_space<vmem>>, vector<16xf32>,
      %scan3A_467 = arith.constant 0 : i32
      scf.yield %scan3A_467 : i32
    }
    %scan3A_7 = arith.constant 512 : i32
    %mul3A_8 = arith.constant 640 : i32
    %mul3A_9 = arith.muli %arg1, %mul3A_8 : i32
    %add3A_10 = arith.constant 0 : i32
    %add3A_11 = arith.addi %mul3A_9, %add3A_10 : i32
    "tpu.region"() ({
      %run_scoped3A = tpu.sem_alloc : memref<!tpu.dma_semaphore, #tpu.memory_space<semaphore_mem>>
      %dma_start3A_431 = arith.constant 0 : i32
      %dma_start3A_432 = tpu.memref_slice %arg6[%add3A_11, %dma_start3A_431] : memref<10240x128xf32, #tpu.memory_space<vmem_shared>> -> memref<64x128xf32, #tpu.memory_space<vmem_shared>>
      %dma_start3A_433 = arith.constant 0 : i32
      %dma_start3A_434 = tpu.memref_slice %arg6[%add3A_11, %dma_start3A_433] : memref<10240x128xf32, #tpu.memory_space<vmem_shared>> -> memref<64x128xf32, #tpu.memory_space<vmem_shared>>
      tpu.enqueue_dma source(%arg10 : memref<64x128xf32, #tpu.memory_space<vmem>>) target(%dma_start3A_434 : memref<64x128xf32, #tpu.memory_space<vmem_shared>>) target_semaphore(%run_scoped3A : memref<!tpu.dma_semaphore, #tpu.memory_space<semaphore_mem>>)
      %dma_wait3A_435 = arith.constant 0 : i32
      %dma_wait3A_436 = tpu.memref_slice %arg6[%add3A_11, %dma_wait3A_435] : memref<10240x128xf32, #tpu.memory_space<vmem_shared>> -> memref<64x128xf32, #tpu.memory_space<vmem_shared>>
      %dma_wait3A_437 = arith.constant 0 : i32
      %dma_wait3A_438 = tpu.memref_slice %arg6[%add3A_11, %dma_wait3A_437] : memref<10240x128xf32, #tpu.memory_space<vmem_shared>> -> memref<64x128xf32, #tpu.memory_space<vmem_shared>>
      tpu.wait_dma2 semaphore(%run_scoped3A : memref<!tpu.dma_semaphore, #tpu.memory_space<semaphore_mem>>) src(%arg10 : memref<64x128xf32, #tpu.memory_space<vmem>>) dst(%dma_wait3A_438 : memref<64x128xf32, #tpu.memory_space<vmem_shared>>)
      tpu.yield
    }) : () -> ()
    %mul3A_12 = arith.constant 640 : i32
    %mul3A_13 = arith.muli %arg1, %mul3A_12 : i32
    %add3A_14 = arith.constant 64 : i32
    %add3A_15 = arith.addi %mul3A_13, %add3A_14 : i32
    "tpu.region"() ({
      %run_scoped3A = tpu.sem_alloc : memref<!tpu.dma_semaphore, #tpu.memory_space<semaphore_mem>>
      %dma_start3A_431 = arith.constant 0 : i32
      %dma_start3A_432 = tpu.memref_slice %arg6[%add3A_15, %dma_start3A_431] : memref<10240x128xf32, #tpu.memory_space<vmem_shared>> -> memref<64x128xf32, #tpu.memory_space<vmem_shared>>
      %dma_start3A_433 = arith.constant 0 : i32
      %dma_start3A_434 = tpu.memref_slice %arg6[%add3A_15, %dma_start3A_433] : memref<10240x128xf32, #tpu.memory_space<vmem_shared>> -> memref<64x128xf32, #tpu.memory_space<vmem_shared>>
      tpu.enqueue_dma source(%arg10 : memref<64x128xf32, #tpu.memory_space<vmem>>) target(%dma_start3A_434 : memref<64x128xf32, #tpu.memory_space<vmem_shared>>) target_semaphore(%run_scoped3A : memref<!tpu.dma_semaphore, #tpu.memory_space<semaphore_mem>>)
      %dma_wait3A_435 = arith.constant 0 : i32
      %dma_wait3A_436 = tpu.memref_slice %arg6[%add3A_15, %dma_wait3A_435] : memref<10240x128xf32, #tpu.memory_space<vmem_shared>> -> memref<64x128xf32, #tpu.memory_space<vmem_shared>>
      %dma_wait3A_437 = arith.constant 0 : i32
      %dma_wait3A_438 = tpu.memref_slice %arg6[%add3A_15, %dma_wait3A_437] : memref<10240x128xf32, #tpu.memory_space<vmem_shared>> -> memref<64x128xf32, #tpu.memory_space<vmem_shared>>
      tpu.wait_dma2 semaphore(%run_scoped3A : memref<!tpu.dma_semaphore, #tpu.memory_space<semaphore_mem>>) src(%arg10 : memref<64x128xf32, #tpu.memory_space<vmem>>) dst(%dma_wait3A_438 : memref<64x128xf32, #tpu.memory_space<vmem_shared>>)
      tpu.yield
    }) : () -> ()
    %mul3A_16 = arith.constant 640 : i32
    %mul3A_17 = arith.muli %arg1, %mul3A_16 : i32
    %add3A_18 = arith.constant 128 : i32
    %add3A_19 = arith.addi %mul3A_17, %add3A_18 : i32
    "tpu.region"() ({
      %run_scoped3A = tpu.sem_alloc : memref<!tpu.dma_semaphore, #tpu.memory_space<semaphore_mem>>
      %dma_start3A_431 = arith.constant 0 : i32
      %dma_start3A_432 = tpu.memref_slice %arg6[%add3A_19, %dma_start3A_431] : memref<10240x128xf32, #tpu.memory_space<vmem_shared>> -> memref<64x128xf32, #tpu.memory_space<vmem_shared>>
      %dma_start3A_433 = arith.constant 0 : i32
      %dma_start3A_434 = tpu.memref_slice %arg6[%add3A_19, %dma_start3A_433] : memref<10240x128xf32, #tpu.memory_space<vmem_shared>> -> memref<64x128xf32, #tpu.memory_space<vmem_shared>>
      tpu.enqueue_dma source(%arg10 : memref<64x128xf32, #tpu.memory_space<vmem>>) target(%dma_start3A_434 : memref<64x128xf32, #tpu.memory_space<vmem_shared>>) target_semaphore(%run_scoped3A : memref<!tpu.dma_semaphore, #tpu.memory_space<semaphore_mem>>)
      %dma_wait3A_435 = arith.constant 0 : i32
      %dma_wait3A_436 = tpu.memref_slice %arg6[%add3A_19, %dma_wait3A_435] : memref<10240x128xf32, #tpu.memory_space<vmem_shared>> -> memref<64x128xf32, #tpu.memory_space<vmem_shared>>
      %dma_wait3A_437 = arith.constant 0 : i32
      %dma_wait3A_438 = tpu.memref_slice %arg6[%add3A_19, %dma_wait3A_437] : memref<10240x128xf32, #tpu.memory_space<vmem_shared>> -> memref<64x128xf32, #tpu.memory_space<vmem_shared>>
      tpu.wait_dma2 semaphore(%run_scoped3A : memref<!tpu.dma_semaphore, #tpu.memory_space<semaphore_mem>>) src(%arg10 : memref<64x128xf32, #tpu.memory_space<vmem>>) dst(%dma_wait3A_438 : memref<64x128xf32, #tpu.memory_space<vmem_shared>>)
      tpu.yield
    }) : () -> ()
    %mul3A_20 = arith.constant 640 : i32
    %mul3A_21 = arith.muli %arg1, %mul3A_20 : i32
    %add3A_22 = arith.constant 192 : i32
    %add3A_23 = arith.addi %mul3A_21, %add3A_22 : i32
    "tpu.region"() ({
      %run_scoped3A = tpu.sem_alloc : memref<!tpu.dma_semaphore, #tpu.memory_space<semaphore_mem>>
      %dma_start3A_431 = arith.constant 0 : i32
      %dma_start3A_432 = tpu.memref_slice %arg6[%add3A_23, %dma_start3A_431] : memref<10240x128xf32, #tpu.memory_space<vmem_shared>> -> memref<64x128xf32, #tpu.memory_space<vmem_shared>>
      %dma_start3A_433 = arith.constant 0 : i32
      %dma_start3A_434 = tpu.memref_slice %arg6[%add3A_23, %dma_start3A_433] : memref<10240x128xf32, #tpu.memory_space<vmem_shared>> -> memref<64x128xf32, #tpu.memory_space<vmem_shared>>
      tpu.enqueue_dma source(%arg10 : memref<64x128xf32, #tpu.memory_space<vmem>>) target(%dma_start3A_434 : memref<64x128xf32, #tpu.memory_space<vmem_shared>>) target_semaphore(%run_scoped3A : memref<!tpu.dma_semaphore, #tpu.memory_space<semaphore_mem>>)
      %dma_wait3A_435 = arith.constant 0 : i32
      %dma_wait3A_436 = tpu.memref_slice %arg6[%add3A_23, %dma_wait3A_435] : memref<10240x128xf32, #tpu.memory_space<vmem_shared>> -> memref<64x128xf32, #tpu.memory_space<vmem_shared>>
      %dma_wait3A_437 = arith.constant 0 : i32
      %dma_wait3A_438 = tpu.memref_slice %arg6[%add3A_23, %dma_wait3A_437] : memref<10240x128xf32, #tpu.memory_space<vmem_shared>> -> memref<64x128xf32, #tpu.memory_space<vmem_shared>>
      tpu.wait_dma2 semaphore(%run_scoped3A : memref<!tpu.dma_semaphore, #tpu.memory_space<semaphore_mem>>) src(%arg10 : memref<64x128xf32, #tpu.memory_space<vmem>>) dst(%dma_wait3A_438 : memref<64x128xf32, #tpu.memory_space<vmem_shared>>)
      tpu.yield
    }) : () -> ()
    %mul3A_24 = arith.constant 640 : i32
    %mul3A_25 = arith.muli %arg1, %mul3A_24 : i32
    %add3A_26 = arith.constant 256 : i32
    %add3A_27 = arith.addi %mul3A_25, %add3A_26 : i32
    "tpu.region"() ({
      %run_scoped3A = tpu.sem_alloc : memref<!tpu.dma_semaphore, #tpu.memory_space<semaphore_mem>>
      %dma_start3A_431 = arith.constant 0 : i32
      %dma_start3A_432 = tpu.memref_slice %arg6[%add3A_27, %dma_start3A_431] : memref<10240x128xf32, #tpu.memory_space<vmem_shared>> -> memref<64x128xf32, #tpu.memory_space<vmem_shared>>
      %dma_start3A_433 = arith.constant 0 : i32
      %dma_start3A_434 = tpu.memref_slice %arg6[%add3A_27, %dma_start3A_433] : memref<10240x128xf32, #tpu.memory_space<vmem_shared>> -> memref<64x128xf32, #tpu.memory_space<vmem_shared>>
      tpu.enqueue_dma source(%arg10 : memref<64x128xf32, #tpu.memory_space<vmem>>) target(%dma_start3A_434 : memref<64x128xf32, #tpu.memory_space<vmem_shared>>) target_semaphore(%run_scoped3A : memref<!tpu.dma_semaphore, #tpu.memory_space<semaphore_mem>>)
      %dma_wait3A_435 = arith.constant 0 : i32
      %dma_wait3A_436 = tpu.memref_slice %arg6[%add3A_27, %dma_wait3A_435] : memref<10240x128xf32, #tpu.memory_space<vmem_shared>> -> memref<64x128xf32, #tpu.memory_space<vmem_shared>>
      %dma_wait3A_437 = arith.constant 0 : i32
      %dma_wait3A_438 = tpu.memref_slice %arg6[%add3A_27, %dma_wait3A_437] : memref<10240x128xf32, #tpu.memory_space<vmem_shared>> -> memref<64x128xf32, #tpu.memory_space<vmem_shared>>
      tpu.wait_dma2 semaphore(%run_scoped3A : memref<!tpu.dma_semaphore, #tpu.memory_space<semaphore_mem>>) src(%arg10 : memref<64x128xf32, #tpu.memory_space<vmem>>) dst(%dma_wait3A_438 : memref<64x128xf32, #tpu.memory_space<vmem_shared>>)
      tpu.yield
    }) : () -> ()
    %mul3A_28 = arith.constant 640 : i32
    %mul3A_29 = arith.muli %arg1, %mul3A_28 : i32
    %add3A_30 = arith.constant 320 : i32
    %add3A_31 = arith.addi %mul3A_29, %add3A_30 : i32
    "tpu.region"() ({
      %run_scoped3A = tpu.sem_alloc : memref<!tpu.dma_semaphore, #tpu.memory_space<semaphore_mem>>
      %dma_start3A_431 = arith.constant 0 : i32
      %dma_start3A_432 = tpu.memref_slice %arg6[%add3A_31, %dma_start3A_431] : memref<10240x128xf32, #tpu.memory_space<vmem_shared>> -> memref<64x128xf32, #tpu.memory_space<vmem_shared>>
      %dma_start3A_433 = arith.constant 0 : i32
      %dma_start3A_434 = tpu.memref_slice %arg6[%add3A_31, %dma_start3A_433] : memref<10240x128xf32, #tpu.memory_space<vmem_shared>> -> memref<64x128xf32, #tpu.memory_space<vmem_shared>>
      tpu.enqueue_dma source(%arg10 : memref<64x128xf32, #tpu.memory_space<vmem>>) target(%dma_start3A_434 : memref<64x128xf32, #tpu.memory_space<vmem_shared>>) target_semaphore(%run_scoped3A : memref<!tpu.dma_semaphore, #tpu.memory_space<semaphore_mem>>)
      %dma_wait3A_435 = arith.constant 0 : i32
      %dma_wait3A_436 = tpu.memref_slice %arg6[%add3A_31, %dma_wait3A_435] : memref<10240x128xf32, #tpu.memory_space<vmem_shared>> -> memref<64x128xf32, #tpu.memory_space<vmem_shared>>
      %dma_wait3A_437 = arith.constant 0 : i32
      %dma_wait3A_438 = tpu.memref_slice %arg6[%add3A_31, %dma_wait3A_437] : memref<10240x128xf32, #tpu.memory_space<vmem_shared>> -> memref<64x128xf32, #tpu.memory_space<vmem_shared>>
      tpu.wait_dma2 semaphore(%run_scoped3A : memref<!tpu.dma_semaphore, #tpu.memory_space<semaphore_mem>>) src(%arg10 : memref<64x128xf32, #tpu.memory_space<vmem>>) dst(%dma_wait3A_438 : memref<64x128xf32, #tpu.memory_space<vmem_shared>>)
      tpu.yield
    }) : () -> ()
    %mul3A_32 = arith.constant 640 : i32
    %mul3A_33 = arith.muli %arg1, %mul3A_32 : i32
    %add3A_34 = arith.constant 384 : i32
    %add3A_35 = arith.addi %mul3A_33, %add3A_34 : i32
    "tpu.region"() ({
      %run_scoped3A = tpu.sem_alloc : memref<!tpu.dma_semaphore, #tpu.memory_space<semaphore_mem>>
      %dma_start3A_431 = arith.constant 0 : i32
      %dma_start3A_432 = tpu.memref_slice %arg6[%add3A_35, %dma_start3A_431] : memref<10240x128xf32, #tpu.memory_space<vmem_shared>> -> memref<64x128xf32, #tpu.memory_space<vmem_shared>>
      %dma_start3A_433 = arith.constant 0 : i32
      %dma_start3A_434 = tpu.memref_slice %arg6[%add3A_35, %dma_start3A_433] : memref<10240x128xf32, #tpu.memory_space<vmem_shared>> -> memref<64x128xf32, #tpu.memory_space<vmem_shared>>
      tpu.enqueue_dma source(%arg10 : memref<64x128xf32, #tpu.memory_space<vmem>>) target(%dma_start3A_434 : memref<64x128xf32, #tpu.memory_space<vmem_shared>>) target_semaphore(%run_scoped3A : memref<!tpu.dma_semaphore, #tpu.memory_space<semaphore_mem>>)
      %dma_wait3A_435 = arith.constant 0 : i32
      %dma_wait3A_436 = tpu.memref_slice %arg6[%add3A_35, %dma_wait3A_435] : memref<10240x128xf32, #tpu.memory_space<vmem_shared>> -> memref<64x128xf32, #tpu.memory_space<vmem_shared>>
      %dma_wait3A_437 = arith.constant 0 : i32
      %dma_wait3A_438 = tpu.memref_slice %arg6[%add3A_35, %dma_wait3A_437] : memref<10240x128xf32, #tpu.memory_space<vmem_shared>> -> memref<64x128xf32, #tpu.memory_space<vmem_shared>>
      tpu.wait_dma2 semaphore(%run_scoped3A : memref<!tpu.dma_semaphore, #tpu.memory_space<semaphore_mem>>) src(%arg10 : memref<64x128xf32, #tpu.memory_space<vmem>>) dst(%dma_wait3A_438 : memref<64x128xf32, #tpu.memory_space<vmem_shared>>)
      tpu.yield
    }) : () -> ()
    %mul3A_36 = arith.constant 640 : i32
    %mul3A_37 = arith.muli %arg1, %mul3A_36 : i32
    %add3A_38 = arith.constant 448 : i32
    %add3A_39 = arith.addi %mul3A_37, %add3A_38 : i32
    "tpu.region"() ({
      %run_scoped3A = tpu.sem_alloc : memref<!tpu.dma_semaphore, #tpu.memory_space<semaphore_mem>>
      %dma_start3A_431 = arith.constant 0 : i32
      %dma_start3A_432 = tpu.memref_slice %arg6[%add3A_39, %dma_start3A_431] : memref<10240x128xf32, #tpu.memory_space<vmem_shared>> -> memref<64x128xf32, #tpu.memory_space<vmem_shared>>
      %dma_start3A_433 = arith.constant 0 : i32
      %dma_start3A_434 = tpu.memref_slice %arg6[%add3A_39, %dma_start3A_433] : memref<10240x128xf32, #tpu.memory_space<vmem_shared>> -> memref<64x128xf32, #tpu.memory_space<vmem_shared>>
      tpu.enqueue_dma source(%arg10 : memref<64x128xf32, #tpu.memory_space<vmem>>) target(%dma_start3A_434 : memref<64x128xf32, #tpu.memory_space<vmem_shared>>) target_semaphore(%run_scoped3A : memref<!tpu.dma_semaphore, #tpu.memory_space<semaphore_mem>>)
      %dma_wait3A_435 = arith.constant 0 : i32
      %dma_wait3A_436 = tpu.memref_slice %arg6[%add3A_39, %dma_wait3A_435] : memref<10240x128xf32, #tpu.memory_space<vmem_shared>> -> memref<64x128xf32, #tpu.memory_space<vmem_shared>>
      %dma_wait3A_437 = arith.constant 0 : i32
      %dma_wait3A_438 = tpu.memref_slice %arg6[%add3A_39, %dma_wait3A_437] : memref<10240x128xf32, #tpu.memory_space<vmem_shared>> -> memref<64x128xf32, #tpu.memory_space<vmem_shared>>
      tpu.wait_dma2 semaphore(%run_scoped3A : memref<!tpu.dma_semaphore, #tpu.memory_space<semaphore_mem>>) src(%arg10 : memref<64x128xf32, #tpu.memory_space<vmem>>) dst(%dma_wait3A_438 : memref<64x128xf32, #tpu.memory_space<vmem_shared>>)
      tpu.yield
    }) : () -> ()
    %mul3A_40 = arith.constant 640 : i32
    %mul3A_41 = arith.muli %arg1, %mul3A_40 : i32
    %add3A_42 = arith.constant 512 : i32
    %add3A_43 = arith.addi %mul3A_41, %add3A_42 : i32
    "tpu.region"() ({
      %run_scoped3A = tpu.sem_alloc : memref<!tpu.dma_semaphore, #tpu.memory_space<semaphore_mem>>
      %dma_start3A_431 = arith.constant 0 : i32
      %dma_start3A_432 = tpu.memref_slice %arg6[%add3A_43, %dma_start3A_431] : memref<10240x128xf32, #tpu.memory_space<vmem_shared>> -> memref<64x128xf32, #tpu.memory_space<vmem_shared>>
      %dma_start3A_433 = arith.constant 0 : i32
      %dma_start3A_434 = tpu.memref_slice %arg6[%add3A_43, %dma_start3A_433] : memref<10240x128xf32, #tpu.memory_space<vmem_shared>> -> memref<64x128xf32, #tpu.memory_space<vmem_shared>>
      tpu.enqueue_dma source(%arg10 : memref<64x128xf32, #tpu.memory_space<vmem>>) target(%dma_start3A_434 : memref<64x128xf32, #tpu.memory_space<vmem_shared>>) target_semaphore(%run_scoped3A : memref<!tpu.dma_semaphore, #tpu.memory_space<semaphore_mem>>)
      %dma_wait3A_435 = arith.constant 0 : i32
      %dma_wait3A_436 = tpu.memref_slice %arg6[%add3A_43, %dma_wait3A_435] : memref<10240x128xf32, #tpu.memory_space<vmem_shared>> -> memref<64x128xf32, #tpu.memory_space<vmem_shared>>
      %dma_wait3A_437 = arith.constant 0 : i32
      %dma_wait3A_438 = tpu.memref_slice %arg6[%add3A_43, %dma_wait3A_437] : memref<10240x128xf32, #tpu.memory_space<vmem_shared>> -> memref<64x128xf32, #tpu.memory_space<vmem_shared>>
      tpu.wait_dma2 semaphore(%run_scoped3A : memref<!tpu.dma_semaphore, #tpu.memory_space<semaphore_mem>>) src(%arg10 : memref<64x128xf32, #tpu.memory_space<vmem>>) dst(%dma_wait3A_438 : memref<64x128xf32, #tpu.memory_space<vmem_shared>>)
      tpu.yield
    }) : () -> ()
    %mul3A_44 = arith.constant 640 : i32
    %mul3A_45 = arith.muli %arg1, %mul3A_44 : i32
    %add3A_46 = arith.constant 576 : i32
    %add3A_47 = arith.addi %mul3A_45, %add3A_46 : i32
    "tpu.region"() ({
      %run_scoped3A = tpu.sem_alloc : memref<!tpu.dma_semaphore, #tpu.memory_space<semaphore_mem>>
      %dma_start3A_431 = arith.constant 0 : i32
      %dma_start3A_432 = tpu.memref_slice %arg6[%add3A_47, %dma_start3A_431] : memref<10240x128xf32, #tpu.memory_space<vmem_shared>> -> memref<64x128xf32, #tpu.memory_space<vmem_shared>>
      %dma_start3A_433 = arith.constant 0 : i32
      %dma_start3A_434 = tpu.memref_slice %arg6[%add3A_47, %dma_start3A_433] : memref<10240x128xf32, #tpu.memory_space<vmem_shared>> -> memref<64x128xf32, #tpu.memory_space<vmem_shared>>
      tpu.enqueue_dma source(%arg10 : memref<64x128xf32, #tpu.memory_space<vmem>>) target(%dma_start3A_434 : memref<64x128xf32, #tpu.memory_space<vmem_shared>>) target_semaphore(%run_scoped3A : memref<!tpu.dma_semaphore, #tpu.memory_space<semaphore_mem>>)
      %dma_wait3A_435 = arith.constant 0 : i32
      %dma_wait3A_436 = tpu.memref_slice %arg6[%add3A_47, %dma_wait3A_435] : memref<10240x128xf32, #tpu.memory_space<vmem_shared>> -> memref<64x128xf32, #tpu.memory_space<vmem_shared>>
      %dma_wait3A_437 = arith.constant 0 : i32
      %dma_wait3A_438 = tpu.memref_slice %arg6[%add3A_47, %dma_wait3A_437] : memref<10240x128xf32, #tpu.memory_space<vmem_shared>> -> memref<64x128xf32, #tpu.memory_space<vmem_shared>>
      tpu.wait_dma2 semaphore(%run_scoped3A : memref<!tpu.dma_semaphore, #tpu.memory_space<semaphore_mem>>) src(%arg10 : memref<64x128xf32, #tpu.memory_space<vmem>>) dst(%dma_wait3A_438 : memref<64x128xf32, #tpu.memory_space<vmem_shared>>)
      tpu.yield
    }) : () -> ()
    %barrier3A = arith.constant 0 : index
    tpu.barrier barrier_id(%barrier3A)
    %dma_start3A = arith.constant 0 : i32
    %dma_start3A_48 = arith.constant 0 : i32
    %dma_start3A_49 = arith.constant 0 : i32
    %dma_start3A_50 = arith.constant 0 : i32
    %dma_start3A_51 = tpu.memref_slice %arg7[%dma_start3A_48, %dma_start3A_50] : memref<5x40xi32, #tpu.memory_space<vmem>> -> memref<1x40xi32, #tpu.memory_space<vmem>>
    %dma_start3A_52 = tpu.memref_squeeze %dma_start3A_51 : memref<1x40xi32, #tpu.memory_space<vmem>> -> memref<40xi32, #tpu.memory_space<vmem>>
    %dma_start3A_53 = arith.constant 0 : i32
    %dma_start3A_54 = tpu.memref_slice %arg3[%add3A, %dma_start3A, %dma_start3A_53] : memref<32x250x40xi32, #tpu.memory_space<hbm>> -> memref<1x1x40xi32, #tpu.memory_space<hbm>>
    %dma_start3A_55 = tpu.memref_squeeze %dma_start3A_54 : memref<1x1x40xi32, #tpu.memory_space<hbm>> -> memref<40xi32, #tpu.memory_space<hbm>>
    %dma_start3A_56 = tpu.memref_slice %arg11[%dma_start3A_49] : memref<5x!tpu.dma_semaphore, #tpu.memory_space<semaphore_mem>> -> memref<1x!tpu.dma_semaphore, #tpu.memory_space<semaphore_mem>>
    %dma_start3A_57 = tpu.memref_squeeze %dma_start3A_56 : memref<1x!tpu.dma_semaphore, #tpu.memory_space<semaphore_mem>> -> memref<!tpu.dma_semaphore, #tpu.memory_space<semaphore_mem>>
    %dma_start3A_58 = arith.constant 0 : i32
    %dma_start3A_59 = tpu.memref_slice %arg7[%dma_start3A_48, %dma_start3A_58] : memref<5x40xi32, #tpu.memory_space<vmem>> -> memref<1x40xi32, #tpu.memory_space<vmem>>
    %dma_start3A_60 = tpu.memref_squeeze %dma_start3A_59 : memref<1x40xi32, #tpu.memory_space<vmem>> -> memref<40xi32, #tpu.memory_space<vmem>>
    %dma_start3A_61 = arith.constant 0 : i32
    %dma_start3A_62 = tpu.memref_slice %arg3[%add3A, %dma_start3A, %dma_start3A_61] : memref<32x250x40xi32, #tpu.memory_space<hbm>> -> memref<1x1x40xi32, #tpu.memory_space<hbm>>
    %dma_start3A_63 = tpu.memref_squeeze %dma_start3A_62 : memref<1x1x40xi32, #tpu.memory_space<hbm>> -> memref<40xi32, #tpu.memory_space<hbm>>
    tpu.enqueue_dma source(%dma_start3A_63 : memref<40xi32, #tpu.memory_space<hbm>>) target(%dma_start3A_60 : memref<40xi32, #tpu.memory_space<vmem>>) target_semaphore(%dma_start3A_57 : memref<!tpu.dma_semaphore, #tpu.memory_space<semaphore_mem>>)
    %dma_start3A_64 = arith.constant 0 : i32
    %dma_start3A_65 = arith.constant 0 : i32
    %dma_start3A_66 = arith.constant 0 : i32
    %dma_start3A_67 = arith.constant 0 : i32
    %dma_start3A_68 = tpu.memref_slice %arg8[%dma_start3A_65, %dma_start3A_67] : memref<5x40xi32, #tpu.memory_space<vmem>> -> memref<1x40xi32, #tpu.memory_space<vmem>>
    %dma_start3A_69 = tpu.memref_squeeze %dma_start3A_68 : memref<1x40xi32, #tpu.memory_space<vmem>> -> memref<40xi32, #tpu.memory_space<vmem>>
    %dma_start3A_70 = arith.constant 0 : i32
    %dma_start3A_71 = tpu.memref_slice %arg4[%add3A, %dma_start3A_64, %dma_start3A_70] : memref<32x250x40xi32, #tpu.memory_space<hbm>> -> memref<1x1x40xi32, #tpu.memory_space<hbm>>
    %dma_start3A_72 = tpu.memref_squeeze %dma_start3A_71 : memref<1x1x40xi32, #tpu.memory_space<hbm>> -> memref<40xi32, #tpu.memory_space<hbm>>
    %dma_start3A_73 = tpu.memref_slice %arg11[%dma_start3A_66] : memref<5x!tpu.dma_semaphore, #tpu.memory_space<semaphore_mem>> -> memref<1x!tpu.dma_semaphore, #tpu.memory_space<semaphore_mem>>
    %dma_start3A_74 = tpu.memref_squeeze %dma_start3A_73 : memref<1x!tpu.dma_semaphore, #tpu.memory_space<semaphore_mem>> -> memref<!tpu.dma_semaphore, #tpu.memory_space<semaphore_mem>>
    %dma_start3A_75 = arith.constant 0 : i32
    %dma_start3A_76 = tpu.memref_slice %arg8[%dma_start3A_65, %dma_start3A_75] : memref<5x40xi32, #tpu.memory_space<vmem>> -> memref<1x40xi32, #tpu.memory_space<vmem>>
    %dma_start3A_77 = tpu.memref_squeeze %dma_start3A_76 : memref<1x40xi32, #tpu.memory_space<vmem>> -> memref<40xi32, #tpu.memory_space<vmem>>
    %dma_start3A_78 = arith.constant 0 : i32
    %dma_start3A_79 = tpu.memref_slice %arg4[%add3A, %dma_start3A_64, %dma_start3A_78] : memref<32x250x40xi32, #tpu.memory_space<hbm>> -> memref<1x1x40xi32, #tpu.memory_space<hbm>>
    %dma_start3A_80 = tpu.memref_squeeze %dma_start3A_79 : memref<1x1x40xi32, #tpu.memory_space<hbm>> -> memref<40xi32, #tpu.memory_space<hbm>>
    tpu.enqueue_dma source(%dma_start3A_80 : memref<40xi32, #tpu.memory_space<hbm>>) target(%dma_start3A_77 : memref<40xi32, #tpu.memory_space<vmem>>) target_semaphore(%dma_start3A_74 : memref<!tpu.dma_semaphore, #tpu.memory_space<semaphore_mem>>)
    %dma_start3A_81 = arith.constant 1 : i32
    %dma_start3A_82 = arith.constant 1 : i32
    %dma_start3A_83 = arith.constant 1 : i32
    %dma_start3A_84 = arith.constant 0 : i32
    %dma_start3A_85 = tpu.memref_slice %arg7[%dma_start3A_82, %dma_start3A_84] : memref<5x40xi32, #tpu.memory_space<vmem>> -> memref<1x40xi32, #tpu.memory_space<vmem>>
    %dma_start3A_86 = tpu.memref_squeeze %dma_start3A_85 : memref<1x40xi32, #tpu.memory_space<vmem>> -> memref<40xi32, #tpu.memory_space<vmem>>
    %dma_start3A_87 = arith.constant 0 : i32
    %dma_start3A_88 = tpu.memref_slice %arg3[%add3A, %dma_start3A_81, %dma_start3A_87] : memref<32x250x40xi32, #tpu.memory_space<hbm>> -> memref<1x1x40xi32, #tpu.memory_space<hbm>>
    %dma_start3A_89 = tpu.memref_squeeze %dma_start3A_88 : memref<1x1x40xi32, #tpu.memory_space<hbm>> -> memref<40xi32, #tpu.memory_space<hbm>>
    %dma_start3A_90 = tpu.memref_slice %arg11[%dma_start3A_83] : memref<5x!tpu.dma_semaphore, #tpu.memory_space<semaphore_mem>> -> memref<1x!tpu.dma_semaphore, #tpu.memory_space<semaphore_mem>>
    %dma_start3A_91 = tpu.memref_squeeze %dma_start3A_90 : memref<1x!tpu.dma_semaphore, #tpu.memory_space<semaphore_mem>> -> memref<!tpu.dma_semaphore, #tpu.memory_space<semaphore_mem>>
    %dma_start3A_92 = arith.constant 0 : i32
    %dma_start3A_93 = tpu.memref_slice %arg7[%dma_start3A_82, %dma_start3A_92] : memref<5x40xi32, #tpu.memory_space<vmem>> -> memref<1x40xi32, #tpu.memory_space<vmem>>
    %dma_start3A_94 = tpu.memref_squeeze %dma_start3A_93 : memref<1x40xi32, #tpu.memory_space<vmem>> -> memref<40xi32, #tpu.memory_space<vmem>>
    %dma_start3A_95 = arith.constant 0 : i32
    %dma_start3A_96 = tpu.memref_slice %arg3[%add3A, %dma_start3A_81, %dma_start3A_95] : memref<32x250x40xi32, #tpu.memory_space<hbm>> -> memref<1x1x40xi32, #tpu.memory_space<hbm>>
    %dma_start3A_97 = tpu.memref_squeeze %dma_start3A_96 : memref<1x1x40xi32, #tpu.memory_space<hbm>> -> memref<40xi32, #tpu.memory_space<hbm>>
    tpu.enqueue_dma source(%dma_start3A_97 : memref<40xi32, #tpu.memory_space<hbm>>) target(%dma_start3A_94 : memref<40xi32, #tpu.memory_space<vmem>>) target_semaphore(%dma_start3A_91 : memref<!tpu.dma_semaphore, #tpu.memory_space<semaphore_mem>>)
    %dma_start3A_98 = arith.constant 1 : i32
    %dma_start3A_99 = arith.constant 1 : i32
    %dma_start3A_100 = arith.constant 1 : i32
    %dma_start3A_101 = arith.constant 0 : i32
    %dma_start3A_102 = tpu.memref_slice %arg8[%dma_start3A_99, %dma_start3A_101] : memref<5x40xi32, #tpu.memory_space<vmem>> -> memref<1x40xi32, #tpu.memory_space<vmem>>
    %dma_start3A_103 = tpu.memref_squeeze %dma_start3A_102 : memref<1x40xi32, #tpu.memory_space<vmem>> -> memref<40xi32, #tpu.memory_space<vmem>>
    %dma_start3A_104 = arith.constant 0 : i32
    %dma_start3A_105 = tpu.memref_slice %arg4[%add3A, %dma_start3A_98, %dma_start3A_104] : memref<32x250x40xi32, #tpu.memory_space<hbm>> -> memref<1x1x40xi32, #tpu.memory_space<hbm>>
    %dma_start3A_106 = tpu.memref_squeeze %dma_start3A_105 : memref<1x1x40xi32, #tpu.memory_space<hbm>> -> memref<40xi32, #tpu.memory_space<hbm>>
    %dma_start3A_107 = tpu.memref_slice %arg11[%dma_start3A_100] : memref<5x!tpu.dma_semaphore, #tpu.memory_space<semaphore_mem>> -> memref<1x!tpu.dma_semaphore, #tpu.memory_space<semaphore_mem>>
    %dma_start3A_108 = tpu.memref_squeeze %dma_start3A_107 : memref<1x!tpu.dma_semaphore, #tpu.memory_space<semaphore_mem>> -> memref<!tpu.dma_semaphore, #tpu.memory_space<semaphore_mem>>
    %dma_start3A_109 = arith.constant 0 : i32
    %dma_start3A_110 = tpu.memref_slice %arg8[%dma_start3A_99, %dma_start3A_109] : memref<5x40xi32, #tpu.memory_space<vmem>> -> memref<1x40xi32, #tpu.memory_space<vmem>>
    %dma_start3A_111 = tpu.memref_squeeze %dma_start3A_110 : memref<1x40xi32, #tpu.memory_space<vmem>> -> memref<40xi32, #tpu.memory_space<vmem>>
    %dma_start3A_112 = arith.constant 0 : i32
    %dma_start3A_113 = tpu.memref_slice %arg4[%add3A, %dma_start3A_98, %dma_start3A_112] : memref<32x250x40xi32, #tpu.memory_space<hbm>> -> memref<1x1x40xi32, #tpu.memory_space<hbm>>
    %dma_start3A_114 = tpu.memref_squeeze %dma_start3A_113 : memref<1x1x40xi32, #tpu.memory_space<hbm>> -> memref<40xi32, #tpu.memory_space<hbm>>
    tpu.enqueue_dma source(%dma_start3A_114 : memref<40xi32, #tpu.memory_space<hbm>>) target(%dma_start3A_111 : memref<40xi32, #tpu.memory_space<vmem>>) target_semaphore(%dma_start3A_108 : memref<!tpu.dma_semaphore, #tpu.memory_space<semaphore_mem>>)
    %dma_start3A_115 = arith.constant 2 : i32
    %dma_start3A_116 = arith.constant 2 : i32
    %dma_start3A_117 = arith.constant 2 : i32
    %dma_start3A_118 = arith.constant 0 : i32
    %dma_start3A_119 = tpu.memref_slice %arg7[%dma_start3A_116, %dma_start3A_118] : memref<5x40xi32, #tpu.memory_space<vmem>> -> memref<1x40xi32, #tpu.memory_space<vmem>>
    %dma_start3A_120 = tpu.memref_squeeze %dma_start3A_119 : memref<1x40xi32, #tpu.memory_space<vmem>> -> memref<40xi32, #tpu.memory_space<vmem>>
    %dma_start3A_121 = arith.constant 0 : i32
    %dma_start3A_122 = tpu.memref_slice %arg3[%add3A, %dma_start3A_115, %dma_start3A_121] : memref<32x250x40xi32, #tpu.memory_space<hbm>> -> memref<1x1x40xi32, #tpu.memory_space<hbm>>
    %dma_start3A_123 = tpu.memref_squeeze %dma_start3A_122 : memref<1x1x40xi32, #tpu.memory_space<hbm>> -> memref<40xi32, #tpu.memory_space<hbm>>
    %dma_start3A_124 = tpu.memref_slice %arg11[%dma_start3A_117] : memref<5x!tpu.dma_semaphore, #tpu.memory_space<semaphore_mem>> -> memref<1x!tpu.dma_semaphore, #tpu.memory_space<semaphore_mem>>
    %dma_start3A_125 = tpu.memref_squeeze %dma_start3A_124 : memref<1x!tpu.dma_semaphore, #tpu.memory_space<semaphore_mem>> -> memref<!tpu.dma_semaphore, #tpu.memory_space<semaphore_mem>>
    %dma_start3A_126 = arith.constant 0 : i32
    %dma_start3A_127 = tpu.memref_slice %arg7[%dma_start3A_116, %dma_start3A_126] : memref<5x40xi32, #tpu.memory_space<vmem>> -> memref<1x40xi32, #tpu.memory_space<vmem>>
    %dma_start3A_128 = tpu.memref_squeeze %dma_start3A_127 : memref<1x40xi32, #tpu.memory_space<vmem>> -> memref<40xi32, #tpu.memory_space<vmem>>
    %dma_start3A_129 = arith.constant 0 : i32
    %dma_start3A_130 = tpu.memref_slice %arg3[%add3A, %dma_start3A_115, %dma_start3A_129] : memref<32x250x40xi32, #tpu.memory_space<hbm>> -> memref<1x1x40xi32, #tpu.memory_space<hbm>>
    %dma_start3A_131 = tpu.memref_squeeze %dma_start3A_130 : memref<1x1x40xi32, #tpu.memory_space<hbm>> -> memref<40xi32, #tpu.memory_space<hbm>>
    tpu.enqueue_dma source(%dma_start3A_131 : memref<40xi32, #tpu.memory_space<hbm>>) target(%dma_start3A_128 : memref<40xi32, #tpu.memory_space<vmem>>) target_semaphore(%dma_start3A_125 : memref<!tpu.dma_semaphore, #tpu.memory_space<semaphore_mem>>)
    %dma_start3A_132 = arith.constant 2 : i32
    %dma_start3A_133 = arith.constant 2 : i32
    %dma_start3A_134 = arith.constant 2 : i32
    %dma_start3A_135 = arith.constant 0 : i32
    %dma_start3A_136 = tpu.memref_slice %arg8[%dma_start3A_133, %dma_start3A_135] : memref<5x40xi32, #tpu.memory_space<vmem>> -> memref<1x40xi32, #tpu.memory_space<vmem>>
    %dma_start3A_137 = tpu.memref_squeeze %dma_start3A_136 : memref<1x40xi32, #tpu.memory_space<vmem>> -> memref<40xi32, #tpu.memory_space<vmem>>
    %dma_start3A_138 = arith.constant 0 : i32
    %dma_start3A_139 = tpu.memref_slice %arg4[%add3A, %dma_start3A_132, %dma_start3A_138] : memref<32x250x40xi32, #tpu.memory_space<hbm>> -> memref<1x1x40xi32, #tpu.memory_space<hbm>>
    %dma_start3A_140 = tpu.memref_squeeze %dma_start3A_139 : memref<1x1x40xi32, #tpu.memory_space<hbm>> -> memref<40xi32, #tpu.memory_space<hbm>>
    %dma_start3A_141 = tpu.memref_slice %arg11[%dma_start3A_134] : memref<5x!tpu.dma_semaphore, #tpu.memory_space<semaphore_mem>> -> memref<1x!tpu.dma_semaphore, #tpu.memory_space<semaphore_mem>>
    %dma_start3A_142 = tpu.memref_squeeze %dma_start3A_141 : memref<1x!tpu.dma_semaphore, #tpu.memory_space<semaphore_mem>> -> memref<!tpu.dma_semaphore, #tpu.memory_space<semaphore_mem>>
    %dma_start3A_143 = arith.constant 0 : i32
    %dma_start3A_144 = tpu.memref_slice %arg8[%dma_start3A_133, %dma_start3A_143] : memref<5x40xi32, #tpu.memory_space<vmem>> -> memref<1x40xi32, #tpu.memory_space<vmem>>
    %dma_start3A_145 = tpu.memref_squeeze %dma_start3A_144 : memref<1x40xi32, #tpu.memory_space<vmem>> -> memref<40xi32, #tpu.memory_space<vmem>>
    %dma_start3A_146 = arith.constant 0 : i32
    %dma_start3A_147 = tpu.memref_slice %arg4[%add3A, %dma_start3A_132, %dma_start3A_146] : memref<32x250x40xi32, #tpu.memory_space<hbm>> -> memref<1x1x40xi32, #tpu.memory_space<hbm>>
    %dma_start3A_148 = tpu.memref_squeeze %dma_start3A_147 : memref<1x1x40xi32, #tpu.memory_space<hbm>> -> memref<40xi32, #tpu.memory_space<hbm>>
    tpu.enqueue_dma source(%dma_start3A_148 : memref<40xi32, #tpu.memory_space<hbm>>) target(%dma_start3A_145 : memref<40xi32, #tpu.memory_space<vmem>>) target_semaphore(%dma_start3A_142 : memref<!tpu.dma_semaphore, #tpu.memory_space<semaphore_mem>>)
    %dma_start3A_149 = arith.constant 3 : i32
    %dma_start3A_150 = arith.constant 3 : i32
    %dma_start3A_151 = arith.constant 3 : i32
    %dma_start3A_152 = arith.constant 0 : i32
    %dma_start3A_153 = tpu.memref_slice %arg7[%dma_start3A_150, %dma_start3A_152] : memref<5x40xi32, #tpu.memory_space<vmem>> -> memref<1x40xi32, #tpu.memory_space<vmem>>
    %dma_start3A_154 = tpu.memref_squeeze %dma_start3A_153 : memref<1x40xi32, #tpu.memory_space<vmem>> -> memref<40xi32, #tpu.memory_space<vmem>>
    %dma_start3A_155 = arith.constant 0 : i32
    %dma_start3A_156 = tpu.memref_slice %arg3[%add3A, %dma_start3A_149, %dma_start3A_155] : memref<32x250x40xi32, #tpu.memory_space<hbm>> -> memref<1x1x40xi32, #tpu.memory_space<hbm>>
    %dma_start3A_157 = tpu.memref_squeeze %dma_start3A_156 : memref<1x1x40xi32, #tpu.memory_space<hbm>> -> memref<40xi32, #tpu.memory_space<hbm>>
    %dma_start3A_158 = tpu.memref_slice %arg11[%dma_start3A_151] : memref<5x!tpu.dma_semaphore, #tpu.memory_space<semaphore_mem>> -> memref<1x!tpu.dma_semaphore, #tpu.memory_space<semaphore_mem>>
    %dma_start3A_159 = tpu.memref_squeeze %dma_start3A_158 : memref<1x!tpu.dma_semaphore, #tpu.memory_space<semaphore_mem>> -> memref<!tpu.dma_semaphore, #tpu.memory_space<semaphore_mem>>
    %dma_start3A_160 = arith.constant 0 : i32
    %dma_start3A_161 = tpu.memref_slice %arg7[%dma_start3A_150, %dma_start3A_160] : memref<5x40xi32, #tpu.memory_space<vmem>> -> memref<1x40xi32, #tpu.memory_space<vmem>>
    %dma_start3A_162 = tpu.memref_squeeze %dma_start3A_161 : memref<1x40xi32, #tpu.memory_space<vmem>> -> memref<40xi32, #tpu.memory_space<vmem>>
    %dma_start3A_163 = arith.constant 0 : i32
    %dma_start3A_164 = tpu.memref_slice %arg3[%add3A, %dma_start3A_149, %dma_start3A_163] : memref<32x250x40xi32, #tpu.memory_space<hbm>> -> memref<1x1x40xi32, #tpu.memory_space<hbm>>
    %dma_start3A_165 = tpu.memref_squeeze %dma_start3A_164 : memref<1x1x40xi32, #tpu.memory_space<hbm>> -> memref<40xi32, #tpu.memory_space<hbm>>
    tpu.enqueue_dma source(%dma_start3A_165 : memref<40xi32, #tpu.memory_space<hbm>>) target(%dma_start3A_162 : memref<40xi32, #tpu.memory_space<vmem>>) target_semaphore(%dma_start3A_159 : memref<!tpu.dma_semaphore, #tpu.memory_space<semaphore_mem>>)
    %dma_start3A_166 = arith.constant 3 : i32
    %dma_start3A_167 = arith.constant 3 : i32
    %dma_start3A_168 = arith.constant 3 : i32
    %dma_start3A_169 = arith.constant 0 : i32
    %dma_start3A_170 = tpu.memref_slice %arg8[%dma_start3A_167, %dma_start3A_169] : memref<5x40xi32, #tpu.memory_space<vmem>> -> memref<1x40xi32, #tpu.memory_space<vmem>>
    %dma_start3A_171 = tpu.memref_squeeze %dma_start3A_170 : memref<1x40xi32, #tpu.memory_space<vmem>> -> memref<40xi32, #tpu.memory_space<vmem>>
    %dma_start3A_172 = arith.constant 0 : i32
    %dma_start3A_173 = tpu.memref_slice %arg4[%add3A, %dma_start3A_166, %dma_start3A_172] : memref<32x250x40xi32, #tpu.memory_space<hbm>> -> memref<1x1x40xi32, #tpu.memory_space<hbm>>
    %dma_start3A_174 = tpu.memref_squeeze %dma_start3A_173 : memref<1x1x40xi32, #tpu.memory_space<hbm>> -> memref<40xi32, #tpu.memory_space<hbm>>
    %dma_start3A_175 = tpu.memref_slice %arg11[%dma_start3A_168] : memref<5x!tpu.dma_semaphore, #tpu.memory_space<semaphore_mem>> -> memref<1x!tpu.dma_semaphore, #tpu.memory_space<semaphore_mem>>
    %dma_start3A_176 = tpu.memref_squeeze %dma_start3A_175 : memref<1x!tpu.dma_semaphore, #tpu.memory_space<semaphore_mem>> -> memref<!tpu.dma_semaphore, #tpu.memory_space<semaphore_mem>>
    %dma_start3A_177 = arith.constant 0 : i32
    %dma_start3A_178 = tpu.memref_slice %arg8[%dma_start3A_167, %dma_start3A_177] : memref<5x40xi32, #tpu.memory_space<vmem>> -> memref<1x40xi32, #tpu.memory_space<vmem>>
    %dma_start3A_179 = tpu.memref_squeeze %dma_start3A_178 : memref<1x40xi32, #tpu.memory_space<vmem>> -> memref<40xi32, #tpu.memory_space<vmem>>
    %dma_start3A_180 = arith.constant 0 : i32
    %dma_start3A_181 = tpu.memref_slice %arg4[%add3A, %dma_start3A_166, %dma_start3A_180] : memref<32x250x40xi32, #tpu.memory_space<hbm>> -> memref<1x1x40xi32, #tpu.memory_space<hbm>>
    %dma_start3A_182 = tpu.memref_squeeze %dma_start3A_181 : memref<1x1x40xi32, #tpu.memory_space<hbm>> -> memref<40xi32, #tpu.memory_space<hbm>>
    tpu.enqueue_dma source(%dma_start3A_182 : memref<40xi32, #tpu.memory_space<hbm>>) target(%dma_start3A_179 : memref<40xi32, #tpu.memory_space<vmem>>) target_semaphore(%dma_start3A_176 : memref<!tpu.dma_semaphore, #tpu.memory_space<semaphore_mem>>)
    %dma_wait3A = arith.constant 0 : i32
    %dma_wait3A_183 = arith.constant 0 : i32
    %dma_wait3A_184 = arith.constant 0 : i32
    %dma_wait3A_185 = arith.constant 0 : i32
    %dma_wait3A_186 = tpu.memref_slice %arg7[%dma_wait3A_183, %dma_wait3A_185] : memref<5x40xi32, #tpu.memory_space<vmem>> -> memref<1x40xi32, #tpu.memory_space<vmem>>
    %dma_wait3A_187 = tpu.memref_squeeze %dma_wait3A_186 : memref<1x40xi32, #tpu.memory_space<vmem>> -> memref<40xi32, #tpu.memory_space<vmem>>
    %dma_wait3A_188 = arith.constant 0 : i32
    %dma_wait3A_189 = tpu.memref_slice %arg3[%add3A, %dma_wait3A, %dma_wait3A_188] : memref<32x250x40xi32, #tpu.memory_space<hbm>> -> memref<1x1x40xi32, #tpu.memory_space<hbm>>
    %dma_wait3A_190 = tpu.memref_squeeze %dma_wait3A_189 : memref<1x1x40xi32, #tpu.memory_space<hbm>> -> memref<40xi32, #tpu.memory_space<hbm>>
    %dma_wait3A_191 = tpu.memref_slice %arg11[%dma_wait3A_184] : memref<5x!tpu.dma_semaphore, #tpu.memory_space<semaphore_mem>> -> memref<1x!tpu.dma_semaphore, #tpu.memory_space<semaphore_mem>>
    %dma_wait3A_192 = tpu.memref_squeeze %dma_wait3A_191 : memref<1x!tpu.dma_semaphore, #tpu.memory_space<semaphore_mem>> -> memref<!tpu.dma_semaphore, #tpu.memory_space<semaphore_mem>>
    %dma_wait3A_193 = arith.constant 0 : i32
    %dma_wait3A_194 = tpu.memref_slice %arg7[%dma_wait3A_183, %dma_wait3A_193] : memref<5x40xi32, #tpu.memory_space<vmem>> -> memref<1x40xi32, #tpu.memory_space<vmem>>
    %dma_wait3A_195 = tpu.memref_squeeze %dma_wait3A_194 : memref<1x40xi32, #tpu.memory_space<vmem>> -> memref<40xi32, #tpu.memory_space<vmem>>
    %dma_wait3A_196 = arith.constant 0 : i32
    %dma_wait3A_197 = tpu.memref_slice %arg3[%add3A, %dma_wait3A, %dma_wait3A_196] : memref<32x250x40xi32, #tpu.memory_space<hbm>> -> memref<1x1x40xi32, #tpu.memory_space<hbm>>
    %dma_wait3A_198 = tpu.memref_squeeze %dma_wait3A_197 : memref<1x1x40xi32, #tpu.memory_space<hbm>> -> memref<40xi32, #tpu.memory_space<hbm>>
    tpu.wait_dma2 semaphore(%dma_wait3A_192 : memref<!tpu.dma_semaphore, #tpu.memory_space<semaphore_mem>>) src(%dma_wait3A_198 : memref<40xi32, #tpu.memory_space<hbm>>) dst(%dma_wait3A_195 : memref<40xi32, #tpu.memory_space<vmem>>)
    %dma_wait3A_199 = arith.constant 0 : i32
    %dma_wait3A_200 = arith.constant 0 : i32
    %dma_wait3A_201 = arith.constant 0 : i32
    %dma_wait3A_202 = arith.constant 0 : i32
    %dma_wait3A_203 = tpu.memref_slice %arg8[%dma_wait3A_200, %dma_wait3A_202] : memref<5x40xi32, #tpu.memory_space<vmem>> -> memref<1x40xi32, #tpu.memory_space<vmem>>
    %dma_wait3A_204 = tpu.memref_squeeze %dma_wait3A_203 : memref<1x40xi32, #tpu.memory_space<vmem>> -> memref<40xi32, #tpu.memory_space<vmem>>
    %dma_wait3A_205 = arith.constant 0 : i32
    %dma_wait3A_206 = tpu.memref_slice %arg4[%add3A, %dma_wait3A_199, %dma_wait3A_205] : memref<32x250x40xi32, #tpu.memory_space<hbm>> -> memref<1x1x40xi32, #tpu.memory_space<hbm>>
    %dma_wait3A_207 = tpu.memref_squeeze %dma_wait3A_206 : memref<1x1x40xi32, #tpu.memory_space<hbm>> -> memref<40xi32, #tpu.memory_space<hbm>>
    %dma_wait3A_208 = tpu.memref_slice %arg11[%dma_wait3A_201] : memref<5x!tpu.dma_semaphore, #tpu.memory_space<semaphore_mem>> -> memref<1x!tpu.dma_semaphore, #tpu.memory_space<semaphore_mem>>
    %dma_wait3A_209 = tpu.memref_squeeze %dma_wait3A_208 : memref<1x!tpu.dma_semaphore, #tpu.memory_space<semaphore_mem>> -> memref<!tpu.dma_semaphore, #tpu.memory_space<semaphore_mem>>
    %dma_wait3A_210 = arith.constant 0 : i32
    %dma_wait3A_211 = tpu.memref_slice %arg8[%dma_wait3A_200, %dma_wait3A_210] : memref<5x40xi32, #tpu.memory_space<vmem>> -> memref<1x40xi32, #tpu.memory_space<vmem>>
    %dma_wait3A_212 = tpu.memref_squeeze %dma_wait3A_211 : memref<1x40xi32, #tpu.memory_space<vmem>> -> memref<40xi32, #tpu.memory_space<vmem>>
    %dma_wait3A_213 = arith.constant 0 : i32
    %dma_wait3A_214 = tpu.memref_slice %arg4[%add3A, %dma_wait3A_199, %dma_wait3A_213] : memref<32x250x40xi32, #tpu.memory_space<hbm>> -> memref<1x1x40xi32, #tpu.memory_space<hbm>>
    %dma_wait3A_215 = tpu.memref_squeeze %dma_wait3A_214 : memref<1x1x40xi32, #tpu.memory_space<hbm>> -> memref<40xi32, #tpu.memory_space<hbm>>
    tpu.wait_dma2 semaphore(%dma_wait3A_209 : memref<!tpu.dma_semaphore, #tpu.memory_space<semaphore_mem>>) src(%dma_wait3A_215 : memref<40xi32, #tpu.memory_space<hbm>>) dst(%dma_wait3A_212 : memref<40xi32, #tpu.memory_space<vmem>>)
    %dma_start3A_216 = arith.constant 0 : i32
    %dma_start3A_217 = arith.constant 0 : i32
    %dma_start3A_218 = arith.constant 0 : i32
    %dma_start3A_219 = arith.constant 0 : i32
    %dma_start3A_220 = arith.constant 0 : i32
    %dma_start3A_221 = tpu.memref_slice %arg9[%dma_start3A_217, %dma_start3A_219, %dma_start3A_220] : memref<5x40x128xf32, #tpu.memory_space<vmem>> -> memref<1x40x128xf32, #tpu.memory_space<vmem>>
    %dma_start3A_222 = tpu.memref_squeeze %dma_start3A_221 : memref<1x40x128xf32, #tpu.memory_space<vmem>> -> memref<40x128xf32, #tpu.memory_space<vmem>>
    %dma_start3A_223 = arith.constant 0 : i32
    %dma_start3A_224 = tpu.memref_slice %arg7[%dma_start3A_216, %dma_start3A_223] : memref<5x40xi32, #tpu.memory_space<vmem>> -> memref<1x40xi32, #tpu.memory_space<vmem>>
    %dma_start3A_225 = tpu.memref_squeeze %dma_start3A_224 : memref<1x40xi32, #tpu.memory_space<vmem>> -> memref<40xi32, #tpu.memory_space<vmem>>
    %dma_start3A_226 = arith.constant 0 : i32
    %dma_start3A_227 = arith.constant 0 : i32
    %dma_start3A_228 = tpu.memref_slice %arg2[%dma_start3A_226, %dma_start3A_227] : memref<10000x128xf32, #tpu.memory_space<hbm>> -> memref<10000x128xf32, #tpu.memory_space<hbm>>
    %dma_start3A_229 = tpu.memref_slice %arg12[%dma_start3A_218] : memref<5x!tpu.dma_semaphore, #tpu.memory_space<semaphore_mem>> -> memref<1x!tpu.dma_semaphore, #tpu.memory_space<semaphore_mem>>
    %dma_start3A_230 = tpu.memref_squeeze %dma_start3A_229 : memref<1x!tpu.dma_semaphore, #tpu.memory_space<semaphore_mem>> -> memref<!tpu.dma_semaphore, #tpu.memory_space<semaphore_mem>>
    tpu.enqueue_indirect_dma source(%dma_start3A_228 : memref<10000x128xf32, #tpu.memory_space<hbm>>) target(%dma_start3A_222 : memref<40x128xf32, #tpu.memory_space<vmem>>) offsets(%dma_start3A_225 : memref<40xi32, #tpu.memory_space<vmem>>) semaphore(%dma_start3A_230 : memref<!tpu.dma_semaphore, #tpu.memory_space<semaphore_mem>>)
    %dma_wait3A_231 = arith.constant 0 : i32
    %dma_wait3A_232 = arith.constant 1 : i32
    %dma_wait3A_233 = arith.constant 1 : i32
    %dma_wait3A_234 = arith.constant 0 : i32
    %dma_wait3A_235 = tpu.memref_slice %arg7[%dma_wait3A_232, %dma_wait3A_234] : memref<5x40xi32, #tpu.memory_space<vmem>> -> memref<1x40xi32, #tpu.memory_space<vmem>>
    %dma_wait3A_236 = tpu.memref_squeeze %dma_wait3A_235 : memref<1x40xi32, #tpu.memory_space<vmem>> -> memref<40xi32, #tpu.memory_space<vmem>>
    %dma_wait3A_237 = arith.constant 0 : i32
    %dma_wait3A_238 = tpu.memref_slice %arg3[%add3A, %dma_wait3A_231, %dma_wait3A_237] : memref<32x250x40xi32, #tpu.memory_space<hbm>> -> memref<1x1x40xi32, #tpu.memory_space<hbm>>
    %dma_wait3A_239 = tpu.memref_squeeze %dma_wait3A_238 : memref<1x1x40xi32, #tpu.memory_space<hbm>> -> memref<40xi32, #tpu.memory_space<hbm>>
    %dma_wait3A_240 = tpu.memref_slice %arg11[%dma_wait3A_233] : memref<5x!tpu.dma_semaphore, #tpu.memory_space<semaphore_mem>> -> memref<1x!tpu.dma_semaphore, #tpu.memory_space<semaphore_mem>>
    %dma_wait3A_241 = tpu.memref_squeeze %dma_wait3A_240 : memref<1x!tpu.dma_semaphore, #tpu.memory_space<semaphore_mem>> -> memref<!tpu.dma_semaphore, #tpu.memory_space<semaphore_mem>>
    %dma_wait3A_242 = arith.constant 0 : i32
    %dma_wait3A_243 = tpu.memref_slice %arg7[%dma_wait3A_232, %dma_wait3A_242] : memref<5x40xi32, #tpu.memory_space<vmem>> -> memref<1x40xi32, #tpu.memory_space<vmem>>
    %dma_wait3A_244 = tpu.memref_squeeze %dma_wait3A_243 : memref<1x40xi32, #tpu.memory_space<vmem>> -> memref<40xi32, #tpu.memory_space<vmem>>
    %dma_wait3A_245 = arith.constant 0 : i32
    %dma_wait3A_246 = tpu.memref_slice %arg3[%add3A, %dma_wait3A_231, %dma_wait3A_245] : memref<32x250x40xi32, #tpu.memory_space<hbm>> -> memref<1x1x40xi32, #tpu.memory_space<hbm>>
    %dma_wait3A_247 = tpu.memref_squeeze %dma_wait3A_246 : memref<1x1x40xi32, #tpu.memory_space<hbm>> -> memref<40xi32, #tpu.memory_space<hbm>>
    tpu.wait_dma2 semaphore(%dma_wait3A_241 : memref<!tpu.dma_semaphore, #tpu.memory_space<semaphore_mem>>) src(%dma_wait3A_247 : memref<40xi32, #tpu.memory_space<hbm>>) dst(%dma_wait3A_244 : memref<40xi32, #tpu.memory_space<vmem>>)
    %dma_wait3A_248 = arith.constant 0 : i32
    %dma_wait3A_249 = arith.constant 1 : i32
    %dma_wait3A_250 = arith.constant 1 : i32
    %dma_wait3A_251 = arith.constant 0 : i32
    %dma_wait3A_252 = tpu.memref_slice %arg8[%dma_wait3A_249, %dma_wait3A_251] : memref<5x40xi32, #tpu.memory_space<vmem>> -> memref<1x40xi32, #tpu.memory_space<vmem>>
    %dma_wait3A_253 = tpu.memref_squeeze %dma_wait3A_252 : memref<1x40xi32, #tpu.memory_space<vmem>> -> memref<40xi32, #tpu.memory_space<vmem>>
    %dma_wait3A_254 = arith.constant 0 : i32
    %dma_wait3A_255 = tpu.memref_slice %arg4[%add3A, %dma_wait3A_248, %dma_wait3A_254] : memref<32x250x40xi32, #tpu.memory_space<hbm>> -> memref<1x1x40xi32, #tpu.memory_space<hbm>>
    %dma_wait3A_256 = tpu.memref_squeeze %dma_wait3A_255 : memref<1x1x40xi32, #tpu.memory_space<hbm>> -> memref<40xi32, #tpu.memory_space<hbm>>
    %dma_wait3A_257 = tpu.memref_slice %arg11[%dma_wait3A_250] : memref<5x!tpu.dma_semaphore, #tpu.memory_space<semaphore_mem>> -> memref<1x!tpu.dma_semaphore, #tpu.memory_space<semaphore_mem>>
    %dma_wait3A_258 = tpu.memref_squeeze %dma_wait3A_257 : memref<1x!tpu.dma_semaphore, #tpu.memory_space<semaphore_mem>> -> memref<!tpu.dma_semaphore, #tpu.memory_space<semaphore_mem>>
    %dma_wait3A_259 = arith.constant 0 : i32
    %dma_wait3A_260 = tpu.memref_slice %arg8[%dma_wait3A_249, %dma_wait3A_259] : memref<5x40xi32, #tpu.memory_space<vmem>> -> memref<1x40xi32, #tpu.memory_space<vmem>>
    %dma_wait3A_261 = tpu.memref_squeeze %dma_wait3A_260 : memref<1x40xi32, #tpu.memory_space<vmem>> -> memref<40xi32, #tpu.memory_space<vmem>>
    %dma_wait3A_262 = arith.constant 0 : i32
    %dma_wait3A_263 = tpu.memref_slice %arg4[%add3A, %dma_wait3A_248, %dma_wait3A_262] : memref<32x250x40xi32, #tpu.memory_space<hbm>> -> memref<1x1x40xi32, #tpu.memory_space<hbm>>
    %dma_wait3A_264 = tpu.memref_squeeze %dma_wait3A_263 : memref<1x1x40xi32, #tpu.memory_space<hbm>> -> memref<40xi32, #tpu.memory_space<hbm>>
    tpu.wait_dma2 semaphore(%dma_wait3A_258 : memref<!tpu.dma_semaphore, #tpu.memory_space<semaphore_mem>>) src(%dma_wait3A_264 : memref<40xi32, #tpu.memory_space<hbm>>) dst(%dma_wait3A_261 : memref<40xi32, #tpu.memory_space<vmem>>)
    %dma_start3A_265 = arith.constant 1 : i32
    %dma_start3A_266 = arith.constant 1 : i32
    %dma_start3A_267 = arith.constant 1 : i32
    %dma_start3A_268 = arith.constant 0 : i32
    %dma_start3A_269 = arith.constant 0 : i32
    %dma_start3A_270 = tpu.memref_slice %arg9[%dma_start3A_266, %dma_start3A_268, %dma_start3A_269] : memref<5x40x128xf32, #tpu.memory_space<vmem>> -> memref<1x40x128xf32, #tpu.memory_space<vmem>>
    %dma_start3A_271 = tpu.memref_squeeze %dma_start3A_270 : memref<1x40x128xf32, #tpu.memory_space<vmem>> -> memref<40x128xf32, #tpu.memory_space<vmem>>
    %dma_start3A_272 = arith.constant 0 : i32
    %dma_start3A_273 = tpu.memref_slice %arg7[%dma_start3A_265, %dma_start3A_272] : memref<5x40xi32, #tpu.memory_space<vmem>> -> memref<1x40xi32, #tpu.memory_space<vmem>>
    %dma_start3A_274 = tpu.memref_squeeze %dma_start3A_273 : memref<1x40xi32, #tpu.memory_space<vmem>> -> memref<40xi32, #tpu.memory_space<vmem>>
    %dma_start3A_275 = arith.constant 0 : i32
    %dma_start3A_276 = arith.constant 0 : i32
    %dma_start3A_277 = tpu.memref_slice %arg2[%dma_start3A_275, %dma_start3A_276] : memref<10000x128xf32, #tpu.memory_space<hbm>> -> memref<10000x128xf32, #tpu.memory_space<hbm>>
    %dma_start3A_278 = tpu.memref_slice %arg12[%dma_start3A_267] : memref<5x!tpu.dma_semaphore, #tpu.memory_space<semaphore_mem>> -> memref<1x!tpu.dma_semaphore, #tpu.memory_space<semaphore_mem>>
    %dma_start3A_279 = tpu.memref_squeeze %dma_start3A_278 : memref<1x!tpu.dma_semaphore, #tpu.memory_space<semaphore_mem>> -> memref<!tpu.dma_semaphore, #tpu.memory_space<semaphore_mem>>
    tpu.enqueue_indirect_dma source(%dma_start3A_277 : memref<10000x128xf32, #tpu.memory_space<hbm>>) target(%dma_start3A_271 : memref<40x128xf32, #tpu.memory_space<vmem>>) offsets(%dma_start3A_274 : memref<40xi32, #tpu.memory_space<vmem>>) semaphore(%dma_start3A_279 : memref<!tpu.dma_semaphore, #tpu.memory_space<semaphore_mem>>)
    %dma_wait3A_280 = arith.constant 0 : i32
    %dma_wait3A_281 = arith.constant 2 : i32
    %dma_wait3A_282 = arith.constant 2 : i32
    %dma_wait3A_283 = arith.constant 0 : i32
    %dma_wait3A_284 = tpu.memref_slice %arg7[%dma_wait3A_281, %dma_wait3A_283] : memref<5x40xi32, #tpu.memory_space<vmem>> -> memref<1x40xi32, #tpu.memory_space<vmem>>
    %dma_wait3A_285 = tpu.memref_squeeze %dma_wait3A_284 : memref<1x40xi32, #tpu.memory_space<vmem>> -> memref<40xi32, #tpu.memory_space<vmem>>
    %dma_wait3A_286 = arith.constant 0 : i32
    %dma_wait3A_287 = tpu.memref_slice %arg3[%add3A, %dma_wait3A_280, %dma_wait3A_286] : memref<32x250x40xi32, #tpu.memory_space<hbm>> -> memref<1x1x40xi32, #tpu.memory_space<hbm>>
    %dma_wait3A_288 = tpu.memref_squeeze %dma_wait3A_287 : memref<1x1x40xi32, #tpu.memory_space<hbm>> -> memref<40xi32, #tpu.memory_space<hbm>>
    %dma_wait3A_289 = tpu.memref_slice %arg11[%dma_wait3A_282] : memref<5x!tpu.dma_semaphore, #tpu.memory_space<semaphore_mem>> -> memref<1x!tpu.dma_semaphore, #tpu.memory_space<semaphore_mem>>
    %dma_wait3A_290 = tpu.memref_squeeze %dma_wait3A_289 : memref<1x!tpu.dma_semaphore, #tpu.memory_space<semaphore_mem>> -> memref<!tpu.dma_semaphore, #tpu.memory_space<semaphore_mem>>
    %dma_wait3A_291 = arith.constant 0 : i32
    %dma_wait3A_292 = tpu.memref_slice %arg7[%dma_wait3A_281, %dma_wait3A_291] : memref<5x40xi32, #tpu.memory_space<vmem>> -> memref<1x40xi32, #tpu.memory_space<vmem>>
    %dma_wait3A_293 = tpu.memref_squeeze %dma_wait3A_292 : memref<1x40xi32, #tpu.memory_space<vmem>> -> memref<40xi32, #tpu.memory_space<vmem>>
    %dma_wait3A_294 = arith.constant 0 : i32
    %dma_wait3A_295 = tpu.memref_slice %arg3[%add3A, %dma_wait3A_280, %dma_wait3A_294] : memref<32x250x40xi32, #tpu.memory_space<hbm>> -> memref<1x1x40xi32, #tpu.memory_space<hbm>>
    %dma_wait3A_296 = tpu.memref_squeeze %dma_wait3A_295 : memref<1x1x40xi32, #tpu.memory_space<hbm>> -> memref<40xi32, #tpu.memory_space<hbm>>
    tpu.wait_dma2 semaphore(%dma_wait3A_290 : memref<!tpu.dma_semaphore, #tpu.memory_space<semaphore_mem>>) src(%dma_wait3A_296 : memref<40xi32, #tpu.memory_space<hbm>>) dst(%dma_wait3A_293 : memref<40xi32, #tpu.memory_space<vmem>>)
    %dma_wait3A_297 = arith.constant 0 : i32
    %dma_wait3A_298 = arith.constant 2 : i32
    %dma_wait3A_299 = arith.constant 2 : i32
    %dma_wait3A_300 = arith.constant 0 : i32
    %dma_wait3A_301 = tpu.memref_slice %arg8[%dma_wait3A_298, %dma_wait3A_300] : memref<5x40xi32, #tpu.memory_space<vmem>> -> memref<1x40xi32, #tpu.memory_space<vmem>>
    %dma_wait3A_302 = tpu.memref_squeeze %dma_wait3A_301 : memref<1x40xi32, #tpu.memory_space<vmem>> -> memref<40xi32, #tpu.memory_space<vmem>>
    %dma_wait3A_303 = arith.constant 0 : i32
    %dma_wait3A_304 = tpu.memref_slice %arg4[%add3A, %dma_wait3A_297, %dma_wait3A_303] : memref<32x250x40xi32, #tpu.memory_space<hbm>> -> memref<1x1x40xi32, #tpu.memory_space<hbm>>
    %dma_wait3A_305 = tpu.memref_squeeze %dma_wait3A_304 : memref<1x1x40xi32, #tpu.memory_space<hbm>> -> memref<40xi32, #tpu.memory_space<hbm>>
    %dma_wait3A_306 = tpu.memref_slice %arg11[%dma_wait3A_299] : memref<5x!tpu.dma_semaphore, #tpu.memory_space<semaphore_mem>> -> memref<1x!tpu.dma_semaphore, #tpu.memory_space<semaphore_mem>>
    %dma_wait3A_307 = tpu.memref_squeeze %dma_wait3A_306 : memref<1x!tpu.dma_semaphore, #tpu.memory_space<semaphore_mem>> -> memref<!tpu.dma_semaphore, #tpu.memory_space<semaphore_mem>>
    %dma_wait3A_308 = arith.constant 0 : i32
    %dma_wait3A_309 = tpu.memref_slice %arg8[%dma_wait3A_298, %dma_wait3A_308] : memref<5x40xi32, #tpu.memory_space<vmem>> -> memref<1x40xi32, #tpu.memory_space<vmem>>
    %dma_wait3A_310 = tpu.memref_squeeze %dma_wait3A_309 : memref<1x40xi32, #tpu.memory_space<vmem>> -> memref<40xi32, #tpu.memory_space<vmem>>
    %dma_wait3A_311 = arith.constant 0 : i32
    %dma_wait3A_312 = tpu.memref_slice %arg4[%add3A, %dma_wait3A_297, %dma_wait3A_311] : memref<32x250x40xi32, #tpu.memory_space<hbm>> -> memref<1x1x40xi32, #tpu.memory_space<hbm>>
    %dma_wait3A_313 = tpu.memref_squeeze %dma_wait3A_312 : memref<1x1x40xi32, #tpu.memory_space<hbm>> -> memref<40xi32, #tpu.memory_space<hbm>>
    tpu.wait_dma2 semaphore(%dma_wait3A_307 : memref<!tpu.dma_semaphore, #tpu.memory_space<semaphore_mem>>) src(%dma_wait3A_313 : memref<40xi32, #tpu.memory_space<hbm>>) dst(%dma_wait3A_310 : memref<40xi32, #tpu.memory_space<vmem>>)
    %dma_start3A_314 = arith.constant 2 : i32
    %dma_start3A_315 = arith.constant 2 : i32
    %dma_start3A_316 = arith.constant 2 : i32
    %dma_start3A_317 = arith.constant 0 : i32
    %dma_start3A_318 = arith.constant 0 : i32
    %dma_start3A_319 = tpu.memref_slice %arg9[%dma_start3A_315, %dma_start3A_317, %dma_start3A_318] : memref<5x40x128xf32, #tpu.memory_space<vmem>> -> memref<1x40x128xf32, #tpu.memory_space<vmem>>
    %dma_start3A_320 = tpu.memref_squeeze %dma_start3A_319 : memref<1x40x128xf32, #tpu.memory_space<vmem>> -> memref<40x128xf32, #tpu.memory_space<vmem>>
    %dma_start3A_321 = arith.constant 0 : i32
    %dma_start3A_322 = tpu.memref_slice %arg7[%dma_start3A_314, %dma_start3A_321] : memref<5x40xi32, #tpu.memory_space<vmem>> -> memref<1x40xi32, #tpu.memory_space<vmem>>
    %dma_start3A_323 = tpu.memref_squeeze %dma_start3A_322 : memref<1x40xi32, #tpu.memory_space<vmem>> -> memref<40xi32, #tpu.memory_space<vmem>>
    %dma_start3A_324 = arith.constant 0 : i32
    %dma_start3A_325 = arith.constant 0 : i32
    %dma_start3A_326 = tpu.memref_slice %arg2[%dma_start3A_324, %dma_start3A_325] : memref<10000x128xf32, #tpu.memory_space<hbm>> -> memref<10000x128xf32, #tpu.memory_space<hbm>>
    %dma_start3A_327 = tpu.memref_slice %arg12[%dma_start3A_316] : memref<5x!tpu.dma_semaphore, #tpu.memory_space<semaphore_mem>> -> memref<1x!tpu.dma_semaphore, #tpu.memory_space<semaphore_mem>>
    %dma_start3A_328 = tpu.memref_squeeze %dma_start3A_327 : memref<1x!tpu.dma_semaphore, #tpu.memory_space<semaphore_mem>> -> memref<!tpu.dma_semaphore, #tpu.memory_space<semaphore_mem>>
    tpu.enqueue_indirect_dma source(%dma_start3A_326 : memref<10000x128xf32, #tpu.memory_space<hbm>>) target(%dma_start3A_320 : memref<40x128xf32, #tpu.memory_space<vmem>>) offsets(%dma_start3A_323 : memref<40xi32, #tpu.memory_space<vmem>>) semaphore(%dma_start3A_328 : memref<!tpu.dma_semaphore, #tpu.memory_space<semaphore_mem>>)
    %scan3A_329 = arith.constant 0 : i32
    %scan3A_330 = arith.constant 0 : i32
    %scan3A_331 = arith.constant 50 : i32
    %scan3A_332 = arith.addi %scan3A_330, %scan3A_331 : i32
    %scan3A_333 = arith.constant 1 : i32
    %scan3A_334 = scf.for %scan3A_431 = %scan3A_330 to %scan3A_332 step %scan3A_333 iter_args(%scan3A_432 = %scan3A_329) -> (i32)  : i32 {
      %mul3A_433 = arith.constant 5 : i32
      %mul3A_434 = arith.muli %scan3A_431, %mul3A_433 : i32
      %add3A_435 = arith.constant 0 : i32
      %add3A_436 = arith.addi %mul3A_434, %add3A_435 : i32
      %dma_wait3A_437 = arith.constant 0 : i32
      %dma_wait3A_438 = arith.constant 0 : i32
      %dma_wait3A_439 = arith.constant 0 : i32
      %dma_wait3A_440 = arith.constant 0 : i32
      %dma_wait3A_441 = tpu.memref_slice %arg9[%dma_wait3A_437, %dma_wait3A_439, %dma_wait3A_440] : memref<5x40x128xf32, #tpu.memory_space<vmem>> -> memref<1x40x128xf32, #tpu.memory_space<vmem>>
      %dma_wait3A_442 = tpu.memref_squeeze %dma_wait3A_441 : memref<1x40x128xf32, #tpu.memory_space<vmem>> -> memref<40x128xf32, #tpu.memory_space<vmem>>
      %dma_wait3A_443 = arith.constant 0 : i32
      %dma_wait3A_444 = arith.constant 0 : i32
      %dma_wait3A_445 = tpu.memref_slice %arg2[%dma_wait3A_443, %dma_wait3A_444] : memref<10000x128xf32, #tpu.memory_space<hbm>> -> memref<40x128xf32, #tpu.memory_space<hbm>>
      %dma_wait3A_446 = tpu.memref_slice %arg12[%dma_wait3A_438] : memref<5x!tpu.dma_semaphore, #tpu.memory_space<semaphore_mem>> -> memref<1x!tpu.dma_semaphore, #tpu.memory_space<semaphore_mem>>
      %dma_wait3A_447 = tpu.memref_squeeze %dma_wait3A_446 : memref<1x!tpu.dma_semaphore, #tpu.memory_space<semaphore_mem>> -> memref<!tpu.dma_semaphore, #tpu.memory_space<semaphore_mem>>
      %dma_wait3A_448 = arith.constant 0 : i32
      %dma_wait3A_449 = arith.constant 0 : i32
      %dma_wait3A_450 = tpu.memref_slice %arg9[%dma_wait3A_437, %dma_wait3A_448, %dma_wait3A_449] : memref<5x40x128xf32, #tpu.memory_space<vmem>> -> memref<1x40x128xf32, #tpu.memory_space<vmem>>
      %dma_wait3A_451 = tpu.memref_squeeze %dma_wait3A_450 : memref<1x40x128xf32, #tpu.memory_space<vmem>> -> memref<40x128xf32, #tpu.memory_space<vmem>>
      %dma_wait3A_452 = arith.constant 0 : i32
      %dma_wait3A_453 = arith.constant 0 : i32
      %dma_wait3A_454 = tpu.memref_slice %arg2[%dma_wait3A_452, %dma_wait3A_453] : memref<10000x128xf32, #tpu.memory_space<hbm>> -> memref<40x128xf32, #tpu.memory_space<hbm>>
      tpu.wait_dma2 semaphore(%dma_wait3A_447 : memref<!tpu.dma_semaphore, #tpu.memory_space<semaphore_mem>>) src(%dma_wait3A_454 : memref<40x128xf32, #tpu.memory_space<hbm>>) dst(%dma_wait3A_451 : memref<40x128xf32, #tpu.memory_space<vmem>>)
      %dma_start3A_455 = arith.constant 0 : i32
      %dma_start3A_456 = arith.constant 0 : i32
      %dma_start3A_457 = arith.constant 0 : i32
      %dma_start3A_458 = arith.constant 0 : i32
      %dma_start3A_459 = arith.constant 0 : i32
      %dma_start3A_460 = tpu.memref_slice %arg9[%dma_start3A_455, %dma_start3A_458, %dma_start3A_459] : memref<5x40x128xf32, #tpu.memory_space<vmem>> -> memref<1x40x128xf32, #tpu.memory_space<vmem>>
      %dma_start3A_461 = tpu.memref_squeeze %dma_start3A_460 : memref<1x40x128xf32, #tpu.memory_space<vmem>> -> memref<40x128xf32, #tpu.memory_space<vmem>>
      %dma_start3A_462 = arith.constant 0 : i32
      %dma_start3A_463 = tpu.memref_slice %arg8[%dma_start3A_456, %dma_start3A_462] : memref<5x40xi32, #tpu.memory_space<vmem>> -> memref<1x40xi32, #tpu.memory_space<vmem>>
      %dma_start3A_464 = tpu.memref_squeeze %dma_start3A_463 : memref<1x40xi32, #tpu.memory_space<vmem>> -> memref<40xi32, #tpu.memory_space<vmem>>
      %dma_start3A_465 = arith.constant 0 : i32
      %dma_start3A_466 = arith.constant 0 : i32
      %dma_start3A_467 = tpu.memref_slice %arg6[%dma_start3A_465, %dma_start3A_466] : memref<10240x128xf32, #tpu.memory_space<vmem_shared>> -> memref<10240x128xf32, #tpu.memory_space<vmem_shared>>
      %dma_start3A_468 = tpu.memref_slice %arg13[%dma_start3A_457] : memref<5x!tpu.dma_semaphore, #tpu.memory_space<semaphore_mem>> -> memref<1x!tpu.dma_semaphore, #tpu.memory_space<semaphore_mem>>
      %dma_start3A_469 = tpu.memref_squeeze %dma_start3A_468 : memref<1x!tpu.dma_semaphore, #tpu.memory_space<semaphore_mem>> -> memref<!tpu.dma_semaphore, #tpu.memory_space<semaphore_mem>>
      tpu.enqueue_indirect_dma source(%dma_start3A_461 : memref<40x128xf32, #tpu.memory_space<vmem>>) target(%dma_start3A_467 : memref<10240x128xf32, #tpu.memory_space<vmem_shared>>) offsets(%dma_start3A_464 : memref<40xi32, #tpu.memory_space<vmem>>) semaphore(%dma_start3A_469 : memref<!tpu.dma_semaphore, #tpu.memory_space<semaphore_mem>>) {add = true}
      %add3A_470 = arith.constant 4 : i32
      %add3A_471 = arith.addi %add3A_436, %add3A_470 : i32
      %lt3A = arith.constant 250 : i32
      %lt3A_472 = arith.cmpi slt, %add3A_471, %lt3A : i32
      %convert_element_type3A = arith.extui %lt3A_472 : i1 to i32
      %cond3A = arith.constant 0 : i32
      %cond3A_473 = arith.cmpi ne, %convert_element_type3A, %cond3A : i32
      scf.if %cond3A_473 {
        %ge3A = arith.constant 1 : i32
        %ge3A_686 = arith.cmpi sge, %add3A_436, %ge3A : i32
        %convert_element_type3A_687 = arith.extui %ge3A_686 : i1 to i32
        %cond3A_688 = arith.constant 0 : i32
        %cond3A_689 = arith.cmpi ne, %convert_element_type3A_687, %cond3A_688 : i32
        scf.if %cond3A_689 {
          %dma_wait3A_724 = arith.constant 4 : i32
          %dma_wait3A_725 = arith.constant 4 : i32
          %dma_wait3A_726 = arith.constant 0 : i32
          %dma_wait3A_727 = arith.constant 0 : i32
          %dma_wait3A_728 = tpu.memref_slice %arg9[%dma_wait3A_724, %dma_wait3A_726, %dma_wait3A_727] : memref<5x40x128xf32, #tpu.memory_space<vmem>> -> memref<1x40x128xf32, #tpu.memory_space<vmem>>
          %dma_wait3A_729 = tpu.memref_squeeze %dma_wait3A_728 : memref<1x40x128xf32, #tpu.memory_space<vmem>> -> memref<40x128xf32, #tpu.memory_space<vmem>>
          %dma_wait3A_730 = arith.constant 0 : i32
          %dma_wait3A_731 = arith.constant 0 : i32
          %dma_wait3A_732 = tpu.memref_slice %arg2[%dma_wait3A_730, %dma_wait3A_731] : memref<10000x128xf32, #tpu.memory_space<hbm>> -> memref<40x128xf32, #tpu.memory_space<hbm>>
          %dma_wait3A_733 = tpu.memref_slice %arg13[%dma_wait3A_725] : memref<5x!tpu.dma_semaphore, #tpu.memory_space<semaphore_mem>> -> memref<1x!tpu.dma_semaphore, #tpu.memory_space<semaphore_mem>>
          %dma_wait3A_734 = tpu.memref_squeeze %dma_wait3A_733 : memref<1x!tpu.dma_semaphore, #tpu.memory_space<semaphore_mem>> -> memref<!tpu.dma_semaphore, #tpu.memory_space<semaphore_mem>>
          %dma_wait3A_735 = arith.constant 0 : i32
          %dma_wait3A_736 = arith.constant 0 : i32
          %dma_wait3A_737 = tpu.memref_slice %arg9[%dma_wait3A_724, %dma_wait3A_735, %dma_wait3A_736] : memref<5x40x128xf32, #tpu.memory_space<vmem>> -> memref<1x40x128xf32, #tpu.memory_space<vmem>>
          %dma_wait3A_738 = tpu.memref_squeeze %dma_wait3A_737 : memref<1x40x128xf32, #tpu.memory_space<vmem>> -> memref<40x128xf32, #tpu.memory_space<vmem>>
          %dma_wait3A_739 = arith.constant 0 : i32
          %dma_wait3A_740 = arith.constant 0 : i32
          %dma_wait3A_741 = tpu.memref_slice %arg2[%dma_wait3A_739, %dma_wait3A_740] : memref<10000x128xf32, #tpu.memory_space<hbm>> -> memref<40x128xf32, #tpu.memory_space<hbm>>
          tpu.wait_dma2 semaphore(%dma_wait3A_734 : memref<!tpu.dma_semaphore, #tpu.memory_space<semaphore_mem>>) src(%dma_wait3A_741 : memref<40x128xf32, #tpu.memory_space<hbm>>) dst(%dma_wait3A_738 : memref<40x128xf32, #tpu.memory_space<vmem>>)
        } else {
        }
        %add3A_690 = arith.constant 4 : i32
        %add3A_691 = arith.addi %add3A_436, %add3A_690 : i32
        %dma_start3A_692 = arith.constant 4 : i32
        %dma_start3A_693 = arith.constant 4 : i32
        %dma_start3A_694 = arith.constant 0 : i32
        %dma_start3A_695 = tpu.memref_slice %arg7[%dma_start3A_692, %dma_start3A_694] : memref<5x40xi32, #tpu.memory_space<vmem>> -> memref<1x40xi32, #tpu.memory_space<vmem>>
        %dma_start3A_696 = tpu.memref_squeeze %dma_start3A_695 : memref<1x40xi32, #tpu.memory_space<vmem>> -> memref<40xi32, #tpu.memory_space<vmem>>
        %dma_start3A_697 = arith.constant 0 : i32
        %dma_start3A_698 = tpu.memref_slice %arg3[%add3A, %add3A_691, %dma_start3A_697] : memref<32x250x40xi32, #tpu.memory_space<hbm>> -> memref<1x1x40xi32, #tpu.memory_space<hbm>>
        %dma_start3A_699 = tpu.memref_squeeze %dma_start3A_698 : memref<1x1x40xi32, #tpu.memory_space<hbm>> -> memref<40xi32, #tpu.memory_space<hbm>>
        %dma_start3A_700 = tpu.memref_slice %arg11[%dma_start3A_693] : memref<5x!tpu.dma_semaphore, #tpu.memory_space<semaphore_mem>> -> memref<1x!tpu.dma_semaphore, #tpu.memory_space<semaphore_mem>>
        %dma_start3A_701 = tpu.memref_squeeze %dma_start3A_700 : memref<1x!tpu.dma_semaphore, #tpu.memory_space<semaphore_mem>> -> memref<!tpu.dma_semaphore, #tpu.memory_space<semaphore_mem>>
        %dma_start3A_702 = arith.constant 0 : i32
        %dma_start3A_703 = tpu.memref_slice %arg7[%dma_start3A_692, %dma_start3A_702] : memref<5x40xi32, #tpu.memory_space<vmem>> -> memref<1x40xi32, #tpu.memory_space<vmem>>
        %dma_start3A_704 = tpu.memref_squeeze %dma_start3A_703 : memref<1x40xi32, #tpu.memory_space<vmem>> -> memref<40xi32, #tpu.memory_space<vmem>>
        %dma_start3A_705 = arith.constant 0 : i32
        %dma_start3A_706 = tpu.memref_slice %arg3[%add3A, %add3A_691, %dma_start3A_705] : memref<32x250x40xi32, #tpu.memory_space<hbm>> -> memref<1x1x40xi32, #tpu.memory_space<hbm>>
        %dma_start3A_707 = tpu.memref_squeeze %dma_start3A_706 : memref<1x1x40xi32, #tpu.memory_space<hbm>> -> memref<40xi32, #tpu.memory_space<hbm>>
        tpu.enqueue_dma source(%dma_start3A_707 : memref<40xi32, #tpu.memory_space<hbm>>) target(%dma_start3A_704 : memref<40xi32, #tpu.memory_space<vmem>>) target_semaphore(%dma_start3A_701 : memref<!tpu.dma_semaphore, #tpu.memory_space<semaphore_mem>>)
        %dma_start3A_708 = arith.constant 4 : i32
        %dma_start3A_709 = arith.constant 4 : i32
        %dma_start3A_710 = arith.constant 0 : i32
        %dma_start3A_711 = tpu.memref_slice %arg8[%dma_start3A_708, %dma_start3A_710] : memref<5x40xi32, #tpu.memory_space<vmem>> -> memref<1x40xi32, #tpu.memory_space<vmem>>
        %dma_start3A_712 = tpu.memref_squeeze %dma_start3A_711 : memref<1x40xi32, #tpu.memory_space<vmem>> -> memref<40xi32, #tpu.memory_space<vmem>>
        %dma_start3A_713 = arith.constant 0 : i32
        %dma_start3A_714 = tpu.memref_slice %arg4[%add3A, %add3A_691, %dma_start3A_713] : memref<32x250x40xi32, #tpu.memory_space<hbm>> -> memref<1x1x40xi32, #tpu.memory_space<hbm>>
        %dma_start3A_715 = tpu.memref_squeeze %dma_start3A_714 : memref<1x1x40xi32, #tpu.memory_space<hbm>> -> memref<40xi32, #tpu.memory_space<hbm>>
        %dma_start3A_716 = tpu.memref_slice %arg11[%dma_start3A_709] : memref<5x!tpu.dma_semaphore, #tpu.memory_space<semaphore_mem>> -> memref<1x!tpu.dma_semaphore, #tpu.memory_space<semaphore_mem>>
        %dma_start3A_717 = tpu.memref_squeeze %dma_start3A_716 : memref<1x!tpu.dma_semaphore, #tpu.memory_space<semaphore_mem>> -> memref<!tpu.dma_semaphore, #tpu.memory_space<semaphore_mem>>
        %dma_start3A_718 = arith.constant 0 : i32
        %dma_start3A_719 = tpu.memref_slice %arg8[%dma_start3A_708, %dma_start3A_718] : memref<5x40xi32, #tpu.memory_space<vmem>> -> memref<1x40xi32, #tpu.memory_space<vmem>>
        %dma_start3A_720 = tpu.memref_squeeze %dma_start3A_719 : memref<1x40xi32, #tpu.memory_space<vmem>> -> memref<40xi32, #tpu.memory_space<vmem>>
        %dma_start3A_721 = arith.constant 0 : i32
        %dma_start3A_722 = tpu.memref_slice %arg4[%add3A, %add3A_691, %dma_start3A_721] : memref<32x250x40xi32, #tpu.memory_space<hbm>> -> memref<1x1x40xi32, #tpu.memory_space<hbm>>
        %dma_start3A_723 = tpu.memref_squeeze %dma_start3A_722 : memref<1x1x40xi32, #tpu.memory_space<hbm>> -> memref<40xi32, #tpu.memory_space<hbm>>
        tpu.enqueue_dma source(%dma_start3A_723 : memref<40xi32, #tpu.memory_space<hbm>>) target(%dma_start3A_720 : memref<40xi32, #tpu.memory_space<vmem>>) target_semaphore(%dma_start3A_717 : memref<!tpu.dma_semaphore, #tpu.memory_space<semaphore_mem>>)
      } else {
      }
      %add3A_474 = arith.constant 3 : i32
      %add3A_475 = arith.addi %add3A_436, %add3A_474 : i32
      %lt3A_476 = arith.constant 250 : i32
      %lt3A_477 = arith.cmpi slt, %add3A_475, %lt3A_476 : i32
      %convert_element_type3A_478 = arith.extui %lt3A_477 : i1 to i32
      %cond3A_479 = arith.constant 0 : i32
      %cond3A_480 = arith.cmpi ne, %convert_element_type3A_478, %cond3A_479 : i32
      scf.if %cond3A_480 {
        %dma_wait3A_686 = arith.constant 0 : i32
        %dma_wait3A_687 = arith.constant 3 : i32
        %dma_wait3A_688 = arith.constant 3 : i32
        %dma_wait3A_689 = arith.constant 0 : i32
        %dma_wait3A_690 = tpu.memref_slice %arg7[%dma_wait3A_687, %dma_wait3A_689] : memref<5x40xi32, #tpu.memory_space<vmem>> -> memref<1x40xi32, #tpu.memory_space<vmem>>
        %dma_wait3A_691 = tpu.memref_squeeze %dma_wait3A_690 : memref<1x40xi32, #tpu.memory_space<vmem>> -> memref<40xi32, #tpu.memory_space<vmem>>
        %dma_wait3A_692 = arith.constant 0 : i32
        %dma_wait3A_693 = tpu.memref_slice %arg3[%add3A, %dma_wait3A_686, %dma_wait3A_692] : memref<32x250x40xi32, #tpu.memory_space<hbm>> -> memref<1x1x40xi32, #tpu.memory_space<hbm>>
        %dma_wait3A_694 = tpu.memref_squeeze %dma_wait3A_693 : memref<1x1x40xi32, #tpu.memory_space<hbm>> -> memref<40xi32, #tpu.memory_space<hbm>>
        %dma_wait3A_695 = tpu.memref_slice %arg11[%dma_wait3A_688] : memref<5x!tpu.dma_semaphore, #tpu.memory_space<semaphore_mem>> -> memref<1x!tpu.dma_semaphore, #tpu.memory_space<semaphore_mem>>
        %dma_wait3A_696 = tpu.memref_squeeze %dma_wait3A_695 : memref<1x!tpu.dma_semaphore, #tpu.memory_space<semaphore_mem>> -> memref<!tpu.dma_semaphore, #tpu.memory_space<semaphore_mem>>
        %dma_wait3A_697 = arith.constant 0 : i32
        %dma_wait3A_698 = tpu.memref_slice %arg7[%dma_wait3A_687, %dma_wait3A_697] : memref<5x40xi32, #tpu.memory_space<vmem>> -> memref<1x40xi32, #tpu.memory_space<vmem>>
        %dma_wait3A_699 = tpu.memref_squeeze %dma_wait3A_698 : memref<1x40xi32, #tpu.memory_space<vmem>> -> memref<40xi32, #tpu.memory_space<vmem>>
        %dma_wait3A_700 = arith.constant 0 : i32
        %dma_wait3A_701 = tpu.memref_slice %arg3[%add3A, %dma_wait3A_686, %dma_wait3A_700] : memref<32x250x40xi32, #tpu.memory_space<hbm>> -> memref<1x1x40xi32, #tpu.memory_space<hbm>>
        %dma_wait3A_702 = tpu.memref_squeeze %dma_wait3A_701 : memref<1x1x40xi32, #tpu.memory_space<hbm>> -> memref<40xi32, #tpu.memory_space<hbm>>
        tpu.wait_dma2 semaphore(%dma_wait3A_696 : memref<!tpu.dma_semaphore, #tpu.memory_space<semaphore_mem>>) src(%dma_wait3A_702 : memref<40xi32, #tpu.memory_space<hbm>>) dst(%dma_wait3A_699 : memref<40xi32, #tpu.memory_space<vmem>>)
        %dma_wait3A_703 = arith.constant 0 : i32
        %dma_wait3A_704 = arith.constant 3 : i32
        %dma_wait3A_705 = arith.constant 3 : i32
        %dma_wait3A_706 = arith.constant 0 : i32
        %dma_wait3A_707 = tpu.memref_slice %arg8[%dma_wait3A_704, %dma_wait3A_706] : memref<5x40xi32, #tpu.memory_space<vmem>> -> memref<1x40xi32, #tpu.memory_space<vmem>>
        %dma_wait3A_708 = tpu.memref_squeeze %dma_wait3A_707 : memref<1x40xi32, #tpu.memory_space<vmem>> -> memref<40xi32, #tpu.memory_space<vmem>>
        %dma_wait3A_709 = arith.constant 0 : i32
        %dma_wait3A_710 = tpu.memref_slice %arg4[%add3A, %dma_wait3A_703, %dma_wait3A_709] : memref<32x250x40xi32, #tpu.memory_space<hbm>> -> memref<1x1x40xi32, #tpu.memory_space<hbm>>
        %dma_wait3A_711 = tpu.memref_squeeze %dma_wait3A_710 : memref<1x1x40xi32, #tpu.memory_space<hbm>> -> memref<40xi32, #tpu.memory_space<hbm>>
        %dma_wait3A_712 = tpu.memref_slice %arg11[%dma_wait3A_705] : memref<5x!tpu.dma_semaphore, #tpu.memory_space<semaphore_mem>> -> memref<1x!tpu.dma_semaphore, #tpu.memory_space<semaphore_mem>>
        %dma_wait3A_713 = tpu.memref_squeeze %dma_wait3A_712 : memref<1x!tpu.dma_semaphore, #tpu.memory_space<semaphore_mem>> -> memref<!tpu.dma_semaphore, #tpu.memory_space<semaphore_mem>>
        %dma_wait3A_714 = arith.constant 0 : i32
        %dma_wait3A_715 = tpu.memref_slice %arg8[%dma_wait3A_704, %dma_wait3A_714] : memref<5x40xi32, #tpu.memory_space<vmem>> -> memref<1x40xi32, #tpu.memory_space<vmem>>
        %dma_wait3A_716 = tpu.memref_squeeze %dma_wait3A_715 : memref<1x40xi32, #tpu.memory_space<vmem>> -> memref<40xi32, #tpu.memory_space<vmem>>
        %dma_wait3A_717 = arith.constant 0 : i32
        %dma_wait3A_718 = tpu.memref_slice %arg4[%add3A, %dma_wait3A_703, %dma_wait3A_717] : memref<32x250x40xi32, #tpu.memory_space<hbm>> -> memref<1x1x40xi32, #tpu.memory_space<hbm>>
        %dma_wait3A_719 = tpu.memref_squeeze %dma_wait3A_718 : memref<1x1x40xi32, #tpu.memory_space<hbm>> -> memref<40xi32, #tpu.memory_space<hbm>>
        tpu.wait_dma2 semaphore(%dma_wait3A_713 : memref<!tpu.dma_semaphore, #tpu.memory_space<semaphore_mem>>) src(%dma_wait3A_719 : memref<40xi32, #tpu.memory_space<hbm>>) dst(%dma_wait3A_716 : memref<40xi32, #tpu.memory_space<vmem>>)
        %dma_start3A_720 = arith.constant 3 : i32
        %dma_start3A_721 = arith.constant 3 : i32
        %dma_start3A_722 = arith.constant 3 : i32
        %dma_start3A_723 = arith.constant 0 : i32
        %dma_start3A_724 = arith.constant 0 : i32
        %dma_start3A_725 = tpu.memref_slice %arg9[%dma_start3A_721, %dma_start3A_723, %dma_start3A_724] : memref<5x40x128xf32, #tpu.memory_space<vmem>> -> memref<1x40x128xf32, #tpu.memory_space<vmem>>
        %dma_start3A_726 = tpu.memref_squeeze %dma_start3A_725 : memref<1x40x128xf32, #tpu.memory_space<vmem>> -> memref<40x128xf32, #tpu.memory_space<vmem>>
        %dma_start3A_727 = arith.constant 0 : i32
        %dma_start3A_728 = tpu.memref_slice %arg7[%dma_start3A_720, %dma_start3A_727] : memref<5x40xi32, #tpu.memory_space<vmem>> -> memref<1x40xi32, #tpu.memory_space<vmem>>
        %dma_start3A_729 = tpu.memref_squeeze %dma_start3A_728 : memref<1x40xi32, #tpu.memory_space<vmem>> -> memref<40xi32, #tpu.memory_space<vmem>>
        %dma_start3A_730 = arith.constant 0 : i32
        %dma_start3A_731 = arith.constant 0 : i32
        %dma_start3A_732 = tpu.memref_slice %arg2[%dma_start3A_730, %dma_start3A_731] : memref<10000x128xf32, #tpu.memory_space<hbm>> -> memref<10000x128xf32, #tpu.memory_space<hbm>>
        %dma_start3A_733 = tpu.memref_slice %arg12[%dma_start3A_722] : memref<5x!tpu.dma_semaphore, #tpu.memory_space<semaphore_mem>> -> memref<1x!tpu.dma_semaphore, #tpu.memory_space<semaphore_mem>>
        %dma_start3A_734 = tpu.memref_squeeze %dma_start3A_733 : memref<1x!tpu.dma_semaphore, #tpu.memory_space<semaphore_mem>> -> memref<!tpu.dma_semaphore, #tpu.memory_space<semaphore_mem>>
        tpu.enqueue_indirect_dma source(%dma_start3A_732 : memref<10000x128xf32, #tpu.memory_space<hbm>>) target(%dma_start3A_726 : memref<40x128xf32, #tpu.memory_space<vmem>>) offsets(%dma_start3A_729 : memref<40xi32, #tpu.memory_space<vmem>>) semaphore(%dma_start3A_734 : memref<!tpu.dma_semaphore, #tpu.memory_space<semaphore_mem>>)
      } else {
      }
      %mul3A_481 = arith.constant 5 : i32
      %mul3A_482 = arith.muli %scan3A_431, %mul3A_481 : i32
      %add3A_483 = arith.constant 1 : i32
      %add3A_484 = arith.addi %mul3A_482, %add3A_483 : i32
      %dma_wait3A_485 = arith.constant 1 : i32
      %dma_wait3A_486 = arith.constant 1 : i32
      %dma_wait3A_487 = arith.constant 0 : i32
      %dma_wait3A_488 = arith.constant 0 : i32
      %dma_wait3A_489 = tpu.memref_slice %arg9[%dma_wait3A_485, %dma_wait3A_487, %dma_wait3A_488] : memref<5x40x128xf32, #tpu.memory_space<vmem>> -> memref<1x40x128xf32, #tpu.memory_space<vmem>>
      %dma_wait3A_490 = tpu.memref_squeeze %dma_wait3A_489 : memref<1x40x128xf32, #tpu.memory_space<vmem>> -> memref<40x128xf32, #tpu.memory_space<vmem>>
      %dma_wait3A_491 = arith.constant 0 : i32
      %dma_wait3A_492 = arith.constant 0 : i32
      %dma_wait3A_493 = tpu.memref_slice %arg2[%dma_wait3A_491, %dma_wait3A_492] : memref<10000x128xf32, #tpu.memory_space<hbm>> -> memref<40x128xf32, #tpu.memory_space<hbm>>
      %dma_wait3A_494 = tpu.memref_slice %arg12[%dma_wait3A_486] : memref<5x!tpu.dma_semaphore, #tpu.memory_space<semaphore_mem>> -> memref<1x!tpu.dma_semaphore, #tpu.memory_space<semaphore_mem>>
      %dma_wait3A_495 = tpu.memref_squeeze %dma_wait3A_494 : memref<1x!tpu.dma_semaphore, #tpu.memory_space<semaphore_mem>> -> memref<!tpu.dma_semaphore, #tpu.memory_space<semaphore_mem>>
      %dma_wait3A_496 = arith.constant 0 : i32
      %dma_wait3A_497 = arith.constant 0 : i32
      %dma_wait3A_498 = tpu.memref_slice %arg9[%dma_wait3A_485, %dma_wait3A_496, %dma_wait3A_497] : memref<5x40x128xf32, #tpu.memory_space<vmem>> -> memref<1x40x128xf32, #tpu.memory_space<vmem>>
      %dma_wait3A_499 = tpu.memref_squeeze %dma_wait3A_498 : memref<1x40x128xf32, #tpu.memory_space<vmem>> -> memref<40x128xf32, #tpu.memory_space<vmem>>
      %dma_wait3A_500 = arith.constant 0 : i32
      %dma_wait3A_501 = arith.constant 0 : i32
      %dma_wait3A_502 = tpu.memref_slice %arg2[%dma_wait3A_500, %dma_wait3A_501] : memref<10000x128xf32, #tpu.memory_space<hbm>> -> memref<40x128xf32, #tpu.memory_space<hbm>>
      tpu.wait_dma2 semaphore(%dma_wait3A_495 : memref<!tpu.dma_semaphore, #tpu.memory_space<semaphore_mem>>) src(%dma_wait3A_502 : memref<40x128xf32, #tpu.memory_space<hbm>>) dst(%dma_wait3A_499 : memref<40x128xf32, #tpu.memory_space<vmem>>)
      %dma_start3A_503 = arith.constant 1 : i32
      %dma_start3A_504 = arith.constant 1 : i32
      %dma_start3A_505 = arith.constant 1 : i32
      %dma_start3A_506 = arith.constant 0 : i32
      %dma_start3A_507 = arith.constant 0 : i32
      %dma_start3A_508 = tpu.memref_slice %arg9[%dma_start3A_503, %dma_start3A_506, %dma_start3A_507] : memref<5x40x128xf32, #tpu.memory_space<vmem>> -> memref<1x40x128xf32, #tpu.memory_space<vmem>>
      %dma_start3A_509 = tpu.memref_squeeze %dma_start3A_508 : memref<1x40x128xf32, #tpu.memory_space<vmem>> -> memref<40x128xf32, #tpu.memory_space<vmem>>
      %dma_start3A_510 = arith.constant 0 : i32
      %dma_start3A_511 = tpu.memref_slice %arg8[%dma_start3A_504, %dma_start3A_510] : memref<5x40xi32, #tpu.memory_space<vmem>> -> memref<1x40xi32, #tpu.memory_space<vmem>>
      %dma_start3A_512 = tpu.memref_squeeze %dma_start3A_511 : memref<1x40xi32, #tpu.memory_space<vmem>> -> memref<40xi32, #tpu.memory_space<vmem>>
      %dma_start3A_513 = arith.constant 0 : i32
      %dma_start3A_514 = arith.constant 0 : i32
      %dma_start3A_515 = tpu.memref_slice %arg6[%dma_start3A_513, %dma_start3A_514] : memref<10240x128xf32, #tpu.memory_space<vmem_shared>> -> memref<10240x128xf32, #tpu.memory_space<vmem_shared>>
      %dma_start3A_516 = tpu.memref_slice %arg13[%dma_start3A_505] : memref<5x!tpu.dma_semaphore, #tpu.memory_space<semaphore_mem>> -> memref<1x!tpu.dma_semaphore, #tpu.memory_space<semaphore_mem>>
      %dma_start3A_517 = tpu.memref_squeeze %dma_start3A_516 : memref<1x!tpu.dma_semaphore, #tpu.memory_space<semaphore_mem>> -> memref<!tpu.dma_semaphore, #tpu.memory_space<semaphore_mem>>
      tpu.enqueue_indirect_dma source(%dma_start3A_509 : memref<40x128xf32, #tpu.memory_space<vmem>>) target(%dma_start3A_515 : memref<10240x128xf32, #tpu.memory_space<vmem_shared>>) offsets(%dma_start3A_512 : memref<40xi32, #tpu.memory_space<vmem>>) semaphore(%dma_start3A_517 : memref<!tpu.dma_semaphore, #tpu.memory_space<semaphore_mem>>) {add = true}
      %add3A_518 = arith.constant 4 : i32
      %add3A_519 = arith.addi %add3A_484, %add3A_518 : i32
      %lt3A_520 = arith.constant 250 : i32
      %lt3A_521 = arith.cmpi slt, %add3A_519, %lt3A_520 : i32
      %convert_element_type3A_522 = arith.extui %lt3A_521 : i1 to i32
      %cond3A_523 = arith.constant 0 : i32
      %cond3A_524 = arith.cmpi ne, %convert_element_type3A_522, %cond3A_523 : i32
      scf.if %cond3A_524 {
        %ge3A = arith.constant 1 : i32
        %ge3A_686 = arith.cmpi sge, %add3A_484, %ge3A : i32
        %convert_element_type3A_687 = arith.extui %ge3A_686 : i1 to i32
        %cond3A_688 = arith.constant 0 : i32
        %cond3A_689 = arith.cmpi ne, %convert_element_type3A_687, %cond3A_688 : i32
        scf.if %cond3A_689 {
          %dma_wait3A_724 = arith.constant 0 : i32
          %dma_wait3A_725 = arith.constant 0 : i32
          %dma_wait3A_726 = arith.constant 0 : i32
          %dma_wait3A_727 = arith.constant 0 : i32
          %dma_wait3A_728 = tpu.memref_slice %arg9[%dma_wait3A_724, %dma_wait3A_726, %dma_wait3A_727] : memref<5x40x128xf32, #tpu.memory_space<vmem>> -> memref<1x40x128xf32, #tpu.memory_space<vmem>>
          %dma_wait3A_729 = tpu.memref_squeeze %dma_wait3A_728 : memref<1x40x128xf32, #tpu.memory_space<vmem>> -> memref<40x128xf32, #tpu.memory_space<vmem>>
          %dma_wait3A_730 = arith.constant 0 : i32
          %dma_wait3A_731 = arith.constant 0 : i32
          %dma_wait3A_732 = tpu.memref_slice %arg2[%dma_wait3A_730, %dma_wait3A_731] : memref<10000x128xf32, #tpu.memory_space<hbm>> -> memref<40x128xf32, #tpu.memory_space<hbm>>
          %dma_wait3A_733 = tpu.memref_slice %arg13[%dma_wait3A_725] : memref<5x!tpu.dma_semaphore, #tpu.memory_space<semaphore_mem>> -> memref<1x!tpu.dma_semaphore, #tpu.memory_space<semaphore_mem>>
          %dma_wait3A_734 = tpu.memref_squeeze %dma_wait3A_733 : memref<1x!tpu.dma_semaphore, #tpu.memory_space<semaphore_mem>> -> memref<!tpu.dma_semaphore, #tpu.memory_space<semaphore_mem>>
          %dma_wait3A_735 = arith.constant 0 : i32
          %dma_wait3A_736 = arith.constant 0 : i32
          %dma_wait3A_737 = tpu.memref_slice %arg9[%dma_wait3A_724, %dma_wait3A_735, %dma_wait3A_736] : memref<5x40x128xf32, #tpu.memory_space<vmem>> -> memref<1x40x128xf32, #tpu.memory_space<vmem>>
          %dma_wait3A_738 = tpu.memref_squeeze %dma_wait3A_737 : memref<1x40x128xf32, #tpu.memory_space<vmem>> -> memref<40x128xf32, #tpu.memory_space<vmem>>
          %dma_wait3A_739 = arith.constant 0 : i32
          %dma_wait3A_740 = arith.constant 0 : i32
          %dma_wait3A_741 = tpu.memref_slice %arg2[%dma_wait3A_739, %dma_wait3A_740] : memref<10000x128xf32, #tpu.memory_space<hbm>> -> memref<40x128xf32, #tpu.memory_space<hbm>>
          tpu.wait_dma2 semaphore(%dma_wait3A_734 : memref<!tpu.dma_semaphore, #tpu.memory_space<semaphore_mem>>) src(%dma_wait3A_741 : memref<40x128xf32, #tpu.memory_space<hbm>>) dst(%dma_wait3A_738 : memref<40x128xf32, #tpu.memory_space<vmem>>)
        } else {
        }
        %add3A_690 = arith.constant 4 : i32
        %add3A_691 = arith.addi %add3A_484, %add3A_690 : i32
        %dma_start3A_692 = arith.constant 0 : i32
        %dma_start3A_693 = arith.constant 0 : i32
        %dma_start3A_694 = arith.constant 0 : i32
        %dma_start3A_695 = tpu.memref_slice %arg7[%dma_start3A_692, %dma_start3A_694] : memref<5x40xi32, #tpu.memory_space<vmem>> -> memref<1x40xi32, #tpu.memory_space<vmem>>
        %dma_start3A_696 = tpu.memref_squeeze %dma_start3A_695 : memref<1x40xi32, #tpu.memory_space<vmem>> -> memref<40xi32, #tpu.memory_space<vmem>>
        %dma_start3A_697 = arith.constant 0 : i32
        %dma_start3A_698 = tpu.memref_slice %arg3[%add3A, %add3A_691, %dma_start3A_697] : memref<32x250x40xi32, #tpu.memory_space<hbm>> -> memref<1x1x40xi32, #tpu.memory_space<hbm>>
        %dma_start3A_699 = tpu.memref_squeeze %dma_start3A_698 : memref<1x1x40xi32, #tpu.memory_space<hbm>> -> memref<40xi32, #tpu.memory_space<hbm>>
        %dma_start3A_700 = tpu.memref_slice %arg11[%dma_start3A_693] : memref<5x!tpu.dma_semaphore, #tpu.memory_space<semaphore_mem>> -> memref<1x!tpu.dma_semaphore, #tpu.memory_space<semaphore_mem>>
        %dma_start3A_701 = tpu.memref_squeeze %dma_start3A_700 : memref<1x!tpu.dma_semaphore, #tpu.memory_space<semaphore_mem>> -> memref<!tpu.dma_semaphore, #tpu.memory_space<semaphore_mem>>
        %dma_start3A_702 = arith.constant 0 : i32
        %dma_start3A_703 = tpu.memref_slice %arg7[%dma_start3A_692, %dma_start3A_702] : memref<5x40xi32, #tpu.memory_space<vmem>> -> memref<1x40xi32, #tpu.memory_space<vmem>>
        %dma_start3A_704 = tpu.memref_squeeze %dma_start3A_703 : memref<1x40xi32, #tpu.memory_space<vmem>> -> memref<40xi32, #tpu.memory_space<vmem>>
        %dma_start3A_705 = arith.constant 0 : i32
        %dma_start3A_706 = tpu.memref_slice %arg3[%add3A, %add3A_691, %dma_start3A_705] : memref<32x250x40xi32, #tpu.memory_space<hbm>> -> memref<1x1x40xi32, #tpu.memory_space<hbm>>
        %dma_start3A_707 = tpu.memref_squeeze %dma_start3A_706 : memref<1x1x40xi32, #tpu.memory_space<hbm>> -> memref<40xi32, #tpu.memory_space<hbm>>
        tpu.enqueue_dma source(%dma_start3A_707 : memref<40xi32, #tpu.memory_space<hbm>>) target(%dma_start3A_704 : memref<40xi32, #tpu.memory_space<vmem>>) target_semaphore(%dma_start3A_701 : memref<!tpu.dma_semaphore, #tpu.memory_space<semaphore_mem>>)
        %dma_start3A_708 = arith.constant 0 : i32
        %dma_start3A_709 = arith.constant 0 : i32
        %dma_start3A_710 = arith.constant 0 : i32
        %dma_start3A_711 = tpu.memref_slice %arg8[%dma_start3A_708, %dma_start3A_710] : memref<5x40xi32, #tpu.memory_space<vmem>> -> memref<1x40xi32, #tpu.memory_space<vmem>>
        %dma_start3A_712 = tpu.memref_squeeze %dma_start3A_711 : memref<1x40xi32, #tpu.memory_space<vmem>> -> memref<40xi32, #tpu.memory_space<vmem>>
        %dma_start3A_713 = arith.constant 0 : i32
        %dma_start3A_714 = tpu.memref_slice %arg4[%add3A, %add3A_691, %dma_start3A_713] : memref<32x250x40xi32, #tpu.memory_space<hbm>> -> memref<1x1x40xi32, #tpu.memory_space<hbm>>
        %dma_start3A_715 = tpu.memref_squeeze %dma_start3A_714 : memref<1x1x40xi32, #tpu.memory_space<hbm>> -> memref<40xi32, #tpu.memory_space<hbm>>
        %dma_start3A_716 = tpu.memref_slice %arg11[%dma_start3A_709] : memref<5x!tpu.dma_semaphore, #tpu.memory_space<semaphore_mem>> -> memref<1x!tpu.dma_semaphore, #tpu.memory_space<semaphore_mem>>
        %dma_start3A_717 = tpu.memref_squeeze %dma_start3A_716 : memref<1x!tpu.dma_semaphore, #tpu.memory_space<semaphore_mem>> -> memref<!tpu.dma_semaphore, #tpu.memory_space<semaphore_mem>>
        %dma_start3A_718 = arith.constant 0 : i32
        %dma_start3A_719 = tpu.memref_slice %arg8[%dma_start3A_708, %dma_start3A_718] : memref<5x40xi32, #tpu.memory_space<vmem>> -> memref<1x40xi32, #tpu.memory_space<vmem>>
        %dma_start3A_720 = tpu.memref_squeeze %dma_start3A_719 : memref<1x40xi32, #tpu.memory_space<vmem>> -> memref<40xi32, #tpu.memory_space<vmem>>
        %dma_start3A_721 = arith.constant 0 : i32
        %dma_start3A_722 = tpu.memref_slice %arg4[%add3A, %add3A_691, %dma_start3A_721] : memref<32x250x40xi32, #tpu.memory_space<hbm>> -> memref<1x1x40xi32, #tpu.memory_space<hbm>>
        %dma_start3A_723 = tpu.memref_squeeze %dma_start3A_722 : memref<1x1x40xi32, #tpu.memory_space<hbm>> -> memref<40xi32, #tpu.memory_space<hbm>>
        tpu.enqueue_dma source(%dma_start3A_723 : memref<40xi32, #tpu.memory_space<hbm>>) target(%dma_start3A_720 : memref<40xi32, #tpu.memory_space<vmem>>) target_semaphore(%dma_start3A_717 : memref<!tpu.dma_semaphore, #tpu.memory_space<semaphore_mem>>)
      } else {
      }
      %add3A_525 = arith.constant 3 : i32
      %add3A_526 = arith.addi %add3A_484, %add3A_525 : i32
      %lt3A_527 = arith.constant 250 : i32
      %lt3A_528 = arith.cmpi slt, %add3A_526, %lt3A_527 : i32
      %convert_element_type3A_529 = arith.extui %lt3A_528 : i1 to i32
      %cond3A_530 = arith.constant 0 : i32
      %cond3A_531 = arith.cmpi ne, %convert_element_type3A_529, %cond3A_530 : i32
      scf.if %cond3A_531 {
        %dma_wait3A_686 = arith.constant 0 : i32
        %dma_wait3A_687 = arith.constant 4 : i32
        %dma_wait3A_688 = arith.constant 4 : i32
        %dma_wait3A_689 = arith.constant 0 : i32
        %dma_wait3A_690 = tpu.memref_slice %arg7[%dma_wait3A_687, %dma_wait3A_689] : memref<5x40xi32, #tpu.memory_space<vmem>> -> memref<1x40xi32, #tpu.memory_space<vmem>>
        %dma_wait3A_691 = tpu.memref_squeeze %dma_wait3A_690 : memref<1x40xi32, #tpu.memory_space<vmem>> -> memref<40xi32, #tpu.memory_space<vmem>>
        %dma_wait3A_692 = arith.constant 0 : i32
        %dma_wait3A_693 = tpu.memref_slice %arg3[%add3A, %dma_wait3A_686, %dma_wait3A_692] : memref<32x250x40xi32, #tpu.memory_space<hbm>> -> memref<1x1x40xi32, #tpu.memory_space<hbm>>
        %dma_wait3A_694 = tpu.memref_squeeze %dma_wait3A_693 : memref<1x1x40xi32, #tpu.memory_space<hbm>> -> memref<40xi32, #tpu.memory_space<hbm>>
        %dma_wait3A_695 = tpu.memref_slice %arg11[%dma_wait3A_688] : memref<5x!tpu.dma_semaphore, #tpu.memory_space<semaphore_mem>> -> memref<1x!tpu.dma_semaphore, #tpu.memory_space<semaphore_mem>>
        %dma_wait3A_696 = tpu.memref_squeeze %dma_wait3A_695 : memref<1x!tpu.dma_semaphore, #tpu.memory_space<semaphore_mem>> -> memref<!tpu.dma_semaphore, #tpu.memory_space<semaphore_mem>>
        %dma_wait3A_697 = arith.constant 0 : i32
        %dma_wait3A_698 = tpu.memref_slice %arg7[%dma_wait3A_687, %dma_wait3A_697] : memref<5x40xi32, #tpu.memory_space<vmem>> -> memref<1x40xi32, #tpu.memory_space<vmem>>
        %dma_wait3A_699 = tpu.memref_squeeze %dma_wait3A_698 : memref<1x40xi32, #tpu.memory_space<vmem>> -> memref<40xi32, #tpu.memory_space<vmem>>
        %dma_wait3A_700 = arith.constant 0 : i32
        %dma_wait3A_701 = tpu.memref_slice %arg3[%add3A, %dma_wait3A_686, %dma_wait3A_700] : memref<32x250x40xi32, #tpu.memory_space<hbm>> -> memref<1x1x40xi32, #tpu.memory_space<hbm>>
        %dma_wait3A_702 = tpu.memref_squeeze %dma_wait3A_701 : memref<1x1x40xi32, #tpu.memory_space<hbm>> -> memref<40xi32, #tpu.memory_space<hbm>>
        tpu.wait_dma2 semaphore(%dma_wait3A_696 : memref<!tpu.dma_semaphore, #tpu.memory_space<semaphore_mem>>) src(%dma_wait3A_702 : memref<40xi32, #tpu.memory_space<hbm>>) dst(%dma_wait3A_699 : memref<40xi32, #tpu.memory_space<vmem>>)
        %dma_wait3A_703 = arith.constant 0 : i32
        %dma_wait3A_704 = arith.constant 4 : i32
        %dma_wait3A_705 = arith.constant 4 : i32
        %dma_wait3A_706 = arith.constant 0 : i32
        %dma_wait3A_707 = tpu.memref_slice %arg8[%dma_wait3A_704, %dma_wait3A_706] : memref<5x40xi32, #tpu.memory_space<vmem>> -> memref<1x40xi32, #tpu.memory_space<vmem>>
        %dma_wait3A_708 = tpu.memref_squeeze %dma_wait3A_707 : memref<1x40xi32, #tpu.memory_space<vmem>> -> memref<40xi32, #tpu.memory_space<vmem>>
        %dma_wait3A_709 = arith.constant 0 : i32
        %dma_wait3A_710 = tpu.memref_slice %arg4[%add3A, %dma_wait3A_703, %dma_wait3A_709] : memref<32x250x40xi32, #tpu.memory_space<hbm>> -> memref<1x1x40xi32, #tpu.memory_space<hbm>>
        %dma_wait3A_711 = tpu.memref_squeeze %dma_wait3A_710 : memref<1x1x40xi32, #tpu.memory_space<hbm>> -> memref<40xi32, #tpu.memory_space<hbm>>
        %dma_wait3A_712 = tpu.memref_slice %arg11[%dma_wait3A_705] : memref<5x!tpu.dma_semaphore, #tpu.memory_space<semaphore_mem>> -> memref<1x!tpu.dma_semaphore, #tpu.memory_space<semaphore_mem>>
        %dma_wait3A_713 = tpu.memref_squeeze %dma_wait3A_712 : memref<1x!tpu.dma_semaphore, #tpu.memory_space<semaphore_mem>> -> memref<!tpu.dma_semaphore, #tpu.memory_space<semaphore_mem>>
        %dma_wait3A_714 = arith.constant 0 : i32
        %dma_wait3A_715 = tpu.memref_slice %arg8[%dma_wait3A_704, %dma_wait3A_714] : memref<5x40xi32, #tpu.memory_space<vmem>> -> memref<1x40xi32, #tpu.memory_space<vmem>>
        %dma_wait3A_716 = tpu.memref_squeeze %dma_wait3A_715 : memref<1x40xi32, #tpu.memory_space<vmem>> -> memref<40xi32, #tpu.memory_space<vmem>>
        %dma_wait3A_717 = arith.constant 0 : i32
        %dma_wait3A_718 = tpu.memref_slice %arg4[%add3A, %dma_wait3A_703, %dma_wait3A_717] : memref<32x250x40xi32, #tpu.memory_space<hbm>> -> memref<1x1x40xi32, #tpu.memory_space<hbm>>
        %dma_wait3A_719 = tpu.memref_squeeze %dma_wait3A_718 : memref<1x1x40xi32, #tpu.memory_space<hbm>> -> memref<40xi32, #tpu.memory_space<hbm>>
        tpu.wait_dma2 semaphore(%dma_wait3A_713 : memref<!tpu.dma_semaphore, #tpu.memory_space<semaphore_mem>>) src(%dma_wait3A_719 : memref<40xi32, #tpu.memory_space<hbm>>) dst(%dma_wait3A_716 : memref<40xi32, #tpu.memory_space<vmem>>)
        %dma_start3A_720 = arith.constant 4 : i32
        %dma_start3A_721 = arith.constant 4 : i32
        %dma_start3A_722 = arith.constant 4 : i32
        %dma_start3A_723 = arith.constant 0 : i32
        %dma_start3A_724 = arith.constant 0 : i32
        %dma_start3A_725 = tpu.memref_slice %arg9[%dma_start3A_721, %dma_start3A_723, %dma_start3A_724] : memref<5x40x128xf32, #tpu.memory_space<vmem>> -> memref<1x40x128xf32, #tpu.memory_space<vmem>>
        %dma_start3A_726 = tpu.memref_squeeze %dma_start3A_725 : memref<1x40x128xf32, #tpu.memory_space<vmem>> -> memref<40x128xf32, #tpu.memory_space<vmem>>
        %dma_start3A_727 = arith.constant 0 : i32
        %dma_start3A_728 = tpu.memref_slice %arg7[%dma_start3A_720, %dma_start3A_727] : memref<5x40xi32, #tpu.memory_space<vmem>> -> memref<1x40xi32, #tpu.memory_space<vmem>>
        %dma_start3A_729 = tpu.memref_squeeze %dma_start3A_728 : memref<1x40xi32, #tpu.memory_space<vmem>> -> memref<40xi32, #tpu.memory_space<vmem>>
        %dma_start3A_730 = arith.constant 0 : i32
        %dma_start3A_731 = arith.constant 0 : i32
        %dma_start3A_732 = tpu.memref_slice %arg2[%dma_start3A_730, %dma_start3A_731] : memref<10000x128xf32, #tpu.memory_space<hbm>> -> memref<10000x128xf32, #tpu.memory_space<hbm>>
        %dma_start3A_733 = tpu.memref_slice %arg12[%dma_start3A_722] : memref<5x!tpu.dma_semaphore, #tpu.memory_space<semaphore_mem>> -> memref<1x!tpu.dma_semaphore, #tpu.memory_space<semaphore_mem>>
        %dma_start3A_734 = tpu.memref_squeeze %dma_start3A_733 : memref<1x!tpu.dma_semaphore, #tpu.memory_space<semaphore_mem>> -> memref<!tpu.dma_semaphore, #tpu.memory_space<semaphore_mem>>
        tpu.enqueue_indirect_dma source(%dma_start3A_732 : memref<10000x128xf32, #tpu.memory_space<hbm>>) target(%dma_start3A_726 : memref<40x128xf32, #tpu.memory_space<vmem>>) offsets(%dma_start3A_729 : memref<40xi32, #tpu.memory_space<vmem>>) semaphore(%dma_start3A_734 : memref<!tpu.dma_semaphore, #tpu.memory_space<semaphore_mem>>)
      } else {
      }
      %mul3A_532 = arith.constant 5 : i32
      %mul3A_533 = arith.muli %scan3A_431, %mul3A_532 : i32
      %add3A_534 = arith.constant 2 : i32
      %add3A_535 = arith.addi %mul3A_533, %add3A_534 : i32
      %dma_wait3A_536 = arith.constant 2 : i32
      %dma_wait3A_537 = arith.constant 2 : i32
      %dma_wait3A_538 = arith.constant 0 : i32
      %dma_wait3A_539 = arith.constant 0 : i32
      %dma_wait3A_540 = tpu.memref_slice %arg9[%dma_wait3A_536, %dma_wait3A_538, %dma_wait3A_539] : memref<5x40x128xf32, #tpu.memory_space<vmem>> -> memref<1x40x128xf32, #tpu.memory_space<vmem>>
      %dma_wait3A_541 = tpu.memref_squeeze %dma_wait3A_540 : memref<1x40x128xf32, #tpu.memory_space<vmem>> -> memref<40x128xf32, #tpu.memory_space<vmem>>
      %dma_wait3A_542 = arith.constant 0 : i32
      %dma_wait3A_543 = arith.constant 0 : i32
      %dma_wait3A_544 = tpu.memref_slice %arg2[%dma_wait3A_542, %dma_wait3A_543] : memref<10000x128xf32, #tpu.memory_space<hbm>> -> memref<40x128xf32, #tpu.memory_space<hbm>>
      %dma_wait3A_545 = tpu.memref_slice %arg12[%dma_wait3A_537] : memref<5x!tpu.dma_semaphore, #tpu.memory_space<semaphore_mem>> -> memref<1x!tpu.dma_semaphore, #tpu.memory_space<semaphore_mem>>
      %dma_wait3A_546 = tpu.memref_squeeze %dma_wait3A_545 : memref<1x!tpu.dma_semaphore, #tpu.memory_space<semaphore_mem>> -> memref<!tpu.dma_semaphore, #tpu.memory_space<semaphore_mem>>
      %dma_wait3A_547 = arith.constant 0 : i32
      %dma_wait3A_548 = arith.constant 0 : i32
      %dma_wait3A_549 = tpu.memref_slice %arg9[%dma_wait3A_536, %dma_wait3A_547, %dma_wait3A_548] : memref<5x40x128xf32, #tpu.memory_space<vmem>> -> memref<1x40x128xf32, #tpu.memory_space<vmem>>
      %dma_wait3A_550 = tpu.memref_squeeze %dma_wait3A_549 : memref<1x40x128xf32, #tpu.memory_space<vmem>> -> memref<40x128xf32, #tpu.memory_space<vmem>>
      %dma_wait3A_551 = arith.constant 0 : i32
      %dma_wait3A_552 = arith.constant 0 : i32
      %dma_wait3A_553 = tpu.memref_slice %arg2[%dma_wait3A_551, %dma_wait3A_552] : memref<10000x128xf32, #tpu.memory_space<hbm>> -> memref<40x128xf32, #tpu.memory_space<hbm>>
      tpu.wait_dma2 semaphore(%dma_wait3A_546 : memref<!tpu.dma_semaphore, #tpu.memory_space<semaphore_mem>>) src(%dma_wait3A_553 : memref<40x128xf32, #tpu.memory_space<hbm>>) dst(%dma_wait3A_550 : memref<40x128xf32, #tpu.memory_space<vmem>>)
      %dma_start3A_554 = arith.constant 2 : i32
      %dma_start3A_555 = arith.constant 2 : i32
      %dma_start3A_556 = arith.constant 2 : i32
      %dma_start3A_557 = arith.constant 0 : i32
      %dma_start3A_558 = arith.constant 0 : i32
      %dma_start3A_559 = tpu.memref_slice %arg9[%dma_start3A_554, %dma_start3A_557, %dma_start3A_558] : memref<5x40x128xf32, #tpu.memory_space<vmem>> -> memref<1x40x128xf32, #tpu.memory_space<vmem>>
      %dma_start3A_560 = tpu.memref_squeeze %dma_start3A_559 : memref<1x40x128xf32, #tpu.memory_space<vmem>> -> memref<40x128xf32, #tpu.memory_space<vmem>>
      %dma_start3A_561 = arith.constant 0 : i32
      %dma_start3A_562 = tpu.memref_slice %arg8[%dma_start3A_555, %dma_start3A_561] : memref<5x40xi32, #tpu.memory_space<vmem>> -> memref<1x40xi32, #tpu.memory_space<vmem>>
      %dma_start3A_563 = tpu.memref_squeeze %dma_start3A_562 : memref<1x40xi32, #tpu.memory_space<vmem>> -> memref<40xi32, #tpu.memory_space<vmem>>
      %dma_start3A_564 = arith.constant 0 : i32
      %dma_start3A_565 = arith.constant 0 : i32
      %dma_start3A_566 = tpu.memref_slice %arg6[%dma_start3A_564, %dma_start3A_565] : memref<10240x128xf32, #tpu.memory_space<vmem_shared>> -> memref<10240x128xf32, #tpu.memory_space<vmem_shared>>
      %dma_start3A_567 = tpu.memref_slice %arg13[%dma_start3A_556] : memref<5x!tpu.dma_semaphore, #tpu.memory_space<semaphore_mem>> -> memref<1x!tpu.dma_semaphore, #tpu.memory_space<semaphore_mem>>
      %dma_start3A_568 = tpu.memref_squeeze %dma_start3A_567 : memref<1x!tpu.dma_semaphore, #tpu.memory_space<semaphore_mem>> -> memref<!tpu.dma_semaphore, #tpu.memory_space<semaphore_mem>>
      tpu.enqueue_indirect_dma source(%dma_start3A_560 : memref<40x128xf32, #tpu.memory_space<vmem>>) target(%dma_start3A_566 : memref<10240x128xf32, #tpu.memory_space<vmem_shared>>) offsets(%dma_start3A_563 : memref<40xi32, #tpu.memory_space<vmem>>) semaphore(%dma_start3A_568 : memref<!tpu.dma_semaphore, #tpu.memory_space<semaphore_mem>>) {add = true}
      %add3A_569 = arith.constant 4 : i32
      %add3A_570 = arith.addi %add3A_535, %add3A_569 : i32
      %lt3A_571 = arith.constant 250 : i32
      %lt3A_572 = arith.cmpi slt, %add3A_570, %lt3A_571 : i32
      %convert_element_type3A_573 = arith.extui %lt3A_572 : i1 to i32
      %cond3A_574 = arith.constant 0 : i32
      %cond3A_575 = arith.cmpi ne, %convert_element_type3A_573, %cond3A_574 : i32
      scf.if %cond3A_575 {
        %ge3A = arith.constant 1 : i32
        %ge3A_686 = arith.cmpi sge, %add3A_535, %ge3A : i32
        %convert_element_type3A_687 = arith.extui %ge3A_686 : i1 to i32
        %cond3A_688 = arith.constant 0 : i32
        %cond3A_689 = arith.cmpi ne, %convert_element_type3A_687, %cond3A_688 : i32
        scf.if %cond3A_689 {
          %dma_wait3A_724 = arith.constant 1 : i32
          %dma_wait3A_725 = arith.constant 1 : i32
          %dma_wait3A_726 = arith.constant 0 : i32
          %dma_wait3A_727 = arith.constant 0 : i32
          %dma_wait3A_728 = tpu.memref_slice %arg9[%dma_wait3A_724, %dma_wait3A_726, %dma_wait3A_727] : memref<5x40x128xf32, #tpu.memory_space<vmem>> -> memref<1x40x128xf32, #tpu.memory_space<vmem>>
          %dma_wait3A_729 = tpu.memref_squeeze %dma_wait3A_728 : memref<1x40x128xf32, #tpu.memory_space<vmem>> -> memref<40x128xf32, #tpu.memory_space<vmem>>
          %dma_wait3A_730 = arith.constant 0 : i32
          %dma_wait3A_731 = arith.constant 0 : i32
          %dma_wait3A_732 = tpu.memref_slice %arg2[%dma_wait3A_730, %dma_wait3A_731] : memref<10000x128xf32, #tpu.memory_space<hbm>> -> memref<40x128xf32, #tpu.memory_space<hbm>>
          %dma_wait3A_733 = tpu.memref_slice %arg13[%dma_wait3A_725] : memref<5x!tpu.dma_semaphore, #tpu.memory_space<semaphore_mem>> -> memref<1x!tpu.dma_semaphore, #tpu.memory_space<semaphore_mem>>
          %dma_wait3A_734 = tpu.memref_squeeze %dma_wait3A_733 : memref<1x!tpu.dma_semaphore, #tpu.memory_space<semaphore_mem>> -> memref<!tpu.dma_semaphore, #tpu.memory_space<semaphore_mem>>
          %dma_wait3A_735 = arith.constant 0 : i32
          %dma_wait3A_736 = arith.constant 0 : i32
          %dma_wait3A_737 = tpu.memref_slice %arg9[%dma_wait3A_724, %dma_wait3A_735, %dma_wait3A_736] : memref<5x40x128xf32, #tpu.memory_space<vmem>> -> memref<1x40x128xf32, #tpu.memory_space<vmem>>
          %dma_wait3A_738 = tpu.memref_squeeze %dma_wait3A_737 : memref<1x40x128xf32, #tpu.memory_space<vmem>> -> memref<40x128xf32, #tpu.memory_space<vmem>>
          %dma_wait3A_739 = arith.constant 0 : i32
          %dma_wait3A_740 = arith.constant 0 : i32
          %dma_wait3A_741 = tpu.memref_slice %arg2[%dma_wait3A_739, %dma_wait3A_740] : memref<10000x128xf32, #tpu.memory_space<hbm>> -> memref<40x128xf32, #tpu.memory_space<hbm>>
          tpu.wait_dma2 semaphore(%dma_wait3A_734 : memref<!tpu.dma_semaphore, #tpu.memory_space<semaphore_mem>>) src(%dma_wait3A_741 : memref<40x128xf32, #tpu.memory_space<hbm>>) dst(%dma_wait3A_738 : memref<40x128xf32, #tpu.memory_space<vmem>>)
        } else {
        }
        %add3A_690 = arith.constant 4 : i32
        %add3A_691 = arith.addi %add3A_535, %add3A_690 : i32
        %dma_start3A_692 = arith.constant 1 : i32
        %dma_start3A_693 = arith.constant 1 : i32
        %dma_start3A_694 = arith.constant 0 : i32
        %dma_start3A_695 = tpu.memref_slice %arg7[%dma_start3A_692, %dma_start3A_694] : memref<5x40xi32, #tpu.memory_space<vmem>> -> memref<1x40xi32, #tpu.memory_space<vmem>>
        %dma_start3A_696 = tpu.memref_squeeze %dma_start3A_695 : memref<1x40xi32, #tpu.memory_space<vmem>> -> memref<40xi32, #tpu.memory_space<vmem>>
        %dma_start3A_697 = arith.constant 0 : i32
        %dma_start3A_698 = tpu.memref_slice %arg3[%add3A, %add3A_691, %dma_start3A_697] : memref<32x250x40xi32, #tpu.memory_space<hbm>> -> memref<1x1x40xi32, #tpu.memory_space<hbm>>
        %dma_start3A_699 = tpu.memref_squeeze %dma_start3A_698 : memref<1x1x40xi32, #tpu.memory_space<hbm>> -> memref<40xi32, #tpu.memory_space<hbm>>
        %dma_start3A_700 = tpu.memref_slice %arg11[%dma_start3A_693] : memref<5x!tpu.dma_semaphore, #tpu.memory_space<semaphore_mem>> -> memref<1x!tpu.dma_semaphore, #tpu.memory_space<semaphore_mem>>
        %dma_start3A_701 = tpu.memref_squeeze %dma_start3A_700 : memref<1x!tpu.dma_semaphore, #tpu.memory_space<semaphore_mem>> -> memref<!tpu.dma_semaphore, #tpu.memory_space<semaphore_mem>>
        %dma_start3A_702 = arith.constant 0 : i32
        %dma_start3A_703 = tpu.memref_slice %arg7[%dma_start3A_692, %dma_start3A_702] : memref<5x40xi32, #tpu.memory_space<vmem>> -> memref<1x40xi32, #tpu.memory_space<vmem>>
        %dma_start3A_704 = tpu.memref_squeeze %dma_start3A_703 : memref<1x40xi32, #tpu.memory_space<vmem>> -> memref<40xi32, #tpu.memory_space<vmem>>
        %dma_start3A_705 = arith.constant 0 : i32
        %dma_start3A_706 = tpu.memref_slice %arg3[%add3A, %add3A_691, %dma_start3A_705] : memref<32x250x40xi32, #tpu.memory_space<hbm>> -> memref<1x1x40xi32, #tpu.memory_space<hbm>>
        %dma_start3A_707 = tpu.memref_squeeze %dma_start3A_706 : memref<1x1x40xi32, #tpu.memory_space<hbm>> -> memref<40xi32, #tpu.memory_space<hbm>>
        tpu.enqueue_dma source(%dma_start3A_707 : memref<40xi32, #tpu.memory_space<hbm>>) target(%dma_start3A_704 : memref<40xi32, #tpu.memory_space<vmem>>) target_semaphore(%dma_start3A_701 : memref<!tpu.dma_semaphore, #tpu.memory_space<semaphore_mem>>)
        %dma_start3A_708 = arith.constant 1 : i32
        %dma_start3A_709 = arith.constant 1 : i32
        %dma_start3A_710 = arith.constant 0 : i32
        %dma_start3A_711 = tpu.memref_slice %arg8[%dma_start3A_708, %dma_start3A_710] : memref<5x40xi32, #tpu.memory_space<vmem>> -> memref<1x40xi32, #tpu.memory_space<vmem>>
        %dma_start3A_712 = tpu.memref_squeeze %dma_start3A_711 : memref<1x40xi32, #tpu.memory_space<vmem>> -> memref<40xi32, #tpu.memory_space<vmem>>
        %dma_start3A_713 = arith.constant 0 : i32
        %dma_start3A_714 = tpu.memref_slice %arg4[%add3A, %add3A_691, %dma_start3A_713] : memref<32x250x40xi32, #tpu.memory_space<hbm>> -> memref<1x1x40xi32, #tpu.memory_space<hbm>>
        %dma_start3A_715 = tpu.memref_squeeze %dma_start3A_714 : memref<1x1x40xi32, #tpu.memory_space<hbm>> -> memref<40xi32, #tpu.memory_space<hbm>>
        %dma_start3A_716 = tpu.memref_slice %arg11[%dma_start3A_709] : memref<5x!tpu.dma_semaphore, #tpu.memory_space<semaphore_mem>> -> memref<1x!tpu.dma_semaphore, #tpu.memory_space<semaphore_mem>>
        %dma_start3A_717 = tpu.memref_squeeze %dma_start3A_716 : memref<1x!tpu.dma_semaphore, #tpu.memory_space<semaphore_mem>> -> memref<!tpu.dma_semaphore, #tpu.memory_space<semaphore_mem>>
        %dma_start3A_718 = arith.constant 0 : i32
        %dma_start3A_719 = tpu.memref_slice %arg8[%dma_start3A_708, %dma_start3A_718] : memref<5x40xi32, #tpu.memory_space<vmem>> -> memref<1x40xi32, #tpu.memory_space<vmem>>
        %dma_start3A_720 = tpu.memref_squeeze %dma_start3A_719 : memref<1x40xi32, #tpu.memory_space<vmem>> -> memref<40xi32, #tpu.memory_space<vmem>>
        %dma_start3A_721 = arith.constant 0 : i32
        %dma_start3A_722 = tpu.memref_slice %arg4[%add3A, %add3A_691, %dma_start3A_721] : memref<32x250x40xi32, #tpu.memory_space<hbm>> -> memref<1x1x40xi32, #tpu.memory_space<hbm>>
        %dma_start3A_723 = tpu.memref_squeeze %dma_start3A_722 : memref<1x1x40xi32, #tpu.memory_space<hbm>> -> memref<40xi32, #tpu.memory_space<hbm>>
        tpu.enqueue_dma source(%dma_start3A_723 : memref<40xi32, #tpu.memory_space<hbm>>) target(%dma_start3A_720 : memref<40xi32, #tpu.memory_space<vmem>>) target_semaphore(%dma_start3A_717 : memref<!tpu.dma_semaphore, #tpu.memory_space<semaphore_mem>>)
      } else {
      }
      %add3A_576 = arith.constant 3 : i32
      %add3A_577 = arith.addi %add3A_535, %add3A_576 : i32
      %lt3A_578 = arith.constant 250 : i32
      %lt3A_579 = arith.cmpi slt, %add3A_577, %lt3A_578 : i32
      %convert_element_type3A_580 = arith.extui %lt3A_579 : i1 to i32
      %cond3A_581 = arith.constant 0 : i32
      %cond3A_582 = arith.cmpi ne, %convert_element_type3A_580, %cond3A_581 : i32
      scf.if %cond3A_582 {
        %dma_wait3A_686 = arith.constant 0 : i32
        %dma_wait3A_687 = arith.constant 0 : i32
        %dma_wait3A_688 = arith.constant 0 : i32
        %dma_wait3A_689 = arith.constant 0 : i32
        %dma_wait3A_690 = tpu.memref_slice %arg7[%dma_wait3A_687, %dma_wait3A_689] : memref<5x40xi32, #tpu.memory_space<vmem>> -> memref<1x40xi32, #tpu.memory_space<vmem>>
        %dma_wait3A_691 = tpu.memref_squeeze %dma_wait3A_690 : memref<1x40xi32, #tpu.memory_space<vmem>> -> memref<40xi32, #tpu.memory_space<vmem>>
        %dma_wait3A_692 = arith.constant 0 : i32
        %dma_wait3A_693 = tpu.memref_slice %arg3[%add3A, %dma_wait3A_686, %dma_wait3A_692] : memref<32x250x40xi32, #tpu.memory_space<hbm>> -> memref<1x1x40xi32, #tpu.memory_space<hbm>>
        %dma_wait3A_694 = tpu.memref_squeeze %dma_wait3A_693 : memref<1x1x40xi32, #tpu.memory_space<hbm>> -> memref<40xi32, #tpu.memory_space<hbm>>
        %dma_wait3A_695 = tpu.memref_slice %arg11[%dma_wait3A_688] : memref<5x!tpu.dma_semaphore, #tpu.memory_space<semaphore_mem>> -> memref<1x!tpu.dma_semaphore, #tpu.memory_space<semaphore_mem>>
        %dma_wait3A_696 = tpu.memref_squeeze %dma_wait3A_695 : memref<1x!tpu.dma_semaphore, #tpu.memory_space<semaphore_mem>> -> memref<!tpu.dma_semaphore, #tpu.memory_space<semaphore_mem>>
        %dma_wait3A_697 = arith.constant 0 : i32
        %dma_wait3A_698 = tpu.memref_slice %arg7[%dma_wait3A_687, %dma_wait3A_697] : memref<5x40xi32, #tpu.memory_space<vmem>> -> memref<1x40xi32, #tpu.memory_space<vmem>>
        %dma_wait3A_699 = tpu.memref_squeeze %dma_wait3A_698 : memref<1x40xi32, #tpu.memory_space<vmem>> -> memref<40xi32, #tpu.memory_space<vmem>>
        %dma_wait3A_700 = arith.constant 0 : i32
        %dma_wait3A_701 = tpu.memref_slice %arg3[%add3A, %dma_wait3A_686, %dma_wait3A_700] : memref<32x250x40xi32, #tpu.memory_space<hbm>> -> memref<1x1x40xi32, #tpu.memory_space<hbm>>
        %dma_wait3A_702 = tpu.memref_squeeze %dma_wait3A_701 : memref<1x1x40xi32, #tpu.memory_space<hbm>> -> memref<40xi32, #tpu.memory_space<hbm>>
        tpu.wait_dma2 semaphore(%dma_wait3A_696 : memref<!tpu.dma_semaphore, #tpu.memory_space<semaphore_mem>>) src(%dma_wait3A_702 : memref<40xi32, #tpu.memory_space<hbm>>) dst(%dma_wait3A_699 : memref<40xi32, #tpu.memory_space<vmem>>)
        %dma_wait3A_703 = arith.constant 0 : i32
        %dma_wait3A_704 = arith.constant 0 : i32
        %dma_wait3A_705 = arith.constant 0 : i32
        %dma_wait3A_706 = arith.constant 0 : i32
        %dma_wait3A_707 = tpu.memref_slice %arg8[%dma_wait3A_704, %dma_wait3A_706] : memref<5x40xi32, #tpu.memory_space<vmem>> -> memref<1x40xi32, #tpu.memory_space<vmem>>
        %dma_wait3A_708 = tpu.memref_squeeze %dma_wait3A_707 : memref<1x40xi32, #tpu.memory_space<vmem>> -> memref<40xi32, #tpu.memory_space<vmem>>
        %dma_wait3A_709 = arith.constant 0 : i32
        %dma_wait3A_710 = tpu.memref_slice %arg4[%add3A, %dma_wait3A_703, %dma_wait3A_709] : memref<32x250x40xi32, #tpu.memory_space<hbm>> -> memref<1x1x40xi32, #tpu.memory_space<hbm>>
        %dma_wait3A_711 = tpu.memref_squeeze %dma_wait3A_710 : memref<1x1x40xi32, #tpu.memory_space<hbm>> -> memref<40xi32, #tpu.memory_space<hbm>>
        %dma_wait3A_712 = tpu.memref_slice %arg11[%dma_wait3A_705] : memref<5x!tpu.dma_semaphore, #tpu.memory_space<semaphore_mem>> -> memref<1x!tpu.dma_semaphore, #tpu.memory_space<semaphore_mem>>
        %dma_wait3A_713 = tpu.memref_squeeze %dma_wait3A_712 : memref<1x!tpu.dma_semaphore, #tpu.memory_space<semaphore_mem>> -> memref<!tpu.dma_semaphore, #tpu.memory_space<semaphore_mem>>
        %dma_wait3A_714 = arith.constant 0 : i32
        %dma_wait3A_715 = tpu.memref_slice %arg8[%dma_wait3A_704, %dma_wait3A_714] : memref<5x40xi32, #tpu.memory_space<vmem>> -> memref<1x40xi32, #tpu.memory_space<vmem>>
        %dma_wait3A_716 = tpu.memref_squeeze %dma_wait3A_715 : memref<1x40xi32, #tpu.memory_space<vmem>> -> memref<40xi32, #tpu.memory_space<vmem>>
        %dma_wait3A_717 = arith.constant 0 : i32
        %dma_wait3A_718 = tpu.memref_slice %arg4[%add3A, %dma_wait3A_703, %dma_wait3A_717] : memref<32x250x40xi32, #tpu.memory_space<hbm>> -> memref<1x1x40xi32, #tpu.memory_space<hbm>>
        %dma_wait3A_719 = tpu.memref_squeeze %dma_wait3A_718 : memref<1x1x40xi32, #tpu.memory_space<hbm>> -> memref<40xi32, #tpu.memory_space<hbm>>
        tpu.wait_dma2 semaphore(%dma_wait3A_713 : memref<!tpu.dma_semaphore, #tpu.memory_space<semaphore_mem>>) src(%dma_wait3A_719 : memref<40xi32, #tpu.memory_space<hbm>>) dst(%dma_wait3A_716 : memref<40xi32, #tpu.memory_space<vmem>>)
        %dma_start3A_720 = arith.constant 0 : i32
        %dma_start3A_721 = arith.constant 0 : i32
        %dma_start3A_722 = arith.constant 0 : i32
        %dma_start3A_723 = arith.constant 0 : i32
        %dma_start3A_724 = arith.constant 0 : i32
        %dma_start3A_725 = tpu.memref_slice %arg9[%dma_start3A_721, %dma_start3A_723, %dma_start3A_724] : memref<5x40x128xf32, #tpu.memory_space<vmem>> -> memref<1x40x128xf32, #tpu.memory_space<vmem>>
        %dma_start3A_726 = tpu.memref_squeeze %dma_start3A_725 : memref<1x40x128xf32, #tpu.memory_space<vmem>> -> memref<40x128xf32, #tpu.memory_space<vmem>>
        %dma_start3A_727 = arith.constant 0 : i32
        %dma_start3A_728 = tpu.memref_slice %arg7[%dma_start3A_720, %dma_start3A_727] : memref<5x40xi32, #tpu.memory_space<vmem>> -> memref<1x40xi32, #tpu.memory_space<vmem>>
        %dma_start3A_729 = tpu.memref_squeeze %dma_start3A_728 : memref<1x40xi32, #tpu.memory_space<vmem>> -> memref<40xi32, #tpu.memory_space<vmem>>
        %dma_start3A_730 = arith.constant 0 : i32
        %dma_start3A_731 = arith.constant 0 : i32
        %dma_start3A_732 = tpu.memref_slice %arg2[%dma_start3A_730, %dma_start3A_731] : memref<10000x128xf32, #tpu.memory_space<hbm>> -> memref<10000x128xf32, #tpu.memory_space<hbm>>
        %dma_start3A_733 = tpu.memref_slice %arg12[%dma_start3A_722] : memref<5x!tpu.dma_semaphore, #tpu.memory_space<semaphore_mem>> -> memref<1x!tpu.dma_semaphore, #tpu.memory_space<semaphore_mem>>
        %dma_start3A_734 = tpu.memref_squeeze %dma_start3A_733 : memref<1x!tpu.dma_semaphore, #tpu.memory_space<semaphore_mem>> -> memref<!tpu.dma_semaphore, #tpu.memory_space<semaphore_mem>>
        tpu.enqueue_indirect_dma source(%dma_start3A_732 : memref<10000x128xf32, #tpu.memory_space<hbm>>) target(%dma_start3A_726 : memref<40x128xf32, #tpu.memory_space<vmem>>) offsets(%dma_start3A_729 : memref<40xi32, #tpu.memory_space<vmem>>) semaphore(%dma_start3A_734 : memref<!tpu.dma_semaphore, #tpu.memory_space<semaphore_mem>>)
      } else {
      }
      %mul3A_583 = arith.constant 5 : i32
      %mul3A_584 = arith.muli %scan3A_431, %mul3A_583 : i32
      %add3A_585 = arith.constant 3 : i32
      %add3A_586 = arith.addi %mul3A_584, %add3A_585 : i32
      %dma_wait3A_587 = arith.constant 3 : i32
      %dma_wait3A_588 = arith.constant 3 : i32
      %dma_wait3A_589 = arith.constant 0 : i32
      %dma_wait3A_590 = arith.constant 0 : i32
      %dma_wait3A_591 = tpu.memref_slice %arg9[%dma_wait3A_587, %dma_wait3A_589, %dma_wait3A_590] : memref<5x40x128xf32, #tpu.memory_space<vmem>> -> memref<1x40x128xf32, #tpu.memory_space<vmem>>
      %dma_wait3A_592 = tpu.memref_squeeze %dma_wait3A_591 : memref<1x40x128xf32, #tpu.memory_space<vmem>> -> memref<40x128xf32, #tpu.memory_space<vmem>>
      %dma_wait3A_593 = arith.constant 0 : i32
      %dma_wait3A_594 = arith.constant 0 : i32
      %dma_wait3A_595 = tpu.memref_slice %arg2[%dma_wait3A_593, %dma_wait3A_594] : memref<10000x128xf32, #tpu.memory_space<hbm>> -> memref<40x128xf32, #tpu.memory_space<hbm>>
      %dma_wait3A_596 = tpu.memref_slice %arg12[%dma_wait3A_588] : memref<5x!tpu.dma_semaphore, #tpu.memory_space<semaphore_mem>> -> memref<1x!tpu.dma_semaphore, #tpu.memory_space<semaphore_mem>>
      %dma_wait3A_597 = tpu.memref_squeeze %dma_wait3A_596 : memref<1x!tpu.dma_semaphore, #tpu.memory_space<semaphore_mem>> -> memref<!tpu.dma_semaphore, #tpu.memory_space<semaphore_mem>>
      %dma_wait3A_598 = arith.constant 0 : i32
      %dma_wait3A_599 = arith.constant 0 : i32
      %dma_wait3A_600 = tpu.memref_slice %arg9[%dma_wait3A_587, %dma_wait3A_598, %dma_wait3A_599] : memref<5x40x128xf32, #tpu.memory_space<vmem>> -> memref<1x40x128xf32, #tpu.memory_space<vmem>>
      %dma_wait3A_601 = tpu.memref_squeeze %dma_wait3A_600 : memref<1x40x128xf32, #tpu.memory_space<vmem>> -> memref<40x128xf32, #tpu.memory_space<vmem>>
      %dma_wait3A_602 = arith.constant 0 : i32
      %dma_wait3A_603 = arith.constant 0 : i32
      %dma_wait3A_604 = tpu.memref_slice %arg2[%dma_wait3A_602, %dma_wait3A_603] : memref<10000x128xf32, #tpu.memory_space<hbm>> -> memref<40x128xf32, #tpu.memory_space<hbm>>
      tpu.wait_dma2 semaphore(%dma_wait3A_597 : memref<!tpu.dma_semaphore, #tpu.memory_space<semaphore_mem>>) src(%dma_wait3A_604 : memref<40x128xf32, #tpu.memory_space<hbm>>) dst(%dma_wait3A_601 : memref<40x128xf32, #tpu.memory_space<vmem>>)
      %dma_start3A_605 = arith.constant 3 : i32
      %dma_start3A_606 = arith.constant 3 : i32
      %dma_start3A_607 = arith.constant 3 : i32
      %dma_start3A_608 = arith.constant 0 : i32
      %dma_start3A_609 = arith.constant 0 : i32
      %dma_start3A_610 = tpu.memref_slice %arg9[%dma_start3A_605, %dma_start3A_608, %dma_start3A_609] : memref<5x40x128xf32, #tpu.memory_space<vmem>> -> memref<1x40x128xf32, #tpu.memory_space<vmem>>
      %dma_start3A_611 = tpu.memref_squeeze %dma_start3A_610 : memref<1x40x128xf32, #tpu.memory_space<vmem>> -> memref<40x128xf32, #tpu.memory_space<vmem>>
      %dma_start3A_612 = arith.constant 0 : i32
      %dma_start3A_613 = tpu.memref_slice %arg8[%dma_start3A_606, %dma_start3A_612] : memref<5x40xi32, #tpu.memory_space<vmem>> -> memref<1x40xi32, #tpu.memory_space<vmem>>
      %dma_start3A_614 = tpu.memref_squeeze %dma_start3A_613 : memref<1x40xi32, #tpu.memory_space<vmem>> -> memref<40xi32, #tpu.memory_space<vmem>>
      %dma_start3A_615 = arith.constant 0 : i32
      %dma_start3A_616 = arith.constant 0 : i32
      %dma_start3A_617 = tpu.memref_slice %arg6[%dma_start3A_615, %dma_start3A_616] : memref<10240x128xf32, #tpu.memory_space<vmem_shared>> -> memref<10240x128xf32, #tpu.memory_space<vmem_shared>>
      %dma_start3A_618 = tpu.memref_slice %arg13[%dma_start3A_607] : memref<5x!tpu.dma_semaphore, #tpu.memory_space<semaphore_mem>> -> memref<1x!tpu.dma_semaphore, #tpu.memory_space<semaphore_mem>>
      %dma_start3A_619 = tpu.memref_squeeze %dma_start3A_618 : memref<1x!tpu.dma_semaphore, #tpu.memory_space<semaphore_mem>> -> memref<!tpu.dma_semaphore, #tpu.memory_space<semaphore_mem>>
      tpu.enqueue_indirect_dma source(%dma_start3A_611 : memref<40x128xf32, #tpu.memory_space<vmem>>) target(%dma_start3A_617 : memref<10240x128xf32, #tpu.memory_space<vmem_shared>>) offsets(%dma_start3A_614 : memref<40xi32, #tpu.memory_space<vmem>>) semaphore(%dma_start3A_619 : memref<!tpu.dma_semaphore, #tpu.memory_space<semaphore_mem>>) {add = true}
      %add3A_620 = arith.constant 4 : i32
      %add3A_621 = arith.addi %add3A_586, %add3A_620 : i32
      %lt3A_622 = arith.constant 250 : i32
      %lt3A_623 = arith.cmpi slt, %add3A_621, %lt3A_622 : i32
      %convert_element_type3A_624 = arith.extui %lt3A_623 : i1 to i32
      %cond3A_625 = arith.constant 0 : i32
      %cond3A_626 = arith.cmpi ne, %convert_element_type3A_624, %cond3A_625 : i32
      scf.if %cond3A_626 {
        %ge3A = arith.constant 1 : i32
        %ge3A_686 = arith.cmpi sge, %add3A_586, %ge3A : i32
        %convert_element_type3A_687 = arith.extui %ge3A_686 : i1 to i32
        %cond3A_688 = arith.constant 0 : i32
        %cond3A_689 = arith.cmpi ne, %convert_element_type3A_687, %cond3A_688 : i32
        scf.if %cond3A_689 {
          %dma_wait3A_724 = arith.constant 2 : i32
          %dma_wait3A_725 = arith.constant 2 : i32
          %dma_wait3A_726 = arith.constant 0 : i32
          %dma_wait3A_727 = arith.constant 0 : i32
          %dma_wait3A_728 = tpu.memref_slice %arg9[%dma_wait3A_724, %dma_wait3A_726, %dma_wait3A_727] : memref<5x40x128xf32, #tpu.memory_space<vmem>> -> memref<1x40x128xf32, #tpu.memory_space<vmem>>
          %dma_wait3A_729 = tpu.memref_squeeze %dma_wait3A_728 : memref<1x40x128xf32, #tpu.memory_space<vmem>> -> memref<40x128xf32, #tpu.memory_space<vmem>>
          %dma_wait3A_730 = arith.constant 0 : i32
          %dma_wait3A_731 = arith.constant 0 : i32
          %dma_wait3A_732 = tpu.memref_slice %arg2[%dma_wait3A_730, %dma_wait3A_731] : memref<10000x128xf32, #tpu.memory_space<hbm>> -> memref<40x128xf32, #tpu.memory_space<hbm>>
          %dma_wait3A_733 = tpu.memref_slice %arg13[%dma_wait3A_725] : memref<5x!tpu.dma_semaphore, #tpu.memory_space<semaphore_mem>> -> memref<1x!tpu.dma_semaphore, #tpu.memory_space<semaphore_mem>>
          %dma_wait3A_734 = tpu.memref_squeeze %dma_wait3A_733 : memref<1x!tpu.dma_semaphore, #tpu.memory_space<semaphore_mem>> -> memref<!tpu.dma_semaphore, #tpu.memory_space<semaphore_mem>>
          %dma_wait3A_735 = arith.constant 0 : i32
          %dma_wait3A_736 = arith.constant 0 : i32
          %dma_wait3A_737 = tpu.memref_slice %arg9[%dma_wait3A_724, %dma_wait3A_735, %dma_wait3A_736] : memref<5x40x128xf32, #tpu.memory_space<vmem>> -> memref<1x40x128xf32, #tpu.memory_space<vmem>>
          %dma_wait3A_738 = tpu.memref_squeeze %dma_wait3A_737 : memref<1x40x128xf32, #tpu.memory_space<vmem>> -> memref<40x128xf32, #tpu.memory_space<vmem>>
          %dma_wait3A_739 = arith.constant 0 : i32
          %dma_wait3A_740 = arith.constant 0 : i32
          %dma_wait3A_741 = tpu.memref_slice %arg2[%dma_wait3A_739, %dma_wait3A_740] : memref<10000x128xf32, #tpu.memory_space<hbm>> -> memref<40x128xf32, #tpu.memory_space<hbm>>
          tpu.wait_dma2 semaphore(%dma_wait3A_734 : memref<!tpu.dma_semaphore, #tpu.memory_space<semaphore_mem>>) src(%dma_wait3A_741 : memref<40x128xf32, #tpu.memory_space<hbm>>) dst(%dma_wait3A_738 : memref<40x128xf32, #tpu.memory_space<vmem>>)
        } else {
        }
        %add3A_690 = arith.constant 4 : i32
        %add3A_691 = arith.addi %add3A_586, %add3A_690 : i32
        %dma_start3A_692 = arith.constant 2 : i32
        %dma_start3A_693 = arith.constant 2 : i32
        %dma_start3A_694 = arith.constant 0 : i32
        %dma_start3A_695 = tpu.memref_slice %arg7[%dma_start3A_692, %dma_start3A_694] : memref<5x40xi32, #tpu.memory_space<vmem>> -> memref<1x40xi32, #tpu.memory_space<vmem>>
        %dma_start3A_696 = tpu.memref_squeeze %dma_start3A_695 : memref<1x40xi32, #tpu.memory_space<vmem>> -> memref<40xi32, #tpu.memory_space<vmem>>
        %dma_start3A_697 = arith.constant 0 : i32
        %dma_start3A_698 = tpu.memref_slice %arg3[%add3A, %add3A_691, %dma_start3A_697] : memref<32x250x40xi32, #tpu.memory_space<hbm>> -> memref<1x1x40xi32, #tpu.memory_space<hbm>>
        %dma_start3A_699 = tpu.memref_squeeze %dma_start3A_698 : memref<1x1x40xi32, #tpu.memory_space<hbm>> -> memref<40xi32, #tpu.memory_space<hbm>>
        %dma_start3A_700 = tpu.memref_slice %arg11[%dma_start3A_693] : memref<5x!tpu.dma_semaphore, #tpu.memory_space<semaphore_mem>> -> memref<1x!tpu.dma_semaphore, #tpu.memory_space<semaphore_mem>>
        %dma_start3A_701 = tpu.memref_squeeze %dma_start3A_700 : memref<1x!tpu.dma_semaphore, #tpu.memory_space<semaphore_mem>> -> memref<!tpu.dma_semaphore, #tpu.memory_space<semaphore_mem>>
        %dma_start3A_702 = arith.constant 0 : i32
        %dma_start3A_703 = tpu.memref_slice %arg7[%dma_start3A_692, %dma_start3A_702] : memref<5x40xi32, #tpu.memory_space<vmem>> -> memref<1x40xi32, #tpu.memory_space<vmem>>
        %dma_start3A_704 = tpu.memref_squeeze %dma_start3A_703 : memref<1x40xi32, #tpu.memory_space<vmem>> -> memref<40xi32, #tpu.memory_space<vmem>>
        %dma_start3A_705 = arith.constant 0 : i32
        %dma_start3A_706 = tpu.memref_slice %arg3[%add3A, %add3A_691, %dma_start3A_705] : memref<32x250x40xi32, #tpu.memory_space<hbm>> -> memref<1x1x40xi32, #tpu.memory_space<hbm>>
        %dma_start3A_707 = tpu.memref_squeeze %dma_start3A_706 : memref<1x1x40xi32, #tpu.memory_space<hbm>> -> memref<40xi32, #tpu.memory_space<hbm>>
        tpu.enqueue_dma source(%dma_start3A_707 : memref<40xi32, #tpu.memory_space<hbm>>) target(%dma_start3A_704 : memref<40xi32, #tpu.memory_space<vmem>>) target_semaphore(%dma_start3A_701 : memref<!tpu.dma_semaphore, #tpu.memory_space<semaphore_mem>>)
        %dma_start3A_708 = arith.constant 2 : i32
        %dma_start3A_709 = arith.constant 2 : i32
        %dma_start3A_710 = arith.constant 0 : i32
        %dma_start3A_711 = tpu.memref_slice %arg8[%dma_start3A_708, %dma_start3A_710] : memref<5x40xi32, #tpu.memory_space<vmem>> -> memref<1x40xi32, #tpu.memory_space<vmem>>
        %dma_start3A_712 = tpu.memref_squeeze %dma_start3A_711 : memref<1x40xi32, #tpu.memory_space<vmem>> -> memref<40xi32, #tpu.memory_space<vmem>>
        %dma_start3A_713 = arith.constant 0 : i32
        %dma_start3A_714 = tpu.memref_slice %arg4[%add3A, %add3A_691, %dma_start3A_713] : memref<32x250x40xi32, #tpu.memory_space<hbm>> -> memref<1x1x40xi32, #tpu.memory_space<hbm>>
        %dma_start3A_715 = tpu.memref_squeeze %dma_start3A_714 : memref<1x1x40xi32, #tpu.memory_space<hbm>> -> memref<40xi32, #tpu.memory_space<hbm>>
        %dma_start3A_716 = tpu.memref_slice %arg11[%dma_start3A_709] : memref<5x!tpu.dma_semaphore, #tpu.memory_space<semaphore_mem>> -> memref<1x!tpu.dma_semaphore, #tpu.memory_space<semaphore_mem>>
        %dma_start3A_717 = tpu.memref_squeeze %dma_start3A_716 : memref<1x!tpu.dma_semaphore, #tpu.memory_space<semaphore_mem>> -> memref<!tpu.dma_semaphore, #tpu.memory_space<semaphore_mem>>
        %dma_start3A_718 = arith.constant 0 : i32
        %dma_start3A_719 = tpu.memref_slice %arg8[%dma_start3A_708, %dma_start3A_718] : memref<5x40xi32, #tpu.memory_space<vmem>> -> memref<1x40xi32, #tpu.memory_space<vmem>>
        %dma_start3A_720 = tpu.memref_squeeze %dma_start3A_719 : memref<1x40xi32, #tpu.memory_space<vmem>> -> memref<40xi32, #tpu.memory_space<vmem>>
        %dma_start3A_721 = arith.constant 0 : i32
        %dma_start3A_722 = tpu.memref_slice %arg4[%add3A, %add3A_691, %dma_start3A_721] : memref<32x250x40xi32, #tpu.memory_space<hbm>> -> memref<1x1x40xi32, #tpu.memory_space<hbm>>
        %dma_start3A_723 = tpu.memref_squeeze %dma_start3A_722 : memref<1x1x40xi32, #tpu.memory_space<hbm>> -> memref<40xi32, #tpu.memory_space<hbm>>
        tpu.enqueue_dma source(%dma_start3A_723 : memref<40xi32, #tpu.memory_space<hbm>>) target(%dma_start3A_720 : memref<40xi32, #tpu.memory_space<vmem>>) target_semaphore(%dma_start3A_717 : memref<!tpu.dma_semaphore, #tpu.memory_space<semaphore_mem>>)
      } else {
      }
      %add3A_627 = arith.constant 3 : i32
      %add3A_628 = arith.addi %add3A_586, %add3A_627 : i32
      %lt3A_629 = arith.constant 250 : i32
      %lt3A_630 = arith.cmpi slt, %add3A_628, %lt3A_629 : i32
      %convert_element_type3A_631 = arith.extui %lt3A_630 : i1 to i32
      %cond3A_632 = arith.constant 0 : i32
      %cond3A_633 = arith.cmpi ne, %convert_element_type3A_631, %cond3A_632 : i32
      scf.if %cond3A_633 {
        %dma_wait3A_686 = arith.constant 0 : i32
        %dma_wait3A_687 = arith.constant 1 : i32
        %dma_wait3A_688 = arith.constant 1 : i32
        %dma_wait3A_689 = arith.constant 0 : i32
        %dma_wait3A_690 = tpu.memref_slice %arg7[%dma_wait3A_687, %dma_wait3A_689] : memref<5x40xi32, #tpu.memory_space<vmem>> -> memref<1x40xi32, #tpu.memory_space<vmem>>
        %dma_wait3A_691 = tpu.memref_squeeze %dma_wait3A_690 : memref<1x40xi32, #tpu.memory_space<vmem>> -> memref<40xi32, #tpu.memory_space<vmem>>
        %dma_wait3A_692 = arith.constant 0 : i32
        %dma_wait3A_693 = tpu.memref_slice %arg3[%add3A, %dma_wait3A_686, %dma_wait3A_692] : memref<32x250x40xi32, #tpu.memory_space<hbm>> -> memref<1x1x40xi32, #tpu.memory_space<hbm>>
        %dma_wait3A_694 = tpu.memref_squeeze %dma_wait3A_693 : memref<1x1x40xi32, #tpu.memory_space<hbm>> -> memref<40xi32, #tpu.memory_space<hbm>>
        %dma_wait3A_695 = tpu.memref_slice %arg11[%dma_wait3A_688] : memref<5x!tpu.dma_semaphore, #tpu.memory_space<semaphore_mem>> -> memref<1x!tpu.dma_semaphore, #tpu.memory_space<semaphore_mem>>
        %dma_wait3A_696 = tpu.memref_squeeze %dma_wait3A_695 : memref<1x!tpu.dma_semaphore, #tpu.memory_space<semaphore_mem>> -> memref<!tpu.dma_semaphore, #tpu.memory_space<semaphore_mem>>
        %dma_wait3A_697 = arith.constant 0 : i32
        %dma_wait3A_698 = tpu.memref_slice %arg7[%dma_wait3A_687, %dma_wait3A_697] : memref<5x40xi32, #tpu.memory_space<vmem>> -> memref<1x40xi32, #tpu.memory_space<vmem>>
        %dma_wait3A_699 = tpu.memref_squeeze %dma_wait3A_698 : memref<1x40xi32, #tpu.memory_space<vmem>> -> memref<40xi32, #tpu.memory_space<vmem>>
        %dma_wait3A_700 = arith.constant 0 : i32
        %dma_wait3A_701 = tpu.memref_slice %arg3[%add3A, %dma_wait3A_686, %dma_wait3A_700] : memref<32x250x40xi32, #tpu.memory_space<hbm>> -> memref<1x1x40xi32, #tpu.memory_space<hbm>>
        %dma_wait3A_702 = tpu.memref_squeeze %dma_wait3A_701 : memref<1x1x40xi32, #tpu.memory_space<hbm>> -> memref<40xi32, #tpu.memory_space<hbm>>
        tpu.wait_dma2 semaphore(%dma_wait3A_696 : memref<!tpu.dma_semaphore, #tpu.memory_space<semaphore_mem>>) src(%dma_wait3A_702 : memref<40xi32, #tpu.memory_space<hbm>>) dst(%dma_wait3A_699 : memref<40xi32, #tpu.memory_space<vmem>>)
        %dma_wait3A_703 = arith.constant 0 : i32
        %dma_wait3A_704 = arith.constant 1 : i32
        %dma_wait3A_705 = arith.constant 1 : i32
        %dma_wait3A_706 = arith.constant 0 : i32
        %dma_wait3A_707 = tpu.memref_slice %arg8[%dma_wait3A_704, %dma_wait3A_706] : memref<5x40xi32, #tpu.memory_space<vmem>> -> memref<1x40xi32, #tpu.memory_space<vmem>>
        %dma_wait3A_708 = tpu.memref_squeeze %dma_wait3A_707 : memref<1x40xi32, #tpu.memory_space<vmem>> -> memref<40xi32, #tpu.memory_space<vmem>>
        %dma_wait3A_709 = arith.constant 0 : i32
        %dma_wait3A_710 = tpu.memref_slice %arg4[%add3A, %dma_wait3A_703, %dma_wait3A_709] : memref<32x250x40xi32, #tpu.memory_space<hbm>> -> memref<1x1x40xi32, #tpu.memory_space<hbm>>
        %dma_wait3A_711 = tpu.memref_squeeze %dma_wait3A_710 : memref<1x1x40xi32, #tpu.memory_space<hbm>> -> memref<40xi32, #tpu.memory_space<hbm>>
        %dma_wait3A_712 = tpu.memref_slice %arg11[%dma_wait3A_705] : memref<5x!tpu.dma_semaphore, #tpu.memory_space<semaphore_mem>> -> memref<1x!tpu.dma_semaphore, #tpu.memory_space<semaphore_mem>>
        %dma_wait3A_713 = tpu.memref_squeeze %dma_wait3A_712 : memref<1x!tpu.dma_semaphore, #tpu.memory_space<semaphore_mem>> -> memref<!tpu.dma_semaphore, #tpu.memory_space<semaphore_mem>>
        %dma_wait3A_714 = arith.constant 0 : i32
        %dma_wait3A_715 = tpu.memref_slice %arg8[%dma_wait3A_704, %dma_wait3A_714] : memref<5x40xi32, #tpu.memory_space<vmem>> -> memref<1x40xi32, #tpu.memory_space<vmem>>
        %dma_wait3A_716 = tpu.memref_squeeze %dma_wait3A_715 : memref<1x40xi32, #tpu.memory_space<vmem>> -> memref<40xi32, #tpu.memory_space<vmem>>
        %dma_wait3A_717 = arith.constant 0 : i32
        %dma_wait3A_718 = tpu.memref_slice %arg4[%add3A, %dma_wait3A_703, %dma_wait3A_717] : memref<32x250x40xi32, #tpu.memory_space<hbm>> -> memref<1x1x40xi32, #tpu.memory_space<hbm>>
        %dma_wait3A_719 = tpu.memref_squeeze %dma_wait3A_718 : memref<1x1x40xi32, #tpu.memory_space<hbm>> -> memref<40xi32, #tpu.memory_space<hbm>>
        tpu.wait_dma2 semaphore(%dma_wait3A_713 : memref<!tpu.dma_semaphore, #tpu.memory_space<semaphore_mem>>) src(%dma_wait3A_719 : memref<40xi32, #tpu.memory_space<hbm>>) dst(%dma_wait3A_716 : memref<40xi32, #tpu.memory_space<vmem>>)
        %dma_start3A_720 = arith.constant 1 : i32
        %dma_start3A_721 = arith.constant 1 : i32
        %dma_start3A_722 = arith.constant 1 : i32
        %dma_start3A_723 = arith.constant 0 : i32
        %dma_start3A_724 = arith.constant 0 : i32
        %dma_start3A_725 = tpu.memref_slice %arg9[%dma_start3A_721, %dma_start3A_723, %dma_start3A_724] : memref<5x40x128xf32, #tpu.memory_space<vmem>> -> memref<1x40x128xf32, #tpu.memory_space<vmem>>
        %dma_start3A_726 = tpu.memref_squeeze %dma_start3A_725 : memref<1x40x128xf32, #tpu.memory_space<vmem>> -> memref<40x128xf32, #tpu.memory_space<vmem>>
        %dma_start3A_727 = arith.constant 0 : i32
        %dma_start3A_728 = tpu.memref_slice %arg7[%dma_start3A_720, %dma_start3A_727] : memref<5x40xi32, #tpu.memory_space<vmem>> -> memref<1x40xi32, #tpu.memory_space<vmem>>
        %dma_start3A_729 = tpu.memref_squeeze %dma_start3A_728 : memref<1x40xi32, #tpu.memory_space<vmem>> -> memref<40xi32, #tpu.memory_space<vmem>>
        %dma_start3A_730 = arith.constant 0 : i32
        %dma_start3A_731 = arith.constant 0 : i32
        %dma_start3A_732 = tpu.memref_slice %arg2[%dma_start3A_730, %dma_start3A_731] : memref<10000x128xf32, #tpu.memory_space<hbm>> -> memref<10000x128xf32, #tpu.memory_space<hbm>>
        %dma_start3A_733 = tpu.memref_slice %arg12[%dma_start3A_722] : memref<5x!tpu.dma_semaphore, #tpu.memory_space<semaphore_mem>> -> memref<1x!tpu.dma_semaphore, #tpu.memory_space<semaphore_mem>>
        %dma_start3A_734 = tpu.memref_squeeze %dma_start3A_733 : memref<1x!tpu.dma_semaphore, #tpu.memory_space<semaphore_mem>> -> memref<!tpu.dma_semaphore, #tpu.memory_space<semaphore_mem>>
        tpu.enqueue_indirect_dma source(%dma_start3A_732 : memref<10000x128xf32, #tpu.memory_space<hbm>>) target(%dma_start3A_726 : memref<40x128xf32, #tpu.memory_space<vmem>>) offsets(%dma_start3A_729 : memref<40xi32, #tpu.memory_space<vmem>>) semaphore(%dma_start3A_734 : memref<!tpu.dma_semaphore, #tpu.memory_space<semaphore_mem>>)
      } else {
      }
      %mul3A_634 = arith.constant 5 : i32
      %mul3A_635 = arith.muli %scan3A_431, %mul3A_634 : i32
      %add3A_636 = arith.constant 4 : i32
      %add3A_637 = arith.addi %mul3A_635, %add3A_636 : i32
      %dma_wait3A_638 = arith.constant 4 : i32
      %dma_wait3A_639 = arith.constant 4 : i32
      %dma_wait3A_640 = arith.constant 0 : i32
      %dma_wait3A_641 = arith.constant 0 : i32
      %dma_wait3A_642 = tpu.memref_slice %arg9[%dma_wait3A_638, %dma_wait3A_640, %dma_wait3A_641] : memref<5x40x128xf32, #tpu.memory_space<vmem>> -> memref<1x40x128xf32, #tpu.memory_space<vmem>>
      %dma_wait3A_643 = tpu.memref_squeeze %dma_wait3A_642 : memref<1x40x128xf32, #tpu.memory_space<vmem>> -> memref<40x128xf32, #tpu.memory_space<vmem>>
      %dma_wait3A_644 = arith.constant 0 : i32
      %dma_wait3A_645 = arith.constant 0 : i32
      %dma_wait3A_646 = tpu.memref_slice %arg2[%dma_wait3A_644, %dma_wait3A_645] : memref<10000x128xf32, #tpu.memory_space<hbm>> -> memref<40x128xf32, #tpu.memory_space<hbm>>
      %dma_wait3A_647 = tpu.memref_slice %arg12[%dma_wait3A_639] : memref<5x!tpu.dma_semaphore, #tpu.memory_space<semaphore_mem>> -> memref<1x!tpu.dma_semaphore, #tpu.memory_space<semaphore_mem>>
      %dma_wait3A_648 = tpu.memref_squeeze %dma_wait3A_647 : memref<1x!tpu.dma_semaphore, #tpu.memory_space<semaphore_mem>> -> memref<!tpu.dma_semaphore, #tpu.memory_space<semaphore_mem>>
      %dma_wait3A_649 = arith.constant 0 : i32
      %dma_wait3A_650 = arith.constant 0 : i32
      %dma_wait3A_651 = tpu.memref_slice %arg9[%dma_wait3A_638, %dma_wait3A_649, %dma_wait3A_650] : memref<5x40x128xf32, #tpu.memory_space<vmem>> -> memref<1x40x128xf32, #tpu.memory_space<vmem>>
      %dma_wait3A_652 = tpu.memref_squeeze %dma_wait3A_651 : memref<1x40x128xf32, #tpu.memory_space<vmem>> -> memref<40x128xf32, #tpu.memory_space<vmem>>
      %dma_wait3A_653 = arith.constant 0 : i32
      %dma_wait3A_654 = arith.constant 0 : i32
      %dma_wait3A_655 = tpu.memref_slice %arg2[%dma_wait3A_653, %dma_wait3A_654] : memref<10000x128xf32, #tpu.memory_space<hbm>> -> memref<40x128xf32, #tpu.memory_space<hbm>>
      tpu.wait_dma2 semaphore(%dma_wait3A_648 : memref<!tpu.dma_semaphore, #tpu.memory_space<semaphore_mem>>) src(%dma_wait3A_655 : memref<40x128xf32, #tpu.memory_space<hbm>>) dst(%dma_wait3A_652 : memref<40x128xf32, #tpu.memory_space<vmem>>)
      %dma_start3A_656 = arith.constant 4 : i32
      %dma_start3A_657 = arith.constant 4 : i32
      %dma_start3A_658 = arith.constant 4 : i32
      %dma_start3A_659 = arith.constant 0 : i32
      %dma_start3A_660 = arith.constant 0 : i32
      %dma_start3A_661 = tpu.memref_slice %arg9[%dma_start3A_656, %dma_start3A_659, %dma_start3A_660] : memref<5x40x128xf32, #tpu.memory_space<vmem>> -> memref<1x40x128xf32, #tpu.memory_space<vmem>>
      %dma_start3A_662 = tpu.memref_squeeze %dma_start3A_661 : memref<1x40x128xf32, #tpu.memory_space<vmem>> -> memref<40x128xf32, #tpu.memory_space<vmem>>
      %dma_start3A_663 = arith.constant 0 : i32
      %dma_start3A_664 = tpu.memref_slice %arg8[%dma_start3A_657, %dma_start3A_663] : memref<5x40xi32, #tpu.memory_space<vmem>> -> memref<1x40xi32, #tpu.memory_space<vmem>>
      %dma_start3A_665 = tpu.memref_squeeze %dma_start3A_664 : memref<1x40xi32, #tpu.memory_space<vmem>> -> memref<40xi32, #tpu.memory_space<vmem>>
      %dma_start3A_666 = arith.constant 0 : i32
      %dma_start3A_667 = arith.constant 0 : i32
      %dma_start3A_668 = tpu.memref_slice %arg6[%dma_start3A_666, %dma_start3A_667] : memref<10240x128xf32, #tpu.memory_space<vmem_shared>> -> memref<10240x128xf32, #tpu.memory_space<vmem_shared>>
      %dma_start3A_669 = tpu.memref_slice %arg13[%dma_start3A_658] : memref<5x!tpu.dma_semaphore, #tpu.memory_space<semaphore_mem>> -> memref<1x!tpu.dma_semaphore, #tpu.memory_space<semaphore_mem>>
      %dma_start3A_670 = tpu.memref_squeeze %dma_start3A_669 : memref<1x!tpu.dma_semaphore, #tpu.memory_space<semaphore_mem>> -> memref<!tpu.dma_semaphore, #tpu.memory_space<semaphore_mem>>
      tpu.enqueue_indirect_dma source(%dma_start3A_662 : memref<40x128xf32, #tpu.memory_space<vmem>>) target(%dma_start3A_668 : memref<10240x128xf32, #tpu.memory_space<vmem_shared>>) offsets(%dma_start3A_665 : memref<40xi32, #tpu.memory_space<vmem>>) semaphore(%dma_start3A_670 : memref<!tpu.dma_semaphore, #tpu.memory_space<semaphore_mem>>) {add = true}
      %add3A_671 = arith.constant 4 : i32
      %add3A_672 = arith.addi %add3A_637, %add3A_671 : i32
      %lt3A_673 = arith.constant 250 : i32
      %lt3A_674 = arith.cmpi slt, %add3A_672, %lt3A_673 : i32
      %convert_element_type3A_675 = arith.extui %lt3A_674 : i1 to i32
      %cond3A_676 = arith.constant 0 : i32
      %cond3A_677 = arith.cmpi ne, %convert_element_type3A_675, %cond3A_676 : i32
      scf.if %cond3A_677 {
        %ge3A = arith.constant 1 : i32
        %ge3A_686 = arith.cmpi sge, %add3A_637, %ge3A : i32
        %convert_element_type3A_687 = arith.extui %ge3A_686 : i1 to i32
        %cond3A_688 = arith.constant 0 : i32
        %cond3A_689 = arith.cmpi ne, %convert_element_type3A_687, %cond3A_688 : i32
        scf.if %cond3A_689 {
          %dma_wait3A_724 = arith.constant 3 : i32
          %dma_wait3A_725 = arith.constant 3 : i32
          %dma_wait3A_726 = arith.constant 0 : i32
          %dma_wait3A_727 = arith.constant 0 : i32
          %dma_wait3A_728 = tpu.memref_slice %arg9[%dma_wait3A_724, %dma_wait3A_726, %dma_wait3A_727] : memref<5x40x128xf32, #tpu.memory_space<vmem>> -> memref<1x40x128xf32, #tpu.memory_space<vmem>>
          %dma_wait3A_729 = tpu.memref_squeeze %dma_wait3A_728 : memref<1x40x128xf32, #tpu.memory_space<vmem>> -> memref<40x128xf32, #tpu.memory_space<vmem>>
          %dma_wait3A_730 = arith.constant 0 : i32
          %dma_wait3A_731 = arith.constant 0 : i32
          %dma_wait3A_732 = tpu.memref_slice %arg2[%dma_wait3A_730, %dma_wait3A_731] : memref<10000x128xf32, #tpu.memory_space<hbm>> -> memref<40x128xf32, #tpu.memory_space<hbm>>
          %dma_wait3A_733 = tpu.memref_slice %arg13[%dma_wait3A_725] : memref<5x!tpu.dma_semaphore, #tpu.memory_space<semaphore_mem>> -> memref<1x!tpu.dma_semaphore, #tpu.memory_space<semaphore_mem>>
          %dma_wait3A_734 = tpu.memref_squeeze %dma_wait3A_733 : memref<1x!tpu.dma_semaphore, #tpu.memory_space<semaphore_mem>> -> memref<!tpu.dma_semaphore, #tpu.memory_space<semaphore_mem>>
          %dma_wait3A_735 = arith.constant 0 : i32
          %dma_wait3A_736 = arith.constant 0 : i32
          %dma_wait3A_737 = tpu.memref_slice %arg9[%dma_wait3A_724, %dma_wait3A_735, %dma_wait3A_736] : memref<5x40x128xf32, #tpu.memory_space<vmem>> -> memref<1x40x128xf32, #tpu.memory_space<vmem>>
          %dma_wait3A_738 = tpu.memref_squeeze %dma_wait3A_737 : memref<1x40x128xf32, #tpu.memory_space<vmem>> -> memref<40x128xf32, #tpu.memory_space<vmem>>
          %dma_wait3A_739 = arith.constant 0 : i32
          %dma_wait3A_740 = arith.constant 0 : i32
          %dma_wait3A_741 = tpu.memref_slice %arg2[%dma_wait3A_739, %dma_wait3A_740] : memref<10000x128xf32, #tpu.memory_space<hbm>> -> memref<40x128xf32, #tpu.memory_space<hbm>>
          tpu.wait_dma2 semaphore(%dma_wait3A_734 : memref<!tpu.dma_semaphore, #tpu.memory_space<semaphore_mem>>) src(%dma_wait3A_741 : memref<40x128xf32, #tpu.memory_space<hbm>>) dst(%dma_wait3A_738 : memref<40x128xf32, #tpu.memory_space<vmem>>)
        } else {
        }
        %add3A_690 = arith.constant 4 : i32
        %add3A_691 = arith.addi %add3A_637, %add3A_690 : i32
        %dma_start3A_692 = arith.constant 3 : i32
        %dma_start3A_693 = arith.constant 3 : i32
        %dma_start3A_694 = arith.constant 0 : i32
        %dma_start3A_695 = tpu.memref_slice %arg7[%dma_start3A_692, %dma_start3A_694] : memref<5x40xi32, #tpu.memory_space<vmem>> -> memref<1x40xi32, #tpu.memory_space<vmem>>
        %dma_start3A_696 = tpu.memref_squeeze %dma_start3A_695 : memref<1x40xi32, #tpu.memory_space<vmem>> -> memref<40xi32, #tpu.memory_space<vmem>>
        %dma_start3A_697 = arith.constant 0 : i32
        %dma_start3A_698 = tpu.memref_slice %arg3[%add3A, %add3A_691, %dma_start3A_697] : memref<32x250x40xi32, #tpu.memory_space<hbm>> -> memref<1x1x40xi32, #tpu.memory_space<hbm>>
        %dma_start3A_699 = tpu.memref_squeeze %dma_start3A_698 : memref<1x1x40xi32, #tpu.memory_space<hbm>> -> memref<40xi32, #tpu.memory_space<hbm>>
        %dma_start3A_700 = tpu.memref_slice %arg11[%dma_start3A_693] : memref<5x!tpu.dma_semaphore, #tpu.memory_space<semaphore_mem>> -> memref<1x!tpu.dma_semaphore, #tpu.memory_space<semaphore_mem>>
        %dma_start3A_701 = tpu.memref_squeeze %dma_start3A_700 : memref<1x!tpu.dma_semaphore, #tpu.memory_space<semaphore_mem>> -> memref<!tpu.dma_semaphore, #tpu.memory_space<semaphore_mem>>
        %dma_start3A_702 = arith.constant 0 : i32
        %dma_start3A_703 = tpu.memref_slice %arg7[%dma_start3A_692, %dma_start3A_702] : memref<5x40xi32, #tpu.memory_space<vmem>> -> memref<1x40xi32, #tpu.memory_space<vmem>>
        %dma_start3A_704 = tpu.memref_squeeze %dma_start3A_703 : memref<1x40xi32, #tpu.memory_space<vmem>> -> memref<40xi32, #tpu.memory_space<vmem>>
        %dma_start3A_705 = arith.constant 0 : i32
        %dma_start3A_706 = tpu.memref_slice %arg3[%add3A, %add3A_691, %dma_start3A_705] : memref<32x250x40xi32, #tpu.memory_space<hbm>> -> memref<1x1x40xi32, #tpu.memory_space<hbm>>
        %dma_start3A_707 = tpu.memref_squeeze %dma_start3A_706 : memref<1x1x40xi32, #tpu.memory_space<hbm>> -> memref<40xi32, #tpu.memory_space<hbm>>
        tpu.enqueue_dma source(%dma_start3A_707 : memref<40xi32, #tpu.memory_space<hbm>>) target(%dma_start3A_704 : memref<40xi32, #tpu.memory_space<vmem>>) target_semaphore(%dma_start3A_701 : memref<!tpu.dma_semaphore, #tpu.memory_space<semaphore_mem>>)
        %dma_start3A_708 = arith.constant 3 : i32
        %dma_start3A_709 = arith.constant 3 : i32
        %dma_start3A_710 = arith.constant 0 : i32
        %dma_start3A_711 = tpu.memref_slice %arg8[%dma_start3A_708, %dma_start3A_710] : memref<5x40xi32, #tpu.memory_space<vmem>> -> memref<1x40xi32, #tpu.memory_space<vmem>>
        %dma_start3A_712 = tpu.memref_squeeze %dma_start3A_711 : memref<1x40xi32, #tpu.memory_space<vmem>> -> memref<40xi32, #tpu.memory_space<vmem>>
        %dma_start3A_713 = arith.constant 0 : i32
        %dma_start3A_714 = tpu.memref_slice %arg4[%add3A, %add3A_691, %dma_start3A_713] : memref<32x250x40xi32, #tpu.memory_space<hbm>> -> memref<1x1x40xi32, #tpu.memory_space<hbm>>
        %dma_start3A_715 = tpu.memref_squeeze %dma_start3A_714 : memref<1x1x40xi32, #tpu.memory_space<hbm>> -> memref<40xi32, #tpu.memory_space<hbm>>
        %dma_start3A_716 = tpu.memref_slice %arg11[%dma_start3A_709] : memref<5x!tpu.dma_semaphore, #tpu.memory_space<semaphore_mem>> -> memref<1x!tpu.dma_semaphore, #tpu.memory_space<semaphore_mem>>
        %dma_start3A_717 = tpu.memref_squeeze %dma_start3A_716 : memref<1x!tpu.dma_semaphore, #tpu.memory_space<semaphore_mem>> -> memref<!tpu.dma_semaphore, #tpu.memory_space<semaphore_mem>>
        %dma_start3A_718 = arith.constant 0 : i32
        %dma_start3A_719 = tpu.memref_slice %arg8[%dma_start3A_708, %dma_start3A_718] : memref<5x40xi32, #tpu.memory_space<vmem>> -> memref<1x40xi32, #tpu.memory_space<vmem>>
        %dma_start3A_720 = tpu.memref_squeeze %dma_start3A_719 : memref<1x40xi32, #tpu.memory_space<vmem>> -> memref<40xi32, #tpu.memory_space<vmem>>
        %dma_start3A_721 = arith.constant 0 : i32
        %dma_start3A_722 = tpu.memref_slice %arg4[%add3A, %add3A_691, %dma_start3A_721] : memref<32x250x40xi32, #tpu.memory_space<hbm>> -> memref<1x1x40xi32, #tpu.memory_space<hbm>>
        %dma_start3A_723 = tpu.memref_squeeze %dma_start3A_722 : memref<1x1x40xi32, #tpu.memory_space<hbm>> -> memref<40xi32, #tpu.memory_space<hbm>>
        tpu.enqueue_dma source(%dma_start3A_723 : memref<40xi32, #tpu.memory_space<hbm>>) target(%dma_start3A_720 : memref<40xi32, #tpu.memory_space<vmem>>) target_semaphore(%dma_start3A_717 : memref<!tpu.dma_semaphore, #tpu.memory_space<semaphore_mem>>)
      } else {
      }
      %add3A_678 = arith.constant 3 : i32
      %add3A_679 = arith.addi %add3A_637, %add3A_678 : i32
      %lt3A_680 = arith.constant 250 : i32
      %lt3A_681 = arith.cmpi slt, %add3A_679, %lt3A_680 : i32
      %convert_element_type3A_682 = arith.extui %lt3A_681 : i1 to i32
      %cond3A_683 = arith.constant 0 : i32
      %cond3A_684 = arith.cmpi ne, %convert_element_type3A_682, %cond3A_683 : i32
      scf.if %cond3A_684 {
        %dma_wait3A_686 = arith.constant 0 : i32
        %dma_wait3A_687 = arith.constant 2 : i32
        %dma_wait3A_688 = arith.constant 2 : i32
        %dma_wait3A_689 = arith.constant 0 : i32
        %dma_wait3A_690 = tpu.memref_slice %arg7[%dma_wait3A_687, %dma_wait3A_689] : memref<5x40xi32, #tpu.memory_space<vmem>> -> memref<1x40xi32, #tpu.memory_space<vmem>>
        %dma_wait3A_691 = tpu.memref_squeeze %dma_wait3A_690 : memref<1x40xi32, #tpu.memory_space<vmem>> -> memref<40xi32, #tpu.memory_space<vmem>>
        %dma_wait3A_692 = arith.constant 0 : i32
        %dma_wait3A_693 = tpu.memref_slice %arg3[%add3A, %dma_wait3A_686, %dma_wait3A_692] : memref<32x250x40xi32, #tpu.memory_space<hbm>> -> memref<1x1x40xi32, #tpu.memory_space<hbm>>
        %dma_wait3A_694 = tpu.memref_squeeze %dma_wait3A_693 : memref<1x1x40xi32, #tpu.memory_space<hbm>> -> memref<40xi32, #tpu.memory_space<hbm>>
        %dma_wait3A_695 = tpu.memref_slice %arg11[%dma_wait3A_688] : memref<5x!tpu.dma_semaphore, #tpu.memory_space<semaphore_mem>> -> memref<1x!tpu.dma_semaphore, #tpu.memory_space<semaphore_mem>>
        %dma_wait3A_696 = tpu.memref_squeeze %dma_wait3A_695 : memref<1x!tpu.dma_semaphore, #tpu.memory_space<semaphore_mem>> -> memref<!tpu.dma_semaphore, #tpu.memory_space<semaphore_mem>>
        %dma_wait3A_697 = arith.constant 0 : i32
        %dma_wait3A_698 = tpu.memref_slice %arg7[%dma_wait3A_687, %dma_wait3A_697] : memref<5x40xi32, #tpu.memory_space<vmem>> -> memref<1x40xi32, #tpu.memory_space<vmem>>
        %dma_wait3A_699 = tpu.memref_squeeze %dma_wait3A_698 : memref<1x40xi32, #tpu.memory_space<vmem>> -> memref<40xi32, #tpu.memory_space<vmem>>
        %dma_wait3A_700 = arith.constant 0 : i32
        %dma_wait3A_701 = tpu.memref_slice %arg3[%add3A, %dma_wait3A_686, %dma_wait3A_700] : memref<32x250x40xi32, #tpu.memory_space<hbm>> -> memref<1x1x40xi32, #tpu.memory_space<hbm>>
        %dma_wait3A_702 = tpu.memref_squeeze %dma_wait3A_701 : memref<1x1x40xi32, #tpu.memory_space<hbm>> -> memref<40xi32, #tpu.memory_space<hbm>>
        tpu.wait_dma2 semaphore(%dma_wait3A_696 : memref<!tpu.dma_semaphore, #tpu.memory_space<semaphore_mem>>) src(%dma_wait3A_702 : memref<40xi32, #tpu.memory_space<hbm>>) dst(%dma_wait3A_699 : memref<40xi32, #tpu.memory_space<vmem>>)
        %dma_wait3A_703 = arith.constant 0 : i32
        %dma_wait3A_704 = arith.constant 2 : i32
        %dma_wait3A_705 = arith.constant 2 : i32
        %dma_wait3A_706 = arith.constant 0 : i32
        %dma_wait3A_707 = tpu.memref_slice %arg8[%dma_wait3A_704, %dma_wait3A_706] : memref<5x40xi32, #tpu.memory_space<vmem>> -> memref<1x40xi32, #tpu.memory_space<vmem>>
        %dma_wait3A_708 = tpu.memref_squeeze %dma_wait3A_707 : memref<1x40xi32, #tpu.memory_space<vmem>> -> memref<40xi32, #tpu.memory_space<vmem>>
        %dma_wait3A_709 = arith.constant 0 : i32
        %dma_wait3A_710 = tpu.memref_slice %arg4[%add3A, %dma_wait3A_703, %dma_wait3A_709] : memref<32x250x40xi32, #tpu.memory_space<hbm>> -> memref<1x1x40xi32, #tpu.memory_space<hbm>>
        %dma_wait3A_711 = tpu.memref_squeeze %dma_wait3A_710 : memref<1x1x40xi32, #tpu.memory_space<hbm>> -> memref<40xi32, #tpu.memory_space<hbm>>
        %dma_wait3A_712 = tpu.memref_slice %arg11[%dma_wait3A_705] : memref<5x!tpu.dma_semaphore, #tpu.memory_space<semaphore_mem>> -> memref<1x!tpu.dma_semaphore, #tpu.memory_space<semaphore_mem>>
        %dma_wait3A_713 = tpu.memref_squeeze %dma_wait3A_712 : memref<1x!tpu.dma_semaphore, #tpu.memory_space<semaphore_mem>> -> memref<!tpu.dma_semaphore, #tpu.memory_space<semaphore_mem>>
        %dma_wait3A_714 = arith.constant 0 : i32
        %dma_wait3A_715 = tpu.memref_slice %arg8[%dma_wait3A_704, %dma_wait3A_714] : memref<5x40xi32, #tpu.memory_space<vmem>> -> memref<1x40xi32, #tpu.memory_space<vmem>>
        %dma_wait3A_716 = tpu.memref_squeeze %dma_wait3A_715 : memref<1x40xi32, #tpu.memory_space<vmem>> -> memref<40xi32, #tpu.memory_space<vmem>>
        %dma_wait3A_717 = arith.constant 0 : i32
        %dma_wait3A_718 = tpu.memref_slice %arg4[%add3A, %dma_wait3A_703, %dma_wait3A_717] : memref<32x250x40xi32, #tpu.memory_space<hbm>> -> memref<1x1x40xi32, #tpu.memory_space<hbm>>
        %dma_wait3A_719 = tpu.memref_squeeze %dma_wait3A_718 : memref<1x1x40xi32, #tpu.memory_space<hbm>> -> memref<40xi32, #tpu.memory_space<hbm>>
        tpu.wait_dma2 semaphore(%dma_wait3A_713 : memref<!tpu.dma_semaphore, #tpu.memory_space<semaphore_mem>>) src(%dma_wait3A_719 : memref<40xi32, #tpu.memory_space<hbm>>) dst(%dma_wait3A_716 : memref<40xi32, #tpu.memory_space<vmem>>)
        %dma_start3A_720 = arith.constant 2 : i32
        %dma_start3A_721 = arith.constant 2 : i32
        %dma_start3A_722 = arith.constant 2 : i32
        %dma_start3A_723 = arith.constant 0 : i32
        %dma_start3A_724 = arith.constant 0 : i32
        %dma_start3A_725 = tpu.memref_slice %arg9[%dma_start3A_721, %dma_start3A_723, %dma_start3A_724] : memref<5x40x128xf32, #tpu.memory_space<vmem>> -> memref<1x40x128xf32, #tpu.memory_space<vmem>>
        %dma_start3A_726 = tpu.memref_squeeze %dma_start3A_725 : memref<1x40x128xf32, #tpu.memory_space<vmem>> -> memref<40x128xf32, #tpu.memory_space<vmem>>
        %dma_start3A_727 = arith.constant 0 : i32
        %dma_start3A_728 = tpu.memref_slice %arg7[%dma_start3A_720, %dma_start3A_727] : memref<5x40xi32, #tpu.memory_space<vmem>> -> memref<1x40xi32, #tpu.memory_space<vmem>>
        %dma_start3A_729 = tpu.memref_squeeze %dma_start3A_728 : memref<1x40xi32, #tpu.memory_space<vmem>> -> memref<40xi32, #tpu.memory_space<vmem>>
        %dma_start3A_730 = arith.constant 0 : i32
        %dma_start3A_731 = arith.constant 0 : i32
        %dma_start3A_732 = tpu.memref_slice %arg2[%dma_start3A_730, %dma_start3A_731] : memref<10000x128xf32, #tpu.memory_space<hbm>> -> memref<10000x128xf32, #tpu.memory_space<hbm>>
        %dma_start3A_733 = tpu.memref_slice %arg12[%dma_start3A_722] : memref<5x!tpu.dma_semaphore, #tpu.memory_space<semaphore_mem>> -> memref<1x!tpu.dma_semaphore, #tpu.memory_space<semaphore_mem>>
        %dma_start3A_734 = tpu.memref_squeeze %dma_start3A_733 : memref<1x!tpu.dma_semaphore, #tpu.memory_space<semaphore_mem>> -> memref<!tpu.dma_semaphore, #tpu.memory_space<semaphore_mem>>
        tpu.enqueue_indirect_dma source(%dma_start3A_732 : memref<10000x128xf32, #tpu.memory_space<hbm>>) target(%dma_start3A_726 : memref<40x128xf32, #tpu.memory_space<vmem>>) offsets(%dma_start3A_729 : memref<40xi32, #tpu.memory_space<vmem>>) semaphore(%dma_start3A_734 : memref<!tpu.dma_semaphore, #tpu.memory_space<semaphore_mem>>)
      } else {
      }
      %scan3A_685 = arith.constant 0 : i32
      scf.yield %scan3A_685 : i32
    }
    %scan3A_335 = arith.constant 50 : i32
    %dma_wait3A_336 = arith.constant 0 : i32
    %dma_wait3A_337 = arith.constant 0 : i32
    %dma_wait3A_338 = arith.constant 0 : i32
    %dma_wait3A_339 = arith.constant 0 : i32
    %dma_wait3A_340 = tpu.memref_slice %arg9[%dma_wait3A_336, %dma_wait3A_338, %dma_wait3A_339] : memref<5x40x128xf32, #tpu.memory_space<vmem>> -> memref<1x40x128xf32, #tpu.memory_space<vmem>>
    %dma_wait3A_341 = tpu.memref_squeeze %dma_wait3A_340 : memref<1x40x128xf32, #tpu.memory_space<vmem>> -> memref<40x128xf32, #tpu.memory_space<vmem>>
    %dma_wait3A_342 = arith.constant 0 : i32
    %dma_wait3A_343 = arith.constant 0 : i32
    %dma_wait3A_344 = tpu.memref_slice %arg2[%dma_wait3A_342, %dma_wait3A_343] : memref<10000x128xf32, #tpu.memory_space<hbm>> -> memref<40x128xf32, #tpu.memory_space<hbm>>
    %dma_wait3A_345 = tpu.memref_slice %arg13[%dma_wait3A_337] : memref<5x!tpu.dma_semaphore, #tpu.memory_space<semaphore_mem>> -> memref<1x!tpu.dma_semaphore, #tpu.memory_space<semaphore_mem>>
    %dma_wait3A_346 = tpu.memref_squeeze %dma_wait3A_345 : memref<1x!tpu.dma_semaphore, #tpu.memory_space<semaphore_mem>> -> memref<!tpu.dma_semaphore, #tpu.memory_space<semaphore_mem>>
    %dma_wait3A_347 = arith.constant 0 : i32
    %dma_wait3A_348 = arith.constant 0 : i32
    %dma_wait3A_349 = tpu.memref_slice %arg9[%dma_wait3A_336, %dma_wait3A_347, %dma_wait3A_348] : memref<5x40x128xf32, #tpu.memory_space<vmem>> -> memref<1x40x128xf32, #tpu.memory_space<vmem>>
    %dma_wait3A_350 = tpu.memref_squeeze %dma_wait3A_349 : memref<1x40x128xf32, #tpu.memory_space<vmem>> -> memref<40x128xf32, #tpu.memory_space<vmem>>
    %dma_wait3A_351 = arith.constant 0 : i32
    %dma_wait3A_352 = arith.constant 0 : i32
    %dma_wait3A_353 = tpu.memref_slice %arg2[%dma_wait3A_351, %dma_wait3A_352] : memref<10000x128xf32, #tpu.memory_space<hbm>> -> memref<40x128xf32, #tpu.memory_space<hbm>>
    tpu.wait_dma2 semaphore(%dma_wait3A_346 : memref<!tpu.dma_semaphore, #tpu.memory_space<semaphore_mem>>) src(%dma_wait3A_353 : memref<40x128xf32, #tpu.memory_space<hbm>>) dst(%dma_wait3A_350 : memref<40x128xf32, #tpu.memory_space<vmem>>)
    %dma_wait3A_354 = arith.constant 1 : i32
    %dma_wait3A_355 = arith.constant 1 : i32
    %dma_wait3A_356 = arith.constant 0 : i32
    %dma_wait3A_357 = arith.constant 0 : i32
    %dma_wait3A_358 = tpu.memref_slice %arg9[%dma_wait3A_354, %dma_wait3A_356, %dma_wait3A_357] : memref<5x40x128xf32, #tpu.memory_space<vmem>> -> memref<1x40x128xf32, #tpu.memory_space<vmem>>
    %dma_wait3A_359 = tpu.memref_squeeze %dma_wait3A_358 : memref<1x40x128xf32, #tpu.memory_space<vmem>> -> memref<40x128xf32, #tpu.memory_space<vmem>>
    %dma_wait3A_360 = arith.constant 0 : i32
    %dma_wait3A_361 = arith.constant 0 : i32
    %dma_wait3A_362 = tpu.memref_slice %arg2[%dma_wait3A_360, %dma_wait3A_361] : memref<10000x128xf32, #tpu.memory_space<hbm>> -> memref<40x128xf32, #tpu.memory_space<hbm>>
    %dma_wait3A_363 = tpu.memref_slice %arg13[%dma_wait3A_355] : memref<5x!tpu.dma_semaphore, #tpu.memory_space<semaphore_mem>> -> memref<1x!tpu.dma_semaphore, #tpu.memory_space<semaphore_mem>>
    %dma_wait3A_364 = tpu.memref_squeeze %dma_wait3A_363 : memref<1x!tpu.dma_semaphore, #tpu.memory_space<semaphore_mem>> -> memref<!tpu.dma_semaphore, #tpu.memory_space<semaphore_mem>>
    %dma_wait3A_365 = arith.constant 0 : i32
    %dma_wait3A_366 = arith.constant 0 : i32
    %dma_wait3A_367 = tpu.memref_slice %arg9[%dma_wait3A_354, %dma_wait3A_365, %dma_wait3A_366] : memref<5x40x128xf32, #tpu.memory_space<vmem>> -> memref<1x40x128xf32, #tpu.memory_space<vmem>>
    %dma_wait3A_368 = tpu.memref_squeeze %dma_wait3A_367 : memref<1x40x128xf32, #tpu.memory_space<vmem>> -> memref<40x128xf32, #tpu.memory_space<vmem>>
    %dma_wait3A_369 = arith.constant 0 : i32
    %dma_wait3A_370 = arith.constant 0 : i32
    %dma_wait3A_371 = tpu.memref_slice %arg2[%dma_wait3A_369, %dma_wait3A_370] : memref<10000x128xf32, #tpu.memory_space<hbm>> -> memref<40x128xf32, #tpu.memory_space<hbm>>
    tpu.wait_dma2 semaphore(%dma_wait3A_364 : memref<!tpu.dma_semaphore, #tpu.memory_space<semaphore_mem>>) src(%dma_wait3A_371 : memref<40x128xf32, #tpu.memory_space<hbm>>) dst(%dma_wait3A_368 : memref<40x128xf32, #tpu.memory_space<vmem>>)
    %dma_wait3A_372 = arith.constant 2 : i32
    %dma_wait3A_373 = arith.constant 2 : i32
    %dma_wait3A_374 = arith.constant 0 : i32
    %dma_wait3A_375 = arith.constant 0 : i32
    %dma_wait3A_376 = tpu.memref_slice %arg9[%dma_wait3A_372, %dma_wait3A_374, %dma_wait3A_375] : memref<5x40x128xf32, #tpu.memory_space<vmem>> -> memref<1x40x128xf32, #tpu.memory_space<vmem>>
    %dma_wait3A_377 = tpu.memref_squeeze %dma_wait3A_376 : memref<1x40x128xf32, #tpu.memory_space<vmem>> -> memref<40x128xf32, #tpu.memory_space<vmem>>
    %dma_wait3A_378 = arith.constant 0 : i32
    %dma_wait3A_379 = arith.constant 0 : i32
    %dma_wait3A_380 = tpu.memref_slice %arg2[%dma_wait3A_378, %dma_wait3A_379] : memref<10000x128xf32, #tpu.memory_space<hbm>> -> memref<40x128xf32, #tpu.memory_space<hbm>>
    %dma_wait3A_381 = tpu.memref_slice %arg13[%dma_wait3A_373] : memref<5x!tpu.dma_semaphore, #tpu.memory_space<semaphore_mem>> -> memref<1x!tpu.dma_semaphore, #tpu.memory_space<semaphore_mem>>
    %dma_wait3A_382 = tpu.memref_squeeze %dma_wait3A_381 : memref<1x!tpu.dma_semaphore, #tpu.memory_space<semaphore_mem>> -> memref<!tpu.dma_semaphore, #tpu.memory_space<semaphore_mem>>
    %dma_wait3A_383 = arith.constant 0 : i32
    %dma_wait3A_384 = arith.constant 0 : i32
    %dma_wait3A_385 = tpu.memref_slice %arg9[%dma_wait3A_372, %dma_wait3A_383, %dma_wait3A_384] : memref<5x40x128xf32, #tpu.memory_space<vmem>> -> memref<1x40x128xf32, #tpu.memory_space<vmem>>
    %dma_wait3A_386 = tpu.memref_squeeze %dma_wait3A_385 : memref<1x40x128xf32, #tpu.memory_space<vmem>> -> memref<40x128xf32, #tpu.memory_space<vmem>>
    %dma_wait3A_387 = arith.constant 0 : i32
    %dma_wait3A_388 = arith.constant 0 : i32
    %dma_wait3A_389 = tpu.memref_slice %arg2[%dma_wait3A_387, %dma_wait3A_388] : memref<10000x128xf32, #tpu.memory_space<hbm>> -> memref<40x128xf32, #tpu.memory_space<hbm>>
    tpu.wait_dma2 semaphore(%dma_wait3A_382 : memref<!tpu.dma_semaphore, #tpu.memory_space<semaphore_mem>>) src(%dma_wait3A_389 : memref<40x128xf32, #tpu.memory_space<hbm>>) dst(%dma_wait3A_386 : memref<40x128xf32, #tpu.memory_space<vmem>>)
    %dma_wait3A_390 = arith.constant 3 : i32
    %dma_wait3A_391 = arith.constant 3 : i32
    %dma_wait3A_392 = arith.constant 0 : i32
    %dma_wait3A_393 = arith.constant 0 : i32
    %dma_wait3A_394 = tpu.memref_slice %arg9[%dma_wait3A_390, %dma_wait3A_392, %dma_wait3A_393] : memref<5x40x128xf32, #tpu.memory_space<vmem>> -> memref<1x40x128xf32, #tpu.memory_space<vmem>>
    %dma_wait3A_395 = tpu.memref_squeeze %dma_wait3A_394 : memref<1x40x128xf32, #tpu.memory_space<vmem>> -> memref<40x128xf32, #tpu.memory_space<vmem>>
    %dma_wait3A_396 = arith.constant 0 : i32
    %dma_wait3A_397 = arith.constant 0 : i32
    %dma_wait3A_398 = tpu.memref_slice %arg2[%dma_wait3A_396, %dma_wait3A_397] : memref<10000x128xf32, #tpu.memory_space<hbm>> -> memref<40x128xf32, #tpu.memory_space<hbm>>
    %dma_wait3A_399 = tpu.memref_slice %arg13[%dma_wait3A_391] : memref<5x!tpu.dma_semaphore, #tpu.memory_space<semaphore_mem>> -> memref<1x!tpu.dma_semaphore, #tpu.memory_space<semaphore_mem>>
    %dma_wait3A_400 = tpu.memref_squeeze %dma_wait3A_399 : memref<1x!tpu.dma_semaphore, #tpu.memory_space<semaphore_mem>> -> memref<!tpu.dma_semaphore, #tpu.memory_space<semaphore_mem>>
    %dma_wait3A_401 = arith.constant 0 : i32
    %dma_wait3A_402 = arith.constant 0 : i32
    %dma_wait3A_403 = tpu.memref_slice %arg9[%dma_wait3A_390, %dma_wait3A_401, %dma_wait3A_402] : memref<5x40x128xf32, #tpu.memory_space<vmem>> -> memref<1x40x128xf32, #tpu.memory_space<vmem>>
    %dma_wait3A_404 = tpu.memref_squeeze %dma_wait3A_403 : memref<1x40x128xf32, #tpu.memory_space<vmem>> -> memref<40x128xf32, #tpu.memory_space<vmem>>
    %dma_wait3A_405 = arith.constant 0 : i32
    %dma_wait3A_406 = arith.constant 0 : i32
    %dma_wait3A_407 = tpu.memref_slice %arg2[%dma_wait3A_405, %dma_wait3A_406] : memref<10000x128xf32, #tpu.memory_space<hbm>> -> memref<40x128xf32, #tpu.memory_space<hbm>>
    tpu.wait_dma2 semaphore(%dma_wait3A_400 : memref<!tpu.dma_semaphore, #tpu.memory_space<semaphore_mem>>) src(%dma_wait3A_407 : memref<40x128xf32, #tpu.memory_space<hbm>>) dst(%dma_wait3A_404 : memref<40x128xf32, #tpu.memory_space<vmem>>)
    %dma_wait3A_408 = arith.constant 4 : i32
    %dma_wait3A_409 = arith.constant 4 : i32
    %dma_wait3A_410 = arith.constant 0 : i32
    %dma_wait3A_411 = arith.constant 0 : i32
    %dma_wait3A_412 = tpu.memref_slice %arg9[%dma_wait3A_408, %dma_wait3A_410, %dma_wait3A_411] : memref<5x40x128xf32, #tpu.memory_space<vmem>> -> memref<1x40x128xf32, #tpu.memory_space<vmem>>
    %dma_wait3A_413 = tpu.memref_squeeze %dma_wait3A_412 : memref<1x40x128xf32, #tpu.memory_space<vmem>> -> memref<40x128xf32, #tpu.memory_space<vmem>>
    %dma_wait3A_414 = arith.constant 0 : i32
    %dma_wait3A_415 = arith.constant 0 : i32
    %dma_wait3A_416 = tpu.memref_slice %arg2[%dma_wait3A_414, %dma_wait3A_415] : memref<10000x128xf32, #tpu.memory_space<hbm>> -> memref<40x128xf32, #tpu.memory_space<hbm>>
    %dma_wait3A_417 = tpu.memref_slice %arg13[%dma_wait3A_409] : memref<5x!tpu.dma_semaphore, #tpu.memory_space<semaphore_mem>> -> memref<1x!tpu.dma_semaphore, #tpu.memory_space<semaphore_mem>>
    %dma_wait3A_418 = tpu.memref_squeeze %dma_wait3A_417 : memref<1x!tpu.dma_semaphore, #tpu.memory_space<semaphore_mem>> -> memref<!tpu.dma_semaphore, #tpu.memory_space<semaphore_mem>>
    %dma_wait3A_419 = arith.constant 0 : i32
    %dma_wait3A_420 = arith.constant 0 : i32
    %dma_wait3A_421 = tpu.memref_slice %arg9[%dma_wait3A_408, %dma_wait3A_419, %dma_wait3A_420] : memref<5x40x128xf32, #tpu.memory_space<vmem>> -> memref<1x40x128xf32, #tpu.memory_space<vmem>>
    %dma_wait3A_422 = tpu.memref_squeeze %dma_wait3A_421 : memref<1x40x128xf32, #tpu.memory_space<vmem>> -> memref<40x128xf32, #tpu.memory_space<vmem>>
    %dma_wait3A_423 = arith.constant 0 : i32
    %dma_wait3A_424 = arith.constant 0 : i32
    %dma_wait3A_425 = tpu.memref_slice %arg2[%dma_wait3A_423, %dma_wait3A_424] : memref<10000x128xf32, #tpu.memory_space<hbm>> -> memref<40x128xf32, #tpu.memory_space<hbm>>
    tpu.wait_dma2 semaphore(%dma_wait3A_418 : memref<!tpu.dma_semaphore, #tpu.memory_space<semaphore_mem>>) src(%dma_wait3A_425 : memref<40x128xf32, #tpu.memory_space<hbm>>) dst(%dma_wait3A_422 : memref<40x128xf32, #tpu.memory_space<vmem>>)
    %barrier3A_426 = arith.constant 0 : index
    tpu.barrier barrier_id(%barrier3A_426)
    %mul3A_427 = arith.constant 640 : i32
    %mul3A_428 = arith.muli %arg1, %mul3A_427 : i32
    %mul3A_429 = arith.constant 640 : i32
    %mul3A_430 = arith.muli %arg1, %mul3A_429 : i32
    "tpu.region"() ({
      %run_scoped3A = tpu.sem_alloc : memref<!tpu.dma_semaphore, #tpu.memory_space<semaphore_mem>>
      %dma_start3A_431 = arith.constant 0 : i32
      %dma_start3A_432 = tpu.memref_slice %arg5[%arg0, %mul3A_430, %dma_start3A_431] : memref<2x10240x128xf32, #tpu.memory_space<hbm>> -> memref<1x640x128xf32, #tpu.memory_space<hbm>>
      %dma_start3A_433 = tpu.memref_squeeze %dma_start3A_432 : memref<1x640x128xf32, #tpu.memory_space<hbm>> -> memref<640x128xf32, #tpu.memory_space<hbm>>
      %dma_start3A_434 = arith.constant 0 : i32
      %dma_start3A_435 = tpu.memref_slice %arg6[%mul3A_428, %dma_start3A_434] : memref<10240x128xf32, #tpu.memory_space<vmem_shared>> -> memref<640x128xf32, #tpu.memory_space<vmem_shared>>
      tpu.enqueue_dma source(%dma_start3A_435 : memref<640x128xf32, #tpu.memory_space<vmem_shared>>) target(%dma_start3A_433 : memref<640x128xf32, #tpu.memory_space<hbm>>) target_semaphore(%run_scoped3A : memref<!tpu.dma_semaphore, #tpu.memory_space<semaphore_mem>>)
      %dma_wait3A_436 = arith.constant 0 : i32
      %dma_wait3A_437 = tpu.memref_slice %arg5[%arg0, %mul3A_430, %dma_wait3A_436] : memref<2x10240x128xf32, #tpu.memory_space<hbm>> -> memref<1x640x128xf32, #tpu.memory_space<hbm>>
      %dma_wait3A_438 = tpu.memref_squeeze %dma_wait3A_437 : memref<1x640x128xf32, #tpu.memory_space<hbm>> -> memref<640x128xf32, #tpu.memory_space<hbm>>
      %dma_wait3A_439 = arith.constant 0 : i32
      %dma_wait3A_440 = tpu.memref_slice %arg6[%mul3A_428, %dma_wait3A_439] : memref<10240x128xf32, #tpu.memory_space<vmem_shared>> -> memref<640x128xf32, #tpu.memory_space<vmem_shared>>
      tpu.wait_dma2 semaphore(%run_scoped3A : memref<!tpu.dma_semaphore, #tpu.memory_space<semaphore_mem>>) src(%dma_wait3A_440 : memref<640x128xf32, #tpu.memory_space<vmem_shared>>) dst(%dma_wait3A_438 : memref<640x128xf32, #tpu.memory_space<hbm>>)
      tpu.yield
    }) : () -> ()
    return
  }
}

module attributes {stable_mosaic.version = 14 : i64} {
  func.func @_dense_body(%arg0: i32, %arg1: memref<1000x128xf32, #tpu.memory_space<vmem>>, %arg2: memref<128x128xf32, #tpu.memory_space<vmem>>, %arg3: memref<128x128xf32, #tpu.memory_space<vmem>>, %arg4: memref<128x128xf32, #tpu.memory_space<vmem>>, %arg5: memref<1x128xf32, #tpu.memory_space<vmem>>, %arg6: memref<1x128xf32, #tpu.memory_space<vmem>>, %arg7: memref<1000x2xf32, #tpu.memory_space<vmem>>, %arg8: memref<1000x128xf32, #tpu.memory_space<vmem>>, %arg9: memref<1000x128xf32, #tpu.memory_space<vmem>>) attributes {dimension_semantics = [#tpu.dimension_semantics<arbitrary>], iteration_bounds = array<i64: 10>, scalar_prefetch = 0 : i64, scratch_operands = 0 : i64, tpu.core_type = #tpu.core_type<tc>, window_params = [{transform_indices = @transform_0, window_bounds = array<i64: 1000, 128>}, {pipeline_mode = #tpu.pipeline_mode<synchronous>, transform_indices = @transform_1, window_bounds = array<i64: 128, 128>}, {pipeline_mode = #tpu.pipeline_mode<synchronous>, transform_indices = @transform_2, window_bounds = array<i64: 128, 128>}, {pipeline_mode = #tpu.pipeline_mode<synchronous>, transform_indices = @transform_3, window_bounds = array<i64: 128, 128>}, {pipeline_mode = #tpu.pipeline_mode<synchronous>, transform_indices = @transform_4, window_bounds = array<i64: 1, 128>}, {pipeline_mode = #tpu.pipeline_mode<synchronous>, transform_indices = @transform_5, window_bounds = array<i64: 1, 128>}, {transform_indices = @transform_6, window_bounds = array<i64: 1000, 2>}, {transform_indices = @transform_7, window_bounds = array<i64: 1000, 128>}, {transform_indices = @transform_8, window_bounds = array<i64: 1000, 128>}]} {
    %get3A = arith.constant 0 : index
    %get3A_0 = arith.constant 0 : index
    %get3A_1 = vector.load %arg1[%get3A, %get3A_0] : memref<1000x128xf32, #tpu.memory_space<vmem>>, vector<1000x128xf32>
    %get3A_2 = arith.constant 0 : index
    %get3A_3 = arith.constant 0 : index
    %get3A_4 = vector.load %arg2[%get3A_2, %get3A_3] : memref<128x128xf32, #tpu.memory_space<vmem>>, vector<128x128xf32>
    %dot_general3A = arith.constant dense<0.000000e+00> : vector<1000x128xf32>
    %dot_general3A_5 = tpu.matmul %get3A_1, %get3A_4, %dot_general3A {dimension_numbers = #tpu.dot_dimension_numbers<[1], [0], [0], [1], [0, 0, 1, 1], [], []>, transpose_lhs_hint = false} : vector<1000x128xf32>, vector<128x128xf32>, vector<1000x128xf32> -> vector<1000x128xf32>
    %get3A_6 = arith.constant 0 : index
    %get3A_7 = arith.constant 0 : index
    %get3A_8 = vector.load %arg5[%get3A_6, %get3A_7] : memref<1x128xf32, #tpu.memory_space<vmem>>, vector<1x128xf32>
    %add3A = vector.broadcast %get3A_8 : vector<1x128xf32> to vector<1000x128xf32>
    %add3A_9 = arith.addf %dot_general3A_5, %add3A : vector<1000x128xf32>
    %max3A = arith.constant 0.000000e+00 : f32
    %max3A_10 = vector.broadcast %max3A : f32 to vector<1000x128xf32>
    %max3A_11 = arith.maximumf %add3A_9, %max3A_10 : vector<1000x128xf32>
    %get3A_12 = arith.constant 0 : index
    %get3A_13 = arith.constant 0 : index
    %get3A_14 = vector.load %arg7[%get3A_12, %get3A_13] : memref<1000x2xf32, #tpu.memory_space<vmem>>, vector<1000x1xf32>
    %max3A_15 = arith.constant 1.000000e+00 : f32
    %max3A_16 = vector.broadcast %max3A_15 : f32 to vector<1000x1xf32>
    %max3A_17 = arith.maximumf %get3A_14, %max3A_16 : vector<1000x1xf32>
    %rsqrt3A = math.rsqrt %max3A_17 : vector<1000x1xf32>
    %get3A_18 = arith.constant 0 : index
    %get3A_19 = arith.constant 0 : index
    %get3A_20 = vector.load %arg3[%get3A_18, %get3A_19] : memref<128x128xf32, #tpu.memory_space<vmem>>, vector<128x128xf32>
    %dot_general3A_21 = arith.constant dense<0.000000e+00> : vector<1000x128xf32>
    %dot_general3A_22 = tpu.matmul %max3A_11, %get3A_20, %dot_general3A_21 {dimension_numbers = #tpu.dot_dimension_numbers<[1], [0], [0], [1], [0, 0, 1, 1], [], []>, transpose_lhs_hint = false} : vector<1000x128xf32>, vector<128x128xf32>, vector<1000x128xf32> -> vector<1000x128xf32>
    %mul3A = vector.broadcast %rsqrt3A : vector<1000x1xf32> to vector<1000x128xf32>
    %mul3A_23 = arith.mulf %dot_general3A_22, %mul3A : vector<1000x128xf32>
    %swap3A = arith.constant 0 : index
    %swap3A_24 = arith.constant 0 : index
    %swap3A_25 = vector.load %arg8[%swap3A, %swap3A_24] : memref<1000x128xf32, #tpu.memory_space<vmem>>, vector<1000x128xf32>
    tpu.vector_store %arg8[%swap3A, %swap3A_24], %mul3A_23 {strides = array<i32>} : memref<1000x128xf32, #tpu.memory_space<vmem>>, vector<1000x128xf32>,
    %get3A_26 = arith.constant 0 : index
    %get3A_27 = arith.constant 0 : index
    %get3A_28 = vector.load %arg4[%get3A_26, %get3A_27] : memref<128x128xf32, #tpu.memory_space<vmem>>, vector<128x128xf32>
    %dot_general3A_29 = arith.constant dense<0.000000e+00> : vector<1000x128xf32>
    %dot_general3A_30 = tpu.matmul %max3A_11, %get3A_28, %dot_general3A_29 {dimension_numbers = #tpu.dot_dimension_numbers<[1], [0], [0], [1], [0, 0, 1, 1], [], []>, transpose_lhs_hint = false} : vector<1000x128xf32>, vector<128x128xf32>, vector<1000x128xf32> -> vector<1000x128xf32>
    %get3A_31 = arith.constant 0 : index
    %get3A_32 = arith.constant 0 : index
    %get3A_33 = vector.load %arg6[%get3A_31, %get3A_32] : memref<1x128xf32, #tpu.memory_space<vmem>>, vector<1x128xf32>
    %add3A_34 = vector.broadcast %get3A_33 : vector<1x128xf32> to vector<1000x128xf32>
    %add3A_35 = arith.addf %dot_general3A_30, %add3A_34 : vector<1000x128xf32>
    %max3A_36 = arith.constant 0.000000e+00 : f32
    %max3A_37 = vector.broadcast %max3A_36 : f32 to vector<1000x128xf32>
    %max3A_38 = arith.maximumf %add3A_35, %max3A_37 : vector<1000x128xf32>
    %swap3A_39 = arith.constant 0 : index
    %swap3A_40 = arith.constant 0 : index
    %swap3A_41 = vector.load %arg9[%swap3A_39, %swap3A_40] : memref<1000x128xf32, #tpu.memory_space<vmem>>, vector<1000x128xf32>
    tpu.vector_store %arg9[%swap3A_39, %swap3A_40], %max3A_38 {strides = array<i32>} : memref<1000x128xf32, #tpu.memory_space<vmem>>, vector<1000x128xf32>,
    return
  }
  func.func @transform_0(%arg0: i32) -> (i32, i32) {
    %c0_i32 = arith.constant 0 : i32
    %c0_i32_0 = arith.constant 0 : i32
    return %arg0, %c0_i32 : i32, i32
  }
  func.func @transform_1(%arg0: i32) -> (i32, i32) {
    %c0_i32 = arith.constant 0 : i32
    %c0_i32_0 = arith.constant 0 : i32
    %c0_i32_1 = arith.constant 0 : i32
    return %c0_i32, %c0_i32_0 : i32, i32
  }
  func.func @transform_2(%arg0: i32) -> (i32, i32) {
    %c0_i32 = arith.constant 0 : i32
    %c0_i32_0 = arith.constant 0 : i32
    %c0_i32_1 = arith.constant 0 : i32
    return %c0_i32, %c0_i32_0 : i32, i32
  }
  func.func @transform_3(%arg0: i32) -> (i32, i32) {
    %c0_i32 = arith.constant 0 : i32
    %c0_i32_0 = arith.constant 0 : i32
    %c0_i32_1 = arith.constant 0 : i32
    return %c0_i32, %c0_i32_0 : i32, i32
  }
  func.func @transform_4(%arg0: i32) -> (i32, i32) {
    %c0_i32 = arith.constant 0 : i32
    %c0_i32_0 = arith.constant 0 : i32
    %c0_i32_1 = arith.constant 0 : i32
    return %c0_i32, %c0_i32_0 : i32, i32
  }
  func.func @transform_5(%arg0: i32) -> (i32, i32) {
    %c0_i32 = arith.constant 0 : i32
    %c0_i32_0 = arith.constant 0 : i32
    %c0_i32_1 = arith.constant 0 : i32
    return %c0_i32, %c0_i32_0 : i32, i32
  }
  func.func @transform_6(%arg0: i32) -> (i32, i32) {
    %c0_i32 = arith.constant 0 : i32
    %c0_i32_0 = arith.constant 0 : i32
    return %arg0, %c0_i32 : i32, i32
  }
  func.func @transform_7(%arg0: i32) -> (i32, i32) {
    %c0_i32 = arith.constant 0 : i32
    %c0_i32_0 = arith.constant 0 : i32
    return %arg0, %c0_i32 : i32, i32
  }
  func.func @transform_8(%arg0: i32) -> (i32, i32) {
    %c0_i32 = arith.constant 0 : i32
    %c0_i32_0 = arith.constant 0 : i32
    return %arg0, %c0_i32 : i32, i32
  }
}

module attributes {stable_mosaic.version = 14 : i64} {
  func.func @_final_body(%arg0: i32, %arg1: memref<2x1000x128xf32, #tpu.memory_space<vmem>>, %arg2: memref<1000x2xf32, #tpu.memory_space<vmem>>, %arg3: memref<1x128xf32, #tpu.memory_space<vmem>>, %arg4: memref<1000x128xf32, #tpu.memory_space<vmem>>) attributes {dimension_semantics = [#tpu.dimension_semantics<arbitrary>], iteration_bounds = array<i64: 10>, scalar_prefetch = 0 : i64, scratch_operands = 0 : i64, tpu.core_type = #tpu.core_type<tc>, window_params = [{transform_indices = @transform_0, window_bounds = array<i64: 2, 1000, 128>}, {transform_indices = @transform_1, window_bounds = array<i64: 1000, 2>}, {pipeline_mode = #tpu.pipeline_mode<synchronous>, transform_indices = @transform_2, window_bounds = array<i64: 1, 128>}, {transform_indices = @transform_3, window_bounds = array<i64: 1000, 128>}]} {
    %get3A = arith.constant 0 : index
    %get3A_0 = arith.constant 0 : index
    %get3A_1 = arith.constant 0 : index
    %get3A_2 = vector.load %arg1[%get3A, %get3A_0, %get3A_1] : memref<2x1000x128xf32, #tpu.memory_space<vmem>>, vector<1x1000x128xf32>
    %get3A_3 = vector.shape_cast %get3A_2 : vector<1x1000x128xf32> to vector<1000x128xf32>
    %get3A_4 = arith.constant 1 : index
    %get3A_5 = arith.constant 0 : index
    %get3A_6 = arith.constant 0 : index
    %get3A_7 = vector.load %arg1[%get3A_4, %get3A_5, %get3A_6] : memref<2x1000x128xf32, #tpu.memory_space<vmem>>, vector<1x1000x128xf32>
    %get3A_8 = vector.shape_cast %get3A_7 : vector<1x1000x128xf32> to vector<1000x128xf32>
    %add3A = arith.addf %get3A_3, %get3A_8 : vector<1000x128xf32>
    %get3A_9 = arith.constant 0 : index
    %get3A_10 = arith.constant 1 : index
    %get3A_11 = vector.load %arg2[%get3A_9, %get3A_10] : memref<1000x2xf32, #tpu.memory_space<vmem>>, vector<1000x1xf32>
    %max3A = arith.constant 1.000000e+00 : f32
    %max3A_12 = vector.broadcast %max3A : f32 to vector<1000x1xf32>
    %max3A_13 = arith.maximumf %get3A_11, %max3A_12 : vector<1000x1xf32>
    %rsqrt3A = math.rsqrt %max3A_13 : vector<1000x1xf32>
    %mul3A = vector.broadcast %rsqrt3A : vector<1000x1xf32> to vector<1000x128xf32>
    %mul3A_14 = arith.mulf %add3A, %mul3A : vector<1000x128xf32>
    %get3A_15 = arith.constant 0 : index
    %get3A_16 = arith.constant 0 : index
    %get3A_17 = vector.load %arg3[%get3A_15, %get3A_16] : memref<1x128xf32, #tpu.memory_space<vmem>>, vector<1x128xf32>
    %add3A_18 = vector.broadcast %get3A_17 : vector<1x128xf32> to vector<1000x128xf32>
    %add3A_19 = arith.addf %mul3A_14, %add3A_18 : vector<1000x128xf32>
    %max3A_20 = arith.constant 0.000000e+00 : f32
    %max3A_21 = vector.broadcast %max3A_20 : f32 to vector<1000x128xf32>
    %max3A_22 = arith.maximumf %add3A_19, %max3A_21 : vector<1000x128xf32>
    %swap3A = arith.constant 0 : index
    %swap3A_23 = arith.constant 0 : index
    %swap3A_24 = vector.load %arg4[%swap3A, %swap3A_23] : memref<1000x128xf32, #tpu.memory_space<vmem>>, vector<1000x128xf32>
    tpu.vector_store %arg4[%swap3A, %swap3A_23], %max3A_22 {strides = array<i32>} : memref<1000x128xf32, #tpu.memory_space<vmem>>, vector<1000x128xf32>,
    return
  }
  func.func @transform_0(%arg0: i32) -> (i32, i32, i32) {
    %c0_i32 = arith.constant 0 : i32
    %c0_i32_0 = arith.constant 0 : i32
    %c0_i32_1 = arith.constant 0 : i32
    return %c0_i32, %arg0, %c0_i32_0 : i32, i32, i32
  }
  func.func @transform_1(%arg0: i32) -> (i32, i32) {
    %c0_i32 = arith.constant 0 : i32
    %c0_i32_0 = arith.constant 0 : i32
    return %arg0, %c0_i32 : i32, i32
  }
  func.func @transform_2(%arg0: i32) -> (i32, i32) {
    %c0_i32 = arith.constant 0 : i32
    %c0_i32_0 = arith.constant 0 : i32
    %c0_i32_1 = arith.constant 0 : i32
    return %c0_i32, %c0_i32_0 : i32, i32
  }
  func.func @transform_3(%arg0: i32) -> (i32, i32) {
    %c0_i32 = arith.constant 0 : i32
    %c0_i32_0 = arith.constant 0 : i32
    return %arg0, %c0_i32 : i32, i32
  }
}

</mosaic_0001>

<sc_bundles>
// kernel: kernel.6.cloned.1.call-start
scs
__scs_entry_jumppad:
0x0: {  	(pc) =	sbr.rel $0x88, $3  }
0x1: {  	(tag) =	ssettag $0x0;
	lr =	simm.s32 $0x1  }
0x2: {  	[smem:$0x3F99] =	sst lr;
	_ =	strace $0xD0000000  }
0x3: {  	_ = 	snop  }
0x4: {  	_ = 	snop  }
0x5: {  	_ = 	snop  }
0x6: {  	_ = 	snop  }
0x7: {  	_ = 	snop  }
__scs_overlays_trampoline_lowered:
0x8: {  	[smem:$0x3FA8] =	sst s0  }
0x9: {  	[smem:$0x3FA9] =	sst s1  }
0xa: {  	[smem:$0x3FAA] =	sst s2  }
0xb: {  	[smem:$0x3FAB] =	sst s3  }
0xc: {  	[smem:$0x3FAC] =	sst s4  }
0xd: {  	[smem:$0x3FAD] =	sst s5  }
0xe: {  	[smem:$0x3FAE] =	sst s6  }
0xf: {  	[smem:$0x3FAF] =	sst s7  }
0x10: {  	[smem:$0x3FB0] =	sst s8  }
0x11: {  	[smem:$0x3FB1] =	sst s9;
	s0 =	simm.s32 @!p0 $0x0  }
0x12: {  	s1 =	sld [smem:$0x3F97];
	s0 =	simm.s32 @p0 $0x1  }
0x13: {  	[smem:$0x3FB2] =	sst s0;
	s0 =	simm.s32 @!p1 $0x0  }
0x14: {  	s2 =	sld [smem:$0x3F96];
	s0 =	simm.s32 @p1 $0x1  }
0x15: {  	[smem:$0x3FB3] =	sst s0;
	s0 =	simm.s32 @!p2 $0x0  }
0x16: {  	s3 =	sld [smem:$0x3FDB];
	s0 =	simm.s32 @p2 $0x1  }
0x17: {  	s4 =	simm.s32 $0x1BF5;
	[smem:$0x3FB5] =	sst s0  }
0x18: {  	s0 =	sld [smem:$0x3F98];
	_ =	swait.ge [sflag:s4], $0x0  }
0x19: {  	s7 =	sld [smem:$0x3F99]  }
0x1a: {  	s8 =	sadd.s32 $0xFFFFE003, lr  }
0x1b: {  	s9 =	sadd.s32 $0xFFFFFEF7, lr;
	s5 =	simm.s32 $0xFFFFFFFF;
	p2 =	slt.u32 s8, $0xFFFFF086  }
0x1c: {  	p1 =	slt.u32 s9, $0xF7A;
	s5 =	simm.s32 @!p2 $0x0  }
0x1d: {  	s5 =	simm.s32 @p1 $0x1;
	p0 =	seq.s32 s7, s2  }
0x1e: {  	s7 =	smul.u32 @!p0 $0xF7A, s2;
	p2 =	seq.s32 @!p0 s5, $0x0  }
0x1f: {  	s9 =	smul.u32 $0xF7A, s1;
	s8 =	simm.s32 @!p0 $0x1BF5;
	p2 =	por !p2, p0  }
0x20: {  	[sflag:s8] =	ssyncset.s32 @!p0 $0xFFFFF086;
	s6 =	sadd.s32 @!p0 s3, s7;
	s7 =	simm.s32 @!p0 $0x108  }
0x21: {  	s3 =	sadd.s32 s3, s9;
	s6 =	sadd.s32 @!p0 $0x88, s6;
	s7 =	simm.s32 @p2 $0x1082  }
0x22: {  	[simem:s7], [sflag:s8] =	dma.local @!p0 [hbm:s6], $0xF7A  }
0x23: {  	s9 =	sor.u32 $0xD0000000, s2;
	s6 =	simm.s32 $0x108;
	_ =	swait.ge @!p0 [sflag:s8], $0x0  }
0x24: {  	s3 =	sadd.s32 $0x88, s3;
	s6 =	simm.s32 @!p1 $0x1082;
	[sflag:s4] =	ssyncset.s32 $0xFFFFF086  }
0x25: {  	[simem:s6], [sflag:s4] =	dma.local [hbm:s3], $0xF7A  }
0x26: {  	[smem:$0x3F99] =	sst s1;
	(tag) =	ssettag s2;
	_ =	strace s9  }
0x27: {  	s1 =	sld [smem:$0x3FA9]  }
0x28: {  	s2 =	sld [smem:$0x3FAA]  }
0x29: {  	s4 =	sld [smem:$0x3FAC]  }
0x2a: {  	p0 =	seq.s32 s5, $0x0;
	s5 =	sld [smem:$0x3FAD]  }
0x2b: {  	s6 =	sld [smem:$0x3FAE]  }
0x2c: {  	s7 =	sld [smem:$0x3FAF]  }
0x2d: {  	s3 =	simm.s32 $0x108;
	s8 =	sld [smem:$0x3FB0]  }
0x2e: {  	s3 =	simm.s32 @!p0 $0x1082;
	s9 =	sld [smem:$0x3FB1]  }
0x2f: {  	lr =	sadd.s32 s0, s3;
	s0 =	sld [smem:$0x3FA8]  }
0x30: {  	s3 =	sld [smem:$0x3FAB]  }
0x31: {  	[smem:$0x3FB4] =	sst s10  }
0x32: {  	s10 =	sld [smem:$0x3FB2];
	_ =	sdelay $0x3  }
0x33: {  	p0 =	seq.s32 s10, $0x1;
	s10 =	sld [smem:$0x3FB4];
	_ =	sdelay $0x3  }
0x34: {  	[smem:$0x3FB4] =	sst s10  }
0x35: {  	s10 =	sld [smem:$0x3FB3];
	_ =	sdelay $0x3  }
0x36: {  	p1 =	seq.s32 s10, $0x1;
	s10 =	sld [smem:$0x3FB4];
	_ =	sdelay $0x3  }
0x37: {  	[smem:$0x3FB4] =	sst s10  }
0x38: {  	s10 =	sld [smem:$0x3FB5]  }
0x39: {  	_ = 	snop;
	(pc) =	sbr.ind lr, $3  }
0x3a: {  	_ = 	snop  }
0x3b: {  	_ = 	snop  }
0x3c: {  	p2 =	seq.s32 s10, $0x1;
	s10 =	sld [smem:$0x3FB4]  }
0x3d: {  	_ =	shalt  }
0x3e: {  	_ =	shalt  }
0x3f: {  	_ =	shalt  }
0x40: {  	_ =	shalt  }
0x41: {  	_ =	shalt  }
0x42: {  	_ =	shalt  }
0x43: {  	_ =	shalt  }
0x44: {  	_ =	shalt  }
0x45: {  	_ =	shalt  }
0x46: {  	_ =	shalt  }
0x47: {  	_ =	shalt  }
0x48: {  	_ =	shalt  }
0x49: {  	_ =	shalt  }
0x4a: {  	_ =	shalt  }
0x4b: {  	_ =	shalt  }
0x4c: {  	_ =	shalt  }
0x4d: {  	_ =	shalt  }
0x4e: {  	_ =	shalt  }
0x4f: {  	_ =	shalt  }
0x50: {  	_ =	shalt  }
0x51: {  	_ =	shalt  }
0x52: {  	_ =	shalt  }
0x53: {  	_ =	shalt  }
0x54: {  	_ =	shalt  }
0x55: {  	_ =	shalt  }
0x56: {  	_ =	shalt  }
0x57: {  	_ =	shalt  }
0x58: {  	_ =	shalt  }
0x59: {  	_ =	shalt  }
0x5a: {  	_ =	shalt  }
0x5b: {  	_ =	shalt  }
0x5c: {  	_ =	shalt  }
0x5d: {  	_ =	shalt  }
0x5e: {  	_ =	shalt  }
0x5f: {  	_ =	shalt  }
0x60: {  	_ =	shalt  }
0x61: {  	_ =	shalt  }
0x62: {  	_ =	shalt  }
0x63: {  	_ =	shalt  }
0x64: {  	_ =	shalt  }
0x65: {  	_ =	shalt  }
0x66: {  	_ =	shalt  }
0x67: {  	_ =	shalt  }
0x68: {  	_ =	shalt  }
0x69: {  	_ =	shalt  }
0x6a: {  	_ =	shalt  }
0x6b: {  	_ =	shalt  }
0x6c: {  	_ =	shalt  }
0x6d: {  	_ =	shalt  }
0x6e: {  	_ =	shalt  }
0x6f: {  	_ =	shalt  }
0x70: {  	_ =	shalt  }
0x71: {  	_ =	shalt  }
0x72: {  	_ =	shalt  }
0x73: {  	_ =	shalt  }
0x74: {  	_ =	shalt  }
0x75: {  	_ =	shalt  }
0x76: {  	_ =	shalt  }
0x77: {  	_ =	shalt  }
0x78: {  	_ =	shalt  }
0x79: {  	_ =	shalt  }
0x7a: {  	_ =	shalt  }
0x7b: {  	_ =	shalt  }
0x7c: {  	_ =	shalt  }
0x7d: {  	_ =	shalt  }
0x7e: {  	_ =	shalt  }
0x7f: {  	_ =	shalt  }
0x80: {  	_ =	shalt  }
0x81: {  	_ =	shalt  }
0x82: {  	_ =	shalt  }
0x83: {  	_ =	shalt  }
0x84: {  	_ =	shalt  }
0x85: {  	_ =	shalt  }
0x86: {  	_ =	shalt  }
0x87: {  	_ =	shalt  }
.Lfunc_end0:
.L_simem_size_0:
called_computation_lowered:
.L_overlay_start_0:
0x88: {  	s2 =	sld [smem:$0x3FD9]  }
0x89: {  	s3 =	sld [smem:$0x3FFE];
	_ =	sdelay $0x1  }
0x8a: {  	s1 =	srdreg.scid  }
0x8b: {  	s0 =	sand.u32 $0x1, s1  }
0x8c: {  	s15 =	sshll.u32 s0, $0xA;
	s2 =	sadd.s32 s3, s2  }
0x8d: {  	s2 =	sadd.s32 s2, s15  }
0x8e: {  	[smem:$0x3FC0] =	sst s2  }
0x8f: {  	_ = 	snop  }
0x90: {  	s2 =	sld [smem:$0x3FD0];
	_ =	sdelay $0x2  }
0x91: {  	s16 =	simm.s32 $0xA;
	s4 =	simm.s32 $0x10  }
0x92: {  	[smem:s4], [sflag:s16] =	dma.local [hbm:s2], $0x1  }
0x93: {  	_ =	swait.eq [sflag:s16], $0x1  }
0x94: {  	[sflag:s16] =	ssyncset.done $0x0  }
0x95: {  	s17 =	sld [smem:$0x10];
	[sflag:s16] =	ssyncadd.s32 $0xFFFFFFFF  }
0x96: {  	s18 =	sld [smem:$0x11];
	(tm) =	ssettm $0x1  }
0x97: {  	s19 =	sld [smem:$0x3FFB];
	_ =	sdelay $0x3  }
0x98: {  	_ =	strace s19  }
0x99: {  	s4 =	sld [smem:$0x3FFC];
	_ =	sdelay $0x3  }
0x9a: {  	_ =	strace s4  }
0x9b: {  	s4 =	sld [smem:$0x3FFD];
	_ =	sdelay $0x3  }
0x9c: {  	_ =	strace s4  }
0x9d: {  	_ =	strace $0x8FFFFFFF  }
0x9e: {  	s20 =	sld [smem:$0x3FDB];
	_ =	sdelay $0x1  }
0x9f: {  	s5 =	simm.s32 $_scs_section_size  }
0xa0: {  	s6 =	simm.s32 $_size__tile_overlayer_lowered;
	s7 =	simm.s32 $_tile_overlayer_lowered  }
0xa1: {  	s23 =	simm.s32 $0x1BFF;
	s22 =	sshll.u32 s7, $0x1;
	s4 =	sadd.s32 s5, s20  }
0xa2: {  	s8 =	simm.s32 $0x0;
	s21 =	sshll.u32 s6, $0x1;
	s6 =	sadd.s32 s22, s4  }
0xa3: {  	[timem:s8], [sflag:s23] =	dma.local [hbm:s6], s21  }
0xa4: {  	_ =	swait.ge [sflag:s23], s21  }
0xa5: {  	s5 =	ssub.s32 $0x0, s21;
	[sflag:s23] =	ssyncset.done $0x0  }
0xa6: {  	[sflag:s23] =	ssyncadd.s32 s5;
	_ =	sdelay $0x1  }
0xa7: {  	s24 =	simm.s32 $0x1B8B  }
0xa8: {  	_ =	swait.ge [sflag:s24], $0x1  }
0xa9: {  	[sflag:s24] =	ssyncset.done $0x0  }
0xaa: {  	s25 =	simm.s32 $0x1B8E;
	[sflag:s24] =	ssyncadd.s32 $0xFFFFFFFF  }
0xab: {  	s26 =	simm.s32 $execute0_lowered;
	[smem:$0x3FD2] =	sst s25  }
0xac: {  	s5 =	sshll.u32 s26, $0x1;
	_ =	strace $0x80000046;
	[dreg:$0x1] =	wrdreg $0xFFFFFFFF  }
0xad: {  	s28 =	simm.s32 $_size_execute0_lowered;
	s4 =	sadd.s32 s4, s5;
	[dreg:$0x0] =	wrdreg $0x0  }
0xae: {  	s5 =	sshll.u32 s28, $0x1;
	[dreg:$0x2] =	wrdreg s4  }
0xaf: {  	[dreg:$0x3] =	wrdreg s5  }
0xb0: {  	[dreg:$0x4] =	wrdreg $0xC0  }
0xb1: {  	_ =	task [dreg:s8], $0x5FFFF  }
0xb2: {  	[dreg:$0x1] =	wrdreg $0xFFFFFFFF  }
0xb3: {  	[dreg:$0x0] =	wrdreg $0x60  }
0xb4: {  	[dreg:$0x2] =	wrdreg s17  }
0xb5: {  	[dreg:$0x3] =	wrdreg s18  }
0xb6: {  	[dreg:$0x4] =	wrdreg $0x50000  }
0xb7: {  	[dreg:$0x5] =	wrdreg $0x9  }
0xb8: {  	_ =	task.clear_ibuf [dreg:s8], $0x6FFFF;
	_ =	strace $0x90000046  }
0xb9: {  	s29 =	simm.s32 $0x9;
	_ =	strace $0x80000048  }
0xba: {  	_ =	swait.ge [sflag:s29], $0x1  }
0xbb: {  	[sflag:s29] =	ssyncadd.s32 $0xFFFFFFFF  }
0xbc: {  	_ =	strace $0x90000048  }
0xbd: {  	_ =	sfence  }
0xbe: {  	s30 =	sld [smem:$0x0];
	_ =	sdelay $0x2  }
0xbf: {  	s31 =	sshll.u32 s1, $0xD;
	s1 =	sshrl.u32 s1, $0x2  }
0xc0: {  	s3 =	sand.u32 $0x4000, s31;
	s1 =	sadd.s32 s1, s30  }
0xc1: {  	s0 =	sor.u32 s3, s0;
	s1 =	sshll.u32 s1, $0x11  }
0xc2: {  	s0 =	sor.u32 s1, s0  }
0xc3: {  	s0 =	sadd.s32 $0x8F2B, s0  }
0xc4: {  	[sflag:s0] =	ssyncadd.remote.s32 $0x1  }
0xc5: {  	_ =	sfence.sel $0xFFFF  }
0xc6: {  	[dreg:$0x0] =	wrdreg $0xFFFFFFFF;
	(pc) =	sbr.abs _section_cstart, $3  }
0xc7: {  	[dreg:$0x1] =	wrdreg $0xFFFFFFFF  }
0xc8: {  	_ =	task.clear_ibuf [dreg:s8], $0x2FFFF;
	_ =	strace $0x9FFFFFFF  }
0xc9: {  	(tm) =	ssettm $0x7FFFFFFF  }
tec
execute0_lowered:
.L_overlay_start_1:
0x0: {  	(tag) =	ssettag $0x1  }
0x1: {  	s0 =	srdreg.scid;
	s1 =	rddreg [dreg:$0x0]  }
0x2: {  	s2 =	rddreg [dreg:$0x1];
	s9 =	stileid.u32  }
0x3: {  	s7 =	rddreg [dreg:$0x2];
	s4 =	simm.s32 $0x0;
	s28 =	simm.s32 $0xA800  }
0x4: {  	s29 =	simm.s32 $0x1;
	s30 =	simm.s32 $0x2;
	s31 =	simm.s32 $0x3  }
0x5: {  	s0 =	sand.u32 $0x1, s0;
	s6 =	smul.u32 $0x14000, s9;
	[smem:$0x7FF] =	sst s4  }
0x6: {  	s3 =	sshll.u32 s0, $0x4;
	s5 =	ssub.s32 $0x2, s0;
	s0 =	smul.u32 $0x5000, s0  }
0x7: {  	_ =	strace $0x80000047;
	s3 =	sor.u32 s9, s3;
	s9 =	smul.u32 $0x500, s9  }
0x8: {  	s8 =	sshrl.u32 s5, $0x1;
	s10 =	sshrl.u32 s6, $0x2;
	s3 =	smul.u32 $0x2710, s3  }
0x9: {  	s8 =	ssub.s32 s5, s8;
	s6 =	sadd.s32 s9, s7;
	s7 =	sadd.s32 s10, s7  }
0xa: {  	s0 =	sadd.s32 s9, s0;
	s23 =	sshrl.u32 s3, $0x3;
	[dreg:$0x5] =	wrdreg s7  }
0xb: {  	s24 =	sadd.s32 $0x5000, s6;
	s25 =	sadd.s32 $0xA000, s6;
	s26 =	sadd.s32 $0xF000, s6  }
0xc: {  	s12 =	sadd.s32 $0x14000, s6;
	s13 =	sadd.s32 $0x19000, s6;
	s14 =	sadd.s32 $0x1E000, s6  }
0xd: {  	s15 =	sadd.s32 $0x23000, s6;
	s16 =	sadd.s32 $0x28000, s6;
	s17 =	sadd.s32 $0x2D000, s6  }
0xe: {  	s18 =	sadd.s32 $0x32000, s6;
	s19 =	sadd.s32 $0x37000, s6;
	s20 =	sadd.s32 $0x3C000, s6  }
0xf: {  	s21 =	sadd.s32 $0x41000, s6;
	s0 =	sshrl.u32 s0, $0x3;
	[dreg:$0x6] =	wrdreg s24  }
0x10: {  	s22 =	sadd.s32 $0x46000, s6;
	s5 =	sadd.s32 s1, s23;
	[dreg:$0x7] =	wrdreg s25  }
0x11: {  	[dreg:$0x8] =	wrdreg s26;
	s23 =	sadd.s32 s2, s0;
	s24 =	sadd.s32 $0x4B000, s6  }
0x12: {  	s25 =	smax.u32 s8, $0x1;
	s2 =	simm.s32 $0xB000;
	s11 =	sadd.s32 $0xFA, s5  }
0x13: {  	v0 =	vimm.f32 $0.0e+00;
	v1 =	vimm.f32 $1.000000000e+00;
	s0 =	simm.s32 $0xB500;
	s26 =	simm.s32 $0x0;
	[dreg:$0x4] =	wrdreg s11  }
.LBB2_1:
0x14: {  	s7 =	simm.s32 $0xFFFFFD80  }
0x15: {  	s7 =	smin.u32 s4, s7  }
0x16: {  	p0 =	por $0x0, $0x0;
	s9 =	simm.s32 $0x80;
	s8 =	sshll.u32 s7, $0x5  }
0x17: {  	s9 =	simm.s32 @!p0 $0x0;
	s7 =	sshll.u32 s7, $0x4;
	s8 =	sand.u32 $0x7F00, s8  }
0x18: {  	s10 =	sand.u32 $0x70, s7;
	s8 =	sor.u32 s9, s8  }
0x19: {  	s7 =	simm.s32 $0x1;
	s8 =	sor.u32 s10, s8  }
.LBB2_2:
0x1a: {  	s9 =	sadd.s32 $0xFFFFFD80, s7  }
0x1b: {  	p0 =	sne.s32 s7, $0x4FF;
	[tilespmem:s8+$0x0] =	vst v0;
	s8 =	smov.u32 s7;
	s7 =	sadd.s32 $0x1, s7  }
.Ltmp0:
0x1c: {  	s9 =	smin.u32 s8, s9;
	(pc) =	sbr.rel @p0 .LBB2_2-.Ltmp0, $4  }
0x1d: {  	s10 =	simm.s32 $0x80;
	p1 =	sgt.u32 s8, $0x27F;
	s8 =	sshll.u32 s9, $0x5  }
0x1e: {  	s9 =	sshll.u32 s9, $0x4;
	s10 =	simm.s32 @!p1 $0x0;
	s8 =	sand.u32 $0x7F00, s8  }
0x1f: {  	s9 =	sand.u32 $0x70, s9;
	s8 =	sor.u32 s10, s8  }
0x20: {  	s8 =	sor.u32 s9, s8  }
0x21: {  	[tilespmem:s8+$0x0] =	vst v0;
	s7 =	simm.s32 $0x0;
	s10 =	simm.s32 $0xA000  }
0x22: {  	[tilespmem:s10], [sflag:$0x1] =	stream.linear.gather [hbm4b:s5+s7], $0x7D0, $0x38;
	[tilespmem:$0xBA00] =	vst v63  }
0x23: {  	s11 =	rddreg [dreg:$0x4]  }
0x24: {  	[tilespmem:s28], [sflag:$0x2] =	stream.linear.gather [hbm4b:s11+s7], $0x7D0, $0x38;
	[tilespmem:$0xBA00] =	vst v63  }
.LBB2_4:
0x25: {  	p0 =	sgt.u32 s7, $0x2;
	s8 =	simm.s32 $0x1  }
0x26: {  	s8 =	simm.s32 @!p0 $0x0  }
0x27: {  	_ =	swait.ge [sflag:s29], $0x7D0;
	v2 =	vmov s8  }
0x28: {  	[sflag:s29] =	ssyncset.done $0x0;
	v2 =	vshll.u32 v2, $0x7  }
0x29: {  	s9 =	simm.s32 $0x0;
	[sflag:s29] =	ssyncadd.s32 $0xFFFFF830;
	s8 =	simm.s32 $0x40;
	v2 =	vbroadcast v2, $0x0  }
.LBB2_5:
0x2a: {  	p0 =	sne.s32 s8, $0x1F00;
	v3 =	vld [tilespmem:s9+$0xA000];
	_ =	sdelay $0x4  }
0x2b: {  	v4 =	vand.u32 $0x7F, v3;
	v3 =	vshll.u32 v3, $0x1  }
0x2c: {  	v3 =	vand.u32 $0xFFFFFF00, v3;
	v4 =	vor.u32 v2, v4  }
0x2d: {  	v3 =	vor.u32 v3, v4  }
.Ltmp1:
0x2e: {  	(pc) =	sbr.rel @p0 .LBB2_5-.Ltmp1, $2  }
0x2f: {  	_ =	sdelay $0x2  }
0x30: {  	s9 =	sshra.s32 s8, $0x2;
	s8 =	sadd.s32 $0x40, s8;
	[tilespmem:v3+s4+$0x0] =	vst.idx.add.f32.msk $0xffff, v1  }
0x31: {  	v3 =	vld [tilespmem:s9+$0xA000];
	s8 =	sshll.u32 s7, $0x1;
	p0 =	seq.s32 s7, $0x4  }
0x32: {  	s9 =	sadd.s32 @!p0 $0x2, s8  }
0x33: {  	s10 =	smulhi.u32 @!p0 $0x66666667, s9;
	_ =	sdelay $0x1  }
0x34: {  	s10 =	sshrl.u32 @!p0 s10, $0x1  }
0x35: {  	v4 =	vand.u32 $0x7F, v3;
	v3 =	vshll.u32 v3, $0x1;
	s11 =	smul.u32 @!p0 $0x5, s10  }
0x36: {  	v3 =	vand.u32 $0xFFFFFF00, v3;
	v2 =	vor.u32 v2, v4  }
0x37: {  	s10 =	smul.u32 @!p0 $0x4E200, s10;
	v2 =	vor.u32 v3, v2;
	s9 =	ssub.s32 @!p0 s9, s11  }
0x38: {  	s11 =	sor.u32 $0x1, s8;
	s9 =	smul.u32 @!p0 $0x7D0, s9  }
0x39: {  	s10 =	sadd.s32 @!p0 s3, s10;
	s11 =	smulhi.u32 $0x66666667, s11  }
0x3a: {  	s9 =	sadd.s32 @!p0 s9, s10  }
0x3b: {  	s10 =	sshrl.u32 s11, $0x1;
	s9 =	sshrl.u32 @!p0 s9, $0x3  }
0x3c: {  	s11 =	simm.s32 @!p0 $0x0;
	[tilespmem:v2+s4+$0x0] =	vst.idx.add.f32.msk $0xffff, v1;
	s9 =	sadd.s32 @!p0 s1, s9;
	v2 =	vmov s10;
	s10 =	simm.s32 @!p0 $0xA000  }
0x3d: {  	[tilespmem:s10], [sflag:$0x1] =	stream.linear.gather @!p0 [hbm4b:s9+s11], $0x7D0, $0x38;
	v3 =	vshrl.u32 v2, $0x1;
	[tilespmem:$0xBA00] =	vst v63  }
0x3e: {  	v2 =	vshll.u32 v2, $0x7;
	_ =	swait.ge [sflag:s30], $0x7D0;
	v3 =	vmul.u32 $0x5000, v3  }
0x3f: {  	v2 =	vand.u32 $0x80, v2;
	[sflag:s30] =	ssyncset.done $0x0  }
0x40: {  	s10 =	simm.s32 $0x0;
	s9 =	simm.s32 $0x40;
	[sflag:s30] =	ssyncadd.s32 $0xFFFFF830;
	v2 =	vor.u32 v2, v3  }
.LBB2_7:
0x41: {  	p1 =	sne.s32 s9, $0x1F00;
	v3 =	vld [tilespmem:s10+$0xA800];
	_ =	sdelay $0x4  }
0x42: {  	v4 =	vshll.u32 v3, $0x1  }
0x43: {  	v4 =	vand.u32 $0xFFFFFF00, v4  }
0x44: {  	v3 =	vand.u32 $0x7F, v3;
	v4 =	vadd.s32 v2, v4  }
0x45: {  	v3 =	vor.u32 v3, v4  }
.Ltmp2:
0x46: {  	(pc) =	sbr.rel @p1 .LBB2_7-.Ltmp2, $2  }
0x47: {  	_ =	sdelay $0x2  }
0x48: {  	s10 =	sshra.s32 s9, $0x2;
	s9 =	sadd.s32 $0x40, s9;
	[tilespmem:v3+s4+$0x0] =	vst.idx.add.f32.msk $0xffff, v1  }
0x49: {  	v3 =	vld [tilespmem:s10+$0xA800];
	_ =	sdelay $0x4  }
0x4a: {  	v4 =	vshll.u32 v3, $0x1  }
0x4b: {  	v4 =	vand.u32 $0xFFFFFF00, v4  }
0x4c: {  	v3 =	vand.u32 $0x7F, v3;
	v2 =	vadd.s32 v2, v4  }
0x4d: {  	v2 =	vor.u32 v3, v2  }
.Ltmp3:
0x4e: {  	_ = 	snop;
	(pc) =	sbr.rel @p0 .LBB2_10-.Ltmp3, $2  }
0x4f: {  	_ =	sdelay $0x2  }
0x50: {  	[tilespmem:v2+s4+$0x0] =	vst.idx.add.f32.msk $0xffff, v1  }
0x51: {  	s8 =	sadd.s32 $0x3, s8  }
0x52: {  	s9 =	smulhi.u32 $0x66666667, s8;
	_ =	sdelay $0x1  }
0x53: {  	s9 =	sshrl.u32 s9, $0x1  }
0x54: {  	s10 =	smul.u32 $0x5, s9;
	_ =	sdelay $0x1  }
0x55: {  	s9 =	smul.u32 $0x4E200, s9;
	s8 =	ssub.s32 s8, s10  }
0x56: {  	s8 =	smul.u32 $0x7D0, s8  }
.Ltmp4:
0x57: {  	s9 =	sadd.s32 s3, s9;
	(pc) =	sbr.rel .LBB2_4-.Ltmp4, $4  }
0x58: {  	s8 =	sadd.s32 s8, s9  }
0x59: {  	s8 =	sshrl.u32 s8, $0x3  }
0x5a: {  	s7 =	sadd.s32 $0x1, s7;
	s8 =	sadd.s32 s1, s8  }
0x5b: {  	[tilespmem:s28], [sflag:$0x2] =	stream.linear.gather [hbm4b:s8+s4], $0x7D0, $0x38;
	[tilespmem:$0xBA00] =	vst v63  }
.LBB2_10:
0x5c: {  	s7 =	simm.s32 $0x0;
	s8 =	rddreg [dreg:$0x5]  }
0x5d: {  	[spmem:s8] =	stream.linear.scatter [tilespmem:s7], [sflag:$0x3], $0x5000, $0x38;
	[tilespmem:$0xBA00] =	vst v63  }
0x5e: {  	_ =	swait.ge [sflag:s31], $0x5000  }
0x5f: {  	[sflag:s31] =	ssyncset.done $0x0  }
0x60: {  	[sflag:s31] =	ssyncadd.s32 $0xFFFFB000  }
0x61: {  	[bflag:$0x0] =	sbarrier.arrive $0xFFFF  }
0x62: {  	[tilespmem:s2], [sflag:$0x3] =	stream.linear.gather [spmem:s6], $0x500, $0x38;
	[tilespmem:$0xBA00] =	vst v63  }
0x63: {  	_ =	swait.ge [sflag:s31], $0x500  }
0x64: {  	s10 =	simm.s32 $0xFFFFFFD8;
	p0 =	por $0x0, $0x0;
	[sflag:s31] =	ssyncset.done $0x0  }
0x65: {  	s7 =	smin.u32 s7, s10;
	s9 =	rddreg [dreg:$0x6];
	[sflag:s31] =	ssyncadd.s32 $0xFFFFFB00  }
0x66: {  	[tilespmem:s0], [sflag:$0x3] =	stream.linear.gather [spmem:s9], $0x500, $0x38;
	[tilespmem:$0xBA00] =	vst v63  }
0x67: {  	s8 =	sshll.u32 s7, $0x5;
	s7 =	sshll.u32 s7, $0x4;
	s9 =	simm.s32 $0x80  }
0x68: {  	s8 =	sand.u32 $0x700, s8;
	_ =	swait.ge [sflag:s31], $0x500;
	s9 =	simm.s32 @!p0 $0x0  }
0x69: {  	s7 =	sand.u32 $0x70, s7;
	[sflag:s31] =	ssyncset.done $0x0;
	s8 =	sor.u32 s9, s8  }
0x6a: {  	[sflag:s31] =	ssyncadd.s32 $0xFFFFFB00;
	s7 =	sor.u32 s7, s8  }
0x6b: {  	v2 =	vld [tilespmem:s7+$0xB500]  }
0x6c: {  	s11 =	simm.s32 $0xFFFFFFD9;
	s9 =	simm.s32 $0x1;
	v3 =	vld [tilespmem:s7+$0xB000]  }
0x6d: {  	s10 =	smin.u32 s9, s11;
	s8 =	simm.s32 $0x2  }
.LBB2_11:
0x6e: {  	p0 =	sne.s32 s8, $0x4F  }
0x6f: {  	p1 =	sgt.u32 s9, $0x27;
	s9 =	sshll.u32 s10, $0x5;
	s11 =	simm.s32 $0x80  }
0x70: {  	s10 =	sshll.u32 s10, $0x4;
	s9 =	sand.u32 $0x700, s9;
	s11 =	simm.s32 @!p1 $0x0  }
0x71: {  	s10 =	sand.u32 $0x70, s10;
	s11 =	sor.u32 s11, s9;
	v3 =	vadd.f32 v2, v3;
	s9 =	smov.u32 s8  }
.Ltmp5:
0x72: {  	s10 =	sor.u32 s10, s11;
	(pc) =	sbr.rel @p0 .LBB2_11-.Ltmp5, $4  }
0x73: {  	v2 =	vld [tilespmem:s10+$0xB500];
	[tilespmem:s7+$0xB000] =	vst v3;
	s7 =	smov.u32 s10  }
0x74: {  	v3 =	vld [tilespmem:s7+$0xB000]  }
0x75: {  	s10 =	sadd.s32 $0xFFFFFFD8, s8  }
0x76: {  	s8 =	sadd.s32 $0x1, s8;
	s10 =	smin.u32 s9, s10  }
0x77: {  	p0 =	sgt.u32 s9, $0x27;
	s8 =	sshll.u32 s10, $0x5;
	s9 =	simm.s32 $0x80  }
0x78: {  	s11 =	sshll.u32 s10, $0x4;
	s8 =	sand.u32 $0x700, s8;
	s9 =	simm.s32 @!p0 $0x0  }
0x79: {  	s10 =	sand.u32 $0x70, s11;
	s8 =	sor.u32 s9, s8;
	v2 =	vadd.f32 v2, v3  }
0x7a: {  	s8 =	sor.u32 s10, s8  }
0x7b: {  	v3 =	vld [tilespmem:s8+$0xB500];
	[tilespmem:s7+$0xB000] =	vst v2  }
0x7c: {  	v2 =	vld [tilespmem:s8+$0xB000];
	_ =	sdelay $0x4  }
0x7d: {  	v2 =	vadd.f32 v3, v2  }
0x7e: {  	p0 =	por $0x0, $0x0;
	s9 =	simm.s32 $0x0;
	s10 =	simm.s32 $0xFFFFFFD8  }
0x7f: {  	s7 =	smin.u32 s9, s10;
	s9 =	simm.s32 $0x80;
	[tilespmem:s8+$0xB000] =	vst v2;
	s8 =	rddreg [dreg:$0x7]  }
0x80: {  	[tilespmem:s0], [sflag:$0x3] =	stream.linear.gather [spmem:s8], $0x500, $0x38;
	[tilespmem:$0xBA00] =	vst v63  }
0x81: {  	s9 =	simm.s32 @!p0 $0x0;
	s8 =	sshll.u32 s7, $0x5  }
0x82: {  	s7 =	sshll.u32 s7, $0x4;
	_ =	swait.ge [sflag:s31], $0x500;
	s8 =	sand.u32 $0x700, s8  }
0x83: {  	s7 =	sand.u32 $0x70, s7;
	[sflag:s31] =	ssyncset.done $0x0;
	s8 =	sor.u32 s9, s8  }
0x84: {  	[sflag:s31] =	ssyncadd.s32 $0xFFFFFB00;
	s7 =	sor.u32 s7, s8  }
0x85: {  	v2 =	vld [tilespmem:s7+$0xB500]  }
0x86: {  	s11 =	simm.s32 $0xFFFFFFD9;
	s9 =	simm.s32 $0x1;
	v3 =	vld [tilespmem:s7+$0xB000]  }
0x87: {  	s10 =	smin.u32 s9, s11;
	s8 =	simm.s32 $0x2  }
.LBB2_13:
0x88: {  	p0 =	sne.s32 s8, $0x4F  }
0x89: {  	p1 =	sgt.u32 s9, $0x27;
	s9 =	sshll.u32 s10, $0x5;
	s11 =	simm.s32 $0x80  }
0x8a: {  	s10 =	sshll.u32 s10, $0x4;
	s9 =	sand.u32 $0x700, s9;
	s11 =	simm.s32 @!p1 $0x0  }
0x8b: {  	s10 =	sand.u32 $0x70, s10;
	s11 =	sor.u32 s11, s9;
	v3 =	vadd.f32 v2, v3;
	s9 =	smov.u32 s8  }
.Ltmp6:
0x8c: {  	s10 =	sor.u32 s10, s11;
	(pc) =	sbr.rel @p0 .LBB2_13-.Ltmp6, $4  }
0x8d: {  	v2 =	vld [tilespmem:s10+$0xB500];
	[tilespmem:s7+$0xB000] =	vst v3;
	s7 =	smov.u32 s10  }
0x8e: {  	v3 =	vld [tilespmem:s7+$0xB000]  }
0x8f: {  	s10 =	sadd.s32 $0xFFFFFFD8, s8  }
0x90: {  	s8 =	sadd.s32 $0x1, s8;
	s10 =	smin.u32 s9, s10  }
0x91: {  	p0 =	sgt.u32 s9, $0x27;
	s8 =	sshll.u32 s10, $0x5;
	s9 =	simm.s32 $0x80  }
0x92: {  	s11 =	sshll.u32 s10, $0x4;
	s8 =	sand.u32 $0x700, s8;
	s9 =	simm.s32 @!p0 $0x0  }
0x93: {  	s10 =	sand.u32 $0x70, s11;
	s8 =	sor.u32 s9, s8;
	v2 =	vadd.f32 v2, v3  }
0x94: {  	s8 =	sor.u32 s10, s8  }
0x95: {  	v3 =	vld [tilespmem:s8+$0xB500];
	[tilespmem:s7+$0xB000] =	vst v2  }
0x96: {  	v2 =	vld [tilespmem:s8+$0xB000];
	_ =	sdelay $0x4  }
0x97: {  	v2 =	vadd.f32 v3, v2  }
0x98: {  	p0 =	por $0x0, $0x0;
	s9 =	simm.s32 $0x0;
	s10 =	simm.s32 $0xFFFFFFD8  }
0x99: {  	s7 =	smin.u32 s9, s10;
	s9 =	simm.s32 $0x80;
	[tilespmem:s8+$0xB000] =	vst v2;
	s8 =	rddreg [dreg:$0x8]  }
0x9a: {  	[tilespmem:s0], [sflag:$0x3] =	stream.linear.gather [spmem:s8], $0x500, $0x38;
	[tilespmem:$0xBA00] =	vst v63  }
0x9b: {  	s9 =	simm.s32 @!p0 $0x0;
	s8 =	sshll.u32 s7, $0x5  }
0x9c: {  	s7 =	sshll.u32 s7, $0x4;
	_ =	swait.ge [sflag:s31], $0x500;
	s8 =	sand.u32 $0x700, s8  }
0x9d: {  	s7 =	sand.u32 $0x70, s7;
	[sflag:s31] =	ssyncset.done $0x0;
	s8 =	sor.u32 s9, s8  }
0x9e: {  	[sflag:s31] =	ssyncadd.s32 $0xFFFFFB00;
	s7 =	sor.u32 s7, s8  }
0x9f: {  	v2 =	vld [tilespmem:s7+$0xB500]  }
0xa0: {  	s11 =	simm.s32 $0xFFFFFFD9;
	s9 =	simm.s32 $0x1;
	v3 =	vld [tilespmem:s7+$0xB000]  }
0xa1: {  	s10 =	smin.u32 s9, s11;
	s8 =	simm.s32 $0x2  }
.LBB2_15:
0xa2: {  	p0 =	sne.s32 s8, $0x4F  }
0xa3: {  	p1 =	sgt.u32 s9, $0x27;
	s9 =	sshll.u32 s10, $0x5;
	s11 =	simm.s32 $0x80  }
0xa4: {  	s10 =	sshll.u32 s10, $0x4;
	s9 =	sand.u32 $0x700, s9;
	s11 =	simm.s32 @!p1 $0x0  }
0xa5: {  	s10 =	sand.u32 $0x70, s10;
	s11 =	sor.u32 s11, s9;
	v3 =	vadd.f32 v2, v3;
	s9 =	smov.u32 s8  }
.Ltmp7:
0xa6: {  	s10 =	sor.u32 s10, s11;
	(pc) =	sbr.rel @p0 .LBB2_15-.Ltmp7, $4  }
0xa7: {  	v2 =	vld [tilespmem:s10+$0xB500];
	[tilespmem:s7+$0xB000] =	vst v3;
	s7 =	smov.u32 s10  }
0xa8: {  	v3 =	vld [tilespmem:s7+$0xB000]  }
0xa9: {  	s10 =	sadd.s32 $0xFFFFFFD8, s8  }
0xaa: {  	s8 =	sadd.s32 $0x1, s8;
	s10 =	smin.u32 s9, s10  }
0xab: {  	p0 =	sgt.u32 s9, $0x27;
	s8 =	sshll.u32 s10, $0x5;
	s9 =	simm.s32 $0x80  }
0xac: {  	s11 =	sshll.u32 s10, $0x4;
	s8 =	sand.u32 $0x700, s8;
	s9 =	simm.s32 @!p0 $0x0  }
0xad: {  	s10 =	sand.u32 $0x70, s11;
	s8 =	sor.u32 s9, s8;
	v2 =	vadd.f32 v2, v3  }
0xae: {  	s8 =	sor.u32 s10, s8  }
0xaf: {  	v3 =	vld [tilespmem:s8+$0xB500];
	[tilespmem:s7+$0xB000] =	vst v2  }
0xb0: {  	v2 =	vld [tilespmem:s8+$0xB000];
	_ =	sdelay $0x4  }
0xb1: {  	s9 =	simm.s32 $0x0;
	s10 =	simm.s32 $0xFFFFFFD8;
	v2 =	vadd.f32 v3, v2  }
0xb2: {  	p0 =	por $0x0, $0x0;
	s7 =	smin.u32 s9, s10;
	s9 =	simm.s32 $0x80  }
0xb3: {  	s9 =	simm.s32 @!p0 $0x0;
	[tilespmem:s8+$0xB000] =	vst v2;
	s8 =	sshll.u32 s7, $0x5  }
0xb4: {  	[tilespmem:s0], [sflag:$0x3] =	stream.linear.gather [spmem:s12], $0x500, $0x38;
	[tilespmem:$0xBA00] =	vst v63  }
0xb5: {  	s7 =	sshll.u32 s7, $0x4;
	s8 =	sand.u32 $0x700, s8;
	_ =	swait.ge [sflag:s31], $0x500  }
0xb6: {  	s7 =	sand.u32 $0x70, s7;
	s8 =	sor.u32 s9, s8;
	[sflag:s31] =	ssyncset.done $0x0  }
0xb7: {  	s7 =	sor.u32 s7, s8;
	[sflag:s31] =	ssyncadd.s32 $0xFFFFFB00  }
0xb8: {  	v2 =	vld [tilespmem:s7+$0xB500]  }
0xb9: {  	s11 =	simm.s32 $0xFFFFFFD9;
	s9 =	simm.s32 $0x1;
	v3 =	vld [tilespmem:s7+$0xB000]  }
0xba: {  	s10 =	smin.u32 s9, s11;
	s8 =	simm.s32 $0x2  }
.LBB2_17:
0xbb: {  	p0 =	sne.s32 s8, $0x4F  }
0xbc: {  	p1 =	sgt.u32 s9, $0x27;
	s9 =	sshll.u32 s10, $0x5;
	s11 =	simm.s32 $0x80  }
0xbd: {  	s10 =	sshll.u32 s10, $0x4;
	s9 =	sand.u32 $0x700, s9;
	s11 =	simm.s32 @!p1 $0x0  }
0xbe: {  	s10 =	sand.u32 $0x70, s10;
	s11 =	sor.u32 s11, s9;
	v3 =	vadd.f32 v2, v3;
	s9 =	smov.u32 s8  }
.Ltmp8:
0xbf: {  	s10 =	sor.u32 s10, s11;
	(pc) =	sbr.rel @p0 .LBB2_17-.Ltmp8, $4  }
0xc0: {  	v2 =	vld [tilespmem:s10+$0xB500];
	[tilespmem:s7+$0xB000] =	vst v3;
	s7 =	smov.u32 s10  }
0xc1: {  	v3 =	vld [tilespmem:s7+$0xB000]  }
0xc2: {  	s10 =	sadd.s32 $0xFFFFFFD8, s8  }
0xc3: {  	s8 =	sadd.s32 $0x1, s8;
	s10 =	smin.u32 s9, s10  }
0xc4: {  	p0 =	sgt.u32 s9, $0x27;
	s8 =	sshll.u32 s10, $0x5;
	s9 =	simm.s32 $0x80  }
0xc5: {  	s11 =	sshll.u32 s10, $0x4;
	s8 =	sand.u32 $0x700, s8;
	s9 =	simm.s32 @!p0 $0x0  }
0xc6: {  	s10 =	sand.u32 $0x70, s11;
	s8 =	sor.u32 s9, s8;
	v2 =	vadd.f32 v2, v3  }
0xc7: {  	s8 =	sor.u32 s10, s8  }
0xc8: {  	v3 =	vld [tilespmem:s8+$0xB500];
	[tilespmem:s7+$0xB000] =	vst v2  }
0xc9: {  	v2 =	vld [tilespmem:s8+$0xB000];
	_ =	sdelay $0x4  }
0xca: {  	s9 =	simm.s32 $0x0;
	s10 =	simm.s32 $0xFFFFFFD8;
	v2 =	vadd.f32 v3, v2  }
0xcb: {  	p0 =	por $0x0, $0x0;
	s7 =	smin.u32 s9, s10;
	s9 =	simm.s32 $0x80  }
0xcc: {  	s9 =	simm.s32 @!p0 $0x0;
	[tilespmem:s8+$0xB000] =	vst v2;
	s8 =	sshll.u32 s7, $0x5  }
0xcd: {  	[tilespmem:s0], [sflag:$0x3] =	stream.linear.gather [spmem:s13], $0x500, $0x38;
	[tilespmem:$0xBA00] =	vst v63  }
0xce: {  	s7 =	sshll.u32 s7, $0x4;
	s8 =	sand.u32 $0x700, s8;
	_ =	swait.ge [sflag:s31], $0x500  }
0xcf: {  	s7 =	sand.u32 $0x70, s7;
	s8 =	sor.u32 s9, s8;
	[sflag:s31] =	ssyncset.done $0x0  }
0xd0: {  	s7 =	sor.u32 s7, s8;
	[sflag:s31] =	ssyncadd.s32 $0xFFFFFB00  }
0xd1: {  	v2 =	vld [tilespmem:s7+$0xB500]  }
0xd2: {  	s11 =	simm.s32 $0xFFFFFFD9;
	s9 =	simm.s32 $0x1;
	v3 =	vld [tilespmem:s7+$0xB000]  }
0xd3: {  	s10 =	smin.u32 s9, s11;
	s8 =	simm.s32 $0x2  }
.LBB2_19:
0xd4: {  	p0 =	sne.s32 s8, $0x4F  }
0xd5: {  	p1 =	sgt.u32 s9, $0x27;
	s9 =	sshll.u32 s10, $0x5;
	s11 =	simm.s32 $0x80  }
0xd6: {  	s10 =	sshll.u32 s10, $0x4;
	s9 =	sand.u32 $0x700, s9;
	s11 =	simm.s32 @!p1 $0x0  }
0xd7: {  	s10 =	sand.u32 $0x70, s10;
	s11 =	sor.u32 s11, s9;
	v3 =	vadd.f32 v2, v3;
	s9 =	smov.u32 s8  }
.Ltmp9:
0xd8: {  	s10 =	sor.u32 s10, s11;
	(pc) =	sbr.rel @p0 .LBB2_19-.Ltmp9, $4  }
0xd9: {  	v2 =	vld [tilespmem:s10+$0xB500];
	[tilespmem:s7+$0xB000] =	vst v3;
	s7 =	smov.u32 s10  }
0xda: {  	v3 =	vld [tilespmem:s7+$0xB000]  }
0xdb: {  	s10 =	sadd.s32 $0xFFFFFFD8, s8  }
0xdc: {  	s8 =	sadd.s32 $0x1, s8;
	s10 =	smin.u32 s9, s10  }
0xdd: {  	p0 =	sgt.u32 s9, $0x27;
	s8 =	sshll.u32 s10, $0x5;
	s9 =	simm.s32 $0x80  }
0xde: {  	s11 =	sshll.u32 s10, $0x4;
	s8 =	sand.u32 $0x700, s8;
	s9 =	simm.s32 @!p0 $0x0  }
0xdf: {  	s10 =	sand.u32 $0x70, s11;
	s8 =	sor.u32 s9, s8;
	v2 =	vadd.f32 v2, v3  }
0xe0: {  	s8 =	sor.u32 s10, s8  }
0xe1: {  	v3 =	vld [tilespmem:s8+$0xB500];
	[tilespmem:s7+$0xB000] =	vst v2  }
0xe2: {  	v2 =	vld [tilespmem:s8+$0xB000];
	_ =	sdelay $0x4  }
0xe3: {  	s9 =	simm.s32 $0x0;
	s10 =	simm.s32 $0xFFFFFFD8;
	v2 =	vadd.f32 v3, v2  }
0xe4: {  	p0 =	por $0x0, $0x0;
	s7 =	smin.u32 s9, s10;
	s9 =	simm.s32 $0x80  }
0xe5: {  	s9 =	simm.s32 @!p0 $0x0;
	[tilespmem:s8+$0xB000] =	vst v2;
	s8 =	sshll.u32 s7, $0x5  }
0xe6: {  	[tilespmem:s0], [sflag:$0x3] =	stream.linear.gather [spmem:s14], $0x500, $0x38;
	[tilespmem:$0xBA00] =	vst v63  }
0xe7: {  	s7 =	sshll.u32 s7, $0x4;
	s8 =	sand.u32 $0x700, s8;
	_ =	swait.ge [sflag:s31], $0x500  }
0xe8: {  	s7 =	sand.u32 $0x70, s7;
	s8 =	sor.u32 s9, s8;
	[sflag:s31] =	ssyncset.done $0x0  }
0xe9: {  	s7 =	sor.u32 s7, s8;
	[sflag:s31] =	ssyncadd.s32 $0xFFFFFB00  }
0xea: {  	v2 =	vld [tilespmem:s7+$0xB500]  }
0xeb: {  	s11 =	simm.s32 $0xFFFFFFD9;
	s9 =	simm.s32 $0x1;
	v3 =	vld [tilespmem:s7+$0xB000]  }
0xec: {  	s10 =	smin.u32 s9, s11;
	s8 =	simm.s32 $0x2  }
.LBB2_21:
0xed: {  	p0 =	sne.s32 s8, $0x4F  }
0xee: {  	p1 =	sgt.u32 s9, $0x27;
	s9 =	sshll.u32 s10, $0x5;
	s11 =	simm.s32 $0x80  }
0xef: {  	s10 =	sshll.u32 s10, $0x4;
	s9 =	sand.u32 $0x700, s9;
	s11 =	simm.s32 @!p1 $0x0  }
0xf0: {  	s10 =	sand.u32 $0x70, s10;
	s11 =	sor.u32 s11, s9;
	v3 =	vadd.f32 v2, v3;
	s9 =	smov.u32 s8  }
.Ltmp10:
0xf1: {  	s10 =	sor.u32 s10, s11;
	(pc) =	sbr.rel @p0 .LBB2_21-.Ltmp10, $4  }
0xf2: {  	v2 =	vld [tilespmem:s10+$0xB500];
	[tilespmem:s7+$0xB000] =	vst v3;
	s7 =	smov.u32 s10  }
0xf3: {  	v3 =	vld [tilespmem:s7+$0xB000]  }
0xf4: {  	s10 =	sadd.s32 $0xFFFFFFD8, s8  }
0xf5: {  	s8 =	sadd.s32 $0x1, s8;
	s10 =	smin.u32 s9, s10  }
0xf6: {  	p0 =	sgt.u32 s9, $0x27;
	s8 =	sshll.u32 s10, $0x5;
	s9 =	simm.s32 $0x80  }
0xf7: {  	s11 =	sshll.u32 s10, $0x4;
	s8 =	sand.u32 $0x700, s8;
	s9 =	simm.s32 @!p0 $0x0  }
0xf8: {  	s10 =	sand.u32 $0x70, s11;
	s8 =	sor.u32 s9, s8;
	v2 =	vadd.f32 v2, v3  }
0xf9: {  	s8 =	sor.u32 s10, s8  }
0xfa: {  	v3 =	vld [tilespmem:s8+$0xB500];
	[tilespmem:s7+$0xB000] =	vst v2  }
0xfb: {  	v2 =	vld [tilespmem:s8+$0xB000];
	_ =	sdelay $0x4  }
0xfc: {  	s9 =	simm.s32 $0x0;
	s10 =	simm.s32 $0xFFFFFFD8;
	v2 =	vadd.f32 v3, v2  }
0xfd: {  	p0 =	por $0x0, $0x0;
	s7 =	smin.u32 s9, s10;
	s9 =	simm.s32 $0x80  }
0xfe: {  	s9 =	simm.s32 @!p0 $0x0;
	[tilespmem:s8+$0xB000] =	vst v2;
	s8 =	sshll.u32 s7, $0x5  }
0xff: {  	[tilespmem:s0], [sflag:$0x3] =	stream.linear.gather [spmem:s15], $0x500, $0x38;
	[tilespmem:$0xBA00] =	vst v63  }
0x100: {  	s7 =	sshll.u32 s7, $0x4;
	s8 =	sand.u32 $0x700, s8;
	_ =	swait.ge [sflag:s31], $0x500  }
0x101: {  	s7 =	sand.u32 $0x70, s7;
	s8 =	sor.u32 s9, s8;
	[sflag:s31] =	ssyncset.done $0x0  }
0x102: {  	s7 =	sor.u32 s7, s8;
	[sflag:s31] =	ssyncadd.s32 $0xFFFFFB00  }
0x103: {  	v2 =	vld [tilespmem:s7+$0xB500]  }
0x104: {  	s11 =	simm.s32 $0xFFFFFFD9;
	s9 =	simm.s32 $0x1;
	v3 =	vld [tilespmem:s7+$0xB000]  }
0x105: {  	s10 =	smin.u32 s9, s11;
	s8 =	simm.s32 $0x2  }
.LBB2_23:
0x106: {  	p0 =	sne.s32 s8, $0x4F  }
0x107: {  	p1 =	sgt.u32 s9, $0x27;
	s9 =	sshll.u32 s10, $0x5;
	s11 =	simm.s32 $0x80  }
0x108: {  	s10 =	sshll.u32 s10, $0x4;
	s9 =	sand.u32 $0x700, s9;
	s11 =	simm.s32 @!p1 $0x0  }
0x109: {  	s10 =	sand.u32 $0x70, s10;
	s11 =	sor.u32 s11, s9;
	v3 =	vadd.f32 v2, v3;
	s9 =	smov.u32 s8  }
.Ltmp11:
0x10a: {  	s10 =	sor.u32 s10, s11;
	(pc) =	sbr.rel @p0 .LBB2_23-.Ltmp11, $4  }
0x10b: {  	v2 =	vld [tilespmem:s10+$0xB500];
	[tilespmem:s7+$0xB000] =	vst v3;
	s7 =	smov.u32 s10  }
0x10c: {  	v3 =	vld [tilespmem:s7+$0xB000]  }
0x10d: {  	s10 =	sadd.s32 $0xFFFFFFD8, s8  }
0x10e: {  	s8 =	sadd.s32 $0x1, s8;
	s10 =	smin.u32 s9, s10  }
0x10f: {  	p0 =	sgt.u32 s9, $0x27;
	s8 =	sshll.u32 s10, $0x5;
	s9 =	simm.s32 $0x80  }
0x110: {  	s11 =	sshll.u32 s10, $0x4;
	s8 =	sand.u32 $0x700, s8;
	s9 =	simm.s32 @!p0 $0x0  }
0x111: {  	s10 =	sand.u32 $0x70, s11;
	s8 =	sor.u32 s9, s8;
	v2 =	vadd.f32 v2, v3  }
0x112: {  	s8 =	sor.u32 s10, s8  }
0x113: {  	v3 =	vld [tilespmem:s8+$0xB500];
	[tilespmem:s7+$0xB000] =	vst v2  }
0x114: {  	v2 =	vld [tilespmem:s8+$0xB000];
	_ =	sdelay $0x4  }
0x115: {  	s9 =	simm.s32 $0x0;
	s10 =	simm.s32 $0xFFFFFFD8;
	v2 =	vadd.f32 v3, v2  }
0x116: {  	p0 =	por $0x0, $0x0;
	s7 =	smin.u32 s9, s10;
	s9 =	simm.s32 $0x80  }
0x117: {  	s9 =	simm.s32 @!p0 $0x0;
	[tilespmem:s8+$0xB000] =	vst v2;
	s8 =	sshll.u32 s7, $0x5  }
0x118: {  	[tilespmem:s0], [sflag:$0x3] =	stream.linear.gather [spmem:s16], $0x500, $0x38;
	[tilespmem:$0xBA00] =	vst v63  }
0x119: {  	s7 =	sshll.u32 s7, $0x4;
	s8 =	sand.u32 $0x700, s8;
	_ =	swait.ge [sflag:s31], $0x500  }
0x11a: {  	s7 =	sand.u32 $0x70, s7;
	s8 =	sor.u32 s9, s8;
	[sflag:s31] =	ssyncset.done $0x0  }
0x11b: {  	s7 =	sor.u32 s7, s8;
	[sflag:s31] =	ssyncadd.s32 $0xFFFFFB00  }
0x11c: {  	v2 =	vld [tilespmem:s7+$0xB500]  }
0x11d: {  	s11 =	simm.s32 $0xFFFFFFD9;
	s9 =	simm.s32 $0x1;
	v3 =	vld [tilespmem:s7+$0xB000]  }
0x11e: {  	s10 =	smin.u32 s9, s11;
	s8 =	simm.s32 $0x2  }
.LBB2_25:
0x11f: {  	p0 =	sne.s32 s8, $0x4F  }
0x120: {  	p1 =	sgt.u32 s9, $0x27;
	s9 =	sshll.u32 s10, $0x5;
	s11 =	simm.s32 $0x80  }
0x121: {  	s10 =	sshll.u32 s10, $0x4;
	s9 =	sand.u32 $0x700, s9;
	s11 =	simm.s32 @!p1 $0x0  }
0x122: {  	s10 =	sand.u32 $0x70, s10;
	s11 =	sor.u32 s11, s9;
	v3 =	vadd.f32 v2, v3;
	s9 =	smov.u32 s8  }
.Ltmp12:
0x123: {  	s10 =	sor.u32 s10, s11;
	(pc) =	sbr.rel @p0 .LBB2_25-.Ltmp12, $4  }
0x124: {  	v2 =	vld [tilespmem:s10+$0xB500];
	[tilespmem:s7+$0xB000] =	vst v3;
	s7 =	smov.u32 s10  }
0x125: {  	v3 =	vld [tilespmem:s7+$0xB000]  }
0x126: {  	s10 =	sadd.s32 $0xFFFFFFD8, s8  }
0x127: {  	s8 =	sadd.s32 $0x1, s8;
	s10 =	smin.u32 s9, s10  }
0x128: {  	p0 =	sgt.u32 s9, $0x27;
	s8 =	sshll.u32 s10, $0x5;
	s9 =	simm.s32 $0x80  }
0x129: {  	s11 =	sshll.u32 s10, $0x4;
	s8 =	sand.u32 $0x700, s8;
	s9 =	simm.s32 @!p0 $0x0  }
0x12a: {  	s10 =	sand.u32 $0x70, s11;
	s8 =	sor.u32 s9, s8;
	v2 =	vadd.f32 v2, v3  }
0x12b: {  	s8 =	sor.u32 s10, s8  }
0x12c: {  	v3 =	vld [tilespmem:s8+$0xB500];
	[tilespmem:s7+$0xB000] =	vst v2  }
0x12d: {  	v2 =	vld [tilespmem:s8+$0xB000];
	_ =	sdelay $0x4  }
0x12e: {  	s9 =	simm.s32 $0x0;
	s10 =	simm.s32 $0xFFFFFFD8;
	v2 =	vadd.f32 v3, v2  }
0x12f: {  	p0 =	por $0x0, $0x0;
	s7 =	smin.u32 s9, s10;
	s9 =	simm.s32 $0x80  }
0x130: {  	s9 =	simm.s32 @!p0 $0x0;
	[tilespmem:s8+$0xB000] =	vst v2;
	s8 =	sshll.u32 s7, $0x5  }
0x131: {  	[tilespmem:s0], [sflag:$0x3] =	stream.linear.gather [spmem:s17], $0x500, $0x38;
	[tilespmem:$0xBA00] =	vst v63  }
0x132: {  	s7 =	sshll.u32 s7, $0x4;
	s8 =	sand.u32 $0x700, s8;
	_ =	swait.ge [sflag:s31], $0x500  }
0x133: {  	s7 =	sand.u32 $0x70, s7;
	s8 =	sor.u32 s9, s8;
	[sflag:s31] =	ssyncset.done $0x0  }
0x134: {  	s7 =	sor.u32 s7, s8;
	[sflag:s31] =	ssyncadd.s32 $0xFFFFFB00  }
0x135: {  	v2 =	vld [tilespmem:s7+$0xB500]  }
0x136: {  	s11 =	simm.s32 $0xFFFFFFD9;
	s9 =	simm.s32 $0x1;
	v3 =	vld [tilespmem:s7+$0xB000]  }
0x137: {  	s10 =	smin.u32 s9, s11;
	s8 =	simm.s32 $0x2  }
.LBB2_27:
0x138: {  	p0 =	sne.s32 s8, $0x4F  }
0x139: {  	p1 =	sgt.u32 s9, $0x27;
	s9 =	sshll.u32 s10, $0x5;
	s11 =	simm.s32 $0x80  }
0x13a: {  	s10 =	sshll.u32 s10, $0x4;
	s9 =	sand.u32 $0x700, s9;
	s11 =	simm.s32 @!p1 $0x0  }
0x13b: {  	s10 =	sand.u32 $0x70, s10;
	s11 =	sor.u32 s11, s9;
	v3 =	vadd.f32 v2, v3;
	s9 =	smov.u32 s8  }
.Ltmp13:
0x13c: {  	s10 =	sor.u32 s10, s11;
	(pc) =	sbr.rel @p0 .LBB2_27-.Ltmp13, $4  }
0x13d: {  	v2 =	vld [tilespmem:s10+$0xB500];
	[tilespmem:s7+$0xB000] =	vst v3;
	s7 =	smov.u32 s10  }
0x13e: {  	v3 =	vld [tilespmem:s7+$0xB000]  }
0x13f: {  	s10 =	sadd.s32 $0xFFFFFFD8, s8  }
0x140: {  	s8 =	sadd.s32 $0x1, s8;
	s10 =	smin.u32 s9, s10  }
0x141: {  	p0 =	sgt.u32 s9, $0x27;
	s8 =	sshll.u32 s10, $0x5;
	s9 =	simm.s32 $0x80  }
0x142: {  	s11 =	sshll.u32 s10, $0x4;
	s8 =	sand.u32 $0x700, s8;
	s9 =	simm.s32 @!p0 $0x0  }
0x143: {  	s10 =	sand.u32 $0x70, s11;
	s8 =	sor.u32 s9, s8;
	v2 =	vadd.f32 v2, v3  }
0x144: {  	s8 =	sor.u32 s10, s8  }
0x145: {  	v3 =	vld [tilespmem:s8+$0xB500];
	[tilespmem:s7+$0xB000] =	vst v2  }
0x146: {  	v2 =	vld [tilespmem:s8+$0xB000];
	_ =	sdelay $0x4  }
0x147: {  	s9 =	simm.s32 $0x0;
	s10 =	simm.s32 $0xFFFFFFD8;
	v2 =	vadd.f32 v3, v2  }
0x148: {  	p0 =	por $0x0, $0x0;
	s7 =	smin.u32 s9, s10;
	s9 =	simm.s32 $0x80  }
0x149: {  	s9 =	simm.s32 @!p0 $0x0;
	[tilespmem:s8+$0xB000] =	vst v2;
	s8 =	sshll.u32 s7, $0x5  }
0x14a: {  	[tilespmem:s0], [sflag:$0x3] =	stream.linear.gather [spmem:s18], $0x500, $0x38;
	[tilespmem:$0xBA00] =	vst v63  }
0x14b: {  	s7 =	sshll.u32 s7, $0x4;
	s8 =	sand.u32 $0x700, s8;
	_ =	swait.ge [sflag:s31], $0x500  }
0x14c: {  	s7 =	sand.u32 $0x70, s7;
	s8 =	sor.u32 s9, s8;
	[sflag:s31] =	ssyncset.done $0x0  }
0x14d: {  	s7 =	sor.u32 s7, s8;
	[sflag:s31] =	ssyncadd.s32 $0xFFFFFB00  }
0x14e: {  	v2 =	vld [tilespmem:s7+$0xB500]  }
0x14f: {  	s11 =	simm.s32 $0xFFFFFFD9;
	s9 =	simm.s32 $0x1;
	v3 =	vld [tilespmem:s7+$0xB000]  }
0x150: {  	s10 =	smin.u32 s9, s11;
	s8 =	simm.s32 $0x2  }
.LBB2_29:
0x151: {  	p0 =	sne.s32 s8, $0x4F  }
0x152: {  	p1 =	sgt.u32 s9, $0x27;
	s9 =	sshll.u32 s10, $0x5;
	s11 =	simm.s32 $0x80  }
0x153: {  	s10 =	sshll.u32 s10, $0x4;
	s9 =	sand.u32 $0x700, s9;
	s11 =	simm.s32 @!p1 $0x0  }
0x154: {  	s10 =	sand.u32 $0x70, s10;
	s11 =	sor.u32 s11, s9;
	v3 =	vadd.f32 v2, v3;
	s9 =	smov.u32 s8  }
.Ltmp14:
0x155: {  	s10 =	sor.u32 s10, s11;
	(pc) =	sbr.rel @p0 .LBB2_29-.Ltmp14, $4  }
0x156: {  	v2 =	vld [tilespmem:s10+$0xB500];
	[tilespmem:s7+$0xB000] =	vst v3;
	s7 =	smov.u32 s10  }
0x157: {  	v3 =	vld [tilespmem:s7+$0xB000]  }
0x158: {  	s10 =	sadd.s32 $0xFFFFFFD8, s8  }
0x159: {  	s8 =	sadd.s32 $0x1, s8;
	s10 =	smin.u32 s9, s10  }
0x15a: {  	p0 =	sgt.u32 s9, $0x27;
	s8 =	sshll.u32 s10, $0x5;
	s9 =	simm.s32 $0x80  }
0x15b: {  	s11 =	sshll.u32 s10, $0x4;
	s8 =	sand.u32 $0x700, s8;
	s9 =	simm.s32 @!p0 $0x0  }
0x15c: {  	s10 =	sand.u32 $0x70, s11;
	s8 =	sor.u32 s9, s8;
	v2 =	vadd.f32 v2, v3  }
0x15d: {  	s8 =	sor.u32 s10, s8  }
0x15e: {  	v3 =	vld [tilespmem:s8+$0xB500];
	[tilespmem:s7+$0xB000] =	vst v2  }
0x15f: {  	v2 =	vld [tilespmem:s8+$0xB000];
	_ =	sdelay $0x4  }
0x160: {  	s9 =	simm.s32 $0x0;
	s10 =	simm.s32 $0xFFFFFFD8;
	v2 =	vadd.f32 v3, v2  }
0x161: {  	p0 =	por $0x0, $0x0;
	s7 =	smin.u32 s9, s10;
	s9 =	simm.s32 $0x80  }
0x162: {  	s9 =	simm.s32 @!p0 $0x0;
	[tilespmem:s8+$0xB000] =	vst v2;
	s8 =	sshll.u32 s7, $0x5  }
0x163: {  	[tilespmem:s0], [sflag:$0x3] =	stream.linear.gather [spmem:s19], $0x500, $0x38;
	[tilespmem:$0xBA00] =	vst v63  }
0x164: {  	s7 =	sshll.u32 s7, $0x4;
	s8 =	sand.u32 $0x700, s8;
	_ =	swait.ge [sflag:s31], $0x500  }
0x165: {  	s7 =	sand.u32 $0x70, s7;
	s8 =	sor.u32 s9, s8;
	[sflag:s31] =	ssyncset.done $0x0  }
0x166: {  	s7 =	sor.u32 s7, s8;
	[sflag:s31] =	ssyncadd.s32 $0xFFFFFB00  }
0x167: {  	v2 =	vld [tilespmem:s7+$0xB500]  }
0x168: {  	s11 =	simm.s32 $0xFFFFFFD9;
	s9 =	simm.s32 $0x1;
	v3 =	vld [tilespmem:s7+$0xB000]  }
0x169: {  	s10 =	smin.u32 s9, s11;
	s8 =	simm.s32 $0x2  }
.LBB2_31:
0x16a: {  	p0 =	sne.s32 s8, $0x4F  }
0x16b: {  	p1 =	sgt.u32 s9, $0x27;
	s9 =	sshll.u32 s10, $0x5;
	s11 =	simm.s32 $0x80  }
0x16c: {  	s10 =	sshll.u32 s10, $0x4;
	s9 =	sand.u32 $0x700, s9;
	s11 =	simm.s32 @!p1 $0x0  }
0x16d: {  	s10 =	sand.u32 $0x70, s10;
	s11 =	sor.u32 s11, s9;
	v3 =	vadd.f32 v2, v3;
	s9 =	smov.u32 s8  }
.Ltmp15:
0x16e: {  	s10 =	sor.u32 s10, s11;
	(pc) =	sbr.rel @p0 .LBB2_31-.Ltmp15, $4  }
0x16f: {  	v2 =	vld [tilespmem:s10+$0xB500];
	[tilespmem:s7+$0xB000] =	vst v3;
	s7 =	smov.u32 s10  }
0x170: {  	v3 =	vld [tilespmem:s7+$0xB000]  }
0x171: {  	s10 =	sadd.s32 $0xFFFFFFD8, s8  }
0x172: {  	s8 =	sadd.s32 $0x1, s8;
	s10 =	smin.u32 s9, s10  }
0x173: {  	p0 =	sgt.u32 s9, $0x27;
	s8 =	sshll.u32 s10, $0x5;
	s9 =	simm.s32 $0x80  }
0x174: {  	s11 =	sshll.u32 s10, $0x4;
	s8 =	sand.u32 $0x700, s8;
	s9 =	simm.s32 @!p0 $0x0  }
0x175: {  	s10 =	sand.u32 $0x70, s11;
	s8 =	sor.u32 s9, s8;
	v2 =	vadd.f32 v2, v3  }
0x176: {  	s8 =	sor.u32 s10, s8  }
0x177: {  	v3 =	vld [tilespmem:s8+$0xB500];
	[tilespmem:s7+$0xB000] =	vst v2  }
0x178: {  	v2 =	vld [tilespmem:s8+$0xB000];
	_ =	sdelay $0x4  }
0x179: {  	s9 =	simm.s32 $0x0;
	s10 =	simm.s32 $0xFFFFFFD8;
	v2 =	vadd.f32 v3, v2  }
0x17a: {  	p0 =	por $0x0, $0x0;
	s7 =	smin.u32 s9, s10;
	s9 =	simm.s32 $0x80  }
0x17b: {  	s9 =	simm.s32 @!p0 $0x0;
	[tilespmem:s8+$0xB000] =	vst v2;
	s8 =	sshll.u32 s7, $0x5  }
0x17c: {  	[tilespmem:s0], [sflag:$0x3] =	stream.linear.gather [spmem:s20], $0x500, $0x38;
	[tilespmem:$0xBA00] =	vst v63  }
0x17d: {  	s7 =	sshll.u32 s7, $0x4;
	s8 =	sand.u32 $0x700, s8;
	_ =	swait.ge [sflag:s31], $0x500  }
0x17e: {  	s7 =	sand.u32 $0x70, s7;
	s8 =	sor.u32 s9, s8;
	[sflag:s31] =	ssyncset.done $0x0  }
0x17f: {  	s7 =	sor.u32 s7, s8;
	[sflag:s31] =	ssyncadd.s32 $0xFFFFFB00  }
0x180: {  	v2 =	vld [tilespmem:s7+$0xB500]  }
0x181: {  	s11 =	simm.s32 $0xFFFFFFD9;
	s9 =	simm.s32 $0x1;
	v3 =	vld [tilespmem:s7+$0xB000]  }
0x182: {  	s10 =	smin.u32 s9, s11;
	s8 =	simm.s32 $0x2  }
.LBB2_33:
0x183: {  	p0 =	sne.s32 s8, $0x4F  }
0x184: {  	p1 =	sgt.u32 s9, $0x27;
	s9 =	sshll.u32 s10, $0x5;
	s11 =	simm.s32 $0x80  }
0x185: {  	s10 =	sshll.u32 s10, $0x4;
	s9 =	sand.u32 $0x700, s9;
	s11 =	simm.s32 @!p1 $0x0  }
0x186: {  	s10 =	sand.u32 $0x70, s10;
	s11 =	sor.u32 s11, s9;
	v3 =	vadd.f32 v2, v3;
	s9 =	smov.u32 s8  }
.Ltmp16:
0x187: {  	s10 =	sor.u32 s10, s11;
	(pc) =	sbr.rel @p0 .LBB2_33-.Ltmp16, $4  }
0x188: {  	v2 =	vld [tilespmem:s10+$0xB500];
	[tilespmem:s7+$0xB000] =	vst v3;
	s7 =	smov.u32 s10  }
0x189: {  	v3 =	vld [tilespmem:s7+$0xB000]  }
0x18a: {  	s10 =	sadd.s32 $0xFFFFFFD8, s8  }
0x18b: {  	s8 =	sadd.s32 $0x1, s8;
	s10 =	smin.u32 s9, s10  }
0x18c: {  	p0 =	sgt.u32 s9, $0x27;
	s8 =	sshll.u32 s10, $0x5;
	s9 =	simm.s32 $0x80  }
0x18d: {  	s11 =	sshll.u32 s10, $0x4;
	s8 =	sand.u32 $0x700, s8;
	s9 =	simm.s32 @!p0 $0x0  }
0x18e: {  	s10 =	sand.u32 $0x70, s11;
	s8 =	sor.u32 s9, s8;
	v2 =	vadd.f32 v2, v3  }
0x18f: {  	s8 =	sor.u32 s10, s8  }
0x190: {  	v3 =	vld [tilespmem:s8+$0xB500];
	[tilespmem:s7+$0xB000] =	vst v2  }
0x191: {  	v2 =	vld [tilespmem:s8+$0xB000];
	_ =	sdelay $0x4  }
0x192: {  	s9 =	simm.s32 $0x0;
	s10 =	simm.s32 $0xFFFFFFD8;
	v2 =	vadd.f32 v3, v2  }
0x193: {  	p0 =	por $0x0, $0x0;
	s7 =	smin.u32 s9, s10;
	s9 =	simm.s32 $0x80  }
0x194: {  	s9 =	simm.s32 @!p0 $0x0;
	[tilespmem:s8+$0xB000] =	vst v2;
	s8 =	sshll.u32 s7, $0x5  }
0x195: {  	[tilespmem:s0], [sflag:$0x3] =	stream.linear.gather [spmem:s21], $0x500, $0x38;
	[tilespmem:$0xBA00] =	vst v63  }
0x196: {  	s7 =	sshll.u32 s7, $0x4;
	s8 =	sand.u32 $0x700, s8;
	_ =	swait.ge [sflag:s31], $0x500  }
0x197: {  	s7 =	sand.u32 $0x70, s7;
	s8 =	sor.u32 s9, s8;
	[sflag:s31] =	ssyncset.done $0x0  }
0x198: {  	s7 =	sor.u32 s7, s8;
	[sflag:s31] =	ssyncadd.s32 $0xFFFFFB00  }
0x199: {  	v2 =	vld [tilespmem:s7+$0xB500]  }
0x19a: {  	s11 =	simm.s32 $0xFFFFFFD9;
	s9 =	simm.s32 $0x1;
	v3 =	vld [tilespmem:s7+$0xB000]  }
0x19b: {  	s10 =	smin.u32 s9, s11;
	s8 =	simm.s32 $0x2  }
.LBB2_35:
0x19c: {  	p0 =	sne.s32 s8, $0x4F  }
0x19d: {  	p1 =	sgt.u32 s9, $0x27;
	s9 =	sshll.u32 s10, $0x5;
	s11 =	simm.s32 $0x80  }
0x19e: {  	s10 =	sshll.u32 s10, $0x4;
	s9 =	sand.u32 $0x700, s9;
	s11 =	simm.s32 @!p1 $0x0  }
0x19f: {  	s10 =	sand.u32 $0x70, s10;
	s11 =	sor.u32 s11, s9;
	v3 =	vadd.f32 v2, v3;
	s9 =	smov.u32 s8  }
.Ltmp17:
0x1a0: {  	s10 =	sor.u32 s10, s11;
	(pc) =	sbr.rel @p0 .LBB2_35-.Ltmp17, $4  }
0x1a1: {  	v2 =	vld [tilespmem:s10+$0xB500];
	[tilespmem:s7+$0xB000] =	vst v3;
	s7 =	smov.u32 s10  }
0x1a2: {  	v3 =	vld [tilespmem:s7+$0xB000]  }
0x1a3: {  	s10 =	sadd.s32 $0xFFFFFFD8, s8  }
0x1a4: {  	s8 =	sadd.s32 $0x1, s8;
	s10 =	smin.u32 s9, s10  }
0x1a5: {  	p0 =	sgt.u32 s9, $0x27;
	s8 =	sshll.u32 s10, $0x5;
	s9 =	simm.s32 $0x80  }
0x1a6: {  	s11 =	sshll.u32 s10, $0x4;
	s8 =	sand.u32 $0x700, s8;
	s9 =	simm.s32 @!p0 $0x0  }
0x1a7: {  	s10 =	sand.u32 $0x70, s11;
	s8 =	sor.u32 s9, s8;
	v2 =	vadd.f32 v2, v3  }
0x1a8: {  	s8 =	sor.u32 s10, s8  }
0x1a9: {  	v3 =	vld [tilespmem:s8+$0xB500];
	[tilespmem:s7+$0xB000] =	vst v2  }
0x1aa: {  	v2 =	vld [tilespmem:s8+$0xB000];
	_ =	sdelay $0x4  }
0x1ab: {  	s9 =	simm.s32 $0x0;
	s10 =	simm.s32 $0xFFFFFFD8;
	v2 =	vadd.f32 v3, v2  }
0x1ac: {  	p0 =	por $0x0, $0x0;
	s7 =	smin.u32 s9, s10;
	s9 =	simm.s32 $0x80  }
0x1ad: {  	s9 =	simm.s32 @!p0 $0x0;
	[tilespmem:s8+$0xB000] =	vst v2;
	s8 =	sshll.u32 s7, $0x5  }
0x1ae: {  	[tilespmem:s0], [sflag:$0x3] =	stream.linear.gather [spmem:s22], $0x500, $0x38;
	[tilespmem:$0xBA00] =	vst v63  }
0x1af: {  	s7 =	sshll.u32 s7, $0x4;
	s8 =	sand.u32 $0x700, s8;
	_ =	swait.ge [sflag:s31], $0x500  }
0x1b0: {  	s7 =	sand.u32 $0x70, s7;
	s8 =	sor.u32 s9, s8;
	[sflag:s31] =	ssyncset.done $0x0  }
0x1b1: {  	s7 =	sor.u32 s7, s8;
	[sflag:s31] =	ssyncadd.s32 $0xFFFFFB00  }
0x1b2: {  	v2 =	vld [tilespmem:s7+$0xB500]  }
0x1b3: {  	s11 =	simm.s32 $0xFFFFFFD9;
	s9 =	simm.s32 $0x1;
	v3 =	vld [tilespmem:s7+$0xB000]  }
0x1b4: {  	s10 =	smin.u32 s9, s11;
	s8 =	simm.s32 $0x2  }
.LBB2_37:
0x1b5: {  	p0 =	sne.s32 s8, $0x4F  }
0x1b6: {  	p1 =	sgt.u32 s9, $0x27;
	s9 =	sshll.u32 s10, $0x5;
	s11 =	simm.s32 $0x80  }
0x1b7: {  	s10 =	sshll.u32 s10, $0x4;
	s9 =	sand.u32 $0x700, s9;
	s11 =	simm.s32 @!p1 $0x0  }
0x1b8: {  	s10 =	sand.u32 $0x70, s10;
	s11 =	sor.u32 s11, s9;
	v3 =	vadd.f32 v2, v3;
	s9 =	smov.u32 s8  }
.Ltmp18:
0x1b9: {  	s10 =	sor.u32 s10, s11;
	(pc) =	sbr.rel @p0 .LBB2_37-.Ltmp18, $4  }
0x1ba: {  	v2 =	vld [tilespmem:s10+$0xB500];
	[tilespmem:s7+$0xB000] =	vst v3;
	s7 =	smov.u32 s10  }
0x1bb: {  	v3 =	vld [tilespmem:s7+$0xB000]  }
0x1bc: {  	s10 =	sadd.s32 $0xFFFFFFD8, s8  }
0x1bd: {  	s8 =	sadd.s32 $0x1, s8;
	s10 =	smin.u32 s9, s10  }
0x1be: {  	p0 =	sgt.u32 s9, $0x27;
	s8 =	sshll.u32 s10, $0x5;
	s9 =	simm.s32 $0x80  }
0x1bf: {  	s11 =	sshll.u32 s10, $0x4;
	s8 =	sand.u32 $0x700, s8;
	s9 =	simm.s32 @!p0 $0x0  }
0x1c0: {  	s10 =	sand.u32 $0x70, s11;
	s8 =	sor.u32 s9, s8;
	v2 =	vadd.f32 v2, v3  }
0x1c1: {  	s8 =	sor.u32 s10, s8  }
0x1c2: {  	v3 =	vld [tilespmem:s8+$0xB500];
	[tilespmem:s7+$0xB000] =	vst v2  }
0x1c3: {  	v2 =	vld [tilespmem:s8+$0xB000];
	_ =	sdelay $0x4  }
0x1c4: {  	s9 =	simm.s32 $0x0;
	s10 =	simm.s32 $0xFFFFFFD8;
	v2 =	vadd.f32 v3, v2  }
0x1c5: {  	p0 =	por $0x0, $0x0;
	s7 =	smin.u32 s9, s10;
	s9 =	simm.s32 $0x80  }
0x1c6: {  	s9 =	simm.s32 @!p0 $0x0;
	[tilespmem:s8+$0xB000] =	vst v2;
	s8 =	sshll.u32 s7, $0x5  }
0x1c7: {  	[tilespmem:s0], [sflag:$0x3] =	stream.linear.gather [spmem:s24], $0x500, $0x38;
	[tilespmem:$0xBA00] =	vst v63  }
0x1c8: {  	s7 =	sshll.u32 s7, $0x4;
	s8 =	sand.u32 $0x700, s8;
	_ =	swait.ge [sflag:s31], $0x500  }
0x1c9: {  	s7 =	sand.u32 $0x70, s7;
	s8 =	sor.u32 s9, s8;
	[sflag:s31] =	ssyncset.done $0x0  }
0x1ca: {  	s7 =	sor.u32 s7, s8;
	[sflag:s31] =	ssyncadd.s32 $0xFFFFFB00  }
0x1cb: {  	v2 =	vld [tilespmem:s7+$0xB500]  }
0x1cc: {  	s11 =	simm.s32 $0xFFFFFFD9;
	s9 =	simm.s32 $0x1;
	v3 =	vld [tilespmem:s7+$0xB000]  }
0x1cd: {  	s10 =	smin.u32 s9, s11;
	s8 =	simm.s32 $0x2  }
.LBB2_39:
0x1ce: {  	p0 =	sne.s32 s8, $0x4F  }
0x1cf: {  	p1 =	sgt.u32 s9, $0x27;
	s9 =	sshll.u32 s10, $0x5;
	s11 =	simm.s32 $0x80  }
0x1d0: {  	s10 =	sshll.u32 s10, $0x4;
	s9 =	sand.u32 $0x700, s9;
	s11 =	simm.s32 @!p1 $0x0  }
0x1d1: {  	s10 =	sand.u32 $0x70, s10;
	s11 =	sor.u32 s11, s9;
	v3 =	vadd.f32 v2, v3;
	s9 =	smov.u32 s8  }
.Ltmp19:
0x1d2: {  	s10 =	sor.u32 s10, s11;
	(pc) =	sbr.rel @p0 .LBB2_39-.Ltmp19, $4  }
0x1d3: {  	v2 =	vld [tilespmem:s10+$0xB500];
	[tilespmem:s7+$0xB000] =	vst v3;
	s7 =	smov.u32 s10  }
0x1d4: {  	v3 =	vld [tilespmem:s7+$0xB000]  }
0x1d5: {  	s10 =	sadd.s32 $0xFFFFFFD8, s8  }
0x1d6: {  	s8 =	sadd.s32 $0x1, s8;
	s10 =	smin.u32 s9, s10  }
0x1d7: {  	p0 =	sgt.u32 s9, $0x27;
	s8 =	sshll.u32 s10, $0x5;
	s9 =	simm.s32 $0x80  }
0x1d8: {  	s11 =	sshll.u32 s10, $0x4;
	s8 =	sand.u32 $0x700, s8;
	s9 =	simm.s32 @!p0 $0x0  }
0x1d9: {  	s10 =	sand.u32 $0x70, s11;
	s8 =	sor.u32 s9, s8;
	v2 =	vadd.f32 v2, v3  }
0x1da: {  	s8 =	sor.u32 s10, s8  }
0x1db: {  	v3 =	vld [tilespmem:s8+$0xB500];
	[tilespmem:s7+$0xB000] =	vst v2  }
0x1dc: {  	v2 =	vld [tilespmem:s8+$0xB000];
	_ =	sdelay $0x4  }
0x1dd: {  	s26 =	sadd.s32 $0x1, s26;
	v2 =	vadd.f32 v3, v2  }
0x1de: {  	p0 =	sne.s32 s26, s25  }
.Ltmp20:
0x1df: {  	[tilespmem:s8+$0xB000] =	vst v2;
	(pc) =	sbr.rel @p0 .LBB2_1-.Ltmp20, $4  }
0x1e0: {  	[hbm4b:s23+s4] =	stream.linear.scatter [tilespmem:s2], [sflag:$0x3], $0x500, $0x38;
	[tilespmem:$0xBA00] =	vst v63  }
0x1e1: {  	_ =	swait.ge [sflag:s31], $0x500  }
0x1e2: {  	[sflag:s31] =	ssyncset.done $0x0  }
0x1e3: {  	[sflag:s31] =	ssyncadd.s32 $0xFFFFFB00  }
0x1e4: {  	_ =	sfence.sel $0x180000  }
0x1e5: {  	[bflag:$0x0] =	sbarrier.arrive $0xFFFF  }
0x1e6: {  	_ =	strace $0x90000047  }
0x1e7: {  	s0 =	stileid.u32;
	[bflag:$0x2] =	sbarrier.arrive $0xFFFF  }
0x1e8: {  	p0 =	sne.s32 s0, $0x0;
	s0 =	rddreg [dreg:$0x3]  }
0x1e9: {  	s0 =	sadd.s32 @!p0 $0x100000, s0  }
0x1ea: {  	[sflag:s0] =	ssyncadd.tile.s32 @!p0 $0x1;
	_ =	shalt  }
.Lfunc_end2:
_tile_overlayer_lowered:
.L_overlay_start_2:
0x1eb: {  	(tag) =	ssettag $0x2  }
0x1ec: {  	s0 =	rddreg [dreg:$0x0];
	s2 =	stileid.u32  }
0x1ed: {  	s1 =	rddreg [dreg:$0x1];
	p0 =	sne.s32 s2, $0x0  }
0x1ee: {  	s3 =	rddreg [dreg:$0x2];
	[bflag:$0x3] =	sbarrier.arrive $0xFFFF;
	s2 =	simm.s32 @!p0 $0x1C03  }
0x1ef: {  	[timem:s3], [sflag:s2] =	dma.local @!p0 [hbm:s0], s1  }
0x1f0: {  	s0 =	simm.s32 @!p0 $0x3  }
0x1f1: {  	_ =	swait.ge @!p0 [sflag:s0], s1  }
0x1f2: {  	s1 =	ssub.s32 @!p0 $0x0, s1;
	[sflag:s0] =	ssyncset.done @!p0 $0x0  }
0x1f3: {  	[sflag:s0] =	ssyncadd.s32 @!p0 s1  }
0x1f4: {  	[bflag:$0x3] =	sbarrier.arrive $0xFFFF  }
0x1f5: {  	_ =	shalt  }

// kernel: kernel.9.cloned.1.call-start
scs
__scs_entry_jumppad:
0x0: {  	(pc) =	sbr.rel $0x88, $3  }
0x1: {  	(tag) =	ssettag $0x0;
	lr =	simm.s32 $0x1  }
0x2: {  	[smem:$0x3F99] =	sst lr;
	_ =	strace $0xD0000000  }
0x3: {  	_ = 	snop  }
0x4: {  	_ = 	snop  }
0x5: {  	_ = 	snop  }
0x6: {  	_ = 	snop  }
0x7: {  	_ = 	snop  }
__scs_overlays_trampoline_lowered:
0x8: {  	[smem:$0x3FA8] =	sst s0  }
0x9: {  	[smem:$0x3FA9] =	sst s1  }
0xa: {  	[smem:$0x3FAA] =	sst s2  }
0xb: {  	[smem:$0x3FAB] =	sst s3  }
0xc: {  	[smem:$0x3FAC] =	sst s4  }
0xd: {  	[smem:$0x3FAD] =	sst s5  }
0xe: {  	[smem:$0x3FAE] =	sst s6  }
0xf: {  	[smem:$0x3FAF] =	sst s7  }
0x10: {  	[smem:$0x3FB0] =	sst s8  }
0x11: {  	[smem:$0x3FB1] =	sst s9;
	s0 =	simm.s32 @!p0 $0x0  }
0x12: {  	s1 =	sld [smem:$0x3F97];
	s0 =	simm.s32 @p0 $0x1  }
0x13: {  	[smem:$0x3FB2] =	sst s0;
	s0 =	simm.s32 @!p1 $0x0  }
0x14: {  	s2 =	sld [smem:$0x3F96];
	s0 =	simm.s32 @p1 $0x1  }
0x15: {  	[smem:$0x3FB3] =	sst s0;
	s0 =	simm.s32 @!p2 $0x0  }
0x16: {  	s3 =	sld [smem:$0x3FDB];
	s0 =	simm.s32 @p2 $0x1  }
0x17: {  	s4 =	simm.s32 $0x1BF5;
	[smem:$0x3FB5] =	sst s0  }
0x18: {  	s0 =	sld [smem:$0x3F98];
	_ =	swait.ge [sflag:s4], $0x0  }
0x19: {  	s7 =	sld [smem:$0x3F99]  }
0x1a: {  	s8 =	sadd.s32 $0xFFFFE003, lr  }
0x1b: {  	s9 =	sadd.s32 $0xFFFFFEF7, lr;
	s5 =	simm.s32 $0xFFFFFFFF;
	p2 =	slt.u32 s8, $0xFFFFF086  }
0x1c: {  	p1 =	slt.u32 s9, $0xF7A;
	s5 =	simm.s32 @!p2 $0x0  }
0x1d: {  	s5 =	simm.s32 @p1 $0x1;
	p0 =	seq.s32 s7, s2  }
0x1e: {  	s7 =	smul.u32 @!p0 $0xF7A, s2;
	p2 =	seq.s32 @!p0 s5, $0x0  }
0x1f: {  	s9 =	smul.u32 $0xF7A, s1;
	s8 =	simm.s32 @!p0 $0x1BF5;
	p2 =	por !p2, p0  }
0x20: {  	[sflag:s8] =	ssyncset.s32 @!p0 $0xFFFFF086;
	s6 =	sadd.s32 @!p0 s3, s7;
	s7 =	simm.s32 @!p0 $0x108  }
0x21: {  	s3 =	sadd.s32 s3, s9;
	s6 =	sadd.s32 @!p0 $0x88, s6;
	s7 =	simm.s32 @p2 $0x1082  }
0x22: {  	[simem:s7], [sflag:s8] =	dma.local @!p0 [hbm:s6], $0xF7A  }
0x23: {  	s9 =	sor.u32 $0xD0000000, s2;
	s6 =	simm.s32 $0x108;
	_ =	swait.ge @!p0 [sflag:s8], $0x0  }
0x24: {  	s3 =	sadd.s32 $0x88, s3;
	s6 =	simm.s32 @!p1 $0x1082;
	[sflag:s4] =	ssyncset.s32 $0xFFFFF086  }
0x25: {  	[simem:s6], [sflag:s4] =	dma.local [hbm:s3], $0xF7A  }
0x26: {  	[smem:$0x3F99] =	sst s1;
	(tag) =	ssettag s2;
	_ =	strace s9  }
0x27: {  	s1 =	sld [smem:$0x3FA9]  }
0x28: {  	s2 =	sld [smem:$0x3FAA]  }
0x29: {  	s4 =	sld [smem:$0x3FAC]  }
0x2a: {  	p0 =	seq.s32 s5, $0x0;
	s5 =	sld [smem:$0x3FAD]  }
0x2b: {  	s6 =	sld [smem:$0x3FAE]  }
0x2c: {  	s7 =	sld [smem:$0x3FAF]  }
0x2d: {  	s3 =	simm.s32 $0x108;
	s8 =	sld [smem:$0x3FB0]  }
0x2e: {  	s3 =	simm.s32 @!p0 $0x1082;
	s9 =	sld [smem:$0x3FB1]  }
0x2f: {  	lr =	sadd.s32 s0, s3;
	s0 =	sld [smem:$0x3FA8]  }
0x30: {  	s3 =	sld [smem:$0x3FAB]  }
0x31: {  	[smem:$0x3FB4] =	sst s10  }
0x32: {  	s10 =	sld [smem:$0x3FB2];
	_ =	sdelay $0x3  }
0x33: {  	p0 =	seq.s32 s10, $0x1;
	s10 =	sld [smem:$0x3FB4];
	_ =	sdelay $0x3  }
0x34: {  	[smem:$0x3FB4] =	sst s10  }
0x35: {  	s10 =	sld [smem:$0x3FB3];
	_ =	sdelay $0x3  }
0x36: {  	p1 =	seq.s32 s10, $0x1;
	s10 =	sld [smem:$0x3FB4];
	_ =	sdelay $0x3  }
0x37: {  	[smem:$0x3FB4] =	sst s10  }
0x38: {  	s10 =	sld [smem:$0x3FB5]  }
0x39: {  	_ = 	snop;
	(pc) =	sbr.ind lr, $3  }
0x3a: {  	_ = 	snop  }
0x3b: {  	_ = 	snop  }
0x3c: {  	p2 =	seq.s32 s10, $0x1;
	s10 =	sld [smem:$0x3FB4]  }
0x3d: {  	_ =	shalt  }
0x3e: {  	_ =	shalt  }
0x3f: {  	_ =	shalt  }
0x40: {  	_ =	shalt  }
0x41: {  	_ =	shalt  }
0x42: {  	_ =	shalt  }
0x43: {  	_ =	shalt  }
0x44: {  	_ =	shalt  }
0x45: {  	_ =	shalt  }
0x46: {  	_ =	shalt  }
0x47: {  	_ =	shalt  }
0x48: {  	_ =	shalt  }
0x49: {  	_ =	shalt  }
0x4a: {  	_ =	shalt  }
0x4b: {  	_ =	shalt  }
0x4c: {  	_ =	shalt  }
0x4d: {  	_ =	shalt  }
0x4e: {  	_ =	shalt  }
0x4f: {  	_ =	shalt  }
0x50: {  	_ =	shalt  }
0x51: {  	_ =	shalt  }
0x52: {  	_ =	shalt  }
0x53: {  	_ =	shalt  }
0x54: {  	_ =	shalt  }
0x55: {  	_ =	shalt  }
0x56: {  	_ =	shalt  }
0x57: {  	_ =	shalt  }
0x58: {  	_ =	shalt  }
0x59: {  	_ =	shalt  }
0x5a: {  	_ =	shalt  }
0x5b: {  	_ =	shalt  }
0x5c: {  	_ =	shalt  }
0x5d: {  	_ =	shalt  }
0x5e: {  	_ =	shalt  }
0x5f: {  	_ =	shalt  }
0x60: {  	_ =	shalt  }
0x61: {  	_ =	shalt  }
0x62: {  	_ =	shalt  }
0x63: {  	_ =	shalt  }
0x64: {  	_ =	shalt  }
0x65: {  	_ =	shalt  }
0x66: {  	_ =	shalt  }
0x67: {  	_ =	shalt  }
0x68: {  	_ =	shalt  }
0x69: {  	_ =	shalt  }
0x6a: {  	_ =	shalt  }
0x6b: {  	_ =	shalt  }
0x6c: {  	_ =	shalt  }
0x6d: {  	_ =	shalt  }
0x6e: {  	_ =	shalt  }
0x6f: {  	_ =	shalt  }
0x70: {  	_ =	shalt  }
0x71: {  	_ =	shalt  }
0x72: {  	_ =	shalt  }
0x73: {  	_ =	shalt  }
0x74: {  	_ =	shalt  }
0x75: {  	_ =	shalt  }
0x76: {  	_ =	shalt  }
0x77: {  	_ =	shalt  }
0x78: {  	_ =	shalt  }
0x79: {  	_ =	shalt  }
0x7a: {  	_ =	shalt  }
0x7b: {  	_ =	shalt  }
0x7c: {  	_ =	shalt  }
0x7d: {  	_ =	shalt  }
0x7e: {  	_ =	shalt  }
0x7f: {  	_ =	shalt  }
0x80: {  	_ =	shalt  }
0x81: {  	_ =	shalt  }
0x82: {  	_ =	shalt  }
0x83: {  	_ =	shalt  }
0x84: {  	_ =	shalt  }
0x85: {  	_ =	shalt  }
0x86: {  	_ =	shalt  }
0x87: {  	_ =	shalt  }
.Lfunc_end0:
.L_simem_size_0:
called_computation.1_lowered:
.L_overlay_start_0:
0x88: {  	s2 =	sld [smem:$0x3FD9]  }
0x89: {  	s3 =	sld [smem:$0x3FFE];
	_ =	sdelay $0x1  }
0x8a: {  	s1 =	srdreg.scid  }
0x8b: {  	s0 =	sand.u32 $0x1, s1  }
0x8c: {  	s14 =	sshll.u32 s0, $0xA;
	s2 =	sadd.s32 s3, s2  }
0x8d: {  	s2 =	sadd.s32 s2, s14  }
0x8e: {  	[smem:$0x3FC0] =	sst s2  }
0x8f: {  	_ = 	snop  }
0x90: {  	s2 =	sld [smem:$0x3FD0];
	_ =	sdelay $0x2  }
0x91: {  	s15 =	simm.s32 $0xA;
	s4 =	simm.s32 $0x10  }
0x92: {  	[smem:s4], [sflag:s15] =	dma.local [hbm:s2], $0x1  }
0x93: {  	_ =	swait.eq [sflag:s15], $0x1  }
0x94: {  	[sflag:s15] =	ssyncset.done $0x0  }
0x95: {  	[sflag:s15] =	ssyncadd.s32 $0xFFFFFFFF  }
0x96: {  	s16 =	sld [smem:$0x10];
	(tm) =	ssettm $0x1  }
0x97: {  	s17 =	sld [smem:$0x3FFB];
	_ =	sdelay $0x3  }
0x98: {  	_ =	strace s17  }
0x99: {  	s3 =	sld [smem:$0x3FFC];
	_ =	sdelay $0x3  }
0x9a: {  	_ =	strace s3  }
0x9b: {  	s3 =	sld [smem:$0x3FFD];
	_ =	sdelay $0x3  }
0x9c: {  	_ =	strace s3  }
0x9d: {  	_ =	strace $0x8FFFFFFF  }
0x9e: {  	s18 =	sld [smem:$0x3FDB];
	_ =	sdelay $0x1  }
0x9f: {  	s19 =	simm.s32 $_scs_section_size  }
0xa0: {  	s5 =	simm.s32 $_size__tile_overlayer_lowered;
	s6 =	simm.s32 $_tile_overlayer_lowered  }
0xa1: {  	s22 =	simm.s32 $0x1BFF;
	s21 =	sshll.u32 s6, $0x1;
	s3 =	sadd.s32 s19, s18  }
0xa2: {  	s7 =	simm.s32 $0x0;
	s20 =	sshll.u32 s5, $0x1;
	s5 =	sadd.s32 s21, s3  }
0xa3: {  	[timem:s7], [sflag:s22] =	dma.local [hbm:s5], s20  }
0xa4: {  	_ =	swait.ge [sflag:s22], s20  }
0xa5: {  	s4 =	ssub.s32 $0x0, s20;
	[sflag:s22] =	ssyncset.done $0x0  }
0xa6: {  	[sflag:s22] =	ssyncadd.s32 s4;
	_ =	sdelay $0x1  }
0xa7: {  	s23 =	simm.s32 $0x1B8B  }
0xa8: {  	_ =	swait.ge [sflag:s23], $0x1  }
0xa9: {  	[sflag:s23] =	ssyncset.done $0x0  }
0xaa: {  	s25 =	simm.s32 $0x1B8E;
	s24 =	sld [smem:$0x3FFE];
	[sflag:s23] =	ssyncadd.s32 $0xFFFFFFFF  }
0xab: {  	s26 =	simm.s32 $execute0_lowered;
	[smem:$0x3FD2] =	sst s25  }
0xac: {  	s5 =	sshll.u32 s26, $0x1;
	_ =	strace $0x80000049;
	[dreg:$0x1] =	wrdreg $0xFFFFFFFF  }
0xad: {  	s28 =	simm.s32 $_size_execute0_lowered;
	s3 =	sadd.s32 s3, s5;
	[dreg:$0x0] =	wrdreg $0x0  }
0xae: {  	s5 =	sshll.u32 s28, $0x1;
	[dreg:$0x2] =	wrdreg s3  }
0xaf: {  	[dreg:$0x3] =	wrdreg s5  }
0xb0: {  	[dreg:$0x4] =	wrdreg $0xC0  }
0xb1: {  	_ =	task [dreg:s7], $0x5FFFF  }
0xb2: {  	[dreg:$0x1] =	wrdreg $0xFFFFFFFF  }
0xb3: {  	[dreg:$0x0] =	wrdreg $0x60  }
0xb4: {  	[dreg:$0x2] =	wrdreg s16  }
0xb5: {  	[dreg:$0x3] =	wrdreg s24  }
0xb6: {  	[dreg:$0x4] =	wrdreg $0x0  }
0xb7: {  	[dreg:$0x5] =	wrdreg $0x9  }
0xb8: {  	_ =	task.clear_ibuf [dreg:s7], $0x6FFFF;
	_ =	strace $0x90000049  }
0xb9: {  	s29 =	simm.s32 $0x9;
	_ =	strace $0x8000004B  }
0xba: {  	_ =	swait.ge [sflag:s29], $0x1  }
0xbb: {  	[sflag:s29] =	ssyncadd.s32 $0xFFFFFFFF  }
0xbc: {  	_ =	strace $0x9000004B  }
0xbd: {  	_ =	sfence  }
0xbe: {  	s30 =	sld [smem:$0x0];
	_ =	sdelay $0x2  }
0xbf: {  	s31 =	sshll.u32 s1, $0xD;
	s1 =	sshrl.u32 s1, $0x2  }
0xc0: {  	s3 =	sand.u32 $0x4000, s31;
	s1 =	sadd.s32 s1, s30  }
0xc1: {  	s0 =	sor.u32 s3, s0;
	s1 =	sshll.u32 s1, $0x11  }
0xc2: {  	s0 =	sor.u32 s1, s0  }
0xc3: {  	s0 =	sadd.s32 $0x8F2B, s0  }
0xc4: {  	[sflag:s0] =	ssyncadd.remote.s32 $0x1  }
0xc5: {  	_ =	sfence.sel $0xFFFF  }
0xc6: {  	[dreg:$0x0] =	wrdreg $0xFFFFFFFF;
	(pc) =	sbr.abs _section_cstart, $3  }
0xc7: {  	[dreg:$0x1] =	wrdreg $0xFFFFFFFF  }
0xc8: {  	_ =	task.clear_ibuf [dreg:s7], $0x2FFFF;
	_ =	strace $0x9FFFFFFF  }
0xc9: {  	(tm) =	ssettm $0x7FFFFFFF  }
tec
execute0_lowered:
.L_overlay_start_1:
0x0: {  	(tag) =	ssettag $0x1  }
0x1: {  	s1 =	rddreg [dreg:$0x0]  }
0x2: {  	s0 =	rddreg [dreg:$0x1]  }
0x3: {  	s2 =	rddreg [dreg:$0x2];
	s3 =	srdreg.scid;
	s4 =	simm.s32 $0x0  }
0x4: {  	s11 =	stileid.u32;
	s28 =	simm.s32 $0x5;
	s31 =	simm.s32 $0xA  }
0x5: {  	s29 =	simm.s32 $0x18400;
	s3 =	sand.u32 $0x1, s3;
	s9 =	smul.u32 $0x50000, s11  }
0x6: {  	[smem:$0x7FF] =	sst s4;
	s8 =	smul.u32 $0x14000, s11;
	s5 =	sadd.s32 $0x21C00, s0  }
0x7: {  	s6 =	sadd.s32 $0x1C00, s0;
	s26 =	ssub.s32 $0x2, s3;
	s9 =	sshrl.u32 s9, $0x2  }
0x8: {  	_ =	strace $0x8000004A;
	s10 =	sshrl.u32 s26, $0x1;
	s16 =	sadd.s32 s9, s2  }
0x9: {  	s30 =	ssub.s32 s26, s10;
	s9 =	sadd.s32 $0x2000, s16;
	[dreg:$0x4] =	wrdreg s16  }
0xa: {  	s10 =	sshll.u32 s11, $0xF;
	s11 =	sadd.s32 $0x6000, s16;
	[dreg:$0x5] =	wrdreg s9  }
0xb: {  	s7 =	smul.u32 $0x140000, s3;
	s12 =	sadd.s32 $0x8000, s16;
	[dreg:$0x7] =	wrdreg s11  }
0xc: {  	s3 =	sshll.u32 s3, $0x13;
	s13 =	sadd.s32 $0xA000, s16;
	[dreg:$0x8] =	wrdreg s12  }
0xd: {  	s7 =	sadd.s32 s8, s7;
	s15 =	sadd.s32 $0xC000, s16;
	[dreg:$0x9] =	wrdreg s13  }
0xe: {  	s7 =	sshrl.u32 s7, $0x3;
	s17 =	sadd.s32 $0xE000, s16;
	[dreg:$0xa] =	wrdreg s15  }
0xf: {  	s25 =	smax.u32 s30, $0x1;
	s26 =	sadd.s32 $0x10000, s16;
	[dreg:$0xb] =	wrdreg s17  }
0x10: {  	s30 =	sadd.s32 $0x12000, s16;
	s0 =	sadd.s32 s7, s0;
	[dreg:$0x15] =	wrdreg s25  }
0x11: {  	s9 =	sadd.s32 $0x4000, s16;
	s11 =	sor.u32 s10, s3;
	[dreg:$0x16] =	wrdreg s26  }
0x12: {  	[dreg:$0x17] =	wrdreg s30;
	s15 =	simm.s32 $0x28;
	s17 =	simm.s32 $0x2  }
0x13: {  	s25 =	simm.s32 $0x15C00;
	s7 =	simm.s32 $0x17000;
	s12 =	simm.s32 $0x0  }
0x14: {  	s26 =	simm.s32 $0x14600;
	[dreg:$0x6] =	wrdreg s9;
	s14 =	sshrl.u32 s11, $0x3  }
0x15: {  	s0 =	sadd.s32 $0x41C00, s0;
	s18 =	sor.u32 $0x10, s14;
	s19 =	sadd.s32 s5, s14  }
0x16: {  	s20 =	sadd.s32 s6, s14;
	s22 =	sor.u32 $0x20, s14;
	[dreg:$0x14] =	wrdreg s0  }
0x17: {  	s3 =	sor.u32 $0x30, s14;
	s14 =	simm.s32 $0x1;
	[dreg:$0xc] =	wrdreg s19  }
0x18: {  	s0 =	simm.s32 $0xC;
	[dreg:$0xd] =	wrdreg s20;
	s21 =	sadd.s32 s5, s18  }
0x19: {  	s8 =	sadd.s32 s6, s18;
	s23 =	sadd.s32 s5, s22;
	[dreg:$0xe] =	wrdreg s21  }
.Ltmp0:
0x1a: {  	s24 =	sadd.s32 s5, s3;
	[dreg:$0xf] =	wrdreg s8;
	(pc) =	sbr.rel .LBB2_1-.Ltmp0, $4  }
0x1b: {  	s3 =	sadd.s32 s6, s3;
	s18 =	simm.s32 $0x14180;
	[dreg:$0x10] =	wrdreg s23  }
0x1c: {  	s19 =	simm.s32 $0x3;
	s8 =	sadd.s32 s6, s22;
	[dreg:$0x12] =	wrdreg s24  }
0x1d: {  	[dreg:$0x13] =	wrdreg s3;
	s22 =	simm.s32 $0x14800;
	s24 =	simm.s32 $0x4  }
0x1e: {  	v0 =	vimm.f32 $0.0e+00;
	s3 =	simm.s32 $0xD;
	[dreg:$0x11] =	wrdreg s8;
	s8 =	simm.s32 $0xE  }
.LBB2_6:
0x1f: {  	s7 =	simm.s32 $0x9  }
0x20: {  	_ =	swait.ge [sflag:s7], $0x1400  }
0x21: {  	[sflag:s7] =	ssyncset.done $0x0  }
0x22: {  	s20 =	simm.s32 $0x14580;
	[sflag:s7] =	ssyncadd.s32 $0xFFFFEC00  }
0x23: {  	[spmem:s2] =	stream.indirect.scatter.add.f32 [tilespmem:s29], [sflag:$0xE], $0x80, s20, s15, $0xb8;
	[tilespmem:$0x1CC00] =	vst v63  }
0x24: {  	_ =	swait.ge [sflag:s31], $0x1400  }
0x25: {  	[sflag:s31] =	ssyncset.done $0x0  }
0x26: {  	[sflag:s31] =	ssyncadd.s32 $0xFFFFEC00  }
0x27: {  	[spmem:s2] =	stream.indirect.scatter.add.f32 [tilespmem:s21], [sflag:$0xF], $0x80, s26, s15, $0xb8;
	[tilespmem:$0x1CC00] =	vst v63  }
0x28: {  	s21 =	simm.s32 $0xB  }
0x29: {  	_ =	swait.ge [sflag:s21], $0x1400  }
0x2a: {  	[sflag:s21] =	ssyncset.done $0x0  }
0x2b: {  	[sflag:s21] =	ssyncadd.s32 $0xFFFFEC00  }
0x2c: {  	_ =	swait.ge [sflag:s0], $0x1400  }
0x2d: {  	[sflag:s0] =	ssyncset.done $0x0  }
0x2e: {  	[sflag:s0] =	ssyncadd.s32 $0xFFFFEC00  }
0x2f: {  	_ =	swait.ge [sflag:s3], $0x1400  }
0x30: {  	[sflag:s3] =	ssyncset.done $0x0  }
0x31: {  	[sflag:s3] =	ssyncadd.s32 $0xFFFFEC00  }
0x32: {  	_ =	swait.ge [sflag:s8], $0x1400  }
0x33: {  	[sflag:s8] =	ssyncset.done $0x0  }
0x34: {  	s22 =	simm.s32 $0xF;
	[sflag:s8] =	ssyncadd.s32 $0xFFFFEC00  }
0x35: {  	_ =	swait.ge [sflag:s22], $0x1400  }
0x36: {  	[sflag:s22] =	ssyncset.done $0x0  }
0x37: {  	[sflag:s22] =	ssyncadd.s32 $0xFFFFEC00  }
0x38: {  	s9 =	stileid.u32;
	[bflag:$0x0] =	sbarrier.arrive $0xFFFF  }
0x39: {  	s23 =	simm.s32 $0x10;
	s9 =	sshll.u32 s9, $0x6;
	s16 =	rddreg [dreg:$0x4]  }
0x3a: {  	s9 =	sor.u32 $0x1C10, s9;
	s12 =	rddreg [dreg:$0x14];
	s10 =	sshrl.u32 s16, $0x3  }
0x3b: {  	[hbm:s12], [sflag:s9] =	dma.local [spmem:s10], $0x2800  }
0x3c: {  	_ =	swait.ge [sflag:s23], $0x2800  }
0x3d: {  	s25 =	rddreg [dreg:$0x18]  }
0x3e: {  	s30 =	rddreg [dreg:$0x15];
	s12 =	sadd.s32 $0x1, s25  }
0x3f: {  	p0 =	sne.s32 s12, s30  }
.Ltmp1:
0x40: {  	_ = 	snop;
	(pc) =	sbr.rel @!p0 .LBB2_7-.Ltmp1, $3  }
0x41: {  	_ =	sdelay $0x1  }
0x42: {  	s18 =	simm.s32 $0x14180;
	s7 =	simm.s32 $0x17000;
	[sflag:s23] =	ssyncset.done $0x0  }
0x43: {  	s22 =	simm.s32 $0x14800;
	[sflag:s23] =	ssyncadd.s32 $0xFFFFD800;
	s25 =	simm.s32 $0x15C00  }
.LBB2_1:
0x44: {  	s9 =	sand.u32 $0x7E00, s4  }
0x45: {  	[dreg:$0x18] =	wrdreg s12;
	s10 =	sand.u32 $0x70, s4;
	s30 =	sshrl.u32 s9, $0x2  }
0x46: {  	s9 =	simm.s32 $0x40;
	s12 =	sor.u32 s10, s30;
	s10 =	simm.s32 $0x0  }
.LBB2_2:
0x47: {  	p0 =	sne.s32 s9, $0x7FC0  }
0x48: {  	[tilespmem:s12+$0x1AC00] =	vst v0;
	s10 =	sadd.s32 $0x10, s10;
	s12 =	smov.u32 s9;
	s9 =	sadd.s32 $0x40, s9  }
.Ltmp2:
0x49: {  	(pc) =	sbr.rel @p0 .LBB2_2-.Ltmp2, $4  }
0x4a: {  	_ = 	snop  }
0x4b: {  	s12 =	sand.u32 $0x7E00, s12  }
0x4c: {  	s13 =	sand.u32 $0x70, s10;
	s12 =	sshrl.u32 s12, $0x2  }
0x4d: {  	s12 =	sor.u32 s13, s12  }
0x4e: {  	[tilespmem:s12+$0x1AC00] =	vst v0;
	s10 =	simm.s32 $0x1AC00;
	s12 =	simm.s32 $0x10  }
0x4f: {  	[spmem:s16] =	stream.linear.scatter [tilespmem:s10], [sflag:$0x10], $0x2000, $0x38;
	[tilespmem:$0x1CC00] =	vst v63  }
0x50: {  	_ =	swait.ge [sflag:s12], $0x2000  }
0x51: {  	[sflag:s12] =	ssyncset.done $0x0  }
0x52: {  	s9 =	rddreg [dreg:$0x5];
	[sflag:s12] =	ssyncadd.s32 $0xFFFFE000  }
0x53: {  	[spmem:s9] =	stream.linear.scatter [tilespmem:s10], [sflag:$0x10], $0x2000, $0x38;
	[tilespmem:$0x1CC00] =	vst v63  }
0x54: {  	_ =	swait.ge [sflag:s12], $0x2000  }
0x55: {  	[sflag:s12] =	ssyncset.done $0x0  }
0x56: {  	s21 =	rddreg [dreg:$0x6];
	[sflag:s12] =	ssyncadd.s32 $0xFFFFE000  }
0x57: {  	[spmem:s21] =	stream.linear.scatter [tilespmem:s10], [sflag:$0x10], $0x2000, $0x38;
	[tilespmem:$0x1CC00] =	vst v63  }
0x58: {  	_ =	swait.ge [sflag:s12], $0x2000  }
0x59: {  	[sflag:s12] =	ssyncset.done $0x0  }
0x5a: {  	s23 =	rddreg [dreg:$0x7];
	[sflag:s12] =	ssyncadd.s32 $0xFFFFE000  }
0x5b: {  	[spmem:s23] =	stream.linear.scatter [tilespmem:s10], [sflag:$0x10], $0x2000, $0x38;
	[tilespmem:$0x1CC00] =	vst v63  }
0x5c: {  	_ =	swait.ge [sflag:s12], $0x2000  }
0x5d: {  	[sflag:s12] =	ssyncset.done $0x0  }
0x5e: {  	s13 =	rddreg [dreg:$0x8];
	[sflag:s12] =	ssyncadd.s32 $0xFFFFE000  }
0x5f: {  	[spmem:s13] =	stream.linear.scatter [tilespmem:s10], [sflag:$0x10], $0x2000, $0x38;
	[tilespmem:$0x1CC00] =	vst v63  }
0x60: {  	_ =	swait.ge [sflag:s12], $0x2000  }
0x61: {  	[sflag:s12] =	ssyncset.done $0x0  }
0x62: {  	s16 =	rddreg [dreg:$0x9];
	[sflag:s12] =	ssyncadd.s32 $0xFFFFE000  }
0x63: {  	[spmem:s16] =	stream.linear.scatter [tilespmem:s10], [sflag:$0x10], $0x2000, $0x38;
	[tilespmem:$0x1CC00] =	vst v63  }
0x64: {  	_ =	swait.ge [sflag:s12], $0x2000  }
0x65: {  	[sflag:s12] =	ssyncset.done $0x0  }
0x66: {  	s20 =	rddreg [dreg:$0xa];
	[sflag:s12] =	ssyncadd.s32 $0xFFFFE000  }
0x67: {  	[spmem:s20] =	stream.linear.scatter [tilespmem:s10], [sflag:$0x10], $0x2000, $0x38;
	[tilespmem:$0x1CC00] =	vst v63  }
0x68: {  	_ =	swait.ge [sflag:s12], $0x2000  }
0x69: {  	[sflag:s12] =	ssyncset.done $0x0  }
0x6a: {  	s21 =	rddreg [dreg:$0xb];
	[sflag:s12] =	ssyncadd.s32 $0xFFFFE000  }
0x6b: {  	[spmem:s21] =	stream.linear.scatter [tilespmem:s10], [sflag:$0x10], $0x2000, $0x38;
	[tilespmem:$0x1CC00] =	vst v63  }
0x6c: {  	_ =	swait.ge [sflag:s12], $0x2000  }
0x6d: {  	[sflag:s12] =	ssyncset.done $0x0  }
0x6e: {  	s23 =	rddreg [dreg:$0x16];
	[sflag:s12] =	ssyncadd.s32 $0xFFFFE000  }
0x6f: {  	[spmem:s23] =	stream.linear.scatter [tilespmem:s10], [sflag:$0x10], $0x2000, $0x38;
	[tilespmem:$0x1CC00] =	vst v63  }
0x70: {  	_ =	swait.ge [sflag:s12], $0x2000  }
0x71: {  	[sflag:s12] =	ssyncset.done $0x0  }
0x72: {  	s13 =	rddreg [dreg:$0x17];
	[sflag:s12] =	ssyncadd.s32 $0xFFFFE000  }
0x73: {  	[spmem:s13] =	stream.linear.scatter [tilespmem:s10], [sflag:$0x10], $0x2000, $0x38;
	[tilespmem:$0x1CC00] =	vst v63  }
0x74: {  	_ =	swait.ge [sflag:s12], $0x2000  }
0x75: {  	[sflag:s12] =	ssyncset.done $0x0  }
0x76: {  	[sflag:s12] =	ssyncadd.s32 $0xFFFFE000  }
0x77: {  	[bflag:$0x0] =	sbarrier.arrive $0xFFFF  }
0x78: {  	s10 =	simm.s32 $0x14000;
	s16 =	rddreg [dreg:$0xc]  }
0x79: {  	[tilespmem:s10], [sflag:$0x1] =	stream.linear.gather [hbm4b:s16+s4], $0x80, $0x38;
	[tilespmem:$0x1CC00] =	vst v63  }
0x7a: {  	s21 =	simm.s32 $0x14400;
	s20 =	rddreg [dreg:$0xd]  }
0x7b: {  	[tilespmem:s21], [sflag:$0x1] =	stream.linear.gather [hbm4b:s20+s4], $0x80, $0x38;
	[tilespmem:$0x1CC00] =	vst v63  }
0x7c: {  	s12 =	simm.s32 $0x14080;
	s23 =	rddreg [dreg:$0xe]  }
0x7d: {  	[tilespmem:s12], [sflag:$0x2] =	stream.linear.gather [hbm4b:s23+s4], $0x80, $0x38;
	[tilespmem:$0x1CC00] =	vst v63  }
0x7e: {  	s13 =	rddreg [dreg:$0xf];
	s16 =	simm.s32 $0x14480  }
0x7f: {  	[tilespmem:s16], [sflag:$0x2] =	stream.linear.gather [hbm4b:s13+s4], $0x80, $0x38;
	[tilespmem:$0x1CC00] =	vst v63  }
0x80: {  	s20 =	rddreg [dreg:$0x10];
	s13 =	simm.s32 $0x14100  }
0x81: {  	[tilespmem:s13], [sflag:$0x3] =	stream.linear.gather [hbm4b:s20+s4], $0x80, $0x38;
	[tilespmem:$0x1CC00] =	vst v63  }
0x82: {  	s21 =	rddreg [dreg:$0x11];
	s20 =	simm.s32 $0x14500  }
0x83: {  	[tilespmem:s20], [sflag:$0x3] =	stream.linear.gather [hbm4b:s21+s4], $0x80, $0x38;
	[tilespmem:$0x1CC00] =	vst v63  }
0x84: {  	s23 =	rddreg [dreg:$0x12]  }
0x85: {  	[tilespmem:s18], [sflag:$0x4] =	stream.linear.gather [hbm4b:s23+s4], $0x80, $0x38;
	[tilespmem:$0x1CC00] =	vst v63  }
0x86: {  	s21 =	rddreg [dreg:$0x13];
	s23 =	simm.s32 $0x14580  }
0x87: {  	[tilespmem:s23], [sflag:$0x4] =	stream.linear.gather [hbm4b:s21+s4], $0x80, $0x38;
	[tilespmem:$0x1CC00] =	vst v63  }
0x88: {  	_ =	swait.ge [sflag:s14], $0x80  }
0x89: {  	[sflag:s14] =	ssyncset.done $0x0  }
0x8a: {  	[sflag:s14] =	ssyncadd.s32 $0xFFFFFF80  }
0x8b: {  	_ =	swait.ge [sflag:s14], $0x80  }
0x8c: {  	[sflag:s14] =	ssyncset.done $0x0  }
0x8d: {  	[sflag:s14] =	ssyncadd.s32 $0xFFFFFF80  }
0x8e: {  	[tilespmem:s22], [sflag:$0x6] =	stream.indirect.gather [hbm4b:s1+s15], $0x80, s10, s15, $0xb8;
	[tilespmem:$0x1CC00] =	vst v63  }
0x8f: {  	_ =	swait.ge [sflag:s17], $0x80  }
0x90: {  	[sflag:s17] =	ssyncset.done $0x0  }
0x91: {  	[sflag:s17] =	ssyncadd.s32 $0xFFFFFF80  }
0x92: {  	_ =	swait.ge [sflag:s17], $0x80  }
0x93: {  	[sflag:s17] =	ssyncset.done $0x0  }
0x94: {  	[sflag:s17] =	ssyncadd.s32 $0xFFFFFF80  }
0x95: {  	[tilespmem:s25], [sflag:$0x7] =	stream.indirect.gather [hbm4b:s1+s15], $0x80, s12, s15, $0xb8;
	[tilespmem:$0x1CC00] =	vst v63  }
0x96: {  	_ =	swait.ge [sflag:s19], $0x80  }
0x97: {  	[sflag:s19] =	ssyncset.done $0x0  }
0x98: {  	[sflag:s19] =	ssyncadd.s32 $0xFFFFFF80  }
0x99: {  	_ =	swait.ge [sflag:s19], $0x80  }
0x9a: {  	s30 =	simm.s32 $0x19800;
	[sflag:s19] =	ssyncset.done $0x0  }
0x9b: {  	s9 =	simm.s32 $0x400;
	s23 =	simm.s32 $0x17000;
	[sflag:s19] =	ssyncadd.s32 $0xFFFFFF80  }
0x9c: {  	[tilespmem:s7], [sflag:$0x8] =	stream.indirect.gather [hbm4b:s1+s15], $0x80, s13, s15, $0xb8;
	[tilespmem:$0x1CC00] =	vst v63  }
.LBB2_4:
0x9d: {  	s7 =	simm.s32 $0x6  }
0x9e: {  	_ =	swait.ge [sflag:s7], $0x1400  }
0x9f: {  	[sflag:s7] =	ssyncset.done $0x0  }
0xa0: {  	s10 =	simm.s32 $0x14400;
	[sflag:s7] =	ssyncadd.s32 $0xFFFFEC00;
	s7 =	sadd.s32 $0xFFFFFE00, s9  }
0xa1: {  	[spmem:s2] =	stream.indirect.scatter.add.f32 [tilespmem:s22], [sflag:$0xB], $0x80, s10, s15, $0xb8;
	[tilespmem:$0x1CC00] =	vst v63  }
0xa2: {  	p0 =	seq.s32 s9, $0x400;
	s12 =	sand.u32 $0x1FC00, s7  }
0xa3: {  	s13 =	simm.s32 @!p0 $0xF;
	s10 =	sand.u32 $0x380, s7;
	s12 =	sadd.s32 s11, s12  }
0xa4: {  	_ =	swait.ge @!p0 [sflag:s13], $0x1400;
	s10 =	sor.u32 s10, s12  }
0xa5: {  	[sflag:s13] =	ssyncset.done @!p0 $0x0;
	s10 =	sshrl.u32 s10, $0x3  }
0xa6: {  	s21 =	simm.s32 $0x14200;
	[sflag:s13] =	ssyncadd.s32 @!p0 $0xFFFFEC00;
	s13 =	sadd.s32 s5, s10  }
0xa7: {  	[tilespmem:s21], [sflag:$0x5] =	stream.linear.gather [hbm4b:s13+s4], $0x80, $0x38;
	[tilespmem:$0x1CC00] =	vst v63  }
0xa8: {  	s10 =	sadd.s32 s6, s10  }
0xa9: {  	[tilespmem:s26], [sflag:$0x5] =	stream.linear.gather [hbm4b:s10+s4], $0x80, $0x38;
	[tilespmem:$0x1CC00] =	vst v63  }
0xaa: {  	_ =	swait.ge [sflag:s24], $0x80  }
0xab: {  	[sflag:s24] =	ssyncset.done $0x0  }
0xac: {  	[sflag:s24] =	ssyncadd.s32 $0xFFFFFF80  }
0xad: {  	_ =	swait.ge [sflag:s24], $0x80  }
0xae: {  	[sflag:s24] =	ssyncset.done $0x0  }
0xaf: {  	s22 =	simm.s32 $0x7;
	p0 =	seq.s32 s9, $0x7E80;
	[sflag:s24] =	ssyncadd.s32 $0xFFFFFF80  }
0xb0: {  	[tilespmem:s29], [sflag:$0x9] =	stream.indirect.gather [hbm4b:s1+s15], $0x80, s18, s15, $0xb8;
	[tilespmem:$0x1CC00] =	vst v63  }
0xb1: {  	s10 =	sadd.s32 @!p0 $0xFFFFFE80, s9;
	_ =	swait.ge [sflag:s22], $0x1400  }
0xb2: {  	s12 =	simm.s32 @!p0 $0xB;
	s13 =	sand.u32 @!p0 $0x1FC00, s10;
	[sflag:s22] =	ssyncset.done $0x0  }
0xb3: {  	s10 =	sand.u32 @!p0 $0x380, s10;
	s13 =	sadd.s32 @!p0 s11, s13;
	[sflag:s22] =	ssyncadd.s32 $0xFFFFEC00  }
0xb4: {  	[spmem:s2] =	stream.indirect.scatter.add.f32 [tilespmem:s25], [sflag:$0xC], $0x80, s16, s15, $0xb8;
	[tilespmem:$0x1CC00] =	vst v63  }
0xb5: {  	s10 =	sor.u32 @!p0 s10, s13;
	_ =	swait.ge @!p0 [sflag:s12], $0x1400  }
0xb6: {  	s13 =	simm.s32 @!p0 $0x0;
	s10 =	sshrl.u32 @!p0 s10, $0x3;
	[sflag:s12] =	ssyncset.done @!p0 $0x0  }
0xb7: {  	s16 =	simm.s32 @!p0 $0x14000;
	[sflag:s12] =	ssyncadd.s32 @!p0 $0xFFFFEC00;
	s12 =	sadd.s32 @!p0 s5, s10  }
0xb8: {  	[tilespmem:s16], [sflag:$0x1] =	stream.linear.gather @!p0 [hbm4b:s12+s13], $0x80, $0x38;
	[tilespmem:$0x1CC00] =	vst v63  }
0xb9: {  	s10 =	sadd.s32 @!p0 s6, s10;
	s12 =	simm.s32 @!p0 $0x14400  }
0xba: {  	[tilespmem:s12], [sflag:$0x1] =	stream.linear.gather @!p0 [hbm4b:s10+s13], $0x80, $0x38;
	[tilespmem:$0x1CC00] =	vst v63  }
0xbb: {  	_ =	swait.ge [sflag:s28], $0x80  }
0xbc: {  	[sflag:s28] =	ssyncset.done $0x0  }
0xbd: {  	[sflag:s28] =	ssyncadd.s32 $0xFFFFFF80  }
0xbe: {  	_ =	swait.ge [sflag:s28], $0x80  }
0xbf: {  	[sflag:s28] =	ssyncset.done $0x0  }
0xc0: {  	[sflag:s28] =	ssyncadd.s32 $0xFFFFFF80  }
0xc1: {  	[tilespmem:s30], [sflag:$0xA] =	stream.indirect.gather [hbm4b:s1+s15], $0x80, s21, s15, $0xb8;
	[tilespmem:$0x1CC00] =	vst v63  }
.Ltmp3:
0xc2: {  	s30 =	simm.s32 $0x8;
	(pc) =	sbr.rel @p0 .LBB2_6-.Ltmp3, $4  }
0xc3: {  	s7 =	simm.s32 $0x15C00;
	_ =	swait.ge [sflag:s30], $0x1400  }
0xc4: {  	s18 =	simm.s32 $0x14480;
	s22 =	simm.s32 $0x14180;
	[sflag:s30] =	ssyncset.done $0x0  }
0xc5: {  	s25 =	simm.s32 $0x14800;
	s21 =	simm.s32 $0x19800;
	[sflag:s30] =	ssyncadd.s32 $0xFFFFEC00  }
0xc6: {  	[spmem:s2] =	stream.indirect.scatter.add.f32 [tilespmem:s23], [sflag:$0xD], $0x80, s20, s15, $0xb8;
	[tilespmem:$0x1CC00] =	vst v63  }
0xc7: {  	s10 =	sadd.s32 $0xFFFFFF00, s9  }
0xc8: {  	s12 =	sand.u32 $0x1FC00, s10  }
0xc9: {  	s10 =	sand.u32 $0x380, s10;
	s12 =	sadd.s32 s11, s12  }
0xca: {  	_ =	swait.ge [sflag:s0], $0x1400;
	s10 =	sor.u32 s10, s12  }
0xcb: {  	[sflag:s0] =	ssyncset.done $0x0;
	s10 =	sshrl.u32 s10, $0x3  }
0xcc: {  	s13 =	simm.s32 $0x14080;
	[sflag:s0] =	ssyncadd.s32 $0xFFFFEC00;
	s16 =	sadd.s32 s5, s10  }
0xcd: {  	[tilespmem:s13], [sflag:$0x2] =	stream.linear.gather [hbm4b:s16+s4], $0x80, $0x38;
	[tilespmem:$0x1CC00] =	vst v63  }
0xce: {  	s10 =	sadd.s32 s6, s10  }
0xcf: {  	[tilespmem:s18], [sflag:$0x2] =	stream.linear.gather [hbm4b:s10+s4], $0x80, $0x38;
	[tilespmem:$0x1CC00] =	vst v63  }
0xd0: {  	_ =	swait.ge [sflag:s14], $0x80  }
0xd1: {  	[sflag:s14] =	ssyncset.done $0x0  }
0xd2: {  	[sflag:s14] =	ssyncadd.s32 $0xFFFFFF80  }
0xd3: {  	_ =	swait.ge [sflag:s14], $0x80  }
0xd4: {  	[sflag:s14] =	ssyncset.done $0x0  }
0xd5: {  	s16 =	simm.s32 $0x14000;
	s18 =	simm.s32 $0x9;
	[sflag:s14] =	ssyncadd.s32 $0xFFFFFF80  }
0xd6: {  	[tilespmem:s25], [sflag:$0x6] =	stream.indirect.gather [hbm4b:s1+s15], $0x80, s16, s15, $0xb8;
	[tilespmem:$0x1CC00] =	vst v63  }
0xd7: {  	s25 =	sadd.s32 $0xFFFFFF80, s9;
	_ =	swait.ge [sflag:s18], $0x1400  }
0xd8: {  	s16 =	sand.u32 $0x1FC00, s25;
	s10 =	sand.u32 $0x380, s25;
	[sflag:s18] =	ssyncset.done $0x0  }
0xd9: {  	s12 =	sadd.s32 s11, s16;
	[sflag:s18] =	ssyncadd.s32 $0xFFFFEC00;
	s18 =	simm.s32 $0x14580  }
0xda: {  	[spmem:s2] =	stream.indirect.scatter.add.f32 [tilespmem:s29], [sflag:$0xE], $0x80, s18, s15, $0xb8;
	[tilespmem:$0x1CC00] =	vst v63  }
0xdb: {  	s10 =	sor.u32 s10, s12;
	_ =	swait.ge [sflag:s3], $0x1400  }
0xdc: {  	s10 =	sshrl.u32 s10, $0x3;
	[sflag:s3] =	ssyncset.done $0x0  }
0xdd: {  	s16 =	simm.s32 $0x14100;
	s25 =	sadd.s32 s5, s10;
	[sflag:s3] =	ssyncadd.s32 $0xFFFFEC00  }
0xde: {  	[tilespmem:s16], [sflag:$0x3] =	stream.linear.gather [hbm4b:s25+s4], $0x80, $0x38;
	[tilespmem:$0x1CC00] =	vst v63  }
0xdf: {  	s20 =	simm.s32 $0x14500;
	s10 =	sadd.s32 s6, s10  }
0xe0: {  	[tilespmem:s20], [sflag:$0x3] =	stream.linear.gather [hbm4b:s10+s4], $0x80, $0x38;
	[tilespmem:$0x1CC00] =	vst v63  }
0xe1: {  	_ =	swait.ge [sflag:s17], $0x80  }
0xe2: {  	[sflag:s17] =	ssyncset.done $0x0  }
0xe3: {  	[sflag:s17] =	ssyncadd.s32 $0xFFFFFF80  }
0xe4: {  	_ =	swait.ge [sflag:s17], $0x80  }
0xe5: {  	[sflag:s17] =	ssyncset.done $0x0  }
0xe6: {  	[sflag:s17] =	ssyncadd.s32 $0xFFFFFF80  }
0xe7: {  	[tilespmem:s7], [sflag:$0x7] =	stream.indirect.gather [hbm4b:s1+s15], $0x80, s13, s15, $0xb8;
	[tilespmem:$0x1CC00] =	vst v63  }
0xe8: {  	_ =	swait.ge [sflag:s31], $0x1400  }
0xe9: {  	[sflag:s31] =	ssyncset.done $0x0  }
0xea: {  	[sflag:s31] =	ssyncadd.s32 $0xFFFFEC00  }
0xeb: {  	[spmem:s2] =	stream.indirect.scatter.add.f32 [tilespmem:s21], [sflag:$0xF], $0x80, s26, s15, $0xb8;
	[tilespmem:$0x1CC00] =	vst v63  }
0xec: {  	s13 =	sadd.s32 $0xFFFFFC00, s9;
	s21 =	sand.u32 $0x1FC00, s9  }
0xed: {  	s10 =	sand.u32 $0x380, s13;
	s12 =	sadd.s32 s11, s21  }
0xee: {  	_ =	swait.ge [sflag:s8], $0x1400;
	s10 =	sor.u32 s10, s12  }
0xef: {  	[sflag:s8] =	ssyncset.done $0x0;
	s10 =	sshrl.u32 s10, $0x3  }
0xf0: {  	[sflag:s8] =	ssyncadd.s32 $0xFFFFEC00;
	s25 =	sadd.s32 s5, s10  }
0xf1: {  	[tilespmem:s22], [sflag:$0x4] =	stream.linear.gather [hbm4b:s25+s4], $0x80, $0x38;
	[tilespmem:$0x1CC00] =	vst v63  }
0xf2: {  	s10 =	sadd.s32 s6, s10  }
0xf3: {  	[tilespmem:s18], [sflag:$0x4] =	stream.linear.gather [hbm4b:s10+s4], $0x80, $0x38;
	[tilespmem:$0x1CC00] =	vst v63  }
0xf4: {  	_ =	swait.ge [sflag:s19], $0x80  }
0xf5: {  	[sflag:s19] =	ssyncset.done $0x0  }
0xf6: {  	[sflag:s19] =	ssyncadd.s32 $0xFFFFFF80  }
.Ltmp4:
0xf7: {  	_ =	swait.ge [sflag:s19], $0x80;
	(pc) =	sbr.rel .LBB2_4-.Ltmp4, $4  }
0xf8: {  	s30 =	simm.s32 $0x19800;
	[sflag:s19] =	ssyncset.done $0x0  }
0xf9: {  	s9 =	sadd.s32 $0x280, s9;
	s22 =	simm.s32 $0x14800;
	[sflag:s19] =	ssyncadd.s32 $0xFFFFFF80  }
0xfa: {  	[tilespmem:s23], [sflag:$0x8] =	stream.indirect.gather [hbm4b:s1+s15], $0x80, s16, s15, $0xb8;
	[tilespmem:$0x1CC00] =	vst v63  }
0xfb: {  	s25 =	simm.s32 $0x15C00;
	s18 =	simm.s32 $0x14180;
	s16 =	simm.s32 $0x14480  }
.LBB2_7:
0xfc: {  	_ =	sfence.sel $0x180000  }
0xfd: {  	[bflag:$0x0] =	sbarrier.arrive $0xFFFF  }
0xfe: {  	_ =	strace $0x9000004A  }
0xff: {  	s0 =	stileid.u32;
	[bflag:$0x2] =	sbarrier.arrive $0xFFFF  }
0x100: {  	p0 =	sne.s32 s0, $0x0;
	s0 =	rddreg [dreg:$0x3]  }
0x101: {  	s0 =	sadd.s32 @!p0 $0x100000, s0  }
0x102: {  	[sflag:s0] =	ssyncadd.tile.s32 @!p0 $0x1;
	_ =	shalt  }
.Lfunc_end2:
_tile_overlayer_lowered:
.L_overlay_start_2:
0x103: {  	(tag) =	ssettag $0x2  }
0x104: {  	s0 =	rddreg [dreg:$0x0];
	s2 =	stileid.u32  }
0x105: {  	s1 =	rddreg [dreg:$0x1];
	p0 =	sne.s32 s2, $0x0  }
0x106: {  	s3 =	rddreg [dreg:$0x2];
	[bflag:$0x3] =	sbarrier.arrive $0xFFFF;
	s2 =	simm.s32 @!p0 $0x1C10  }
0x107: {  	[timem:s3], [sflag:s2] =	dma.local @!p0 [hbm:s0], s1  }
0x108: {  	s0 =	simm.s32 @!p0 $0x10  }
0x109: {  	_ =	swait.ge @!p0 [sflag:s0], s1  }
0x10a: {  	s1 =	ssub.s32 @!p0 $0x0, s1;
	[sflag:s0] =	ssyncset.done @!p0 $0x0  }
0x10b: {  	[sflag:s0] =	ssyncadd.s32 @!p0 s1  }
0x10c: {  	[bflag:$0x3] =	sbarrier.arrive $0xFFFF  }
0x10d: {  	_ =	shalt  }

</sc_bundles>
